<compile_context>
chip_gen: v7x
topology: tpu7x:2x2x1
jax: 0.10.2.dev20260603
libtpu: 0.0.44.dev20260713+nightly
codegen_flags: <defaults>
</compile_context>

<pallas_src>
import functools

import jax
import jax.numpy as jnp
from jax import lax
from jax.experimental import pallas as pl
from jax.experimental.pallas import tpu as pltpu
from jax.experimental.pallas import tpu_sc as plsc

F32 = jnp.float32
_HI = lax.Precision.DEFAULT

_BN = 4000
_BE = 4000
_K = 2000
_KS = 2000
_B = 64


def _dg(a, b, dims):
    return lax.dot_general(a, b, (dims, ((), ())), precision=_HI,
                           preferred_element_type=F32)


def _dgoh(a, b, dims):
    return lax.dot_general(a, b, (dims, ((), ())),
                           preferred_element_type=F32)


def _node_encoder(nodes, Wn1, bn1, Wn2, bn2):
    n, f = nodes.shape
    grid = n // _BN

    def body(x_ref, w1, b1, w2, b2, o_ref):
        x = x_ref[...]
        hh = jnp.maximum(_dg(x, w1[...], ((1,), (0,))) + b1[...], 0.0)
        o_ref[...] = jnp.maximum(_dg(hh, w2[...], ((1,), (0,))) + b2[...], 0.0)

    return pl.pallas_call(
        body,
        grid=(grid,),
        in_specs=[
            pl.BlockSpec((_BN, f), lambda i: (i, 0)),
            pl.BlockSpec(Wn1.shape, lambda i: (0, 0)),
            pl.BlockSpec(bn1.shape, lambda i: (0, 0)),
            pl.BlockSpec(Wn2.shape, lambda i: (0, 0)),
            pl.BlockSpec(bn2.shape, lambda i: (0, 0)),
        ],
        out_specs=pl.BlockSpec((_BN, 16), lambda i: (i, 0)),
        out_shape=jax.ShapeDtypeStruct((n, 16), F32),
    )(nodes, Wn1, bn1, Wn2, bn2)


def _gather_stage(n16, senders):
    e = senders.shape[0]
    nw = 32
    epw = e // nw
    nch = epw // _K
    mesh = plsc.VectorSubcoreMesh(core_axis_name="c", subcore_axis_name="s",
                                  num_cores=2, num_subcores=16)

    @functools.partial(
        pl.kernel,
        out_type=jax.ShapeDtypeStruct((e, 16), F32),
        mesh=mesh,
        compiler_params=pltpu.CompilerParams(use_tc_tiling_on_sc=False),
        scratch_types=[
            pltpu.VMEM((_K,), jnp.int32),
            pltpu.VMEM((_K, 16), F32),
            pltpu.SemaphoreType.DMA,
        ],
    )
    def k(n_hbm, s_hbm, out_hbm, idx_v, rows_v, sem):
        c = lax.axis_index("c")
        s = lax.axis_index("s")
        base = (s * 2 + c) * epw

        def body(j, carry):
            r0 = base + j * _K
            pltpu.sync_copy(s_hbm.at[pl.ds(r0, _K)], idx_v)
            pltpu.async_copy(n_hbm.at[idx_v], rows_v, sem).wait()
            pltpu.sync_copy(rows_v, out_hbm.at[pl.ds(r0, _K), :])
            return carry

        lax.fori_loop(0, nch, body, 0)

    return k(n16, senders)


def _edge_stage(edges3, ns, eg3, We1, be1, We2, be2, LWe, LWs, bg, LWge, Lbe):
    e = edges3.shape[0] * _BE
    h = e // 2
    gsteps = h // _BE

    def body(ex0_ref, ex1_ref, ns0_ref, ns1_ref, eg0_ref, eg1_ref,
             w1, b1, w2, b2, lwe, lws, bgr, lwge, lbe,
             e2_ref, em_ref, ec_ref):
        i = pl.program_id(0)
        gconst = _dg(jnp.maximum(bgr[...], 0.0), lwge[...], ((1,), (0,))) + lbe[...]

        def half(ex3, nsv, egr):
            exT = ex3[0]
            h4 = jnp.maximum(_dg(w1[...], exT, ((0,), (0,))) + b1[...], 0.0)
            h8 = jnp.maximum(_dg(w2[...], h4, ((0,), (0,))) + b2[...], 0.0)
            z = _dg(h8, lwe[...], ((0,), (0,)))
            z = z + _dg(nsv, lws[...], ((1,), (0,)))
            e2 = jnp.maximum(z + gconst, 0.0)
            ohf = (lax.broadcasted_iota(jnp.int32, (_B, _BE), 0)
                   == egr[0]).astype(F32)
            em = _dgoh(ohf, e2, ((1,), (0,)))
            ec = _dgoh(ohf, jnp.ones((8, _BE), F32), ((1,), (1,)))
            return e2, em, ec

        e2a, ema, eca = half(ex0_ref[...], ns0_ref[...], eg0_ref[...])
        e2b, emb, ecb = half(ex1_ref[...], ns1_ref[...], eg1_ref[...])
        e2_ref[:, 0:64] = e2a
        e2_ref[:, 64:128] = e2b

        @pl.when(i == 0)
        def _():
            em_ref[...] = jnp.zeros_like(em_ref)
            ec_ref[...] = jnp.zeros_like(ec_ref)

        em_ref[...] += ema + emb
        ec_ref[...] += eca + ecb

    return pl.pallas_call(
        body,
        grid=(gsteps,),
        in_specs=[
            pl.BlockSpec((1, 2, _BE), lambda i: (i, 0, 0)),
            pl.BlockSpec((1, 2, _BE), lambda i: (i + gsteps, 0, 0)),
            pl.BlockSpec((_BE, 16), lambda i: (i, 0)),
            pl.BlockSpec((_BE, 16), lambda i: (i + gsteps, 0)),
            pl.BlockSpec((1, 1, _BE), lambda i: (i, 0, 0)),
            pl.BlockSpec((1, 1, _BE), lambda i: (i + gsteps, 0, 0)),
            pl.BlockSpec(We1.shape, lambda i: (0, 0)),
            pl.BlockSpec(be1.shape, lambda i: (0, 0)),
            pl.BlockSpec(We2.shape, lambda i: (0, 0)),
            pl.BlockSpec(be2.shape, lambda i: (0, 0)),
            pl.BlockSpec(LWe.shape, lambda i: (0, 0)),
            pl.BlockSpec(LWs.shape, lambda i: (0, 0)),
            pl.BlockSpec(bg.shape, lambda i: (0, 0)),
            pl.BlockSpec(LWge.shape, lambda i: (0, 0)),
            pl.BlockSpec(Lbe.shape, lambda i: (0, 0)),
        ],
        out_specs=[
            pl.BlockSpec((_BE, 128), lambda i: (i, 0)),
            pl.BlockSpec((_B, 64), lambda i: (0, 0)),
            pl.BlockSpec((_B, 8), lambda i: (0, 0)),
        ],
        out_shape=[
            jax.ShapeDtypeStruct((h, 128), F32),
            jax.ShapeDtypeStruct((_B, 64), F32),
            jax.ShapeDtypeStruct((_B, 8), F32),
        ],
    )(edges3, edges3, ns, ns, eg3, eg3,
      We1, be1, We2, be2, LWe, LWs, bg, LWge, Lbe)


def _scatter_stage(e2p, receivers, zeros_n8, ones_k):
    n = zeros_n8.shape[0]
    e = receivers.shape[0]
    h = e // 2
    rpt = h // 16
    nch = rpt // _KS
    nt = n // 16
    mesh = plsc.VectorSubcoreMesh(core_axis_name="c", subcore_axis_name="s",
                                  num_cores=2, num_subcores=16)

    @functools.partial(
        pl.kernel,
        out_type=(jax.ShapeDtypeStruct((n, 64), F32),
                  jax.ShapeDtypeStruct((n, 16), F32)),
        mesh=mesh,
        compiler_params=pltpu.CompilerParams(use_tc_tiling_on_sc=False),
        scratch_types=[
            pltpu.VMEM((_KS,), jnp.int32),
            pltpu.VMEM((_KS,), jnp.int32),
            pltpu.VMEM((_KS, 8), F32),
            pltpu.VMEM((_KS, 8), F32),
            pltpu.VMEM_SHARED((n, 8), F32),
            pltpu.SemaphoreType.DMA,
            pltpu.SemaphoreType.DMA,
            pltpu.SemaphoreType.DMA,
            pltpu.SemaphoreType.DMA,
        ],
    )
    def k(e2_hbm, r_hbm, z_hbm, o_hbm, inc_hbm, cnt_hbm,
          idx_a, idx_b, buf_a, buf_b, acc, sia, sib, sda, sdb):
        c = lax.axis_index("c")
        s = lax.axis_index("s")
        idxs = (idx_a, idx_b)
        bufs = (buf_a, buf_b)
        isems = (sia, sib)
        dsems = (sda, sdb)
        def zero_acc():
            pltpu.sync_copy(z_hbm.at[pl.ds(s * nt, nt), :],
                            acc.at[pl.ds(s * nt, nt), :])

        def start_loads(p, half, col, jc, load_data):
            r0 = s * rpt + jc * _KS
            pltpu.async_copy(r_hbm.at[pl.ds(half * h + r0, _KS)],
                             idxs[p], isems[p])
            if load_data:
                pltpu.async_copy(e2_hbm.at[pl.ds(r0, _KS), pl.ds(col, 8)],
                                 bufs[p], dsems[p])

        def wait_loads(p, load_data):
            pltpu.make_async_copy(r_hbm.at[pl.ds(0, _KS)],
                                  idxs[p], isems[p]).wait()
            if load_data:
                pltpu.make_async_copy(e2_hbm.at[pl.ds(0, _KS), pl.ds(0, 8)],
                                      bufs[p], dsems[p]).wait()

        def stream_half(half, col, load_data, src_if_const):
            start_loads(0, half, col, 0, load_data)

            def body2(jj, carry):
                jb = 2 * jj + 1
                ja2 = 2 * jj + 2

                @pl.when(jb < nch)
                def _():
                    start_loads(1, half, col, jb, load_data)
                wait_loads(0, load_data)
                srcA = bufs[0] if load_data else src_if_const
                pltpu.sync_copy(srcA, acc.at[idxs[0]], add=True)

                @pl.when(ja2 < nch)
                def _():
                    start_loads(0, half, col, ja2, load_data)

                @pl.when(jb < nch)
                def _():
                    wait_loads(1, load_data)
                    srcB = bufs[1] if load_data else src_if_const
                    pltpu.sync_copy(srcB, acc.at[idxs[1]], add=True)
                return carry

            lax.fori_loop(0, (nch + 1) // 2, body2, 0)

        def feature_pass(specs, ocol):
            zero_acc()
            plsc.subcore_barrier()
            for half, col in specs:
                stream_half(half, col, True, None)
            plsc.subcore_barrier()
            pltpu.sync_copy(acc.at[pl.ds(s * nt, nt), :],
                            inc_hbm.at[pl.ds(s * nt, nt), pl.ds(ocol, 8)])
            plsc.subcore_barrier()

        def count_pass(chalf, ocol):
            zero_acc()
            pltpu.sync_copy(o_hbm, buf_a)
            plsc.subcore_barrier()
            stream_half(chalf, 0, False, buf_a)
            plsc.subcore_barrier()
            pltpu.sync_copy(acc.at[pl.ds(s * nt, nt), :],
                            cnt_hbm.at[pl.ds(s * nt, nt), pl.ds(ocol, 8)])

        @pl.when(c == 0)
        def _():
            for q in range(4):
                feature_pass(((0, q * 8), (1, 64 + q * 8)), q * 8)
            count_pass(0, 0)

        @pl.when(c == 1)
        def _():
            for q in range(4):
                feature_pass(((0, 32 + q * 8), (1, 96 + q * 8)), 32 + q * 8)
            count_pass(1, 8)

    return k(e2p, receivers, zeros_n8, ones_k)


def _node_stage(n16, inc, cnt, ng3, em_sum, ecnt,
                LWn, LWin, bg, LWgn, Lbn, RWn, Rbn,
                GWe, GWn, GWg, Gbg, RWg, RWgn, Rbg):
    n = n16.shape[0]
    gsteps = n // _BN

    def body(n_ref, inc_ref, cnt_ref, ng_ref, em_ref, ec_ref,
             lwn, lwin, bgr, lwgn, lbn, rwn, rbn,
             gwe, gwn, gwg, gbg, rwg, rwgn, rbg,
             no_ref, nm_ref, aux_ref, g_ref):
        i = pl.program_id(0)
        cntv = cnt_ref[:, 0:1] + cnt_ref[:, 8:9]
        incv = inc_ref[...] / jnp.maximum(cntv, 1.0)
        g4 = jnp.maximum(bgr[...], 0.0)
        n2 = jnp.maximum(
            _dg(n_ref[...], lwn[...], ((1,), (0,)))
            + _dg(incv, lwin[...], ((1,), (0,)))
            + _dg(g4, lwgn[...], ((1,), (0,))) + lbn[...], 0.0)
        nrow = jax.nn.sigmoid(_dg(rwn[...], n2, ((0,), (1,))) + rbn[...])
        no_ref[...] = nrow[None]
        ohf = (lax.broadcasted_iota(jnp.int32, (_B, _BN), 0)
               == ng_ref[0]).astype(F32)

        @pl.when(i == 0)
        def _():
            nm_ref[...] = jnp.zeros_like(nm_ref)
            aux_ref[...] = jnp.zeros_like(aux_ref)

        nm_ref[...] += _dgoh(ohf, n2, ((1,), (0,)))
        aug = jnp.concatenate([nrow, jnp.ones((7, _BN), F32)], axis=0)
        aux_ref[...] += _dgoh(ohf, aug, ((1,), (1,)))

        @pl.when(i == gsteps - 1)
        def _():
            ncntc = jnp.maximum(aux_ref[:, 1:2], 1.0)
            nm = nm_ref[...] / ncntc
            em = em_ref[...] / jnp.maximum(ec_ref[:, 0:1], 1.0)
            g2 = jnp.maximum(
                _dg(em, gwe[...], ((1,), (0,)))
                + _dg(nm, gwn[...], ((1,), (0,)))
                + _dg(g4, gwg[...], ((1,), (0,))) + gbg[...], 0.0)
            nom = aux_ref[:, 0:1] / ncntc
            go = jax.nn.sigmoid(_dg(g2, rwg[...], ((1,), (0,)))
                                + nom * rwgn[...] + rbg[...])
            g_ref[...] = jnp.broadcast_to(go, (_B, 8))

    full = lambda a: pl.BlockSpec(a.shape, lambda i: (0,) * a.ndim)
    return pl.pallas_call(
        body,
        grid=(gsteps,),
        in_specs=[
            pl.BlockSpec((_BN, 16), lambda i: (i, 0)),
            pl.BlockSpec((_BN, 64), lambda i: (i, 0)),
            pl.BlockSpec((_BN, 16), lambda i: (i, 0)),
            pl.BlockSpec((1, 1, _BN), lambda i: (i, 0, 0)),
            full(em_sum), full(ecnt),
            full(LWn), full(LWin), full(bg), full(LWgn), full(Lbn),
            full(RWn), full(Rbn), full(GWe), full(GWn), full(GWg),
            full(Gbg), full(RWg), full(RWgn), full(Rbg),
        ],
        out_specs=[
            pl.BlockSpec((1, 1, _BN), lambda i: (i, 0, 0)),
            pl.BlockSpec((_B, 128), lambda i: (0, 0)),
            pl.BlockSpec((_B, 8), lambda i: (0, 0)),
            pl.BlockSpec((_B, 8), lambda i: (0, 0)),
        ],
        out_shape=[
            jax.ShapeDtypeStruct((gsteps, 1, _BN), F32),
            jax.ShapeDtypeStruct((_B, 128), F32),
            jax.ShapeDtypeStruct((_B, 8), F32),
            jax.ShapeDtypeStruct((_B, 8), F32),
        ],
    )(n16, inc, cnt, ng3, em_sum, ecnt,
      LWn, LWin, bg, LWgn, Lbn, RWn, Rbn,
      GWe, GWn, GWg, Gbg, RWg, RWgn, Rbg)


def kernel(nodes, edges, senders, receivers, node_graph, edge_graph,
           We1, be1, We2, be2, Wn1, bn1, Wn2, bn2, bg,
           LWe, LWs, LWge, Lbe, LWn, LWin, LWgn, Lbn,
           GWe, GWn, GWg, Gbg, RWn, Rbn, RWg, RWgn, Rbg):
    n = nodes.shape[0]
    e = edges.shape[0]

    senders = senders.astype(jnp.int32)
    receivers = receivers.astype(jnp.int32)
    eg3 = edge_graph.astype(jnp.int32).reshape(e // _BE, 1, _BE)
    ng3 = node_graph.astype(jnp.int32).reshape(n // _BN, 1, _BN)

    r1 = lambda v: v.reshape(1, -1)
    c1 = lambda v: v.reshape(-1, 1)

    edges3 = edges.reshape(e // _BE, _BE, 2).transpose(0, 2, 1)

    n16 = _node_encoder(nodes, Wn1, r1(bn1), Wn2, r1(bn2))
    ns = _gather_stage(n16, senders)
    e2p, em_sum, ecnt = _edge_stage(edges3, ns, eg3,
                                    We1, c1(be1), We2, c1(be2),
                                    LWe, LWs, r1(bg), LWge, r1(Lbe))
    inc, cnt = _scatter_stage(e2p, receivers,
                              jnp.zeros((n, 8), F32),
                              jnp.ones((_KS, 8), F32))
    nrow3, _nm, _aux, g8 = _node_stage(
        n16, inc, cnt, ng3, em_sum, ecnt,
        LWn, LWin, r1(bg), LWgn, r1(Lbn), RWn, r1(Rbn),
        GWe, GWn, GWg, r1(Gbg), RWg, RWgn.reshape(1, 1), r1(Rbg))

    node_out = nrow3.reshape(n, 1)
    global_out = g8[:, 0:1]
    return node_out, global_out

# --- scband reference (transcript-rebuilt; emitter-appended) ---
"""Pipeline reference for scband-protein-gn-10419590660562 (READ-ONLY COPY).

The authoritative reference and input builder live on the scoring server;
editing this copy changes nothing except your own understanding.
"""

import jax, jax.numpy as jnp
import numpy as np

N = 100000
E = 1600000
B = 64

def _W(k, i, o):
    return jax.random.normal(k, (i, o), jnp.float32) * (1.0 / np.sqrt(i))

def setup_inputs(seed: int = 0):
    key = jax.random.key(seed)
    ks = jax.random.split(key, 40)
    d = {}
    d['nodes'] = jax.random.normal(ks[0], (N, 83), jnp.float32)
    d['edges'] = jax.random.normal(ks[1], (E, 2), jnp.float32)
    d['senders'] = jax.random.randint(ks[2], (E,), 0, N)
    d['receivers'] = jax.random.randint(ks[3], (E,), 0, N)
    d['node_graph'] = jnp.sort(jax.random.randint(ks[4], (N,), 0, B))
    d['edge_graph'] = jnp.sort(jax.random.randint(ks[5], (E,), 0, B))
    d['We1'] = _W(ks[6], 2, 4); d['be1'] = jnp.zeros((4,), jnp.float32)
    d['We2'] = _W(ks[7], 4, 8); d['be2'] = jnp.zeros((8,), jnp.float32)
    d['Wn1'] = _W(ks[8], 83, 8); d['bn1'] = jnp.zeros((8,), jnp.float32)
    d['Wn2'] = _W(ks[9], 8, 16); d['bn2'] = jnp.zeros((16,), jnp.float32)
    d['bg'] = jax.random.normal(ks[10], (4,), jnp.float32) * 0.1
    d['LWe'] = _W(ks[11], 8, 64); d['LWs'] = _W(ks[12], 16, 64); d['LWge'] = _W(ks[13], 4, 64); d['Lbe'] = jnp.zeros((64,), jnp.float32)
    d['LWn'] = _W(ks[14], 16, 128); d['LWin'] = _W(ks[15], 64, 128); d['LWgn'] = _W(ks[16], 4, 128); d['Lbn'] = jnp.zeros((128,), jnp.float32)
    d['GWe'] = _W(ks[17], 64, 32); d['GWn'] = _W(ks[18], 128, 32); d['GWg'] = _W(ks[19], 4, 32); d['Gbg'] = jnp.zeros((32,), jnp.float32)
    d['RWn'] = _W(ks[20], 128, 1); d['Rbn'] = jnp.zeros((1,), jnp.float32)
    d['RWg'] = _W(ks[21], 32, 1); d['RWgn'] = _W(ks[22], 1, 1); d['Rbg'] = jnp.zeros((1,), jnp.float32)
    return d

def _segment_mean(data, ids, num):
    s = jax.ops.segment_sum(data, ids, num_segments=num)
    c = jax.ops.segment_sum(jnp.ones((data.shape[0], 1), data.dtype), ids, num_segments=num)
    return s / jnp.maximum(c, 1.0)

def reference(nodes, edges, senders, receivers, node_graph, edge_graph, We1, be1, We2, be2, Wn1, bn1, Wn2, bn2, bg, LWe, LWs, LWge, Lbe, LWn, LWin, LWgn, Lbn, GWe, GWn, GWg, Gbg, RWn, Rbn, RWg, RWgn, Rbg):
    # encoder (edge MLP, node MLP, global bias-only linear)
    e = jax.nn.relu(edges @ We1 + be1)
    e = jax.nn.relu(e @ We2 + be2)
    n = jax.nn.relu(nodes @ Wn1 + bn1)
    n = jax.nn.relu(n @ Wn2 + bn2)
    g = jax.nn.relu(jnp.broadcast_to(bg, (B, bg.shape[0])))
    # GN layer: edge update uses edge feats + sender node feats + per-edge global feats
    e2 = jax.nn.relu(e @ LWe + n[senders] @ LWs + g[edge_graph] @ LWge + Lbe)
    # node update: mean-aggregate incoming edges by receiver
    inc = _segment_mean(e2, receivers, N)
    n2 = jax.nn.relu(n @ LWn + inc @ LWin + g[node_graph] @ LWgn + Lbn)
    # global update: mean over edges and nodes per graph
    em = _segment_mean(e2, edge_graph, B)
    nm = _segment_mean(n2, node_graph, B)
    g2 = jax.nn.relu(em @ GWe + nm @ GWn + g @ GWg + Gbg)
    # readout
    node_out = jax.nn.sigmoid(n2 @ RWn + Rbn)
    nom = _segment_mean(node_out, node_graph, B)
    global_out = jax.nn.sigmoid(g2 @ RWg + nom @ RWgn + Rbg)
    return node_out, global_out

if __name__ == "__main__":
    import jax
    _d = setup_inputs()
    print(jax.jit(kernel)(*tuple(_d.values())))

</pallas_src>

<mosaic_0001>
#map = affine_map<(d0, d1) -> (0, 0)>
#map1 = affine_map<(d0, d1) -> (0)>
module attributes {stable_mosaic.version = 14 : i64} {
  func.func @k(%arg0: i32, %arg1: i32, %arg2: memref<100000x16xf32, #tpu.memory_space<hbm>>, %arg3: memref<1600000xi32, #tpu.memory_space<hbm>>, %arg4: memref<1600000x16xf32, #tpu.memory_space<hbm>>, %arg5: memref<2000xi32, #tpu.memory_space<vmem>>, %arg6: memref<2000x16xf32, #tpu.memory_space<vmem>>, %arg7: memref<!tpu.dma_semaphore, #tpu.memory_space<semaphore_mem>>) attributes {dimension_semantics = [#tpu.dimension_semantics<core_parallel>, #tpu.dimension_semantics<subcore_parallel>], iteration_bounds = array<i64: 2, 16>, scalar_prefetch = 0 : i64, scratch_operands = 3 : i64, tpu.core_type = #tpu.core_type<sc_vector_subcore>, window_params = [{transform_indices = #map}, {transform_indices = #map1}, {transform_indices = #map}]} {
    %mul3A = arith.constant 2 : i32
    %mul3A_0 = arith.muli %arg1, %mul3A : i32
    %add3A = arith.addi %mul3A_0, %arg0 : i32
    %mul3A_1 = arith.constant 50000 : i32
    %mul3A_2 = arith.muli %add3A, %mul3A_1 : i32
    %scan3A = arith.constant 0 : i32
    %scan3A_3 = arith.constant 0 : i32
    %scan3A_4 = arith.constant 25 : i32
    %scan3A_5 = arith.addi %scan3A_3, %scan3A_4 : i32
    %scan3A_6 = arith.constant 1 : i32
    scf.for %scan3A_8 = %scan3A_3 to %scan3A_5 step %scan3A_6  : i32 {
      %mul3A_9 = arith.constant 2000 : i32
      %mul3A_10 = arith.muli %scan3A_8, %mul3A_9 : i32
      %add3A_11 = arith.addi %mul3A_2, %mul3A_10 : i32
      "tpu.region"() ({
        %run_scoped3A = tpu.sem_alloc : memref<!tpu.dma_semaphore, #tpu.memory_space<semaphore_mem>>
        %dma_start3A_16 = tpu.memref_slice %arg3[%add3A_11] : memref<1600000xi32, #tpu.memory_space<hbm>> -> memref<2000xi32, #tpu.memory_space<hbm>>
        %dma_start3A_17 = tpu.memref_slice %arg3[%add3A_11] : memref<1600000xi32, #tpu.memory_space<hbm>> -> memref<2000xi32, #tpu.memory_space<hbm>>
        tpu.enqueue_dma source(%dma_start3A_17 : memref<2000xi32, #tpu.memory_space<hbm>>) target(%arg5 : memref<2000xi32, #tpu.memory_space<vmem>>) target_semaphore(%run_scoped3A : memref<!tpu.dma_semaphore, #tpu.memory_space<semaphore_mem>>)
        %dma_wait3A_18 = tpu.memref_slice %arg3[%add3A_11] : memref<1600000xi32, #tpu.memory_space<hbm>> -> memref<2000xi32, #tpu.memory_space<hbm>>
        %dma_wait3A_19 = tpu.memref_slice %arg3[%add3A_11] : memref<1600000xi32, #tpu.memory_space<hbm>> -> memref<2000xi32, #tpu.memory_space<hbm>>
        tpu.wait_dma2 semaphore(%run_scoped3A : memref<!tpu.dma_semaphore, #tpu.memory_space<semaphore_mem>>) src(%dma_wait3A_19 : memref<2000xi32, #tpu.memory_space<hbm>>) dst(%arg5 : memref<2000xi32, #tpu.memory_space<vmem>>)
        tpu.yield
      }) : () -> ()
      %dma_start3A = arith.constant 0 : i32
      %dma_start3A_12 = arith.constant 0 : i32
      %dma_start3A_13 = tpu.memref_slice %arg2[%dma_start3A, %dma_start3A_12] : memref<100000x16xf32, #tpu.memory_space<hbm>> -> memref<100000x16xf32, #tpu.memory_space<hbm>>
      tpu.enqueue_indirect_dma source(%dma_start3A_13 : memref<100000x16xf32, #tpu.memory_space<hbm>>) target(%arg6 : memref<2000x16xf32, #tpu.memory_space<vmem>>) offsets(%arg5 : memref<2000xi32, #tpu.memory_space<vmem>>) semaphore(%arg7 : memref<!tpu.dma_semaphore, #tpu.memory_space<semaphore_mem>>)
      %dma_wait3A = arith.constant 0 : i32
      %dma_wait3A_14 = arith.constant 0 : i32
      %dma_wait3A_15 = tpu.memref_slice %arg2[%dma_wait3A, %dma_wait3A_14] : memref<100000x16xf32, #tpu.memory_space<hbm>> -> memref<100000x16xf32, #tpu.memory_space<hbm>>
      tpu.wait_indirect_dma semaphore(%arg7 : memref<!tpu.dma_semaphore, #tpu.memory_space<semaphore_mem>>) src(%dma_wait3A_15 : memref<100000x16xf32, #tpu.memory_space<hbm>>) dst(%arg6 : memref<2000x16xf32, #tpu.memory_space<vmem>>)
      "tpu.region"() ({
        %run_scoped3A = tpu.sem_alloc : memref<!tpu.dma_semaphore, #tpu.memory_space<semaphore_mem>>
        %dma_start3A_16 = arith.constant 0 : i32
        %dma_start3A_17 = tpu.memref_slice %arg4[%add3A_11, %dma_start3A_16] : memref<1600000x16xf32, #tpu.memory_space<hbm>> -> memref<2000x16xf32, #tpu.memory_space<hbm>>
        %dma_start3A_18 = arith.constant 0 : i32
        %dma_start3A_19 = tpu.memref_slice %arg4[%add3A_11, %dma_start3A_18] : memref<1600000x16xf32, #tpu.memory_space<hbm>> -> memref<2000x16xf32, #tpu.memory_space<hbm>>
        tpu.enqueue_dma source(%arg6 : memref<2000x16xf32, #tpu.memory_space<vmem>>) target(%dma_start3A_19 : memref<2000x16xf32, #tpu.memory_space<hbm>>) target_semaphore(%run_scoped3A : memref<!tpu.dma_semaphore, #tpu.memory_space<semaphore_mem>>)
        %dma_wait3A_20 = arith.constant 0 : i32
        %dma_wait3A_21 = tpu.memref_slice %arg4[%add3A_11, %dma_wait3A_20] : memref<1600000x16xf32, #tpu.memory_space<hbm>> -> memref<2000x16xf32, #tpu.memory_space<hbm>>
        %dma_wait3A_22 = arith.constant 0 : i32
        %dma_wait3A_23 = tpu.memref_slice %arg4[%add3A_11, %dma_wait3A_22] : memref<1600000x16xf32, #tpu.memory_space<hbm>> -> memref<2000x16xf32, #tpu.memory_space<hbm>>
        tpu.wait_dma2 semaphore(%run_scoped3A : memref<!tpu.dma_semaphore, #tpu.memory_space<semaphore_mem>>) src(%arg6 : memref<2000x16xf32, #tpu.memory_space<vmem>>) dst(%dma_wait3A_23 : memref<2000x16xf32, #tpu.memory_space<hbm>>)
        tpu.yield
      }) : () -> ()
    }
    %scan3A_7 = arith.constant 25 : i32
    return
  }
}

#map = affine_map<(d0, d1) -> (0, 0)>
#map1 = affine_map<(d0, d1) -> (0)>
module attributes {stable_mosaic.version = 14 : i64} {
  func.func @k(%arg0: i32, %arg1: i32, %arg2: memref<800000x128xf32, #tpu.memory_space<hbm>>, %arg3: memref<1600000xi32, #tpu.memory_space<hbm>>, %arg4: memref<100000x8xf32, #tpu.memory_space<hbm>>, %arg5: memref<2000x8xf32, #tpu.memory_space<hbm>>, %arg6: memref<100000x64xf32, #tpu.memory_space<hbm>>, %arg7: memref<100000x16xf32, #tpu.memory_space<hbm>>, %arg8: memref<2000xi32, #tpu.memory_space<vmem>>, %arg9: memref<2000xi32, #tpu.memory_space<vmem>>, %arg10: memref<2000x8xf32, #tpu.memory_space<vmem>>, %arg11: memref<2000x8xf32, #tpu.memory_space<vmem>>, %arg12: memref<100000x8xf32, #tpu.memory_space<vmem_shared>>, %arg13: memref<!tpu.dma_semaphore, #tpu.memory_space<semaphore_mem>>, %arg14: memref<!tpu.dma_semaphore, #tpu.memory_space<semaphore_mem>>, %arg15: memref<!tpu.dma_semaphore, #tpu.memory_space<semaphore_mem>>, %arg16: memref<!tpu.dma_semaphore, #tpu.memory_space<semaphore_mem>>) attributes {dimension_semantics = [#tpu.dimension_semantics<core_parallel>, #tpu.dimension_semantics<subcore_parallel>], iteration_bounds = array<i64: 2, 16>, scalar_prefetch = 0 : i64, scratch_operands = 9 : i64, tpu.core_type = #tpu.core_type<sc_vector_subcore>, window_params = [{transform_indices = #map}, {transform_indices = #map1}, {transform_indices = #map}, {transform_indices = #map}, {transform_indices = #map}, {transform_indices = #map}]} {
    %eq3A = arith.constant 0 : i32
    %eq3A_0 = arith.cmpi eq, %arg0, %eq3A : i32
    %convert_element_type3A = arith.extui %eq3A_0 : i1 to i32
    %cond3A = arith.constant 0 : i32
    %cond3A_1 = arith.cmpi ne, %convert_element_type3A, %cond3A : i32
    scf.if %cond3A_1 {
      %mul3A = arith.constant 6250 : i32
      %mul3A_7 = arith.muli %arg1, %mul3A : i32
      %mul3A_8 = arith.constant 6250 : i32
      %mul3A_9 = arith.muli %arg1, %mul3A_8 : i32
      "tpu.region"() ({
        %run_scoped3A = tpu.sem_alloc : memref<!tpu.dma_semaphore, #tpu.memory_space<semaphore_mem>>
        %dma_start3A_214 = arith.constant 0 : i32
        %dma_start3A_215 = tpu.memref_slice %arg12[%mul3A_9, %dma_start3A_214] : memref<100000x8xf32, #tpu.memory_space<vmem_shared>> -> memref<6250x8xf32, #tpu.memory_space<vmem_shared>>
        %dma_start3A_216 = arith.constant 0 : i32
        %dma_start3A_217 = tpu.memref_slice %arg4[%mul3A_7, %dma_start3A_216] : memref<100000x8xf32, #tpu.memory_space<hbm>> -> memref<6250x8xf32, #tpu.memory_space<hbm>>
        tpu.enqueue_dma source(%dma_start3A_217 : memref<6250x8xf32, #tpu.memory_space<hbm>>) target(%dma_start3A_215 : memref<6250x8xf32, #tpu.memory_space<vmem_shared>>) target_semaphore(%run_scoped3A : memref<!tpu.dma_semaphore, #tpu.memory_space<semaphore_mem>>)
        %dma_wait3A = arith.constant 0 : i32
        %dma_wait3A_218 = tpu.memref_slice %arg12[%mul3A_9, %dma_wait3A] : memref<100000x8xf32, #tpu.memory_space<vmem_shared>> -> memref<6250x8xf32, #tpu.memory_space<vmem_shared>>
        %dma_wait3A_219 = arith.constant 0 : i32
        %dma_wait3A_220 = tpu.memref_slice %arg4[%mul3A_7, %dma_wait3A_219] : memref<100000x8xf32, #tpu.memory_space<hbm>> -> memref<6250x8xf32, #tpu.memory_space<hbm>>
        tpu.wait_dma2 semaphore(%run_scoped3A : memref<!tpu.dma_semaphore, #tpu.memory_space<semaphore_mem>>) src(%dma_wait3A_220 : memref<6250x8xf32, #tpu.memory_space<hbm>>) dst(%dma_wait3A_218 : memref<6250x8xf32, #tpu.memory_space<vmem_shared>>)
        tpu.yield
      }) : () -> ()
      %barrier3A = arith.constant 0 : index
      tpu.barrier barrier_id(%barrier3A)
      %mul3A_10 = arith.constant 50000 : i32
      %mul3A_11 = arith.muli %arg1, %mul3A_10 : i32
      %add3A = arith.constant 0 : i32
      %add3A_12 = arith.addi %mul3A_11, %add3A : i32
      %add3A_13 = arith.constant 0 : i32
      %add3A_14 = arith.addi %add3A_13, %add3A_12 : i32
      %dma_start3A = tpu.memref_slice %arg3[%add3A_14] : memref<1600000xi32, #tpu.memory_space<hbm>> -> memref<2000xi32, #tpu.memory_space<hbm>>
      %dma_start3A_15 = tpu.memref_slice %arg3[%add3A_14] : memref<1600000xi32, #tpu.memory_space<hbm>> -> memref<2000xi32, #tpu.memory_space<hbm>>
      tpu.enqueue_dma source(%dma_start3A_15 : memref<2000xi32, #tpu.memory_space<hbm>>) target(%arg8 : memref<2000xi32, #tpu.memory_space<vmem>>) target_semaphore(%arg13 : memref<!tpu.dma_semaphore, #tpu.memory_space<semaphore_mem>>)
      %dma_start3A_16 = arith.constant 0 : i32
      %dma_start3A_17 = tpu.memref_slice %arg2[%add3A_12, %dma_start3A_16] : memref<800000x128xf32, #tpu.memory_space<hbm>> -> memref<2000x8xf32, #tpu.memory_space<hbm>>
      %dma_start3A_18 = arith.constant 0 : i32
      %dma_start3A_19 = tpu.memref_slice %arg2[%add3A_12, %dma_start3A_18] : memref<800000x128xf32, #tpu.memory_space<hbm>> -> memref<2000x8xf32, #tpu.memory_space<hbm>>
      tpu.enqueue_dma source(%dma_start3A_19 : memref<2000x8xf32, #tpu.memory_space<hbm>>) target(%arg10 : memref<2000x8xf32, #tpu.memory_space<vmem>>) target_semaphore(%arg15 : memref<!tpu.dma_semaphore, #tpu.memory_space<semaphore_mem>>)
      %scan3A = arith.constant 0 : i32
      %scan3A_20 = arith.constant 0 : i32
      %scan3A_21 = arith.constant 13 : i32
      %scan3A_22 = arith.addi %scan3A_20, %scan3A_21 : i32
      %scan3A_23 = arith.constant 1 : i32
      scf.for %scan3A_214 = %scan3A_20 to %scan3A_22 step %scan3A_23  : i32 {
        %mul3A_215 = arith.constant 2 : i32
        %mul3A_216 = arith.muli %mul3A_215, %scan3A_214 : i32
        %add3A_217 = arith.constant 1 : i32
        %add3A_218 = arith.addi %mul3A_216, %add3A_217 : i32
        %mul3A_219 = arith.constant 2 : i32
        %mul3A_220 = arith.muli %mul3A_219, %scan3A_214 : i32
        %add3A_221 = arith.constant 2 : i32
        %add3A_222 = arith.addi %mul3A_220, %add3A_221 : i32
        %lt3A = arith.constant 25 : i32
        %lt3A_223 = arith.cmpi slt, %add3A_218, %lt3A : i32
        %convert_element_type3A_224 = arith.extui %lt3A_223 : i1 to i32
        %cond3A_225 = arith.constant 0 : i32
        %cond3A_226 = arith.cmpi ne, %convert_element_type3A_224, %cond3A_225 : i32
        scf.if %cond3A_226 {
          %mul3A_246 = arith.constant 50000 : i32
          %mul3A_247 = arith.muli %arg1, %mul3A_246 : i32
          %mul3A_248 = arith.constant 2000 : i32
          %mul3A_249 = arith.muli %add3A_218, %mul3A_248 : i32
          %add3A_250 = arith.addi %mul3A_247, %mul3A_249 : i32
          %add3A_251 = arith.constant 0 : i32
          %add3A_252 = arith.addi %add3A_251, %add3A_250 : i32
          %dma_start3A_253 = tpu.memref_slice %arg3[%add3A_252] : memref<1600000xi32, #tpu.memory_space<hbm>> -> memref<2000xi32, #tpu.memory_space<hbm>>
          %dma_start3A_254 = tpu.memref_slice %arg3[%add3A_252] : memref<1600000xi32, #tpu.memory_space<hbm>> -> memref<2000xi32, #tpu.memory_space<hbm>>
          tpu.enqueue_dma source(%dma_start3A_254 : memref<2000xi32, #tpu.memory_space<hbm>>) target(%arg9 : memref<2000xi32, #tpu.memory_space<vmem>>) target_semaphore(%arg14 : memref<!tpu.dma_semaphore, #tpu.memory_space<semaphore_mem>>)
          %dma_start3A_255 = arith.constant 0 : i32
          %dma_start3A_256 = tpu.memref_slice %arg2[%add3A_250, %dma_start3A_255] : memref<800000x128xf32, #tpu.memory_space<hbm>> -> memref<2000x8xf32, #tpu.memory_space<hbm>>
          %dma_start3A_257 = arith.constant 0 : i32
          %dma_start3A_258 = tpu.memref_slice %arg2[%add3A_250, %dma_start3A_257] : memref<800000x128xf32, #tpu.memory_space<hbm>> -> memref<2000x8xf32, #tpu.memory_space<hbm>>
          tpu.enqueue_dma source(%dma_start3A_258 : memref<2000x8xf32, #tpu.memory_space<hbm>>) target(%arg11 : memref<2000x8xf32, #tpu.memory_space<vmem>>) target_semaphore(%arg16 : memref<!tpu.dma_semaphore, #tpu.memory_space<semaphore_mem>>)
        } else {
        }
        %dma_wait3A = arith.constant 0 : i32
        %dma_wait3A_227 = tpu.memref_slice %arg3[%dma_wait3A] : memref<1600000xi32, #tpu.memory_space<hbm>> -> memref<2000xi32, #tpu.memory_space<hbm>>
        %dma_wait3A_228 = arith.constant 0 : i32
        %dma_wait3A_229 = tpu.memref_slice %arg3[%dma_wait3A_228] : memref<1600000xi32, #tpu.memory_space<hbm>> -> memref<2000xi32, #tpu.memory_space<hbm>>
        tpu.wait_dma2 semaphore(%arg13 : memref<!tpu.dma_semaphore, #tpu.memory_space<semaphore_mem>>) src(%dma_wait3A_229 : memref<2000xi32, #tpu.memory_space<hbm>>) dst(%arg8 : memref<2000xi32, #tpu.memory_space<vmem>>)
        %dma_wait3A_230 = arith.constant 0 : i32
        %dma_wait3A_231 = arith.constant 0 : i32
        %dma_wait3A_232 = tpu.memref_slice %arg2[%dma_wait3A_230, %dma_wait3A_231] : memref<800000x128xf32, #tpu.memory_space<hbm>> -> memref<2000x8xf32, #tpu.memory_space<hbm>>
        %dma_wait3A_233 = arith.constant 0 : i32
        %dma_wait3A_234 = arith.constant 0 : i32
        %dma_wait3A_235 = tpu.memref_slice %arg2[%dma_wait3A_233, %dma_wait3A_234] : memref<800000x128xf32, #tpu.memory_space<hbm>> -> memref<2000x8xf32, #tpu.memory_space<hbm>>
        tpu.wait_dma2 semaphore(%arg15 : memref<!tpu.dma_semaphore, #tpu.memory_space<semaphore_mem>>) src(%dma_wait3A_235 : memref<2000x8xf32, #tpu.memory_space<hbm>>) dst(%arg10 : memref<2000x8xf32, #tpu.memory_space<vmem>>)
        "tpu.region"() ({
          %run_scoped3A = tpu.sem_alloc : memref<!tpu.dma_semaphore, #tpu.memory_space<semaphore_mem>>
          %dma_start3A_246 = arith.constant 0 : i32
          %dma_start3A_247 = arith.constant 0 : i32
          %dma_start3A_248 = tpu.memref_slice %arg12[%dma_start3A_246, %dma_start3A_247] : memref<100000x8xf32, #tpu.memory_space<vmem_shared>> -> memref<100000x8xf32, #tpu.memory_space<vmem_shared>>
          tpu.enqueue_indirect_dma source(%arg10 : memref<2000x8xf32, #tpu.memory_space<vmem>>) target(%dma_start3A_248 : memref<100000x8xf32, #tpu.memory_space<vmem_shared>>) offsets(%arg8 : memref<2000xi32, #tpu.memory_space<vmem>>) semaphore(%run_scoped3A : memref<!tpu.dma_semaphore, #tpu.memory_space<semaphore_mem>>) {add = true}
          %dma_wait3A_249 = arith.constant 0 : i32
          %dma_wait3A_250 = arith.constant 0 : i32
          %dma_wait3A_251 = tpu.memref_slice %arg12[%dma_wait3A_249, %dma_wait3A_250] : memref<100000x8xf32, #tpu.memory_space<vmem_shared>> -> memref<100000x8xf32, #tpu.memory_space<vmem_shared>>
          tpu.wait_indirect_dma semaphore(%run_scoped3A : memref<!tpu.dma_semaphore, #tpu.memory_space<semaphore_mem>>) src(%arg10 : memref<2000x8xf32, #tpu.memory_space<vmem>>) dst(%dma_wait3A_251 : memref<100000x8xf32, #tpu.memory_space<vmem_shared>>)
          tpu.yield
        }) : () -> ()
        %lt3A_236 = arith.constant 25 : i32
        %lt3A_237 = arith.cmpi slt, %add3A_222, %lt3A_236 : i32
        %convert_element_type3A_238 = arith.extui %lt3A_237 : i1 to i32
        %cond3A_239 = arith.constant 0 : i32
        %cond3A_240 = arith.cmpi ne, %convert_element_type3A_238, %cond3A_239 : i32
        scf.if %cond3A_240 {
          %mul3A_246 = arith.constant 50000 : i32
          %mul3A_247 = arith.muli %arg1, %mul3A_246 : i32
          %mul3A_248 = arith.constant 2000 : i32
          %mul3A_249 = arith.muli %add3A_222, %mul3A_248 : i32
          %add3A_250 = arith.addi %mul3A_247, %mul3A_249 : i32
          %add3A_251 = arith.constant 0 : i32
          %add3A_252 = arith.addi %add3A_251, %add3A_250 : i32
          %dma_start3A_253 = tpu.memref_slice %arg3[%add3A_252] : memref<1600000xi32, #tpu.memory_space<hbm>> -> memref<2000xi32, #tpu.memory_space<hbm>>
          %dma_start3A_254 = tpu.memref_slice %arg3[%add3A_252] : memref<1600000xi32, #tpu.memory_space<hbm>> -> memref<2000xi32, #tpu.memory_space<hbm>>
          tpu.enqueue_dma source(%dma_start3A_254 : memref<2000xi32, #tpu.memory_space<hbm>>) target(%arg8 : memref<2000xi32, #tpu.memory_space<vmem>>) target_semaphore(%arg13 : memref<!tpu.dma_semaphore, #tpu.memory_space<semaphore_mem>>)
          %dma_start3A_255 = arith.constant 0 : i32
          %dma_start3A_256 = tpu.memref_slice %arg2[%add3A_250, %dma_start3A_255] : memref<800000x128xf32, #tpu.memory_space<hbm>> -> memref<2000x8xf32, #tpu.memory_space<hbm>>
          %dma_start3A_257 = arith.constant 0 : i32
          %dma_start3A_258 = tpu.memref_slice %arg2[%add3A_250, %dma_start3A_257] : memref<800000x128xf32, #tpu.memory_space<hbm>> -> memref<2000x8xf32, #tpu.memory_space<hbm>>
          tpu.enqueue_dma source(%dma_start3A_258 : memref<2000x8xf32, #tpu.memory_space<hbm>>) target(%arg10 : memref<2000x8xf32, #tpu.memory_space<vmem>>) target_semaphore(%arg15 : memref<!tpu.dma_semaphore, #tpu.memory_space<semaphore_mem>>)
        } else {
        }
        %lt3A_241 = arith.constant 25 : i32
        %lt3A_242 = arith.cmpi slt, %add3A_218, %lt3A_241 : i32
        %convert_element_type3A_243 = arith.extui %lt3A_242 : i1 to i32
        %cond3A_244 = arith.constant 0 : i32
        %cond3A_245 = arith.cmpi ne, %convert_element_type3A_243, %cond3A_244 : i32
        scf.if %cond3A_245 {
          %dma_wait3A_246 = arith.constant 0 : i32
          %dma_wait3A_247 = tpu.memref_slice %arg3[%dma_wait3A_246] : memref<1600000xi32, #tpu.memory_space<hbm>> -> memref<2000xi32, #tpu.memory_space<hbm>>
          %dma_wait3A_248 = arith.constant 0 : i32
          %dma_wait3A_249 = tpu.memref_slice %arg3[%dma_wait3A_248] : memref<1600000xi32, #tpu.memory_space<hbm>> -> memref<2000xi32, #tpu.memory_space<hbm>>
          tpu.wait_dma2 semaphore(%arg14 : memref<!tpu.dma_semaphore, #tpu.memory_space<semaphore_mem>>) src(%dma_wait3A_249 : memref<2000xi32, #tpu.memory_space<hbm>>) dst(%arg9 : memref<2000xi32, #tpu.memory_space<vmem>>)
          %dma_wait3A_250 = arith.constant 0 : i32
          %dma_wait3A_251 = arith.constant 0 : i32
          %dma_wait3A_252 = tpu.memref_slice %arg2[%dma_wait3A_250, %dma_wait3A_251] : memref<800000x128xf32, #tpu.memory_space<hbm>> -> memref<2000x8xf32, #tpu.memory_space<hbm>>
          %dma_wait3A_253 = arith.constant 0 : i32
          %dma_wait3A_254 = arith.constant 0 : i32
          %dma_wait3A_255 = tpu.memref_slice %arg2[%dma_wait3A_253, %dma_wait3A_254] : memref<800000x128xf32, #tpu.memory_space<hbm>> -> memref<2000x8xf32, #tpu.memory_space<hbm>>
          tpu.wait_dma2 semaphore(%arg16 : memref<!tpu.dma_semaphore, #tpu.memory_space<semaphore_mem>>) src(%dma_wait3A_255 : memref<2000x8xf32, #tpu.memory_space<hbm>>) dst(%arg11 : memref<2000x8xf32, #tpu.memory_space<vmem>>)
          "tpu.region"() ({
            %run_scoped3A = tpu.sem_alloc : memref<!tpu.dma_semaphore, #tpu.memory_space<semaphore_mem>>
            %dma_start3A_256 = arith.constant 0 : i32
            %dma_start3A_257 = arith.constant 0 : i32
            %dma_start3A_258 = tpu.memref_slice %arg12[%dma_start3A_256, %dma_start3A_257] : memref<100000x8xf32, #tpu.memory_space<vmem_shared>> -> memref<100000x8xf32, #tpu.memory_space<vmem_shared>>
            tpu.enqueue_indirect_dma source(%arg11 : memref<2000x8xf32, #tpu.memory_space<vmem>>) target(%dma_start3A_258 : memref<100000x8xf32, #tpu.memory_space<vmem_shared>>) offsets(%arg9 : memref<2000xi32, #tpu.memory_space<vmem>>) semaphore(%run_scoped3A : memref<!tpu.dma_semaphore, #tpu.memory_space<semaphore_mem>>) {add = true}
            %dma_wait3A_259 = arith.constant 0 : i32
            %dma_wait3A_260 = arith.constant 0 : i32
            %dma_wait3A_261 = tpu.memref_slice %arg12[%dma_wait3A_259, %dma_wait3A_260] : memref<100000x8xf32, #tpu.memory_space<vmem_shared>> -> memref<100000x8xf32, #tpu.memory_space<vmem_shared>>
            tpu.wait_indirect_dma semaphore(%run_scoped3A : memref<!tpu.dma_semaphore, #tpu.memory_space<semaphore_mem>>) src(%arg11 : memref<2000x8xf32, #tpu.memory_space<vmem>>) dst(%dma_wait3A_261 : memref<100000x8xf32, #tpu.memory_space<vmem_shared>>)
            tpu.yield
          }) : () -> ()
        } else {
        }
      }
      %scan3A_24 = arith.constant 13 : i32
      %mul3A_25 = arith.constant 50000 : i32
      %mul3A_26 = arith.muli %arg1, %mul3A_25 : i32
      %add3A_27 = arith.constant 0 : i32
      %add3A_28 = arith.addi %mul3A_26, %add3A_27 : i32
      %add3A_29 = arith.constant 800000 : i32
      %add3A_30 = arith.addi %add3A_29, %add3A_28 : i32
      %dma_start3A_31 = tpu.memref_slice %arg3[%add3A_30] : memref<1600000xi32, #tpu.memory_space<hbm>> -> memref<2000xi32, #tpu.memory_space<hbm>>
      %dma_start3A_32 = tpu.memref_slice %arg3[%add3A_30] : memref<1600000xi32, #tpu.memory_space<hbm>> -> memref<2000xi32, #tpu.memory_space<hbm>>
      tpu.enqueue_dma source(%dma_start3A_32 : memref<2000xi32, #tpu.memory_space<hbm>>) target(%arg8 : memref<2000xi32, #tpu.memory_space<vmem>>) target_semaphore(%arg13 : memref<!tpu.dma_semaphore, #tpu.memory_space<semaphore_mem>>)
      %dma_start3A_33 = arith.constant 64 : i32
      %dma_start3A_34 = tpu.memref_slice %arg2[%add3A_28, %dma_start3A_33] : memref<800000x128xf32, #tpu.memory_space<hbm>> -> memref<2000x8xf32, #tpu.memory_space<hbm>>
      %dma_start3A_35 = arith.constant 64 : i32
      %dma_start3A_36 = tpu.memref_slice %arg2[%add3A_28, %dma_start3A_35] : memref<800000x128xf32, #tpu.memory_space<hbm>> -> memref<2000x8xf32, #tpu.memory_space<hbm>>
      tpu.enqueue_dma source(%dma_start3A_36 : memref<2000x8xf32, #tpu.memory_space<hbm>>) target(%arg10 : memref<2000x8xf32, #tpu.memory_space<vmem>>) target_semaphore(%arg15 : memref<!tpu.dma_semaphore, #tpu.memory_space<semaphore_mem>>)
      %scan3A_37 = arith.constant 0 : i32
      %scan3A_38 = arith.constant 0 : i32
      %scan3A_39 = arith.constant 13 : i32
      %scan3A_40 = arith.addi %scan3A_38, %scan3A_39 : i32
      %scan3A_41 = arith.constant 1 : i32
      scf.for %scan3A_214 = %scan3A_38 to %scan3A_40 step %scan3A_41  : i32 {
        %mul3A_215 = arith.constant 2 : i32
        %mul3A_216 = arith.muli %mul3A_215, %scan3A_214 : i32
        %add3A_217 = arith.constant 1 : i32
        %add3A_218 = arith.addi %mul3A_216, %add3A_217 : i32
        %mul3A_219 = arith.constant 2 : i32
        %mul3A_220 = arith.muli %mul3A_219, %scan3A_214 : i32
        %add3A_221 = arith.constant 2 : i32
        %add3A_222 = arith.addi %mul3A_220, %add3A_221 : i32
        %lt3A = arith.constant 25 : i32
        %lt3A_223 = arith.cmpi slt, %add3A_218, %lt3A : i32
        %convert_element_type3A_224 = arith.extui %lt3A_223 : i1 to i32
        %cond3A_225 = arith.constant 0 : i32
        %cond3A_226 = arith.cmpi ne, %convert_element_type3A_224, %cond3A_225 : i32
        scf.if %cond3A_226 {
          %mul3A_246 = arith.constant 50000 : i32
          %mul3A_247 = arith.muli %arg1, %mul3A_246 : i32
          %mul3A_248 = arith.constant 2000 : i32
          %mul3A_249 = arith.muli %add3A_218, %mul3A_248 : i32
          %add3A_250 = arith.addi %mul3A_247, %mul3A_249 : i32
          %add3A_251 = arith.constant 800000 : i32
          %add3A_252 = arith.addi %add3A_251, %add3A_250 : i32
          %dma_start3A_253 = tpu.memref_slice %arg3[%add3A_252] : memref<1600000xi32, #tpu.memory_space<hbm>> -> memref<2000xi32, #tpu.memory_space<hbm>>
          %dma_start3A_254 = tpu.memref_slice %arg3[%add3A_252] : memref<1600000xi32, #tpu.memory_space<hbm>> -> memref<2000xi32, #tpu.memory_space<hbm>>
          tpu.enqueue_dma source(%dma_start3A_254 : memref<2000xi32, #tpu.memory_space<hbm>>) target(%arg9 : memref<2000xi32, #tpu.memory_space<vmem>>) target_semaphore(%arg14 : memref<!tpu.dma_semaphore, #tpu.memory_space<semaphore_mem>>)
          %dma_start3A_255 = arith.constant 64 : i32
          %dma_start3A_256 = tpu.memref_slice %arg2[%add3A_250, %dma_start3A_255] : memref<800000x128xf32, #tpu.memory_space<hbm>> -> memref<2000x8xf32, #tpu.memory_space<hbm>>
          %dma_start3A_257 = arith.constant 64 : i32
          %dma_start3A_258 = tpu.memref_slice %arg2[%add3A_250, %dma_start3A_257] : memref<800000x128xf32, #tpu.memory_space<hbm>> -> memref<2000x8xf32, #tpu.memory_space<hbm>>
          tpu.enqueue_dma source(%dma_start3A_258 : memref<2000x8xf32, #tpu.memory_space<hbm>>) target(%arg11 : memref<2000x8xf32, #tpu.memory_space<vmem>>) target_semaphore(%arg16 : memref<!tpu.dma_semaphore, #tpu.memory_space<semaphore_mem>>)
        } else {
        }
        %dma_wait3A = arith.constant 0 : i32
        %dma_wait3A_227 = tpu.memref_slice %arg3[%dma_wait3A] : memref<1600000xi32, #tpu.memory_space<hbm>> -> memref<2000xi32, #tpu.memory_space<hbm>>
        %dma_wait3A_228 = arith.constant 0 : i32
        %dma_wait3A_229 = tpu.memref_slice %arg3[%dma_wait3A_228] : memref<1600000xi32, #tpu.memory_space<hbm>> -> memref<2000xi32, #tpu.memory_space<hbm>>
        tpu.wait_dma2 semaphore(%arg13 : memref<!tpu.dma_semaphore, #tpu.memory_space<semaphore_mem>>) src(%dma_wait3A_229 : memref<2000xi32, #tpu.memory_space<hbm>>) dst(%arg8 : memref<2000xi32, #tpu.memory_space<vmem>>)
        %dma_wait3A_230 = arith.constant 0 : i32
        %dma_wait3A_231 = arith.constant 0 : i32
        %dma_wait3A_232 = tpu.memref_slice %arg2[%dma_wait3A_230, %dma_wait3A_231] : memref<800000x128xf32, #tpu.memory_space<hbm>> -> memref<2000x8xf32, #tpu.memory_space<hbm>>
        %dma_wait3A_233 = arith.constant 0 : i32
        %dma_wait3A_234 = arith.constant 0 : i32
        %dma_wait3A_235 = tpu.memref_slice %arg2[%dma_wait3A_233, %dma_wait3A_234] : memref<800000x128xf32, #tpu.memory_space<hbm>> -> memref<2000x8xf32, #tpu.memory_space<hbm>>
        tpu.wait_dma2 semaphore(%arg15 : memref<!tpu.dma_semaphore, #tpu.memory_space<semaphore_mem>>) src(%dma_wait3A_235 : memref<2000x8xf32, #tpu.memory_space<hbm>>) dst(%arg10 : memref<2000x8xf32, #tpu.memory_space<vmem>>)
        "tpu.region"() ({
          %run_scoped3A = tpu.sem_alloc : memref<!tpu.dma_semaphore, #tpu.memory_space<semaphore_mem>>
          %dma_start3A_246 = arith.constant 0 : i32
          %dma_start3A_247 = arith.constant 0 : i32
          %dma_start3A_248 = tpu.memref_slice %arg12[%dma_start3A_246, %dma_start3A_247] : memref<100000x8xf32, #tpu.memory_space<vmem_shared>> -> memref<100000x8xf32, #tpu.memory_space<vmem_shared>>
          tpu.enqueue_indirect_dma source(%arg10 : memref<2000x8xf32, #tpu.memory_space<vmem>>) target(%dma_start3A_248 : memref<100000x8xf32, #tpu.memory_space<vmem_shared>>) offsets(%arg8 : memref<2000xi32, #tpu.memory_space<vmem>>) semaphore(%run_scoped3A : memref<!tpu.dma_semaphore, #tpu.memory_space<semaphore_mem>>) {add = true}
          %dma_wait3A_249 = arith.constant 0 : i32
          %dma_wait3A_250 = arith.constant 0 : i32
          %dma_wait3A_251 = tpu.memref_slice %arg12[%dma_wait3A_249, %dma_wait3A_250] : memref<100000x8xf32, #tpu.memory_space<vmem_shared>> -> memref<100000x8xf32, #tpu.memory_space<vmem_shared>>
          tpu.wait_indirect_dma semaphore(%run_scoped3A : memref<!tpu.dma_semaphore, #tpu.memory_space<semaphore_mem>>) src(%arg10 : memref<2000x8xf32, #tpu.memory_space<vmem>>) dst(%dma_wait3A_251 : memref<100000x8xf32, #tpu.memory_space<vmem_shared>>)
          tpu.yield
        }) : () -> ()
        %lt3A_236 = arith.constant 25 : i32
        %lt3A_237 = arith.cmpi slt, %add3A_222, %lt3A_236 : i32
        %convert_element_type3A_238 = arith.extui %lt3A_237 : i1 to i32
        %cond3A_239 = arith.constant 0 : i32
        %cond3A_240 = arith.cmpi ne, %convert_element_type3A_238, %cond3A_239 : i32
        scf.if %cond3A_240 {
          %mul3A_246 = arith.constant 50000 : i32
          %mul3A_247 = arith.muli %arg1, %mul3A_246 : i32
          %mul3A_248 = arith.constant 2000 : i32
          %mul3A_249 = arith.muli %add3A_222, %mul3A_248 : i32
          %add3A_250 = arith.addi %mul3A_247, %mul3A_249 : i32
          %add3A_251 = arith.constant 800000 : i32
          %add3A_252 = arith.addi %add3A_251, %add3A_250 : i32
          %dma_start3A_253 = tpu.memref_slice %arg3[%add3A_252] : memref<1600000xi32, #tpu.memory_space<hbm>> -> memref<2000xi32, #tpu.memory_space<hbm>>
          %dma_start3A_254 = tpu.memref_slice %arg3[%add3A_252] : memref<1600000xi32, #tpu.memory_space<hbm>> -> memref<2000xi32, #tpu.memory_space<hbm>>
          tpu.enqueue_dma source(%dma_start3A_254 : memref<2000xi32, #tpu.memory_space<hbm>>) target(%arg8 : memref<2000xi32, #tpu.memory_space<vmem>>) target_semaphore(%arg13 : memref<!tpu.dma_semaphore, #tpu.memory_space<semaphore_mem>>)
          %dma_start3A_255 = arith.constant 64 : i32
          %dma_start3A_256 = tpu.memref_slice %arg2[%add3A_250, %dma_start3A_255] : memref<800000x128xf32, #tpu.memory_space<hbm>> -> memref<2000x8xf32, #tpu.memory_space<hbm>>
          %dma_start3A_257 = arith.constant 64 : i32
          %dma_start3A_258 = tpu.memref_slice %arg2[%add3A_250, %dma_start3A_257] : memref<800000x128xf32, #tpu.memory_space<hbm>> -> memref<2000x8xf32, #tpu.memory_space<hbm>>
          tpu.enqueue_dma source(%dma_start3A_258 : memref<2000x8xf32, #tpu.memory_space<hbm>>) target(%arg10 : memref<2000x8xf32, #tpu.memory_space<vmem>>) target_semaphore(%arg15 : memref<!tpu.dma_semaphore, #tpu.memory_space<semaphore_mem>>)
        } else {
        }
        %lt3A_241 = arith.constant 25 : i32
        %lt3A_242 = arith.cmpi slt, %add3A_218, %lt3A_241 : i32
        %convert_element_type3A_243 = arith.extui %lt3A_242 : i1 to i32
        %cond3A_244 = arith.constant 0 : i32
        %cond3A_245 = arith.cmpi ne, %convert_element_type3A_243, %cond3A_244 : i32
        scf.if %cond3A_245 {
          %dma_wait3A_246 = arith.constant 0 : i32
          %dma_wait3A_247 = tpu.memref_slice %arg3[%dma_wait3A_246] : memref<1600000xi32, #tpu.memory_space<hbm>> -> memref<2000xi32, #tpu.memory_space<hbm>>
          %dma_wait3A_248 = arith.constant 0 : i32
          %dma_wait3A_249 = tpu.memref_slice %arg3[%dma_wait3A_248] : memref<1600000xi32, #tpu.memory_space<hbm>> -> memref<2000xi32, #tpu.memory_space<hbm>>
          tpu.wait_dma2 semaphore(%arg14 : memref<!tpu.dma_semaphore, #tpu.memory_space<semaphore_mem>>) src(%dma_wait3A_249 : memref<2000xi32, #tpu.memory_space<hbm>>) dst(%arg9 : memref<2000xi32, #tpu.memory_space<vmem>>)
          %dma_wait3A_250 = arith.constant 0 : i32
          %dma_wait3A_251 = arith.constant 0 : i32
          %dma_wait3A_252 = tpu.memref_slice %arg2[%dma_wait3A_250, %dma_wait3A_251] : memref<800000x128xf32, #tpu.memory_space<hbm>> -> memref<2000x8xf32, #tpu.memory_space<hbm>>
          %dma_wait3A_253 = arith.constant 0 : i32
          %dma_wait3A_254 = arith.constant 0 : i32
          %dma_wait3A_255 = tpu.memref_slice %arg2[%dma_wait3A_253, %dma_wait3A_254] : memref<800000x128xf32, #tpu.memory_space<hbm>> -> memref<2000x8xf32, #tpu.memory_space<hbm>>
          tpu.wait_dma2 semaphore(%arg16 : memref<!tpu.dma_semaphore, #tpu.memory_space<semaphore_mem>>) src(%dma_wait3A_255 : memref<2000x8xf32, #tpu.memory_space<hbm>>) dst(%arg11 : memref<2000x8xf32, #tpu.memory_space<vmem>>)
          "tpu.region"() ({
            %run_scoped3A = tpu.sem_alloc : memref<!tpu.dma_semaphore, #tpu.memory_space<semaphore_mem>>
            %dma_start3A_256 = arith.constant 0 : i32
            %dma_start3A_257 = arith.constant 0 : i32
            %dma_start3A_258 = tpu.memref_slice %arg12[%dma_start3A_256, %dma_start3A_257] : memref<100000x8xf32, #tpu.memory_space<vmem_shared>> -> memref<100000x8xf32, #tpu.memory_space<vmem_shared>>
            tpu.enqueue_indirect_dma source(%arg11 : memref<2000x8xf32, #tpu.memory_space<vmem>>) target(%dma_start3A_258 : memref<100000x8xf32, #tpu.memory_space<vmem_shared>>) offsets(%arg9 : memref<2000xi32, #tpu.memory_space<vmem>>) semaphore(%run_scoped3A : memref<!tpu.dma_semaphore, #tpu.memory_space<semaphore_mem>>) {add = true}
            %dma_wait3A_259 = arith.constant 0 : i32
            %dma_wait3A_260 = arith.constant 0 : i32
            %dma_wait3A_261 = tpu.memref_slice %arg12[%dma_wait3A_259, %dma_wait3A_260] : memref<100000x8xf32, #tpu.memory_space<vmem_shared>> -> memref<100000x8xf32, #tpu.memory_space<vmem_shared>>
            tpu.wait_indirect_dma semaphore(%run_scoped3A : memref<!tpu.dma_semaphore, #tpu.memory_space<semaphore_mem>>) src(%arg11 : memref<2000x8xf32, #tpu.memory_space<vmem>>) dst(%dma_wait3A_261 : memref<100000x8xf32, #tpu.memory_space<vmem_shared>>)
            tpu.yield
          }) : () -> ()
        } else {
        }
      }
      %scan3A_42 = arith.constant 13 : i32
      %barrier3A_43 = arith.constant 0 : index
      tpu.barrier barrier_id(%barrier3A_43)
      %mul3A_44 = arith.constant 6250 : i32
      %mul3A_45 = arith.muli %arg1, %mul3A_44 : i32
      %mul3A_46 = arith.constant 6250 : i32
      %mul3A_47 = arith.muli %arg1, %mul3A_46 : i32
      "tpu.region"() ({
        %run_scoped3A = tpu.sem_alloc : memref<!tpu.dma_semaphore, #tpu.memory_space<semaphore_mem>>
        %dma_start3A_214 = arith.constant 0 : i32
        %dma_start3A_215 = tpu.memref_slice %arg6[%mul3A_47, %dma_start3A_214] : memref<100000x64xf32, #tpu.memory_space<hbm>> -> memref<6250x8xf32, #tpu.memory_space<hbm>>
        %dma_start3A_216 = arith.constant 0 : i32
        %dma_start3A_217 = tpu.memref_slice %arg12[%mul3A_45, %dma_start3A_216] : memref<100000x8xf32, #tpu.memory_space<vmem_shared>> -> memref<6250x8xf32, #tpu.memory_space<vmem_shared>>
        tpu.enqueue_dma source(%dma_start3A_217 : memref<6250x8xf32, #tpu.memory_space<vmem_shared>>) target(%dma_start3A_215 : memref<6250x8xf32, #tpu.memory_space<hbm>>) target_semaphore(%run_scoped3A : memref<!tpu.dma_semaphore, #tpu.memory_space<semaphore_mem>>)
        %dma_wait3A = arith.constant 0 : i32
        %dma_wait3A_218 = tpu.memref_slice %arg6[%mul3A_47, %dma_wait3A] : memref<100000x64xf32, #tpu.memory_space<hbm>> -> memref<6250x8xf32, #tpu.memory_space<hbm>>
        %dma_wait3A_219 = arith.constant 0 : i32
        %dma_wait3A_220 = tpu.memref_slice %arg12[%mul3A_45, %dma_wait3A_219] : memref<100000x8xf32, #tpu.memory_space<vmem_shared>> -> memref<6250x8xf32, #tpu.memory_space<vmem_shared>>
        tpu.wait_dma2 semaphore(%run_scoped3A : memref<!tpu.dma_semaphore, #tpu.memory_space<semaphore_mem>>) src(%dma_wait3A_220 : memref<6250x8xf32, #tpu.memory_space<vmem_shared>>) dst(%dma_wait3A_218 : memref<6250x8xf32, #tpu.memory_space<hbm>>)
        tpu.yield
      }) : () -> ()
      %barrier3A_48 = arith.constant 0 : index
      tpu.barrier barrier_id(%barrier3A_48)
      %mul3A_49 = arith.constant 6250 : i32
      %mul3A_50 = arith.muli %arg1, %mul3A_49 : i32
      %mul3A_51 = arith.constant 6250 : i32
      %mul3A_52 = arith.muli %arg1, %mul3A_51 : i32
      "tpu.region"() ({
        %run_scoped3A = tpu.sem_alloc : memref<!tpu.dma_semaphore, #tpu.memory_space<semaphore_mem>>
        %dma_start3A_214 = arith.constant 0 : i32
        %dma_start3A_215 = tpu.memref_slice %arg12[%mul3A_52, %dma_start3A_214] : memref<100000x8xf32, #tpu.memory_space<vmem_shared>> -> memref<6250x8xf32, #tpu.memory_space<vmem_shared>>
        %dma_start3A_216 = arith.constant 0 : i32
        %dma_start3A_217 = tpu.memref_slice %arg4[%mul3A_50, %dma_start3A_216] : memref<100000x8xf32, #tpu.memory_space<hbm>> -> memref<6250x8xf32, #tpu.memory_space<hbm>>
        tpu.enqueue_dma source(%dma_start3A_217 : memref<6250x8xf32, #tpu.memory_space<hbm>>) target(%dma_start3A_215 : memref<6250x8xf32, #tpu.memory_space<vmem_shared>>) target_semaphore(%run_scoped3A : memref<!tpu.dma_semaphore, #tpu.memory_space<semaphore_mem>>)
        %dma_wait3A = arith.constant 0 : i32
        %dma_wait3A_218 = tpu.memref_slice %arg12[%mul3A_52, %dma_wait3A] : memref<100000x8xf32, #tpu.memory_space<vmem_shared>> -> memref<6250x8xf32, #tpu.memory_space<vmem_shared>>
        %dma_wait3A_219 = arith.constant 0 : i32
        %dma_wait3A_220 = tpu.memref_slice %arg4[%mul3A_50, %dma_wait3A_219] : memref<100000x8xf32, #tpu.memory_space<hbm>> -> memref<6250x8xf32, #tpu.memory_space<hbm>>
        tpu.wait_dma2 semaphore(%run_scoped3A : memref<!tpu.dma_semaphore, #tpu.memory_space<semaphore_mem>>) src(%dma_wait3A_220 : memref<6250x8xf32, #tpu.memory_space<hbm>>) dst(%dma_wait3A_218 : memref<6250x8xf32, #tpu.memory_space<vmem_shared>>)
        tpu.yield
      }) : () -> ()
      %barrier3A_53 = arith.constant 0 : index
      tpu.barrier barrier_id(%barrier3A_53)
      %mul3A_54 = arith.constant 50000 : i32
      %mul3A_55 = arith.muli %arg1, %mul3A_54 : i32
      %add3A_56 = arith.constant 0 : i32
      %add3A_57 = arith.addi %mul3A_55, %add3A_56 : i32
      %add3A_58 = arith.constant 0 : i32
      %add3A_59 = arith.addi %add3A_58, %add3A_57 : i32
      %dma_start3A_60 = tpu.memref_slice %arg3[%add3A_59] : memref<1600000xi32, #tpu.memory_space<hbm>> -> memref<2000xi32, #tpu.memory_space<hbm>>
      %dma_start3A_61 = tpu.memref_slice %arg3[%add3A_59] : memref<1600000xi32, #tpu.memory_space<hbm>> -> memref<2000xi32, #tpu.memory_space<hbm>>
      tpu.enqueue_dma source(%dma_start3A_61 : memref<2000xi32, #tpu.memory_space<hbm>>) target(%arg8 : memref<2000xi32, #tpu.memory_space<vmem>>) target_semaphore(%arg13 : memref<!tpu.dma_semaphore, #tpu.memory_space<semaphore_mem>>)
      %dma_start3A_62 = arith.constant 8 : i32
      %dma_start3A_63 = tpu.memref_slice %arg2[%add3A_57, %dma_start3A_62] : memref<800000x128xf32, #tpu.memory_space<hbm>> -> memref<2000x8xf32, #tpu.memory_space<hbm>>
      %dma_start3A_64 = arith.constant 8 : i32
      %dma_start3A_65 = tpu.memref_slice %arg2[%add3A_57, %dma_start3A_64] : memref<800000x128xf32, #tpu.memory_space<hbm>> -> memref<2000x8xf32, #tpu.memory_space<hbm>>
      tpu.enqueue_dma source(%dma_start3A_65 : memref<2000x8xf32, #tpu.memory_space<hbm>>) target(%arg10 : memref<2000x8xf32, #tpu.memory_space<vmem>>) target_semaphore(%arg15 : memref<!tpu.dma_semaphore, #tpu.memory_space<semaphore_mem>>)
      %scan3A_66 = arith.constant 0 : i32
      %scan3A_67 = arith.constant 0 : i32
      %scan3A_68 = arith.constant 13 : i32
      %scan3A_69 = arith.addi %scan3A_67, %scan3A_68 : i32
      %scan3A_70 = arith.constant 1 : i32
      scf.for %scan3A_214 = %scan3A_67 to %scan3A_69 step %scan3A_70  : i32 {
        %mul3A_215 = arith.constant 2 : i32
        %mul3A_216 = arith.muli %mul3A_215, %scan3A_214 : i32
        %add3A_217 = arith.constant 1 : i32
        %add3A_218 = arith.addi %mul3A_216, %add3A_217 : i32
        %mul3A_219 = arith.constant 2 : i32
        %mul3A_220 = arith.muli %mul3A_219, %scan3A_214 : i32
        %add3A_221 = arith.constant 2 : i32
        %add3A_222 = arith.addi %mul3A_220, %add3A_221 : i32
        %lt3A = arith.constant 25 : i32
        %lt3A_223 = arith.cmpi slt, %add3A_218, %lt3A : i32
        %convert_element_type3A_224 = arith.extui %lt3A_223 : i1 to i32
        %cond3A_225 = arith.constant 0 : i32
        %cond3A_226 = arith.cmpi ne, %convert_element_type3A_224, %cond3A_225 : i32
        scf.if %cond3A_226 {
          %mul3A_246 = arith.constant 50000 : i32
          %mul3A_247 = arith.muli %arg1, %mul3A_246 : i32
          %mul3A_248 = arith.constant 2000 : i32
          %mul3A_249 = arith.muli %add3A_218, %mul3A_248 : i32
          %add3A_250 = arith.addi %mul3A_247, %mul3A_249 : i32
          %add3A_251 = arith.constant 0 : i32
          %add3A_252 = arith.addi %add3A_251, %add3A_250 : i32
          %dma_start3A_253 = tpu.memref_slice %arg3[%add3A_252] : memref<1600000xi32, #tpu.memory_space<hbm>> -> memref<2000xi32, #tpu.memory_space<hbm>>
          %dma_start3A_254 = tpu.memref_slice %arg3[%add3A_252] : memref<1600000xi32, #tpu.memory_space<hbm>> -> memref<2000xi32, #tpu.memory_space<hbm>>
          tpu.enqueue_dma source(%dma_start3A_254 : memref<2000xi32, #tpu.memory_space<hbm>>) target(%arg9 : memref<2000xi32, #tpu.memory_space<vmem>>) target_semaphore(%arg14 : memref<!tpu.dma_semaphore, #tpu.memory_space<semaphore_mem>>)
          %dma_start3A_255 = arith.constant 8 : i32
          %dma_start3A_256 = tpu.memref_slice %arg2[%add3A_250, %dma_start3A_255] : memref<800000x128xf32, #tpu.memory_space<hbm>> -> memref<2000x8xf32, #tpu.memory_space<hbm>>
          %dma_start3A_257 = arith.constant 8 : i32
          %dma_start3A_258 = tpu.memref_slice %arg2[%add3A_250, %dma_start3A_257] : memref<800000x128xf32, #tpu.memory_space<hbm>> -> memref<2000x8xf32, #tpu.memory_space<hbm>>
          tpu.enqueue_dma source(%dma_start3A_258 : memref<2000x8xf32, #tpu.memory_space<hbm>>) target(%arg11 : memref<2000x8xf32, #tpu.memory_space<vmem>>) target_semaphore(%arg16 : memref<!tpu.dma_semaphore, #tpu.memory_space<semaphore_mem>>)
        } else {
        }
        %dma_wait3A = arith.constant 0 : i32
        %dma_wait3A_227 = tpu.memref_slice %arg3[%dma_wait3A] : memref<1600000xi32, #tpu.memory_space<hbm>> -> memref<2000xi32, #tpu.memory_space<hbm>>
        %dma_wait3A_228 = arith.constant 0 : i32
        %dma_wait3A_229 = tpu.memref_slice %arg3[%dma_wait3A_228] : memref<1600000xi32, #tpu.memory_space<hbm>> -> memref<2000xi32, #tpu.memory_space<hbm>>
        tpu.wait_dma2 semaphore(%arg13 : memref<!tpu.dma_semaphore, #tpu.memory_space<semaphore_mem>>) src(%dma_wait3A_229 : memref<2000xi32, #tpu.memory_space<hbm>>) dst(%arg8 : memref<2000xi32, #tpu.memory_space<vmem>>)
        %dma_wait3A_230 = arith.constant 0 : i32
        %dma_wait3A_231 = arith.constant 0 : i32
        %dma_wait3A_232 = tpu.memref_slice %arg2[%dma_wait3A_230, %dma_wait3A_231] : memref<800000x128xf32, #tpu.memory_space<hbm>> -> memref<2000x8xf32, #tpu.memory_space<hbm>>
        %dma_wait3A_233 = arith.constant 0 : i32
        %dma_wait3A_234 = arith.constant 0 : i32
        %dma_wait3A_235 = tpu.memref_slice %arg2[%dma_wait3A_233, %dma_wait3A_234] : memref<800000x128xf32, #tpu.memory_space<hbm>> -> memref<2000x8xf32, #tpu.memory_space<hbm>>
        tpu.wait_dma2 semaphore(%arg15 : memref<!tpu.dma_semaphore, #tpu.memory_space<semaphore_mem>>) src(%dma_wait3A_235 : memref<2000x8xf32, #tpu.memory_space<hbm>>) dst(%arg10 : memref<2000x8xf32, #tpu.memory_space<vmem>>)
        "tpu.region"() ({
          %run_scoped3A = tpu.sem_alloc : memref<!tpu.dma_semaphore, #tpu.memory_space<semaphore_mem>>
          %dma_start3A_246 = arith.constant 0 : i32
          %dma_start3A_247 = arith.constant 0 : i32
          %dma_start3A_248 = tpu.memref_slice %arg12[%dma_start3A_246, %dma_start3A_247] : memref<100000x8xf32, #tpu.memory_space<vmem_shared>> -> memref<100000x8xf32, #tpu.memory_space<vmem_shared>>
          tpu.enqueue_indirect_dma source(%arg10 : memref<2000x8xf32, #tpu.memory_space<vmem>>) target(%dma_start3A_248 : memref<100000x8xf32, #tpu.memory_space<vmem_shared>>) offsets(%arg8 : memref<2000xi32, #tpu.memory_space<vmem>>) semaphore(%run_scoped3A : memref<!tpu.dma_semaphore, #tpu.memory_space<semaphore_mem>>) {add = true}
          %dma_wait3A_249 = arith.constant 0 : i32
          %dma_wait3A_250 = arith.constant 0 : i32
          %dma_wait3A_251 = tpu.memref_slice %arg12[%dma_wait3A_249, %dma_wait3A_250] : memref<100000x8xf32, #tpu.memory_space<vmem_shared>> -> memref<100000x8xf32, #tpu.memory_space<vmem_shared>>
          tpu.wait_indirect_dma semaphore(%run_scoped3A : memref<!tpu.dma_semaphore, #tpu.memory_space<semaphore_mem>>) src(%arg10 : memref<2000x8xf32, #tpu.memory_space<vmem>>) dst(%dma_wait3A_251 : memref<100000x8xf32, #tpu.memory_space<vmem_shared>>)
          tpu.yield
        }) : () -> ()
        %lt3A_236 = arith.constant 25 : i32
        %lt3A_237 = arith.cmpi slt, %add3A_222, %lt3A_236 : i32
        %convert_element_type3A_238 = arith.extui %lt3A_237 : i1 to i32
        %cond3A_239 = arith.constant 0 : i32
        %cond3A_240 = arith.cmpi ne, %convert_element_type3A_238, %cond3A_239 : i32
        scf.if %cond3A_240 {
          %mul3A_246 = arith.constant 50000 : i32
          %mul3A_247 = arith.muli %arg1, %mul3A_246 : i32
          %mul3A_248 = arith.constant 2000 : i32
          %mul3A_249 = arith.muli %add3A_222, %mul3A_248 : i32
          %add3A_250 = arith.addi %mul3A_247, %mul3A_249 : i32
          %add3A_251 = arith.constant 0 : i32
          %add3A_252 = arith.addi %add3A_251, %add3A_250 : i32
          %dma_start3A_253 = tpu.memref_slice %arg3[%add3A_252] : memref<1600000xi32, #tpu.memory_space<hbm>> -> memref<2000xi32, #tpu.memory_space<hbm>>
          %dma_start3A_254 = tpu.memref_slice %arg3[%add3A_252] : memref<1600000xi32, #tpu.memory_space<hbm>> -> memref<2000xi32, #tpu.memory_space<hbm>>
          tpu.enqueue_dma source(%dma_start3A_254 : memref<2000xi32, #tpu.memory_space<hbm>>) target(%arg8 : memref<2000xi32, #tpu.memory_space<vmem>>) target_semaphore(%arg13 : memref<!tpu.dma_semaphore, #tpu.memory_space<semaphore_mem>>)
          %dma_start3A_255 = arith.constant 8 : i32
          %dma_start3A_256 = tpu.memref_slice %arg2[%add3A_250, %dma_start3A_255] : memref<800000x128xf32, #tpu.memory_space<hbm>> -> memref<2000x8xf32, #tpu.memory_space<hbm>>
          %dma_start3A_257 = arith.constant 8 : i32
          %dma_start3A_258 = tpu.memref_slice %arg2[%add3A_250, %dma_start3A_257] : memref<800000x128xf32, #tpu.memory_space<hbm>> -> memref<2000x8xf32, #tpu.memory_space<hbm>>
          tpu.enqueue_dma source(%dma_start3A_258 : memref<2000x8xf32, #tpu.memory_space<hbm>>) target(%arg10 : memref<2000x8xf32, #tpu.memory_space<vmem>>) target_semaphore(%arg15 : memref<!tpu.dma_semaphore, #tpu.memory_space<semaphore_mem>>)
        } else {
        }
        %lt3A_241 = arith.constant 25 : i32
        %lt3A_242 = arith.cmpi slt, %add3A_218, %lt3A_241 : i32
        %convert_element_type3A_243 = arith.extui %lt3A_242 : i1 to i32
        %cond3A_244 = arith.constant 0 : i32
        %cond3A_245 = arith.cmpi ne, %convert_element_type3A_243, %cond3A_244 : i32
        scf.if %cond3A_245 {
          %dma_wait3A_246 = arith.constant 0 : i32
          %dma_wait3A_247 = tpu.memref_slice %arg3[%dma_wait3A_246] : memref<1600000xi32, #tpu.memory_space<hbm>> -> memref<2000xi32, #tpu.memory_space<hbm>>
          %dma_wait3A_248 = arith.constant 0 : i32
          %dma_wait3A_249 = tpu.memref_slice %arg3[%dma_wait3A_248] : memref<1600000xi32, #tpu.memory_space<hbm>> -> memref<2000xi32, #tpu.memory_space<hbm>>
          tpu.wait_dma2 semaphore(%arg14 : memref<!tpu.dma_semaphore, #tpu.memory_space<semaphore_mem>>) src(%dma_wait3A_249 : memref<2000xi32, #tpu.memory_space<hbm>>) dst(%arg9 : memref<2000xi32, #tpu.memory_space<vmem>>)
          %dma_wait3A_250 = arith.constant 0 : i32
          %dma_wait3A_251 = arith.constant 0 : i32
          %dma_wait3A_252 = tpu.memref_slice %arg2[%dma_wait3A_250, %dma_wait3A_251] : memref<800000x128xf32, #tpu.memory_space<hbm>> -> memref<2000x8xf32, #tpu.memory_space<hbm>>
          %dma_wait3A_253 = arith.constant 0 : i32
          %dma_wait3A_254 = arith.constant 0 : i32
          %dma_wait3A_255 = tpu.memref_slice %arg2[%dma_wait3A_253, %dma_wait3A_254] : memref<800000x128xf32, #tpu.memory_space<hbm>> -> memref<2000x8xf32, #tpu.memory_space<hbm>>
          tpu.wait_dma2 semaphore(%arg16 : memref<!tpu.dma_semaphore, #tpu.memory_space<semaphore_mem>>) src(%dma_wait3A_255 : memref<2000x8xf32, #tpu.memory_space<hbm>>) dst(%arg11 : memref<2000x8xf32, #tpu.memory_space<vmem>>)
          "tpu.region"() ({
            %run_scoped3A = tpu.sem_alloc : memref<!tpu.dma_semaphore, #tpu.memory_space<semaphore_mem>>
            %dma_start3A_256 = arith.constant 0 : i32
            %dma_start3A_257 = arith.constant 0 : i32
            %dma_start3A_258 = tpu.memref_slice %arg12[%dma_start3A_256, %dma_start3A_257] : memref<100000x8xf32, #tpu.memory_space<vmem_shared>> -> memref<100000x8xf32, #tpu.memory_space<vmem_shared>>
            tpu.enqueue_indirect_dma source(%arg11 : memref<2000x8xf32, #tpu.memory_space<vmem>>) target(%dma_start3A_258 : memref<100000x8xf32, #tpu.memory_space<vmem_shared>>) offsets(%arg9 : memref<2000xi32, #tpu.memory_space<vmem>>) semaphore(%run_scoped3A : memref<!tpu.dma_semaphore, #tpu.memory_space<semaphore_mem>>) {add = true}
            %dma_wait3A_259 = arith.constant 0 : i32
            %dma_wait3A_260 = arith.constant 0 : i32
            %dma_wait3A_261 = tpu.memref_slice %arg12[%dma_wait3A_259, %dma_wait3A_260] : memref<100000x8xf32, #tpu.memory_space<vmem_shared>> -> memref<100000x8xf32, #tpu.memory_space<vmem_shared>>
            tpu.wait_indirect_dma semaphore(%run_scoped3A : memref<!tpu.dma_semaphore, #tpu.memory_space<semaphore_mem>>) src(%arg11 : memref<2000x8xf32, #tpu.memory_space<vmem>>) dst(%dma_wait3A_261 : memref<100000x8xf32, #tpu.memory_space<vmem_shared>>)
            tpu.yield
          }) : () -> ()
        } else {
        }
      }
      %scan3A_71 = arith.constant 13 : i32
      %mul3A_72 = arith.constant 50000 : i32
      %mul3A_73 = arith.muli %arg1, %mul3A_72 : i32
      %add3A_74 = arith.constant 0 : i32
      %add3A_75 = arith.addi %mul3A_73, %add3A_74 : i32
      %add3A_76 = arith.constant 800000 : i32
      %add3A_77 = arith.addi %add3A_76, %add3A_75 : i32
      %dma_start3A_78 = tpu.memref_slice %arg3[%add3A_77] : memref<1600000xi32, #tpu.memory_space<hbm>> -> memref<2000xi32, #tpu.memory_space<hbm>>
      %dma_start3A_79 = tpu.memref_slice %arg3[%add3A_77] : memref<1600000xi32, #tpu.memory_space<hbm>> -> memref<2000xi32, #tpu.memory_space<hbm>>
      tpu.enqueue_dma source(%dma_start3A_79 : memref<2000xi32, #tpu.memory_space<hbm>>) target(%arg8 : memref<2000xi32, #tpu.memory_space<vmem>>) target_semaphore(%arg13 : memref<!tpu.dma_semaphore, #tpu.memory_space<semaphore_mem>>)
      %dma_start3A_80 = arith.constant 72 : i32
      %dma_start3A_81 = tpu.memref_slice %arg2[%add3A_75, %dma_start3A_80] : memref<800000x128xf32, #tpu.memory_space<hbm>> -> memref<2000x8xf32, #tpu.memory_space<hbm>>
      %dma_start3A_82 = arith.constant 72 : i32
      %dma_start3A_83 = tpu.memref_slice %arg2[%add3A_75, %dma_start3A_82] : memref<800000x128xf32, #tpu.memory_space<hbm>> -> memref<2000x8xf32, #tpu.memory_space<hbm>>
      tpu.enqueue_dma source(%dma_start3A_83 : memref<2000x8xf32, #tpu.memory_space<hbm>>) target(%arg10 : memref<2000x8xf32, #tpu.memory_space<vmem>>) target_semaphore(%arg15 : memref<!tpu.dma_semaphore, #tpu.memory_space<semaphore_mem>>)
      %scan3A_84 = arith.constant 0 : i32
      %scan3A_85 = arith.constant 0 : i32
      %scan3A_86 = arith.constant 13 : i32
      %scan3A_87 = arith.addi %scan3A_85, %scan3A_86 : i32
      %scan3A_88 = arith.constant 1 : i32
      scf.for %scan3A_214 = %scan3A_85 to %scan3A_87 step %scan3A_88  : i32 {
        %mul3A_215 = arith.constant 2 : i32
        %mul3A_216 = arith.muli %mul3A_215, %scan3A_214 : i32
        %add3A_217 = arith.constant 1 : i32
        %add3A_218 = arith.addi %mul3A_216, %add3A_217 : i32
        %mul3A_219 = arith.constant 2 : i32
        %mul3A_220 = arith.muli %mul3A_219, %scan3A_214 : i32
        %add3A_221 = arith.constant 2 : i32
        %add3A_222 = arith.addi %mul3A_220, %add3A_221 : i32
        %lt3A = arith.constant 25 : i32
        %lt3A_223 = arith.cmpi slt, %add3A_218, %lt3A : i32
        %convert_element_type3A_224 = arith.extui %lt3A_223 : i1 to i32
        %cond3A_225 = arith.constant 0 : i32
        %cond3A_226 = arith.cmpi ne, %convert_element_type3A_224, %cond3A_225 : i32
        scf.if %cond3A_226 {
          %mul3A_246 = arith.constant 50000 : i32
          %mul3A_247 = arith.muli %arg1, %mul3A_246 : i32
          %mul3A_248 = arith.constant 2000 : i32
          %mul3A_249 = arith.muli %add3A_218, %mul3A_248 : i32
          %add3A_250 = arith.addi %mul3A_247, %mul3A_249 : i32
          %add3A_251 = arith.constant 800000 : i32
          %add3A_252 = arith.addi %add3A_251, %add3A_250 : i32
          %dma_start3A_253 = tpu.memref_slice %arg3[%add3A_252] : memref<1600000xi32, #tpu.memory_space<hbm>> -> memref<2000xi32, #tpu.memory_space<hbm>>
          %dma_start3A_254 = tpu.memref_slice %arg3[%add3A_252] : memref<1600000xi32, #tpu.memory_space<hbm>> -> memref<2000xi32, #tpu.memory_space<hbm>>
          tpu.enqueue_dma source(%dma_start3A_254 : memref<2000xi32, #tpu.memory_space<hbm>>) target(%arg9 : memref<2000xi32, #tpu.memory_space<vmem>>) target_semaphore(%arg14 : memref<!tpu.dma_semaphore, #tpu.memory_space<semaphore_mem>>)
          %dma_start3A_255 = arith.constant 72 : i32
          %dma_start3A_256 = tpu.memref_slice %arg2[%add3A_250, %dma_start3A_255] : memref<800000x128xf32, #tpu.memory_space<hbm>> -> memref<2000x8xf32, #tpu.memory_space<hbm>>
          %dma_start3A_257 = arith.constant 72 : i32
          %dma_start3A_258 = tpu.memref_slice %arg2[%add3A_250, %dma_start3A_257] : memref<800000x128xf32, #tpu.memory_space<hbm>> -> memref<2000x8xf32, #tpu.memory_space<hbm>>
          tpu.enqueue_dma source(%dma_start3A_258 : memref<2000x8xf32, #tpu.memory_space<hbm>>) target(%arg11 : memref<2000x8xf32, #tpu.memory_space<vmem>>) target_semaphore(%arg16 : memref<!tpu.dma_semaphore, #tpu.memory_space<semaphore_mem>>)
        } else {
        }
        %dma_wait3A = arith.constant 0 : i32
        %dma_wait3A_227 = tpu.memref_slice %arg3[%dma_wait3A] : memref<1600000xi32, #tpu.memory_space<hbm>> -> memref<2000xi32, #tpu.memory_space<hbm>>
        %dma_wait3A_228 = arith.constant 0 : i32
        %dma_wait3A_229 = tpu.memref_slice %arg3[%dma_wait3A_228] : memref<1600000xi32, #tpu.memory_space<hbm>> -> memref<2000xi32, #tpu.memory_space<hbm>>
        tpu.wait_dma2 semaphore(%arg13 : memref<!tpu.dma_semaphore, #tpu.memory_space<semaphore_mem>>) src(%dma_wait3A_229 : memref<2000xi32, #tpu.memory_space<hbm>>) dst(%arg8 : memref<2000xi32, #tpu.memory_space<vmem>>)
        %dma_wait3A_230 = arith.constant 0 : i32
        %dma_wait3A_231 = arith.constant 0 : i32
        %dma_wait3A_232 = tpu.memref_slice %arg2[%dma_wait3A_230, %dma_wait3A_231] : memref<800000x128xf32, #tpu.memory_space<hbm>> -> memref<2000x8xf32, #tpu.memory_space<hbm>>
        %dma_wait3A_233 = arith.constant 0 : i32
        %dma_wait3A_234 = arith.constant 0 : i32
        %dma_wait3A_235 = tpu.memref_slice %arg2[%dma_wait3A_233, %dma_wait3A_234] : memref<800000x128xf32, #tpu.memory_space<hbm>> -> memref<2000x8xf32, #tpu.memory_space<hbm>>
        tpu.wait_dma2 semaphore(%arg15 : memref<!tpu.dma_semaphore, #tpu.memory_space<semaphore_mem>>) src(%dma_wait3A_235 : memref<2000x8xf32, #tpu.memory_space<hbm>>) dst(%arg10 : memref<2000x8xf32, #tpu.memory_space<vmem>>)
        "tpu.region"() ({
          %run_scoped3A = tpu.sem_alloc : memref<!tpu.dma_semaphore, #tpu.memory_space<semaphore_mem>>
          %dma_start3A_246 = arith.constant 0 : i32
          %dma_start3A_247 = arith.constant 0 : i32
          %dma_start3A_248 = tpu.memref_slice %arg12[%dma_start3A_246, %dma_start3A_247] : memref<100000x8xf32, #tpu.memory_space<vmem_shared>> -> memref<100000x8xf32, #tpu.memory_space<vmem_shared>>
          tpu.enqueue_indirect_dma source(%arg10 : memref<2000x8xf32, #tpu.memory_space<vmem>>) target(%dma_start3A_248 : memref<100000x8xf32, #tpu.memory_space<vmem_shared>>) offsets(%arg8 : memref<2000xi32, #tpu.memory_space<vmem>>) semaphore(%run_scoped3A : memref<!tpu.dma_semaphore, #tpu.memory_space<semaphore_mem>>) {add = true}
          %dma_wait3A_249 = arith.constant 0 : i32
          %dma_wait3A_250 = arith.constant 0 : i32
          %dma_wait3A_251 = tpu.memref_slice %arg12[%dma_wait3A_249, %dma_wait3A_250] : memref<100000x8xf32, #tpu.memory_space<vmem_shared>> -> memref<100000x8xf32, #tpu.memory_space<vmem_shared>>
          tpu.wait_indirect_dma semaphore(%run_scoped3A : memref<!tpu.dma_semaphore, #tpu.memory_space<semaphore_mem>>) src(%arg10 : memref<2000x8xf32, #tpu.memory_space<vmem>>) dst(%dma_wait3A_251 : memref<100000x8xf32, #tpu.memory_space<vmem_shared>>)
          tpu.yield
        }) : () -> ()
        %lt3A_236 = arith.constant 25 : i32
        %lt3A_237 = arith.cmpi slt, %add3A_222, %lt3A_236 : i32
        %convert_element_type3A_238 = arith.extui %lt3A_237 : i1 to i32
        %cond3A_239 = arith.constant 0 : i32
        %cond3A_240 = arith.cmpi ne, %convert_element_type3A_238, %cond3A_239 : i32
        scf.if %cond3A_240 {
          %mul3A_246 = arith.constant 50000 : i32
          %mul3A_247 = arith.muli %arg1, %mul3A_246 : i32
          %mul3A_248 = arith.constant 2000 : i32
          %mul3A_249 = arith.muli %add3A_222, %mul3A_248 : i32
          %add3A_250 = arith.addi %mul3A_247, %mul3A_249 : i32
          %add3A_251 = arith.constant 800000 : i32
          %add3A_252 = arith.addi %add3A_251, %add3A_250 : i32
          %dma_start3A_253 = tpu.memref_slice %arg3[%add3A_252] : memref<1600000xi32, #tpu.memory_space<hbm>> -> memref<2000xi32, #tpu.memory_space<hbm>>
          %dma_start3A_254 = tpu.memref_slice %arg3[%add3A_252] : memref<1600000xi32, #tpu.memory_space<hbm>> -> memref<2000xi32, #tpu.memory_space<hbm>>
          tpu.enqueue_dma source(%dma_start3A_254 : memref<2000xi32, #tpu.memory_space<hbm>>) target(%arg8 : memref<2000xi32, #tpu.memory_space<vmem>>) target_semaphore(%arg13 : memref<!tpu.dma_semaphore, #tpu.memory_space<semaphore_mem>>)
          %dma_start3A_255 = arith.constant 72 : i32
          %dma_start3A_256 = tpu.memref_slice %arg2[%add3A_250, %dma_start3A_255] : memref<800000x128xf32, #tpu.memory_space<hbm>> -> memref<2000x8xf32, #tpu.memory_space<hbm>>
          %dma_start3A_257 = arith.constant 72 : i32
          %dma_start3A_258 = tpu.memref_slice %arg2[%add3A_250, %dma_start3A_257] : memref<800000x128xf32, #tpu.memory_space<hbm>> -> memref<2000x8xf32, #tpu.memory_space<hbm>>
          tpu.enqueue_dma source(%dma_start3A_258 : memref<2000x8xf32, #tpu.memory_space<hbm>>) target(%arg10 : memref<2000x8xf32, #tpu.memory_space<vmem>>) target_semaphore(%arg15 : memref<!tpu.dma_semaphore, #tpu.memory_space<semaphore_mem>>)
        } else {
        }
        %lt3A_241 = arith.constant 25 : i32
        %lt3A_242 = arith.cmpi slt, %add3A_218, %lt3A_241 : i32
        %convert_element_type3A_243 = arith.extui %lt3A_242 : i1 to i32
        %cond3A_244 = arith.constant 0 : i32
        %cond3A_245 = arith.cmpi ne, %convert_element_type3A_243, %cond3A_244 : i32
        scf.if %cond3A_245 {
          %dma_wait3A_246 = arith.constant 0 : i32
          %dma_wait3A_247 = tpu.memref_slice %arg3[%dma_wait3A_246] : memref<1600000xi32, #tpu.memory_space<hbm>> -> memref<2000xi32, #tpu.memory_space<hbm>>
          %dma_wait3A_248 = arith.constant 0 : i32
          %dma_wait3A_249 = tpu.memref_slice %arg3[%dma_wait3A_248] : memref<1600000xi32, #tpu.memory_space<hbm>> -> memref<2000xi32, #tpu.memory_space<hbm>>
          tpu.wait_dma2 semaphore(%arg14 : memref<!tpu.dma_semaphore, #tpu.memory_space<semaphore_mem>>) src(%dma_wait3A_249 : memref<2000xi32, #tpu.memory_space<hbm>>) dst(%arg9 : memref<2000xi32, #tpu.memory_space<vmem>>)
          %dma_wait3A_250 = arith.constant 0 : i32
          %dma_wait3A_251 = arith.constant 0 : i32
          %dma_wait3A_252 = tpu.memref_slice %arg2[%dma_wait3A_250, %dma_wait3A_251] : memref<800000x128xf32, #tpu.memory_space<hbm>> -> memref<2000x8xf32, #tpu.memory_space<hbm>>
          %dma_wait3A_253 = arith.constant 0 : i32
          %dma_wait3A_254 = arith.constant 0 : i32
          %dma_wait3A_255 = tpu.memref_slice %arg2[%dma_wait3A_253, %dma_wait3A_254] : memref<800000x128xf32, #tpu.memory_space<hbm>> -> memref<2000x8xf32, #tpu.memory_space<hbm>>
          tpu.wait_dma2 semaphore(%arg16 : memref<!tpu.dma_semaphore, #tpu.memory_space<semaphore_mem>>) src(%dma_wait3A_255 : memref<2000x8xf32, #tpu.memory_space<hbm>>) dst(%arg11 : memref<2000x8xf32, #tpu.memory_space<vmem>>)
          "tpu.region"() ({
            %run_scoped3A = tpu.sem_alloc : memref<!tpu.dma_semaphore, #tpu.memory_space<semaphore_mem>>
            %dma_start3A_256 = arith.constant 0 : i32
            %dma_start3A_257 = arith.constant 0 : i32
            %dma_start3A_258 = tpu.memref_slice %arg12[%dma_start3A_256, %dma_start3A_257] : memref<100000x8xf32, #tpu.memory_space<vmem_shared>> -> memref<100000x8xf32, #tpu.memory_space<vmem_shared>>
            tpu.enqueue_indirect_dma source(%arg11 : memref<2000x8xf32, #tpu.memory_space<vmem>>) target(%dma_start3A_258 : memref<100000x8xf32, #tpu.memory_space<vmem_shared>>) offsets(%arg9 : memref<2000xi32, #tpu.memory_space<vmem>>) semaphore(%run_scoped3A : memref<!tpu.dma_semaphore, #tpu.memory_space<semaphore_mem>>) {add = true}
            %dma_wait3A_259 = arith.constant 0 : i32
            %dma_wait3A_260 = arith.constant 0 : i32
            %dma_wait3A_261 = tpu.memref_slice %arg12[%dma_wait3A_259, %dma_wait3A_260] : memref<100000x8xf32, #tpu.memory_space<vmem_shared>> -> memref<100000x8xf32, #tpu.memory_space<vmem_shared>>
            tpu.wait_indirect_dma semaphore(%run_scoped3A : memref<!tpu.dma_semaphore, #tpu.memory_space<semaphore_mem>>) src(%arg11 : memref<2000x8xf32, #tpu.memory_space<vmem>>) dst(%dma_wait3A_261 : memref<100000x8xf32, #tpu.memory_space<vmem_shared>>)
            tpu.yield
          }) : () -> ()
        } else {
        }
      }
      %scan3A_89 = arith.constant 13 : i32
      %barrier3A_90 = arith.constant 0 : index
      tpu.barrier barrier_id(%barrier3A_90)
      %mul3A_91 = arith.constant 6250 : i32
      %mul3A_92 = arith.muli %arg1, %mul3A_91 : i32
      %mul3A_93 = arith.constant 6250 : i32
      %mul3A_94 = arith.muli %arg1, %mul3A_93 : i32
      "tpu.region"() ({
        %run_scoped3A = tpu.sem_alloc : memref<!tpu.dma_semaphore, #tpu.memory_space<semaphore_mem>>
        %dma_start3A_214 = arith.constant 8 : i32
        %dma_start3A_215 = tpu.memref_slice %arg6[%mul3A_94, %dma_start3A_214] : memref<100000x64xf32, #tpu.memory_space<hbm>> -> memref<6250x8xf32, #tpu.memory_space<hbm>>
        %dma_start3A_216 = arith.constant 0 : i32
        %dma_start3A_217 = tpu.memref_slice %arg12[%mul3A_92, %dma_start3A_216] : memref<100000x8xf32, #tpu.memory_space<vmem_shared>> -> memref<6250x8xf32, #tpu.memory_space<vmem_shared>>
        tpu.enqueue_dma source(%dma_start3A_217 : memref<6250x8xf32, #tpu.memory_space<vmem_shared>>) target(%dma_start3A_215 : memref<6250x8xf32, #tpu.memory_space<hbm>>) target_semaphore(%run_scoped3A : memref<!tpu.dma_semaphore, #tpu.memory_space<semaphore_mem>>)
        %dma_wait3A = arith.constant 8 : i32
        %dma_wait3A_218 = tpu.memref_slice %arg6[%mul3A_94, %dma_wait3A] : memref<100000x64xf32, #tpu.memory_space<hbm>> -> memref<6250x8xf32, #tpu.memory_space<hbm>>
        %dma_wait3A_219 = arith.constant 0 : i32
        %dma_wait3A_220 = tpu.memref_slice %arg12[%mul3A_92, %dma_wait3A_219] : memref<100000x8xf32, #tpu.memory_space<vmem_shared>> -> memref<6250x8xf32, #tpu.memory_space<vmem_shared>>
        tpu.wait_dma2 semaphore(%run_scoped3A : memref<!tpu.dma_semaphore, #tpu.memory_space<semaphore_mem>>) src(%dma_wait3A_220 : memref<6250x8xf32, #tpu.memory_space<vmem_shared>>) dst(%dma_wait3A_218 : memref<6250x8xf32, #tpu.memory_space<hbm>>)
        tpu.yield
      }) : () -> ()
      %barrier3A_95 = arith.constant 0 : index
      tpu.barrier barrier_id(%barrier3A_95)
      %mul3A_96 = arith.constant 6250 : i32
      %mul3A_97 = arith.muli %arg1, %mul3A_96 : i32
      %mul3A_98 = arith.constant 6250 : i32
      %mul3A_99 = arith.muli %arg1, %mul3A_98 : i32
      "tpu.region"() ({
        %run_scoped3A = tpu.sem_alloc : memref<!tpu.dma_semaphore, #tpu.memory_space<semaphore_mem>>
        %dma_start3A_214 = arith.constant 0 : i32
        %dma_start3A_215 = tpu.memref_slice %arg12[%mul3A_99, %dma_start3A_214] : memref<100000x8xf32, #tpu.memory_space<vmem_shared>> -> memref<6250x8xf32, #tpu.memory_space<vmem_shared>>
        %dma_start3A_216 = arith.constant 0 : i32
        %dma_start3A_217 = tpu.memref_slice %arg4[%mul3A_97, %dma_start3A_216] : memref<100000x8xf32, #tpu.memory_space<hbm>> -> memref<6250x8xf32, #tpu.memory_space<hbm>>
        tpu.enqueue_dma source(%dma_start3A_217 : memref<6250x8xf32, #tpu.memory_space<hbm>>) target(%dma_start3A_215 : memref<6250x8xf32, #tpu.memory_space<vmem_shared>>) target_semaphore(%run_scoped3A : memref<!tpu.dma_semaphore, #tpu.memory_space<semaphore_mem>>)
        %dma_wait3A = arith.constant 0 : i32
        %dma_wait3A_218 = tpu.memref_slice %arg12[%mul3A_99, %dma_wait3A] : memref<100000x8xf32, #tpu.memory_space<vmem_shared>> -> memref<6250x8xf32, #tpu.memory_space<vmem_shared>>
        %dma_wait3A_219 = arith.constant 0 : i32
        %dma_wait3A_220 = tpu.memref_slice %arg4[%mul3A_97, %dma_wait3A_219] : memref<100000x8xf32, #tpu.memory_space<hbm>> -> memref<6250x8xf32, #tpu.memory_space<hbm>>
        tpu.wait_dma2 semaphore(%run_scoped3A : memref<!tpu.dma_semaphore, #tpu.memory_space<semaphore_mem>>) src(%dma_wait3A_220 : memref<6250x8xf32, #tpu.memory_space<hbm>>) dst(%dma_wait3A_218 : memref<6250x8xf32, #tpu.memory_space<vmem_shared>>)
        tpu.yield
      }) : () -> ()
      %barrier3A_100 = arith.constant 0 : index
      tpu.barrier barrier_id(%barrier3A_100)
      %mul3A_101 = arith.constant 50000 : i32
      %mul3A_102 = arith.muli %arg1, %mul3A_101 : i32
      %add3A_103 = arith.constant 0 : i32
      %add3A_104 = arith.addi %mul3A_102, %add3A_103 : i32
      %add3A_105 = arith.constant 0 : i32
      %add3A_106 = arith.addi %add3A_105, %add3A_104 : i32
      %dma_start3A_107 = tpu.memref_slice %arg3[%add3A_106] : memref<1600000xi32, #tpu.memory_space<hbm>> -> memref<2000xi32, #tpu.memory_space<hbm>>
      %dma_start3A_108 = tpu.memref_slice %arg3[%add3A_106] : memref<1600000xi32, #tpu.memory_space<hbm>> -> memref<2000xi32, #tpu.memory_space<hbm>>
      tpu.enqueue_dma source(%dma_start3A_108 : memref<2000xi32, #tpu.memory_space<hbm>>) target(%arg8 : memref<2000xi32, #tpu.memory_space<vmem>>) target_semaphore(%arg13 : memref<!tpu.dma_semaphore, #tpu.memory_space<semaphore_mem>>)
      %dma_start3A_109 = arith.constant 16 : i32
      %dma_start3A_110 = tpu.memref_slice %arg2[%add3A_104, %dma_start3A_109] : memref<800000x128xf32, #tpu.memory_space<hbm>> -> memref<2000x8xf32, #tpu.memory_space<hbm>>
      %dma_start3A_111 = arith.constant 16 : i32
      %dma_start3A_112 = tpu.memref_slice %arg2[%add3A_104, %dma_start3A_111] : memref<800000x128xf32, #tpu.memory_space<hbm>> -> memref<2000x8xf32, #tpu.memory_space<hbm>>
      tpu.enqueue_dma source(%dma_start3A_112 : memref<2000x8xf32, #tpu.memory_space<hbm>>) target(%arg10 : memref<2000x8xf32, #tpu.memory_space<vmem>>) target_semaphore(%arg15 : memref<!tpu.dma_semaphore, #tpu.memory_space<semaphore_mem>>)
      %scan3A_113 = arith.constant 0 : i32
      %scan3A_114 = arith.constant 0 : i32
      %scan3A_115 = arith.constant 13 : i32
      %scan3A_116 = arith.addi %scan3A_114, %scan3A_115 : i32
      %scan3A_117 = arith.constant 1 : i32
      scf.for %scan3A_214 = %scan3A_114 to %scan3A_116 step %scan3A_117  : i32 {
        %mul3A_215 = arith.constant 2 : i32
        %mul3A_216 = arith.muli %mul3A_215, %scan3A_214 : i32
        %add3A_217 = arith.constant 1 : i32
        %add3A_218 = arith.addi %mul3A_216, %add3A_217 : i32
        %mul3A_219 = arith.constant 2 : i32
        %mul3A_220 = arith.muli %mul3A_219, %scan3A_214 : i32
        %add3A_221 = arith.constant 2 : i32
        %add3A_222 = arith.addi %mul3A_220, %add3A_221 : i32
        %lt3A = arith.constant 25 : i32
        %lt3A_223 = arith.cmpi slt, %add3A_218, %lt3A : i32
        %convert_element_type3A_224 = arith.extui %lt3A_223 : i1 to i32
        %cond3A_225 = arith.constant 0 : i32
        %cond3A_226 = arith.cmpi ne, %convert_element_type3A_224, %cond3A_225 : i32
        scf.if %cond3A_226 {
          %mul3A_246 = arith.constant 50000 : i32
          %mul3A_247 = arith.muli %arg1, %mul3A_246 : i32
          %mul3A_248 = arith.constant 2000 : i32
          %mul3A_249 = arith.muli %add3A_218, %mul3A_248 : i32
          %add3A_250 = arith.addi %mul3A_247, %mul3A_249 : i32
          %add3A_251 = arith.constant 0 : i32
          %add3A_252 = arith.addi %add3A_251, %add3A_250 : i32
          %dma_start3A_253 = tpu.memref_slice %arg3[%add3A_252] : memref<1600000xi32, #tpu.memory_space<hbm>> -> memref<2000xi32, #tpu.memory_space<hbm>>
          %dma_start3A_254 = tpu.memref_slice %arg3[%add3A_252] : memref<1600000xi32, #tpu.memory_space<hbm>> -> memref<2000xi32, #tpu.memory_space<hbm>>
          tpu.enqueue_dma source(%dma_start3A_254 : memref<2000xi32, #tpu.memory_space<hbm>>) target(%arg9 : memref<2000xi32, #tpu.memory_space<vmem>>) target_semaphore(%arg14 : memref<!tpu.dma_semaphore, #tpu.memory_space<semaphore_mem>>)
          %dma_start3A_255 = arith.constant 16 : i32
          %dma_start3A_256 = tpu.memref_slice %arg2[%add3A_250, %dma_start3A_255] : memref<800000x128xf32, #tpu.memory_space<hbm>> -> memref<2000x8xf32, #tpu.memory_space<hbm>>
          %dma_start3A_257 = arith.constant 16 : i32
          %dma_start3A_258 = tpu.memref_slice %arg2[%add3A_250, %dma_start3A_257] : memref<800000x128xf32, #tpu.memory_space<hbm>> -> memref<2000x8xf32, #tpu.memory_space<hbm>>
          tpu.enqueue_dma source(%dma_start3A_258 : memref<2000x8xf32, #tpu.memory_space<hbm>>) target(%arg11 : memref<2000x8xf32, #tpu.memory_space<vmem>>) target_semaphore(%arg16 : memref<!tpu.dma_semaphore, #tpu.memory_space<semaphore_mem>>)
        } else {
        }
        %dma_wait3A = arith.constant 0 : i32
        %dma_wait3A_227 = tpu.memref_slice %arg3[%dma_wait3A] : memref<1600000xi32, #tpu.memory_space<hbm>> -> memref<2000xi32, #tpu.memory_space<hbm>>
        %dma_wait3A_228 = arith.constant 0 : i32
        %dma_wait3A_229 = tpu.memref_slice %arg3[%dma_wait3A_228] : memref<1600000xi32, #tpu.memory_space<hbm>> -> memref<2000xi32, #tpu.memory_space<hbm>>
        tpu.wait_dma2 semaphore(%arg13 : memref<!tpu.dma_semaphore, #tpu.memory_space<semaphore_mem>>) src(%dma_wait3A_229 : memref<2000xi32, #tpu.memory_space<hbm>>) dst(%arg8 : memref<2000xi32, #tpu.memory_space<vmem>>)
        %dma_wait3A_230 = arith.constant 0 : i32
        %dma_wait3A_231 = arith.constant 0 : i32
        %dma_wait3A_232 = tpu.memref_slice %arg2[%dma_wait3A_230, %dma_wait3A_231] : memref<800000x128xf32, #tpu.memory_space<hbm>> -> memref<2000x8xf32, #tpu.memory_space<hbm>>
        %dma_wait3A_233 = arith.constant 0 : i32
        %dma_wait3A_234 = arith.constant 0 : i32
        %dma_wait3A_235 = tpu.memref_slice %arg2[%dma_wait3A_233, %dma_wait3A_234] : memref<800000x128xf32, #tpu.memory_space<hbm>> -> memref<2000x8xf32, #tpu.memory_space<hbm>>
        tpu.wait_dma2 semaphore(%arg15 : memref<!tpu.dma_semaphore, #tpu.memory_space<semaphore_mem>>) src(%dma_wait3A_235 : memref<2000x8xf32, #tpu.memory_space<hbm>>) dst(%arg10 : memref<2000x8xf32, #tpu.memory_space<vmem>>)
        "tpu.region"() ({
          %run_scoped3A = tpu.sem_alloc : memref<!tpu.dma_semaphore, #tpu.memory_space<semaphore_mem>>
          %dma_start3A_246 = arith.constant 0 : i32
          %dma_start3A_247 = arith.constant 0 : i32
          %dma_start3A_248 = tpu.memref_slice %arg12[%dma_start3A_246, %dma_start3A_247] : memref<100000x8xf32, #tpu.memory_space<vmem_shared>> -> memref<100000x8xf32, #tpu.memory_space<vmem_shared>>
          tpu.enqueue_indirect_dma source(%arg10 : memref<2000x8xf32, #tpu.memory_space<vmem>>) target(%dma_start3A_248 : memref<100000x8xf32, #tpu.memory_space<vmem_shared>>) offsets(%arg8 : memref<2000xi32, #tpu.memory_space<vmem>>) semaphore(%run_scoped3A : memref<!tpu.dma_semaphore, #tpu.memory_space<semaphore_mem>>) {add = true}
          %dma_wait3A_249 = arith.constant 0 : i32
          %dma_wait3A_250 = arith.constant 0 : i32
          %dma_wait3A_251 = tpu.memref_slice %arg12[%dma_wait3A_249, %dma_wait3A_250] : memref<100000x8xf32, #tpu.memory_space<vmem_shared>> -> memref<100000x8xf32, #tpu.memory_space<vmem_shared>>
          tpu.wait_indirect_dma semaphore(%run_scoped3A : memref<!tpu.dma_semaphore, #tpu.memory_space<semaphore_mem>>) src(%arg10 : memref<2000x8xf32, #tpu.memory_space<vmem>>) dst(%dma_wait3A_251 : memref<100000x8xf32, #tpu.memory_space<vmem_shared>>)
          tpu.yield
        }) : () -> ()
        %lt3A_236 = arith.constant 25 : i32
        %lt3A_237 = arith.cmpi slt, %add3A_222, %lt3A_236 : i32
        %convert_element_type3A_238 = arith.extui %lt3A_237 : i1 to i32
        %cond3A_239 = arith.constant 0 : i32
        %cond3A_240 = arith.cmpi ne, %convert_element_type3A_238, %cond3A_239 : i32
        scf.if %cond3A_240 {
          %mul3A_246 = arith.constant 50000 : i32
          %mul3A_247 = arith.muli %arg1, %mul3A_246 : i32
          %mul3A_248 = arith.constant 2000 : i32
          %mul3A_249 = arith.muli %add3A_222, %mul3A_248 : i32
          %add3A_250 = arith.addi %mul3A_247, %mul3A_249 : i32
          %add3A_251 = arith.constant 0 : i32
          %add3A_252 = arith.addi %add3A_251, %add3A_250 : i32
          %dma_start3A_253 = tpu.memref_slice %arg3[%add3A_252] : memref<1600000xi32, #tpu.memory_space<hbm>> -> memref<2000xi32, #tpu.memory_space<hbm>>
          %dma_start3A_254 = tpu.memref_slice %arg3[%add3A_252] : memref<1600000xi32, #tpu.memory_space<hbm>> -> memref<2000xi32, #tpu.memory_space<hbm>>
          tpu.enqueue_dma source(%dma_start3A_254 : memref<2000xi32, #tpu.memory_space<hbm>>) target(%arg8 : memref<2000xi32, #tpu.memory_space<vmem>>) target_semaphore(%arg13 : memref<!tpu.dma_semaphore, #tpu.memory_space<semaphore_mem>>)
          %dma_start3A_255 = arith.constant 16 : i32
          %dma_start3A_256 = tpu.memref_slice %arg2[%add3A_250, %dma_start3A_255] : memref<800000x128xf32, #tpu.memory_space<hbm>> -> memref<2000x8xf32, #tpu.memory_space<hbm>>
          %dma_start3A_257 = arith.constant 16 : i32
          %dma_start3A_258 = tpu.memref_slice %arg2[%add3A_250, %dma_start3A_257] : memref<800000x128xf32, #tpu.memory_space<hbm>> -> memref<2000x8xf32, #tpu.memory_space<hbm>>
          tpu.enqueue_dma source(%dma_start3A_258 : memref<2000x8xf32, #tpu.memory_space<hbm>>) target(%arg10 : memref<2000x8xf32, #tpu.memory_space<vmem>>) target_semaphore(%arg15 : memref<!tpu.dma_semaphore, #tpu.memory_space<semaphore_mem>>)
        } else {
        }
        %lt3A_241 = arith.constant 25 : i32
        %lt3A_242 = arith.cmpi slt, %add3A_218, %lt3A_241 : i32
        %convert_element_type3A_243 = arith.extui %lt3A_242 : i1 to i32
        %cond3A_244 = arith.constant 0 : i32
        %cond3A_245 = arith.cmpi ne, %convert_element_type3A_243, %cond3A_244 : i32
        scf.if %cond3A_245 {
          %dma_wait3A_246 = arith.constant 0 : i32
          %dma_wait3A_247 = tpu.memref_slice %arg3[%dma_wait3A_246] : memref<1600000xi32, #tpu.memory_space<hbm>> -> memref<2000xi32, #tpu.memory_space<hbm>>
          %dma_wait3A_248 = arith.constant 0 : i32
          %dma_wait3A_249 = tpu.memref_slice %arg3[%dma_wait3A_248] : memref<1600000xi32, #tpu.memory_space<hbm>> -> memref<2000xi32, #tpu.memory_space<hbm>>
          tpu.wait_dma2 semaphore(%arg14 : memref<!tpu.dma_semaphore, #tpu.memory_space<semaphore_mem>>) src(%dma_wait3A_249 : memref<2000xi32, #tpu.memory_space<hbm>>) dst(%arg9 : memref<2000xi32, #tpu.memory_space<vmem>>)
          %dma_wait3A_250 = arith.constant 0 : i32
          %dma_wait3A_251 = arith.constant 0 : i32
          %dma_wait3A_252 = tpu.memref_slice %arg2[%dma_wait3A_250, %dma_wait3A_251] : memref<800000x128xf32, #tpu.memory_space<hbm>> -> memref<2000x8xf32, #tpu.memory_space<hbm>>
          %dma_wait3A_253 = arith.constant 0 : i32
          %dma_wait3A_254 = arith.constant 0 : i32
          %dma_wait3A_255 = tpu.memref_slice %arg2[%dma_wait3A_253, %dma_wait3A_254] : memref<800000x128xf32, #tpu.memory_space<hbm>> -> memref<2000x8xf32, #tpu.memory_space<hbm>>
          tpu.wait_dma2 semaphore(%arg16 : memref<!tpu.dma_semaphore, #tpu.memory_space<semaphore_mem>>) src(%dma_wait3A_255 : memref<2000x8xf32, #tpu.memory_space<hbm>>) dst(%arg11 : memref<2000x8xf32, #tpu.memory_space<vmem>>)
          "tpu.region"() ({
            %run_scoped3A = tpu.sem_alloc : memref<!tpu.dma_semaphore, #tpu.memory_space<semaphore_mem>>
            %dma_start3A_256 = arith.constant 0 : i32
            %dma_start3A_257 = arith.constant 0 : i32
            %dma_start3A_258 = tpu.memref_slice %arg12[%dma_start3A_256, %dma_start3A_257] : memref<100000x8xf32, #tpu.memory_space<vmem_shared>> -> memref<100000x8xf32, #tpu.memory_space<vmem_shared>>
            tpu.enqueue_indirect_dma source(%arg11 : memref<2000x8xf32, #tpu.memory_space<vmem>>) target(%dma_start3A_258 : memref<100000x8xf32, #tpu.memory_space<vmem_shared>>) offsets(%arg9 : memref<2000xi32, #tpu.memory_space<vmem>>) semaphore(%run_scoped3A : memref<!tpu.dma_semaphore, #tpu.memory_space<semaphore_mem>>) {add = true}
            %dma_wait3A_259 = arith.constant 0 : i32
            %dma_wait3A_260 = arith.constant 0 : i32
            %dma_wait3A_261 = tpu.memref_slice %arg12[%dma_wait3A_259, %dma_wait3A_260] : memref<100000x8xf32, #tpu.memory_space<vmem_shared>> -> memref<100000x8xf32, #tpu.memory_space<vmem_shared>>
            tpu.wait_indirect_dma semaphore(%run_scoped3A : memref<!tpu.dma_semaphore, #tpu.memory_space<semaphore_mem>>) src(%arg11 : memref<2000x8xf32, #tpu.memory_space<vmem>>) dst(%dma_wait3A_261 : memref<100000x8xf32, #tpu.memory_space<vmem_shared>>)
            tpu.yield
          }) : () -> ()
        } else {
        }
      }
      %scan3A_118 = arith.constant 13 : i32
      %mul3A_119 = arith.constant 50000 : i32
      %mul3A_120 = arith.muli %arg1, %mul3A_119 : i32
      %add3A_121 = arith.constant 0 : i32
      %add3A_122 = arith.addi %mul3A_120, %add3A_121 : i32
      %add3A_123 = arith.constant 800000 : i32
      %add3A_124 = arith.addi %add3A_123, %add3A_122 : i32
      %dma_start3A_125 = tpu.memref_slice %arg3[%add3A_124] : memref<1600000xi32, #tpu.memory_space<hbm>> -> memref<2000xi32, #tpu.memory_space<hbm>>
      %dma_start3A_126 = tpu.memref_slice %arg3[%add3A_124] : memref<1600000xi32, #tpu.memory_space<hbm>> -> memref<2000xi32, #tpu.memory_space<hbm>>
      tpu.enqueue_dma source(%dma_start3A_126 : memref<2000xi32, #tpu.memory_space<hbm>>) target(%arg8 : memref<2000xi32, #tpu.memory_space<vmem>>) target_semaphore(%arg13 : memref<!tpu.dma_semaphore, #tpu.memory_space<semaphore_mem>>)
      %dma_start3A_127 = arith.constant 80 : i32
      %dma_start3A_128 = tpu.memref_slice %arg2[%add3A_122, %dma_start3A_127] : memref<800000x128xf32, #tpu.memory_space<hbm>> -> memref<2000x8xf32, #tpu.memory_space<hbm>>
      %dma_start3A_129 = arith.constant 80 : i32
      %dma_start3A_130 = tpu.memref_slice %arg2[%add3A_122, %dma_start3A_129] : memref<800000x128xf32, #tpu.memory_space<hbm>> -> memref<2000x8xf32, #tpu.memory_space<hbm>>
      tpu.enqueue_dma source(%dma_start3A_130 : memref<2000x8xf32, #tpu.memory_space<hbm>>) target(%arg10 : memref<2000x8xf32, #tpu.memory_space<vmem>>) target_semaphore(%arg15 : memref<!tpu.dma_semaphore, #tpu.memory_space<semaphore_mem>>)
      %scan3A_131 = arith.constant 0 : i32
      %scan3A_132 = arith.constant 0 : i32
      %scan3A_133 = arith.constant 13 : i32
      %scan3A_134 = arith.addi %scan3A_132, %scan3A_133 : i32
      %scan3A_135 = arith.constant 1 : i32
      scf.for %scan3A_214 = %scan3A_132 to %scan3A_134 step %scan3A_135  : i32 {
        %mul3A_215 = arith.constant 2 : i32
        %mul3A_216 = arith.muli %mul3A_215, %scan3A_214 : i32
        %add3A_217 = arith.constant 1 : i32
        %add3A_218 = arith.addi %mul3A_216, %add3A_217 : i32
        %mul3A_219 = arith.constant 2 : i32
        %mul3A_220 = arith.muli %mul3A_219, %scan3A_214 : i32
        %add3A_221 = arith.constant 2 : i32
        %add3A_222 = arith.addi %mul3A_220, %add3A_221 : i32
        %lt3A = arith.constant 25 : i32
        %lt3A_223 = arith.cmpi slt, %add3A_218, %lt3A : i32
        %convert_element_type3A_224 = arith.extui %lt3A_223 : i1 to i32
        %cond3A_225 = arith.constant 0 : i32
        %cond3A_226 = arith.cmpi ne, %convert_element_type3A_224, %cond3A_225 : i32
        scf.if %cond3A_226 {
          %mul3A_246 = arith.constant 50000 : i32
          %mul3A_247 = arith.muli %arg1, %mul3A_246 : i32
          %mul3A_248 = arith.constant 2000 : i32
          %mul3A_249 = arith.muli %add3A_218, %mul3A_248 : i32
          %add3A_250 = arith.addi %mul3A_247, %mul3A_249 : i32
          %add3A_251 = arith.constant 800000 : i32
          %add3A_252 = arith.addi %add3A_251, %add3A_250 : i32
          %dma_start3A_253 = tpu.memref_slice %arg3[%add3A_252] : memref<1600000xi32, #tpu.memory_space<hbm>> -> memref<2000xi32, #tpu.memory_space<hbm>>
          %dma_start3A_254 = tpu.memref_slice %arg3[%add3A_252] : memref<1600000xi32, #tpu.memory_space<hbm>> -> memref<2000xi32, #tpu.memory_space<hbm>>
          tpu.enqueue_dma source(%dma_start3A_254 : memref<2000xi32, #tpu.memory_space<hbm>>) target(%arg9 : memref<2000xi32, #tpu.memory_space<vmem>>) target_semaphore(%arg14 : memref<!tpu.dma_semaphore, #tpu.memory_space<semaphore_mem>>)
          %dma_start3A_255 = arith.constant 80 : i32
          %dma_start3A_256 = tpu.memref_slice %arg2[%add3A_250, %dma_start3A_255] : memref<800000x128xf32, #tpu.memory_space<hbm>> -> memref<2000x8xf32, #tpu.memory_space<hbm>>
          %dma_start3A_257 = arith.constant 80 : i32
          %dma_start3A_258 = tpu.memref_slice %arg2[%add3A_250, %dma_start3A_257] : memref<800000x128xf32, #tpu.memory_space<hbm>> -> memref<2000x8xf32, #tpu.memory_space<hbm>>
          tpu.enqueue_dma source(%dma_start3A_258 : memref<2000x8xf32, #tpu.memory_space<hbm>>) target(%arg11 : memref<2000x8xf32, #tpu.memory_space<vmem>>) target_semaphore(%arg16 : memref<!tpu.dma_semaphore, #tpu.memory_space<semaphore_mem>>)
        } else {
        }
        %dma_wait3A = arith.constant 0 : i32
        %dma_wait3A_227 = tpu.memref_slice %arg3[%dma_wait3A] : memref<1600000xi32, #tpu.memory_space<hbm>> -> memref<2000xi32, #tpu.memory_space<hbm>>
        %dma_wait3A_228 = arith.constant 0 : i32
        %dma_wait3A_229 = tpu.memref_slice %arg3[%dma_wait3A_228] : memref<1600000xi32, #tpu.memory_space<hbm>> -> memref<2000xi32, #tpu.memory_space<hbm>>
        tpu.wait_dma2 semaphore(%arg13 : memref<!tpu.dma_semaphore, #tpu.memory_space<semaphore_mem>>) src(%dma_wait3A_229 : memref<2000xi32, #tpu.memory_space<hbm>>) dst(%arg8 : memref<2000xi32, #tpu.memory_space<vmem>>)
        %dma_wait3A_230 = arith.constant 0 : i32
        %dma_wait3A_231 = arith.constant 0 : i32
        %dma_wait3A_232 = tpu.memref_slice %arg2[%dma_wait3A_230, %dma_wait3A_231] : memref<800000x128xf32, #tpu.memory_space<hbm>> -> memref<2000x8xf32, #tpu.memory_space<hbm>>
        %dma_wait3A_233 = arith.constant 0 : i32
        %dma_wait3A_234 = arith.constant 0 : i32
        %dma_wait3A_235 = tpu.memref_slice %arg2[%dma_wait3A_233, %dma_wait3A_234] : memref<800000x128xf32, #tpu.memory_space<hbm>> -> memref<2000x8xf32, #tpu.memory_space<hbm>>
        tpu.wait_dma2 semaphore(%arg15 : memref<!tpu.dma_semaphore, #tpu.memory_space<semaphore_mem>>) src(%dma_wait3A_235 : memref<2000x8xf32, #tpu.memory_space<hbm>>) dst(%arg10 : memref<2000x8xf32, #tpu.memory_space<vmem>>)
        "tpu.region"() ({
          %run_scoped3A = tpu.sem_alloc : memref<!tpu.dma_semaphore, #tpu.memory_space<semaphore_mem>>
          %dma_start3A_246 = arith.constant 0 : i32
          %dma_start3A_247 = arith.constant 0 : i32
          %dma_start3A_248 = tpu.memref_slice %arg12[%dma_start3A_246, %dma_start3A_247] : memref<100000x8xf32, #tpu.memory_space<vmem_shared>> -> memref<100000x8xf32, #tpu.memory_space<vmem_shared>>
          tpu.enqueue_indirect_dma source(%arg10 : memref<2000x8xf32, #tpu.memory_space<vmem>>) target(%dma_start3A_248 : memref<100000x8xf32, #tpu.memory_space<vmem_shared>>) offsets(%arg8 : memref<2000xi32, #tpu.memory_space<vmem>>) semaphore(%run_scoped3A : memref<!tpu.dma_semaphore, #tpu.memory_space<semaphore_mem>>) {add = true}
          %dma_wait3A_249 = arith.constant 0 : i32
          %dma_wait3A_250 = arith.constant 0 : i32
          %dma_wait3A_251 = tpu.memref_slice %arg12[%dma_wait3A_249, %dma_wait3A_250] : memref<100000x8xf32, #tpu.memory_space<vmem_shared>> -> memref<100000x8xf32, #tpu.memory_space<vmem_shared>>
          tpu.wait_indirect_dma semaphore(%run_scoped3A : memref<!tpu.dma_semaphore, #tpu.memory_space<semaphore_mem>>) src(%arg10 : memref<2000x8xf32, #tpu.memory_space<vmem>>) dst(%dma_wait3A_251 : memref<100000x8xf32, #tpu.memory_space<vmem_shared>>)
          tpu.yield
        }) : () -> ()
        %lt3A_236 = arith.constant 25 : i32
        %lt3A_237 = arith.cmpi slt, %add3A_222, %lt3A_236 : i32
        %convert_element_type3A_238 = arith.extui %lt3A_237 : i1 to i32
        %cond3A_239 = arith.constant 0 : i32
        %cond3A_240 = arith.cmpi ne, %convert_element_type3A_238, %cond3A_239 : i32
        scf.if %cond3A_240 {
          %mul3A_246 = arith.constant 50000 : i32
          %mul3A_247 = arith.muli %arg1, %mul3A_246 : i32
          %mul3A_248 = arith.constant 2000 : i32
          %mul3A_249 = arith.muli %add3A_222, %mul3A_248 : i32
          %add3A_250 = arith.addi %mul3A_247, %mul3A_249 : i32
          %add3A_251 = arith.constant 800000 : i32
          %add3A_252 = arith.addi %add3A_251, %add3A_250 : i32
          %dma_start3A_253 = tpu.memref_slice %arg3[%add3A_252] : memref<1600000xi32, #tpu.memory_space<hbm>> -> memref<2000xi32, #tpu.memory_space<hbm>>
          %dma_start3A_254 = tpu.memref_slice %arg3[%add3A_252] : memref<1600000xi32, #tpu.memory_space<hbm>> -> memref<2000xi32, #tpu.memory_space<hbm>>
          tpu.enqueue_dma source(%dma_start3A_254 : memref<2000xi32, #tpu.memory_space<hbm>>) target(%arg8 : memref<2000xi32, #tpu.memory_space<vmem>>) target_semaphore(%arg13 : memref<!tpu.dma_semaphore, #tpu.memory_space<semaphore_mem>>)
          %dma_start3A_255 = arith.constant 80 : i32
          %dma_start3A_256 = tpu.memref_slice %arg2[%add3A_250, %dma_start3A_255] : memref<800000x128xf32, #tpu.memory_space<hbm>> -> memref<2000x8xf32, #tpu.memory_space<hbm>>
          %dma_start3A_257 = arith.constant 80 : i32
          %dma_start3A_258 = tpu.memref_slice %arg2[%add3A_250, %dma_start3A_257] : memref<800000x128xf32, #tpu.memory_space<hbm>> -> memref<2000x8xf32, #tpu.memory_space<hbm>>
          tpu.enqueue_dma source(%dma_start3A_258 : memref<2000x8xf32, #tpu.memory_space<hbm>>) target(%arg10 : memref<2000x8xf32, #tpu.memory_space<vmem>>) target_semaphore(%arg15 : memref<!tpu.dma_semaphore, #tpu.memory_space<semaphore_mem>>)
        } else {
        }
        %lt3A_241 = arith.constant 25 : i32
        %lt3A_242 = arith.cmpi slt, %add3A_218, %lt3A_241 : i32
        %convert_element_type3A_243 = arith.extui %lt3A_242 : i1 to i32
        %cond3A_244 = arith.constant 0 : i32
        %cond3A_245 = arith.cmpi ne, %convert_element_type3A_243, %cond3A_244 : i32
        scf.if %cond3A_245 {
          %dma_wait3A_246 = arith.constant 0 : i32
          %dma_wait3A_247 = tpu.memref_slice %arg3[%dma_wait3A_246] : memref<1600000xi32, #tpu.memory_space<hbm>> -> memref<2000xi32, #tpu.memory_space<hbm>>
          %dma_wait3A_248 = arith.constant 0 : i32
          %dma_wait3A_249 = tpu.memref_slice %arg3[%dma_wait3A_248] : memref<1600000xi32, #tpu.memory_space<hbm>> -> memref<2000xi32, #tpu.memory_space<hbm>>
          tpu.wait_dma2 semaphore(%arg14 : memref<!tpu.dma_semaphore, #tpu.memory_space<semaphore_mem>>) src(%dma_wait3A_249 : memref<2000xi32, #tpu.memory_space<hbm>>) dst(%arg9 : memref<2000xi32, #tpu.memory_space<vmem>>)
          %dma_wait3A_250 = arith.constant 0 : i32
          %dma_wait3A_251 = arith.constant 0 : i32
          %dma_wait3A_252 = tpu.memref_slice %arg2[%dma_wait3A_250, %dma_wait3A_251] : memref<800000x128xf32, #tpu.memory_space<hbm>> -> memref<2000x8xf32, #tpu.memory_space<hbm>>
          %dma_wait3A_253 = arith.constant 0 : i32
          %dma_wait3A_254 = arith.constant 0 : i32
          %dma_wait3A_255 = tpu.memref_slice %arg2[%dma_wait3A_253, %dma_wait3A_254] : memref<800000x128xf32, #tpu.memory_space<hbm>> -> memref<2000x8xf32, #tpu.memory_space<hbm>>
          tpu.wait_dma2 semaphore(%arg16 : memref<!tpu.dma_semaphore, #tpu.memory_space<semaphore_mem>>) src(%dma_wait3A_255 : memref<2000x8xf32, #tpu.memory_space<hbm>>) dst(%arg11 : memref<2000x8xf32, #tpu.memory_space<vmem>>)
          "tpu.region"() ({
            %run_scoped3A = tpu.sem_alloc : memref<!tpu.dma_semaphore, #tpu.memory_space<semaphore_mem>>
            %dma_start3A_256 = arith.constant 0 : i32
            %dma_start3A_257 = arith.constant 0 : i32
            %dma_start3A_258 = tpu.memref_slice %arg12[%dma_start3A_256, %dma_start3A_257] : memref<100000x8xf32, #tpu.memory_space<vmem_shared>> -> memref<100000x8xf32, #tpu.memory_space<vmem_shared>>
            tpu.enqueue_indirect_dma source(%arg11 : memref<2000x8xf32, #tpu.memory_space<vmem>>) target(%dma_start3A_258 : memref<100000x8xf32, #tpu.memory_space<vmem_shared>>) offsets(%arg9 : memref<2000xi32, #tpu.memory_space<vmem>>) semaphore(%run_scoped3A : memref<!tpu.dma_semaphore, #tpu.memory_space<semaphore_mem>>) {add = true}
            %dma_wait3A_259 = arith.constant 0 : i32
            %dma_wait3A_260 = arith.constant 0 : i32
            %dma_wait3A_261 = tpu.memref_slice %arg12[%dma_wait3A_259, %dma_wait3A_260] : memref<100000x8xf32, #tpu.memory_space<vmem_shared>> -> memref<100000x8xf32, #tpu.memory_space<vmem_shared>>
            tpu.wait_indirect_dma semaphore(%run_scoped3A : memref<!tpu.dma_semaphore, #tpu.memory_space<semaphore_mem>>) src(%arg11 : memref<2000x8xf32, #tpu.memory_space<vmem>>) dst(%dma_wait3A_261 : memref<100000x8xf32, #tpu.memory_space<vmem_shared>>)
            tpu.yield
          }) : () -> ()
        } else {
        }
      }
      %scan3A_136 = arith.constant 13 : i32
      %barrier3A_137 = arith.constant 0 : index
      tpu.barrier barrier_id(%barrier3A_137)
      %mul3A_138 = arith.constant 6250 : i32
      %mul3A_139 = arith.muli %arg1, %mul3A_138 : i32
      %mul3A_140 = arith.constant 6250 : i32
      %mul3A_141 = arith.muli %arg1, %mul3A_140 : i32
      "tpu.region"() ({
        %run_scoped3A = tpu.sem_alloc : memref<!tpu.dma_semaphore, #tpu.memory_space<semaphore_mem>>
        %dma_start3A_214 = arith.constant 16 : i32
        %dma_start3A_215 = tpu.memref_slice %arg6[%mul3A_141, %dma_start3A_214] : memref<100000x64xf32, #tpu.memory_space<hbm>> -> memref<6250x8xf32, #tpu.memory_space<hbm>>
        %dma_start3A_216 = arith.constant 0 : i32
        %dma_start3A_217 = tpu.memref_slice %arg12[%mul3A_139, %dma_start3A_216] : memref<100000x8xf32, #tpu.memory_space<vmem_shared>> -> memref<6250x8xf32, #tpu.memory_space<vmem_shared>>
        tpu.enqueue_dma source(%dma_start3A_217 : memref<6250x8xf32, #tpu.memory_space<vmem_shared>>) target(%dma_start3A_215 : memref<6250x8xf32, #tpu.memory_space<hbm>>) target_semaphore(%run_scoped3A : memref<!tpu.dma_semaphore, #tpu.memory_space<semaphore_mem>>)
        %dma_wait3A = arith.constant 16 : i32
        %dma_wait3A_218 = tpu.memref_slice %arg6[%mul3A_141, %dma_wait3A] : memref<100000x64xf32, #tpu.memory_space<hbm>> -> memref<6250x8xf32, #tpu.memory_space<hbm>>
        %dma_wait3A_219 = arith.constant 0 : i32
        %dma_wait3A_220 = tpu.memref_slice %arg12[%mul3A_139, %dma_wait3A_219] : memref<100000x8xf32, #tpu.memory_space<vmem_shared>> -> memref<6250x8xf32, #tpu.memory_space<vmem_shared>>
        tpu.wait_dma2 semaphore(%run_scoped3A : memref<!tpu.dma_semaphore, #tpu.memory_space<semaphore_mem>>) src(%dma_wait3A_220 : memref<6250x8xf32, #tpu.memory_space<vmem_shared>>) dst(%dma_wait3A_218 : memref<6250x8xf32, #tpu.memory_space<hbm>>)
        tpu.yield
      }) : () -> ()
      %barrier3A_142 = arith.constant 0 : index
      tpu.barrier barrier_id(%barrier3A_142)
      %mul3A_143 = arith.constant 6250 : i32
      %mul3A_144 = arith.muli %arg1, %mul3A_143 : i32
      %mul3A_145 = arith.constant 6250 : i32
      %mul3A_146 = arith.muli %arg1, %mul3A_145 : i32
      "tpu.region"() ({
        %run_scoped3A = tpu.sem_alloc : memref<!tpu.dma_semaphore, #tpu.memory_space<semaphore_mem>>
        %dma_start3A_214 = arith.constant 0 : i32
        %dma_start3A_215 = tpu.memref_slice %arg12[%mul3A_146, %dma_start3A_214] : memref<100000x8xf32, #tpu.memory_space<vmem_shared>> -> memref<6250x8xf32, #tpu.memory_space<vmem_shared>>
        %dma_start3A_216 = arith.constant 0 : i32
        %dma_start3A_217 = tpu.memref_slice %arg4[%mul3A_144, %dma_start3A_216] : memref<100000x8xf32, #tpu.memory_space<hbm>> -> memref<6250x8xf32, #tpu.memory_space<hbm>>
        tpu.enqueue_dma source(%dma_start3A_217 : memref<6250x8xf32, #tpu.memory_space<hbm>>) target(%dma_start3A_215 : memref<6250x8xf32, #tpu.memory_space<vmem_shared>>) target_semaphore(%run_scoped3A : memref<!tpu.dma_semaphore, #tpu.memory_space<semaphore_mem>>)
        %dma_wait3A = arith.constant 0 : i32
        %dma_wait3A_218 = tpu.memref_slice %arg12[%mul3A_146, %dma_wait3A] : memref<100000x8xf32, #tpu.memory_space<vmem_shared>> -> memref<6250x8xf32, #tpu.memory_space<vmem_shared>>
        %dma_wait3A_219 = arith.constant 0 : i32
        %dma_wait3A_220 = tpu.memref_slice %arg4[%mul3A_144, %dma_wait3A_219] : memref<100000x8xf32, #tpu.memory_space<hbm>> -> memref<6250x8xf32, #tpu.memory_space<hbm>>
        tpu.wait_dma2 semaphore(%run_scoped3A : memref<!tpu.dma_semaphore, #tpu.memory_space<semaphore_mem>>) src(%dma_wait3A_220 : memref<6250x8xf32, #tpu.memory_space<hbm>>) dst(%dma_wait3A_218 : memref<6250x8xf32, #tpu.memory_space<vmem_shared>>)
        tpu.yield
      }) : () -> ()
      %barrier3A_147 = arith.constant 0 : index
      tpu.barrier barrier_id(%barrier3A_147)
      %mul3A_148 = arith.constant 50000 : i32
      %mul3A_149 = arith.muli %arg1, %mul3A_148 : i32
      %add3A_150 = arith.constant 0 : i32
      %add3A_151 = arith.addi %mul3A_149, %add3A_150 : i32
      %add3A_152 = arith.constant 0 : i32
      %add3A_153 = arith.addi %add3A_152, %add3A_151 : i32
      %dma_start3A_154 = tpu.memref_slice %arg3[%add3A_153] : memref<1600000xi32, #tpu.memory_space<hbm>> -> memref<2000xi32, #tpu.memory_space<hbm>>
      %dma_start3A_155 = tpu.memref_slice %arg3[%add3A_153] : memref<1600000xi32, #tpu.memory_space<hbm>> -> memref<2000xi32, #tpu.memory_space<hbm>>
      tpu.enqueue_dma source(%dma_start3A_155 : memref<2000xi32, #tpu.memory_space<hbm>>) target(%arg8 : memref<2000xi32, #tpu.memory_space<vmem>>) target_semaphore(%arg13 : memref<!tpu.dma_semaphore, #tpu.memory_space<semaphore_mem>>)
      %dma_start3A_156 = arith.constant 24 : i32
      %dma_start3A_157 = tpu.memref_slice %arg2[%add3A_151, %dma_start3A_156] : memref<800000x128xf32, #tpu.memory_space<hbm>> -> memref<2000x8xf32, #tpu.memory_space<hbm>>
      %dma_start3A_158 = arith.constant 24 : i32
      %dma_start3A_159 = tpu.memref_slice %arg2[%add3A_151, %dma_start3A_158] : memref<800000x128xf32, #tpu.memory_space<hbm>> -> memref<2000x8xf32, #tpu.memory_space<hbm>>
      tpu.enqueue_dma source(%dma_start3A_159 : memref<2000x8xf32, #tpu.memory_space<hbm>>) target(%arg10 : memref<2000x8xf32, #tpu.memory_space<vmem>>) target_semaphore(%arg15 : memref<!tpu.dma_semaphore, #tpu.memory_space<semaphore_mem>>)
      %scan3A_160 = arith.constant 0 : i32
      %scan3A_161 = arith.constant 0 : i32
      %scan3A_162 = arith.constant 13 : i32
      %scan3A_163 = arith.addi %scan3A_161, %scan3A_162 : i32
      %scan3A_164 = arith.constant 1 : i32
      scf.for %scan3A_214 = %scan3A_161 to %scan3A_163 step %scan3A_164  : i32 {
        %mul3A_215 = arith.constant 2 : i32
        %mul3A_216 = arith.muli %mul3A_215, %scan3A_214 : i32
        %add3A_217 = arith.constant 1 : i32
        %add3A_218 = arith.addi %mul3A_216, %add3A_217 : i32
        %mul3A_219 = arith.constant 2 : i32
        %mul3A_220 = arith.muli %mul3A_219, %scan3A_214 : i32
        %add3A_221 = arith.constant 2 : i32
        %add3A_222 = arith.addi %mul3A_220, %add3A_221 : i32
        %lt3A = arith.constant 25 : i32
        %lt3A_223 = arith.cmpi slt, %add3A_218, %lt3A : i32
        %convert_element_type3A_224 = arith.extui %lt3A_223 : i1 to i32
        %cond3A_225 = arith.constant 0 : i32
        %cond3A_226 = arith.cmpi ne, %convert_element_type3A_224, %cond3A_225 : i32
        scf.if %cond3A_226 {
          %mul3A_246 = arith.constant 50000 : i32
          %mul3A_247 = arith.muli %arg1, %mul3A_246 : i32
          %mul3A_248 = arith.constant 2000 : i32
          %mul3A_249 = arith.muli %add3A_218, %mul3A_248 : i32
          %add3A_250 = arith.addi %mul3A_247, %mul3A_249 : i32
          %add3A_251 = arith.constant 0 : i32
          %add3A_252 = arith.addi %add3A_251, %add3A_250 : i32
          %dma_start3A_253 = tpu.memref_slice %arg3[%add3A_252] : memref<1600000xi32, #tpu.memory_space<hbm>> -> memref<2000xi32, #tpu.memory_space<hbm>>
          %dma_start3A_254 = tpu.memref_slice %arg3[%add3A_252] : memref<1600000xi32, #tpu.memory_space<hbm>> -> memref<2000xi32, #tpu.memory_space<hbm>>
          tpu.enqueue_dma source(%dma_start3A_254 : memref<2000xi32, #tpu.memory_space<hbm>>) target(%arg9 : memref<2000xi32, #tpu.memory_space<vmem>>) target_semaphore(%arg14 : memref<!tpu.dma_semaphore, #tpu.memory_space<semaphore_mem>>)
          %dma_start3A_255 = arith.constant 24 : i32
          %dma_start3A_256 = tpu.memref_slice %arg2[%add3A_250, %dma_start3A_255] : memref<800000x128xf32, #tpu.memory_space<hbm>> -> memref<2000x8xf32, #tpu.memory_space<hbm>>
          %dma_start3A_257 = arith.constant 24 : i32
          %dma_start3A_258 = tpu.memref_slice %arg2[%add3A_250, %dma_start3A_257] : memref<800000x128xf32, #tpu.memory_space<hbm>> -> memref<2000x8xf32, #tpu.memory_space<hbm>>
          tpu.enqueue_dma source(%dma_start3A_258 : memref<2000x8xf32, #tpu.memory_space<hbm>>) target(%arg11 : memref<2000x8xf32, #tpu.memory_space<vmem>>) target_semaphore(%arg16 : memref<!tpu.dma_semaphore, #tpu.memory_space<semaphore_mem>>)
        } else {
        }
        %dma_wait3A = arith.constant 0 : i32
        %dma_wait3A_227 = tpu.memref_slice %arg3[%dma_wait3A] : memref<1600000xi32, #tpu.memory_space<hbm>> -> memref<2000xi32, #tpu.memory_space<hbm>>
        %dma_wait3A_228 = arith.constant 0 : i32
        %dma_wait3A_229 = tpu.memref_slice %arg3[%dma_wait3A_228] : memref<1600000xi32, #tpu.memory_space<hbm>> -> memref<2000xi32, #tpu.memory_space<hbm>>
        tpu.wait_dma2 semaphore(%arg13 : memref<!tpu.dma_semaphore, #tpu.memory_space<semaphore_mem>>) src(%dma_wait3A_229 : memref<2000xi32, #tpu.memory_space<hbm>>) dst(%arg8 : memref<2000xi32, #tpu.memory_space<vmem>>)
        %dma_wait3A_230 = arith.constant 0 : i32
        %dma_wait3A_231 = arith.constant 0 : i32
        %dma_wait3A_232 = tpu.memref_slice %arg2[%dma_wait3A_230, %dma_wait3A_231] : memref<800000x128xf32, #tpu.memory_space<hbm>> -> memref<2000x8xf32, #tpu.memory_space<hbm>>
        %dma_wait3A_233 = arith.constant 0 : i32
        %dma_wait3A_234 = arith.constant 0 : i32
        %dma_wait3A_235 = tpu.memref_slice %arg2[%dma_wait3A_233, %dma_wait3A_234] : memref<800000x128xf32, #tpu.memory_space<hbm>> -> memref<2000x8xf32, #tpu.memory_space<hbm>>
        tpu.wait_dma2 semaphore(%arg15 : memref<!tpu.dma_semaphore, #tpu.memory_space<semaphore_mem>>) src(%dma_wait3A_235 : memref<2000x8xf32, #tpu.memory_space<hbm>>) dst(%arg10 : memref<2000x8xf32, #tpu.memory_space<vmem>>)
        "tpu.region"() ({
          %run_scoped3A = tpu.sem_alloc : memref<!tpu.dma_semaphore, #tpu.memory_space<semaphore_mem>>
          %dma_start3A_246 = arith.constant 0 : i32
          %dma_start3A_247 = arith.constant 0 : i32
          %dma_start3A_248 = tpu.memref_slice %arg12[%dma_start3A_246, %dma_start3A_247] : memref<100000x8xf32, #tpu.memory_space<vmem_shared>> -> memref<100000x8xf32, #tpu.memory_space<vmem_shared>>
          tpu.enqueue_indirect_dma source(%arg10 : memref<2000x8xf32, #tpu.memory_space<vmem>>) target(%dma_start3A_248 : memref<100000x8xf32, #tpu.memory_space<vmem_shared>>) offsets(%arg8 : memref<2000xi32, #tpu.memory_space<vmem>>) semaphore(%run_scoped3A : memref<!tpu.dma_semaphore, #tpu.memory_space<semaphore_mem>>) {add = true}
          %dma_wait3A_249 = arith.constant 0 : i32
          %dma_wait3A_250 = arith.constant 0 : i32
          %dma_wait3A_251 = tpu.memref_slice %arg12[%dma_wait3A_249, %dma_wait3A_250] : memref<100000x8xf32, #tpu.memory_space<vmem_shared>> -> memref<100000x8xf32, #tpu.memory_space<vmem_shared>>
          tpu.wait_indirect_dma semaphore(%run_scoped3A : memref<!tpu.dma_semaphore, #tpu.memory_space<semaphore_mem>>) src(%arg10 : memref<2000x8xf32, #tpu.memory_space<vmem>>) dst(%dma_wait3A_251 : memref<100000x8xf32, #tpu.memory_space<vmem_shared>>)
          tpu.yield
        }) : () -> ()
        %lt3A_236 = arith.constant 25 : i32
        %lt3A_237 = arith.cmpi slt, %add3A_222, %lt3A_236 : i32
        %convert_element_type3A_238 = arith.extui %lt3A_237 : i1 to i32
        %cond3A_239 = arith.constant 0 : i32
        %cond3A_240 = arith.cmpi ne, %convert_element_type3A_238, %cond3A_239 : i32
        scf.if %cond3A_240 {
          %mul3A_246 = arith.constant 50000 : i32
          %mul3A_247 = arith.muli %arg1, %mul3A_246 : i32
          %mul3A_248 = arith.constant 2000 : i32
          %mul3A_249 = arith.muli %add3A_222, %mul3A_248 : i32
          %add3A_250 = arith.addi %mul3A_247, %mul3A_249 : i32
          %add3A_251 = arith.constant 0 : i32
          %add3A_252 = arith.addi %add3A_251, %add3A_250 : i32
          %dma_start3A_253 = tpu.memref_slice %arg3[%add3A_252] : memref<1600000xi32, #tpu.memory_space<hbm>> -> memref<2000xi32, #tpu.memory_space<hbm>>
          %dma_start3A_254 = tpu.memref_slice %arg3[%add3A_252] : memref<1600000xi32, #tpu.memory_space<hbm>> -> memref<2000xi32, #tpu.memory_space<hbm>>
          tpu.enqueue_dma source(%dma_start3A_254 : memref<2000xi32, #tpu.memory_space<hbm>>) target(%arg8 : memref<2000xi32, #tpu.memory_space<vmem>>) target_semaphore(%arg13 : memref<!tpu.dma_semaphore, #tpu.memory_space<semaphore_mem>>)
          %dma_start3A_255 = arith.constant 24 : i32
          %dma_start3A_256 = tpu.memref_slice %arg2[%add3A_250, %dma_start3A_255] : memref<800000x128xf32, #tpu.memory_space<hbm>> -> memref<2000x8xf32, #tpu.memory_space<hbm>>
          %dma_start3A_257 = arith.constant 24 : i32
          %dma_start3A_258 = tpu.memref_slice %arg2[%add3A_250, %dma_start3A_257] : memref<800000x128xf32, #tpu.memory_space<hbm>> -> memref<2000x8xf32, #tpu.memory_space<hbm>>
          tpu.enqueue_dma source(%dma_start3A_258 : memref<2000x8xf32, #tpu.memory_space<hbm>>) target(%arg10 : memref<2000x8xf32, #tpu.memory_space<vmem>>) target_semaphore(%arg15 : memref<!tpu.dma_semaphore, #tpu.memory_space<semaphore_mem>>)
        } else {
        }
        %lt3A_241 = arith.constant 25 : i32
        %lt3A_242 = arith.cmpi slt, %add3A_218, %lt3A_241 : i32
        %convert_element_type3A_243 = arith.extui %lt3A_242 : i1 to i32
        %cond3A_244 = arith.constant 0 : i32
        %cond3A_245 = arith.cmpi ne, %convert_element_type3A_243, %cond3A_244 : i32
        scf.if %cond3A_245 {
          %dma_wait3A_246 = arith.constant 0 : i32
          %dma_wait3A_247 = tpu.memref_slice %arg3[%dma_wait3A_246] : memref<1600000xi32, #tpu.memory_space<hbm>> -> memref<2000xi32, #tpu.memory_space<hbm>>
          %dma_wait3A_248 = arith.constant 0 : i32
          %dma_wait3A_249 = tpu.memref_slice %arg3[%dma_wait3A_248] : memref<1600000xi32, #tpu.memory_space<hbm>> -> memref<2000xi32, #tpu.memory_space<hbm>>
          tpu.wait_dma2 semaphore(%arg14 : memref<!tpu.dma_semaphore, #tpu.memory_space<semaphore_mem>>) src(%dma_wait3A_249 : memref<2000xi32, #tpu.memory_space<hbm>>) dst(%arg9 : memref<2000xi32, #tpu.memory_space<vmem>>)
          %dma_wait3A_250 = arith.constant 0 : i32
          %dma_wait3A_251 = arith.constant 0 : i32
          %dma_wait3A_252 = tpu.memref_slice %arg2[%dma_wait3A_250, %dma_wait3A_251] : memref<800000x128xf32, #tpu.memory_space<hbm>> -> memref<2000x8xf32, #tpu.memory_space<hbm>>
          %dma_wait3A_253 = arith.constant 0 : i32
          %dma_wait3A_254 = arith.constant 0 : i32
          %dma_wait3A_255 = tpu.memref_slice %arg2[%dma_wait3A_253, %dma_wait3A_254] : memref<800000x128xf32, #tpu.memory_space<hbm>> -> memref<2000x8xf32, #tpu.memory_space<hbm>>
          tpu.wait_dma2 semaphore(%arg16 : memref<!tpu.dma_semaphore, #tpu.memory_space<semaphore_mem>>) src(%dma_wait3A_255 : memref<2000x8xf32, #tpu.memory_space<hbm>>) dst(%arg11 : memref<2000x8xf32, #tpu.memory_space<vmem>>)
          "tpu.region"() ({
            %run_scoped3A = tpu.sem_alloc : memref<!tpu.dma_semaphore, #tpu.memory_space<semaphore_mem>>
            %dma_start3A_256 = arith.constant 0 : i32
            %dma_start3A_257 = arith.constant 0 : i32
            %dma_start3A_258 = tpu.memref_slice %arg12[%dma_start3A_256, %dma_start3A_257] : memref<100000x8xf32, #tpu.memory_space<vmem_shared>> -> memref<100000x8xf32, #tpu.memory_space<vmem_shared>>
            tpu.enqueue_indirect_dma source(%arg11 : memref<2000x8xf32, #tpu.memory_space<vmem>>) target(%dma_start3A_258 : memref<100000x8xf32, #tpu.memory_space<vmem_shared>>) offsets(%arg9 : memref<2000xi32, #tpu.memory_space<vmem>>) semaphore(%run_scoped3A : memref<!tpu.dma_semaphore, #tpu.memory_space<semaphore_mem>>) {add = true}
            %dma_wait3A_259 = arith.constant 0 : i32
            %dma_wait3A_260 = arith.constant 0 : i32
            %dma_wait3A_261 = tpu.memref_slice %arg12[%dma_wait3A_259, %dma_wait3A_260] : memref<100000x8xf32, #tpu.memory_space<vmem_shared>> -> memref<100000x8xf32, #tpu.memory_space<vmem_shared>>
            tpu.wait_indirect_dma semaphore(%run_scoped3A : memref<!tpu.dma_semaphore, #tpu.memory_space<semaphore_mem>>) src(%arg11 : memref<2000x8xf32, #tpu.memory_space<vmem>>) dst(%dma_wait3A_261 : memref<100000x8xf32, #tpu.memory_space<vmem_shared>>)
            tpu.yield
          }) : () -> ()
        } else {
        }
      }
      %scan3A_165 = arith.constant 13 : i32
      %mul3A_166 = arith.constant 50000 : i32
      %mul3A_167 = arith.muli %arg1, %mul3A_166 : i32
      %add3A_168 = arith.constant 0 : i32
      %add3A_169 = arith.addi %mul3A_167, %add3A_168 : i32
      %add3A_170 = arith.constant 800000 : i32
      %add3A_171 = arith.addi %add3A_170, %add3A_169 : i32
      %dma_start3A_172 = tpu.memref_slice %arg3[%add3A_171] : memref<1600000xi32, #tpu.memory_space<hbm>> -> memref<2000xi32, #tpu.memory_space<hbm>>
      %dma_start3A_173 = tpu.memref_slice %arg3[%add3A_171] : memref<1600000xi32, #tpu.memory_space<hbm>> -> memref<2000xi32, #tpu.memory_space<hbm>>
      tpu.enqueue_dma source(%dma_start3A_173 : memref<2000xi32, #tpu.memory_space<hbm>>) target(%arg8 : memref<2000xi32, #tpu.memory_space<vmem>>) target_semaphore(%arg13 : memref<!tpu.dma_semaphore, #tpu.memory_space<semaphore_mem>>)
      %dma_start3A_174 = arith.constant 88 : i32
      %dma_start3A_175 = tpu.memref_slice %arg2[%add3A_169, %dma_start3A_174] : memref<800000x128xf32, #tpu.memory_space<hbm>> -> memref<2000x8xf32, #tpu.memory_space<hbm>>
      %dma_start3A_176 = arith.constant 88 : i32
      %dma_start3A_177 = tpu.memref_slice %arg2[%add3A_169, %dma_start3A_176] : memref<800000x128xf32, #tpu.memory_space<hbm>> -> memref<2000x8xf32, #tpu.memory_space<hbm>>
      tpu.enqueue_dma source(%dma_start3A_177 : memref<2000x8xf32, #tpu.memory_space<hbm>>) target(%arg10 : memref<2000x8xf32, #tpu.memory_space<vmem>>) target_semaphore(%arg15 : memref<!tpu.dma_semaphore, #tpu.memory_space<semaphore_mem>>)
      %scan3A_178 = arith.constant 0 : i32
      %scan3A_179 = arith.constant 0 : i32
      %scan3A_180 = arith.constant 13 : i32
      %scan3A_181 = arith.addi %scan3A_179, %scan3A_180 : i32
      %scan3A_182 = arith.constant 1 : i32
      scf.for %scan3A_214 = %scan3A_179 to %scan3A_181 step %scan3A_182  : i32 {
        %mul3A_215 = arith.constant 2 : i32
        %mul3A_216 = arith.muli %mul3A_215, %scan3A_214 : i32
        %add3A_217 = arith.constant 1 : i32
        %add3A_218 = arith.addi %mul3A_216, %add3A_217 : i32
        %mul3A_219 = arith.constant 2 : i32
        %mul3A_220 = arith.muli %mul3A_219, %scan3A_214 : i32
        %add3A_221 = arith.constant 2 : i32
        %add3A_222 = arith.addi %mul3A_220, %add3A_221 : i32
        %lt3A = arith.constant 25 : i32
        %lt3A_223 = arith.cmpi slt, %add3A_218, %lt3A : i32
        %convert_element_type3A_224 = arith.extui %lt3A_223 : i1 to i32
        %cond3A_225 = arith.constant 0 : i32
        %cond3A_226 = arith.cmpi ne, %convert_element_type3A_224, %cond3A_225 : i32
        scf.if %cond3A_226 {
          %mul3A_246 = arith.constant 50000 : i32
          %mul3A_247 = arith.muli %arg1, %mul3A_246 : i32
          %mul3A_248 = arith.constant 2000 : i32
          %mul3A_249 = arith.muli %add3A_218, %mul3A_248 : i32
          %add3A_250 = arith.addi %mul3A_247, %mul3A_249 : i32
          %add3A_251 = arith.constant 800000 : i32
          %add3A_252 = arith.addi %add3A_251, %add3A_250 : i32
          %dma_start3A_253 = tpu.memref_slice %arg3[%add3A_252] : memref<1600000xi32, #tpu.memory_space<hbm>> -> memref<2000xi32, #tpu.memory_space<hbm>>
          %dma_start3A_254 = tpu.memref_slice %arg3[%add3A_252] : memref<1600000xi32, #tpu.memory_space<hbm>> -> memref<2000xi32, #tpu.memory_space<hbm>>
          tpu.enqueue_dma source(%dma_start3A_254 : memref<2000xi32, #tpu.memory_space<hbm>>) target(%arg9 : memref<2000xi32, #tpu.memory_space<vmem>>) target_semaphore(%arg14 : memref<!tpu.dma_semaphore, #tpu.memory_space<semaphore_mem>>)
          %dma_start3A_255 = arith.constant 88 : i32
          %dma_start3A_256 = tpu.memref_slice %arg2[%add3A_250, %dma_start3A_255] : memref<800000x128xf32, #tpu.memory_space<hbm>> -> memref<2000x8xf32, #tpu.memory_space<hbm>>
          %dma_start3A_257 = arith.constant 88 : i32
          %dma_start3A_258 = tpu.memref_slice %arg2[%add3A_250, %dma_start3A_257] : memref<800000x128xf32, #tpu.memory_space<hbm>> -> memref<2000x8xf32, #tpu.memory_space<hbm>>
          tpu.enqueue_dma source(%dma_start3A_258 : memref<2000x8xf32, #tpu.memory_space<hbm>>) target(%arg11 : memref<2000x8xf32, #tpu.memory_space<vmem>>) target_semaphore(%arg16 : memref<!tpu.dma_semaphore, #tpu.memory_space<semaphore_mem>>)
        } else {
        }
        %dma_wait3A = arith.constant 0 : i32
        %dma_wait3A_227 = tpu.memref_slice %arg3[%dma_wait3A] : memref<1600000xi32, #tpu.memory_space<hbm>> -> memref<2000xi32, #tpu.memory_space<hbm>>
        %dma_wait3A_228 = arith.constant 0 : i32
        %dma_wait3A_229 = tpu.memref_slice %arg3[%dma_wait3A_228] : memref<1600000xi32, #tpu.memory_space<hbm>> -> memref<2000xi32, #tpu.memory_space<hbm>>
        tpu.wait_dma2 semaphore(%arg13 : memref<!tpu.dma_semaphore, #tpu.memory_space<semaphore_mem>>) src(%dma_wait3A_229 : memref<2000xi32, #tpu.memory_space<hbm>>) dst(%arg8 : memref<2000xi32, #tpu.memory_space<vmem>>)
        %dma_wait3A_230 = arith.constant 0 : i32
        %dma_wait3A_231 = arith.constant 0 : i32
        %dma_wait3A_232 = tpu.memref_slice %arg2[%dma_wait3A_230, %dma_wait3A_231] : memref<800000x128xf32, #tpu.memory_space<hbm>> -> memref<2000x8xf32, #tpu.memory_space<hbm>>
        %dma_wait3A_233 = arith.constant 0 : i32
        %dma_wait3A_234 = arith.constant 0 : i32
        %dma_wait3A_235 = tpu.memref_slice %arg2[%dma_wait3A_233, %dma_wait3A_234] : memref<800000x128xf32, #tpu.memory_space<hbm>> -> memref<2000x8xf32, #tpu.memory_space<hbm>>
        tpu.wait_dma2 semaphore(%arg15 : memref<!tpu.dma_semaphore, #tpu.memory_space<semaphore_mem>>) src(%dma_wait3A_235 : memref<2000x8xf32, #tpu.memory_space<hbm>>) dst(%arg10 : memref<2000x8xf32, #tpu.memory_space<vmem>>)
        "tpu.region"() ({
          %run_scoped3A = tpu.sem_alloc : memref<!tpu.dma_semaphore, #tpu.memory_space<semaphore_mem>>
          %dma_start3A_246 = arith.constant 0 : i32
          %dma_start3A_247 = arith.constant 0 : i32
          %dma_start3A_248 = tpu.memref_slice %arg12[%dma_start3A_246, %dma_start3A_247] : memref<100000x8xf32, #tpu.memory_space<vmem_shared>> -> memref<100000x8xf32, #tpu.memory_space<vmem_shared>>
          tpu.enqueue_indirect_dma source(%arg10 : memref<2000x8xf32, #tpu.memory_space<vmem>>) target(%dma_start3A_248 : memref<100000x8xf32, #tpu.memory_space<vmem_shared>>) offsets(%arg8 : memref<2000xi32, #tpu.memory_space<vmem>>) semaphore(%run_scoped3A : memref<!tpu.dma_semaphore, #tpu.memory_space<semaphore_mem>>) {add = true}
          %dma_wait3A_249 = arith.constant 0 : i32
          %dma_wait3A_250 = arith.constant 0 : i32
          %dma_wait3A_251 = tpu.memref_slice %arg12[%dma_wait3A_249, %dma_wait3A_250] : memref<100000x8xf32, #tpu.memory_space<vmem_shared>> -> memref<100000x8xf32, #tpu.memory_space<vmem_shared>>
          tpu.wait_indirect_dma semaphore(%run_scoped3A : memref<!tpu.dma_semaphore, #tpu.memory_space<semaphore_mem>>) src(%arg10 : memref<2000x8xf32, #tpu.memory_space<vmem>>) dst(%dma_wait3A_251 : memref<100000x8xf32, #tpu.memory_space<vmem_shared>>)
          tpu.yield
        }) : () -> ()
        %lt3A_236 = arith.constant 25 : i32
        %lt3A_237 = arith.cmpi slt, %add3A_222, %lt3A_236 : i32
        %convert_element_type3A_238 = arith.extui %lt3A_237 : i1 to i32
        %cond3A_239 = arith.constant 0 : i32
        %cond3A_240 = arith.cmpi ne, %convert_element_type3A_238, %cond3A_239 : i32
        scf.if %cond3A_240 {
          %mul3A_246 = arith.constant 50000 : i32
          %mul3A_247 = arith.muli %arg1, %mul3A_246 : i32
          %mul3A_248 = arith.constant 2000 : i32
          %mul3A_249 = arith.muli %add3A_222, %mul3A_248 : i32
          %add3A_250 = arith.addi %mul3A_247, %mul3A_249 : i32
          %add3A_251 = arith.constant 800000 : i32
          %add3A_252 = arith.addi %add3A_251, %add3A_250 : i32
          %dma_start3A_253 = tpu.memref_slice %arg3[%add3A_252] : memref<1600000xi32, #tpu.memory_space<hbm>> -> memref<2000xi32, #tpu.memory_space<hbm>>
          %dma_start3A_254 = tpu.memref_slice %arg3[%add3A_252] : memref<1600000xi32, #tpu.memory_space<hbm>> -> memref<2000xi32, #tpu.memory_space<hbm>>
          tpu.enqueue_dma source(%dma_start3A_254 : memref<2000xi32, #tpu.memory_space<hbm>>) target(%arg8 : memref<2000xi32, #tpu.memory_space<vmem>>) target_semaphore(%arg13 : memref<!tpu.dma_semaphore, #tpu.memory_space<semaphore_mem>>)
          %dma_start3A_255 = arith.constant 88 : i32
          %dma_start3A_256 = tpu.memref_slice %arg2[%add3A_250, %dma_start3A_255] : memref<800000x128xf32, #tpu.memory_space<hbm>> -> memref<2000x8xf32, #tpu.memory_space<hbm>>
          %dma_start3A_257 = arith.constant 88 : i32
          %dma_start3A_258 = tpu.memref_slice %arg2[%add3A_250, %dma_start3A_257] : memref<800000x128xf32, #tpu.memory_space<hbm>> -> memref<2000x8xf32, #tpu.memory_space<hbm>>
          tpu.enqueue_dma source(%dma_start3A_258 : memref<2000x8xf32, #tpu.memory_space<hbm>>) target(%arg10 : memref<2000x8xf32, #tpu.memory_space<vmem>>) target_semaphore(%arg15 : memref<!tpu.dma_semaphore, #tpu.memory_space<semaphore_mem>>)
        } else {
        }
        %lt3A_241 = arith.constant 25 : i32
        %lt3A_242 = arith.cmpi slt, %add3A_218, %lt3A_241 : i32
        %convert_element_type3A_243 = arith.extui %lt3A_242 : i1 to i32
        %cond3A_244 = arith.constant 0 : i32
        %cond3A_245 = arith.cmpi ne, %convert_element_type3A_243, %cond3A_244 : i32
        scf.if %cond3A_245 {
          %dma_wait3A_246 = arith.constant 0 : i32
          %dma_wait3A_247 = tpu.memref_slice %arg3[%dma_wait3A_246] : memref<1600000xi32, #tpu.memory_space<hbm>> -> memref<2000xi32, #tpu.memory_space<hbm>>
          %dma_wait3A_248 = arith.constant 0 : i32
          %dma_wait3A_249 = tpu.memref_slice %arg3[%dma_wait3A_248] : memref<1600000xi32, #tpu.memory_space<hbm>> -> memref<2000xi32, #tpu.memory_space<hbm>>
          tpu.wait_dma2 semaphore(%arg14 : memref<!tpu.dma_semaphore, #tpu.memory_space<semaphore_mem>>) src(%dma_wait3A_249 : memref<2000xi32, #tpu.memory_space<hbm>>) dst(%arg9 : memref<2000xi32, #tpu.memory_space<vmem>>)
          %dma_wait3A_250 = arith.constant 0 : i32
          %dma_wait3A_251 = arith.constant 0 : i32
          %dma_wait3A_252 = tpu.memref_slice %arg2[%dma_wait3A_250, %dma_wait3A_251] : memref<800000x128xf32, #tpu.memory_space<hbm>> -> memref<2000x8xf32, #tpu.memory_space<hbm>>
          %dma_wait3A_253 = arith.constant 0 : i32
          %dma_wait3A_254 = arith.constant 0 : i32
          %dma_wait3A_255 = tpu.memref_slice %arg2[%dma_wait3A_253, %dma_wait3A_254] : memref<800000x128xf32, #tpu.memory_space<hbm>> -> memref<2000x8xf32, #tpu.memory_space<hbm>>
          tpu.wait_dma2 semaphore(%arg16 : memref<!tpu.dma_semaphore, #tpu.memory_space<semaphore_mem>>) src(%dma_wait3A_255 : memref<2000x8xf32, #tpu.memory_space<hbm>>) dst(%arg11 : memref<2000x8xf32, #tpu.memory_space<vmem>>)
          "tpu.region"() ({
            %run_scoped3A = tpu.sem_alloc : memref<!tpu.dma_semaphore, #tpu.memory_space<semaphore_mem>>
            %dma_start3A_256 = arith.constant 0 : i32
            %dma_start3A_257 = arith.constant 0 : i32
            %dma_start3A_258 = tpu.memref_slice %arg12[%dma_start3A_256, %dma_start3A_257] : memref<100000x8xf32, #tpu.memory_space<vmem_shared>> -> memref<100000x8xf32, #tpu.memory_space<vmem_shared>>
            tpu.enqueue_indirect_dma source(%arg11 : memref<2000x8xf32, #tpu.memory_space<vmem>>) target(%dma_start3A_258 : memref<100000x8xf32, #tpu.memory_space<vmem_shared>>) offsets(%arg9 : memref<2000xi32, #tpu.memory_space<vmem>>) semaphore(%run_scoped3A : memref<!tpu.dma_semaphore, #tpu.memory_space<semaphore_mem>>) {add = true}
            %dma_wait3A_259 = arith.constant 0 : i32
            %dma_wait3A_260 = arith.constant 0 : i32
            %dma_wait3A_261 = tpu.memref_slice %arg12[%dma_wait3A_259, %dma_wait3A_260] : memref<100000x8xf32, #tpu.memory_space<vmem_shared>> -> memref<100000x8xf32, #tpu.memory_space<vmem_shared>>
            tpu.wait_indirect_dma semaphore(%run_scoped3A : memref<!tpu.dma_semaphore, #tpu.memory_space<semaphore_mem>>) src(%arg11 : memref<2000x8xf32, #tpu.memory_space<vmem>>) dst(%dma_wait3A_261 : memref<100000x8xf32, #tpu.memory_space<vmem_shared>>)
            tpu.yield
          }) : () -> ()
        } else {
        }
      }
      %scan3A_183 = arith.constant 13 : i32
      %barrier3A_184 = arith.constant 0 : index
      tpu.barrier barrier_id(%barrier3A_184)
      %mul3A_185 = arith.constant 6250 : i32
      %mul3A_186 = arith.muli %arg1, %mul3A_185 : i32
      %mul3A_187 = arith.constant 6250 : i32
      %mul3A_188 = arith.muli %arg1, %mul3A_187 : i32
      "tpu.region"() ({
        %run_scoped3A = tpu.sem_alloc : memref<!tpu.dma_semaphore, #tpu.memory_space<semaphore_mem>>
        %dma_start3A_214 = arith.constant 24 : i32
        %dma_start3A_215 = tpu.memref_slice %arg6[%mul3A_188, %dma_start3A_214] : memref<100000x64xf32, #tpu.memory_space<hbm>> -> memref<6250x8xf32, #tpu.memory_space<hbm>>
        %dma_start3A_216 = arith.constant 0 : i32
        %dma_start3A_217 = tpu.memref_slice %arg12[%mul3A_186, %dma_start3A_216] : memref<100000x8xf32, #tpu.memory_space<vmem_shared>> -> memref<6250x8xf32, #tpu.memory_space<vmem_shared>>
        tpu.enqueue_dma source(%dma_start3A_217 : memref<6250x8xf32, #tpu.memory_space<vmem_shared>>) target(%dma_start3A_215 : memref<6250x8xf32, #tpu.memory_space<hbm>>) target_semaphore(%run_scoped3A : memref<!tpu.dma_semaphore, #tpu.memory_space<semaphore_mem>>)
        %dma_wait3A = arith.constant 24 : i32
        %dma_wait3A_218 = tpu.memref_slice %arg6[%mul3A_188, %dma_wait3A] : memref<100000x64xf32, #tpu.memory_space<hbm>> -> memref<6250x8xf32, #tpu.memory_space<hbm>>
        %dma_wait3A_219 = arith.constant 0 : i32
        %dma_wait3A_220 = tpu.memref_slice %arg12[%mul3A_186, %dma_wait3A_219] : memref<100000x8xf32, #tpu.memory_space<vmem_shared>> -> memref<6250x8xf32, #tpu.memory_space<vmem_shared>>
        tpu.wait_dma2 semaphore(%run_scoped3A : memref<!tpu.dma_semaphore, #tpu.memory_space<semaphore_mem>>) src(%dma_wait3A_220 : memref<6250x8xf32, #tpu.memory_space<vmem_shared>>) dst(%dma_wait3A_218 : memref<6250x8xf32, #tpu.memory_space<hbm>>)
        tpu.yield
      }) : () -> ()
      %barrier3A_189 = arith.constant 0 : index
      tpu.barrier barrier_id(%barrier3A_189)
      %mul3A_190 = arith.constant 6250 : i32
      %mul3A_191 = arith.muli %arg1, %mul3A_190 : i32
      %mul3A_192 = arith.constant 6250 : i32
      %mul3A_193 = arith.muli %arg1, %mul3A_192 : i32
      "tpu.region"() ({
        %run_scoped3A = tpu.sem_alloc : memref<!tpu.dma_semaphore, #tpu.memory_space<semaphore_mem>>
        %dma_start3A_214 = arith.constant 0 : i32
        %dma_start3A_215 = tpu.memref_slice %arg12[%mul3A_193, %dma_start3A_214] : memref<100000x8xf32, #tpu.memory_space<vmem_shared>> -> memref<6250x8xf32, #tpu.memory_space<vmem_shared>>
        %dma_start3A_216 = arith.constant 0 : i32
        %dma_start3A_217 = tpu.memref_slice %arg4[%mul3A_191, %dma_start3A_216] : memref<100000x8xf32, #tpu.memory_space<hbm>> -> memref<6250x8xf32, #tpu.memory_space<hbm>>
        tpu.enqueue_dma source(%dma_start3A_217 : memref<6250x8xf32, #tpu.memory_space<hbm>>) target(%dma_start3A_215 : memref<6250x8xf32, #tpu.memory_space<vmem_shared>>) target_semaphore(%run_scoped3A : memref<!tpu.dma_semaphore, #tpu.memory_space<semaphore_mem>>)
        %dma_wait3A = arith.constant 0 : i32
        %dma_wait3A_218 = tpu.memref_slice %arg12[%mul3A_193, %dma_wait3A] : memref<100000x8xf32, #tpu.memory_space<vmem_shared>> -> memref<6250x8xf32, #tpu.memory_space<vmem_shared>>
        %dma_wait3A_219 = arith.constant 0 : i32
        %dma_wait3A_220 = tpu.memref_slice %arg4[%mul3A_191, %dma_wait3A_219] : memref<100000x8xf32, #tpu.memory_space<hbm>> -> memref<6250x8xf32, #tpu.memory_space<hbm>>
        tpu.wait_dma2 semaphore(%run_scoped3A : memref<!tpu.dma_semaphore, #tpu.memory_space<semaphore_mem>>) src(%dma_wait3A_220 : memref<6250x8xf32, #tpu.memory_space<hbm>>) dst(%dma_wait3A_218 : memref<6250x8xf32, #tpu.memory_space<vmem_shared>>)
        tpu.yield
      }) : () -> ()
      "tpu.region"() ({
        %run_scoped3A = tpu.sem_alloc : memref<!tpu.dma_semaphore, #tpu.memory_space<semaphore_mem>>
        tpu.enqueue_dma source(%arg5 : memref<2000x8xf32, #tpu.memory_space<hbm>>) target(%arg10 : memref<2000x8xf32, #tpu.memory_space<vmem>>) target_semaphore(%run_scoped3A : memref<!tpu.dma_semaphore, #tpu.memory_space<semaphore_mem>>)
        tpu.wait_dma2 semaphore(%run_scoped3A : memref<!tpu.dma_semaphore, #tpu.memory_space<semaphore_mem>>) src(%arg5 : memref<2000x8xf32, #tpu.memory_space<hbm>>) dst(%arg10 : memref<2000x8xf32, #tpu.memory_space<vmem>>)
        tpu.yield
      }) : () -> ()
      %barrier3A_194 = arith.constant 0 : index
      tpu.barrier barrier_id(%barrier3A_194)
      %mul3A_195 = arith.constant 50000 : i32
      %mul3A_196 = arith.muli %arg1, %mul3A_195 : i32
      %add3A_197 = arith.constant 0 : i32
      %add3A_198 = arith.addi %mul3A_196, %add3A_197 : i32
      %add3A_199 = arith.constant 0 : i32
      %add3A_200 = arith.addi %add3A_199, %add3A_198 : i32
      %dma_start3A_201 = tpu.memref_slice %arg3[%add3A_200] : memref<1600000xi32, #tpu.memory_space<hbm>> -> memref<2000xi32, #tpu.memory_space<hbm>>
      %dma_start3A_202 = tpu.memref_slice %arg3[%add3A_200] : memref<1600000xi32, #tpu.memory_space<hbm>> -> memref<2000xi32, #tpu.memory_space<hbm>>
      tpu.enqueue_dma source(%dma_start3A_202 : memref<2000xi32, #tpu.memory_space<hbm>>) target(%arg8 : memref<2000xi32, #tpu.memory_space<vmem>>) target_semaphore(%arg13 : memref<!tpu.dma_semaphore, #tpu.memory_space<semaphore_mem>>)
      %scan3A_203 = arith.constant 0 : i32
      %scan3A_204 = arith.constant 0 : i32
      %scan3A_205 = arith.constant 13 : i32
      %scan3A_206 = arith.addi %scan3A_204, %scan3A_205 : i32
      %scan3A_207 = arith.constant 1 : i32
      scf.for %scan3A_214 = %scan3A_204 to %scan3A_206 step %scan3A_207  : i32 {
        %mul3A_215 = arith.constant 2 : i32
        %mul3A_216 = arith.muli %mul3A_215, %scan3A_214 : i32
        %add3A_217 = arith.constant 1 : i32
        %add3A_218 = arith.addi %mul3A_216, %add3A_217 : i32
        %mul3A_219 = arith.constant 2 : i32
        %mul3A_220 = arith.muli %mul3A_219, %scan3A_214 : i32
        %add3A_221 = arith.constant 2 : i32
        %add3A_222 = arith.addi %mul3A_220, %add3A_221 : i32
        %lt3A = arith.constant 25 : i32
        %lt3A_223 = arith.cmpi slt, %add3A_218, %lt3A : i32
        %convert_element_type3A_224 = arith.extui %lt3A_223 : i1 to i32
        %cond3A_225 = arith.constant 0 : i32
        %cond3A_226 = arith.cmpi ne, %convert_element_type3A_224, %cond3A_225 : i32
        scf.if %cond3A_226 {
          %mul3A_240 = arith.constant 50000 : i32
          %mul3A_241 = arith.muli %arg1, %mul3A_240 : i32
          %mul3A_242 = arith.constant 2000 : i32
          %mul3A_243 = arith.muli %add3A_218, %mul3A_242 : i32
          %add3A_244 = arith.addi %mul3A_241, %mul3A_243 : i32
          %add3A_245 = arith.constant 0 : i32
          %add3A_246 = arith.addi %add3A_245, %add3A_244 : i32
          %dma_start3A_247 = tpu.memref_slice %arg3[%add3A_246] : memref<1600000xi32, #tpu.memory_space<hbm>> -> memref<2000xi32, #tpu.memory_space<hbm>>
          %dma_start3A_248 = tpu.memref_slice %arg3[%add3A_246] : memref<1600000xi32, #tpu.memory_space<hbm>> -> memref<2000xi32, #tpu.memory_space<hbm>>
          tpu.enqueue_dma source(%dma_start3A_248 : memref<2000xi32, #tpu.memory_space<hbm>>) target(%arg9 : memref<2000xi32, #tpu.memory_space<vmem>>) target_semaphore(%arg14 : memref<!tpu.dma_semaphore, #tpu.memory_space<semaphore_mem>>)
        } else {
        }
        %dma_wait3A = arith.constant 0 : i32
        %dma_wait3A_227 = tpu.memref_slice %arg3[%dma_wait3A] : memref<1600000xi32, #tpu.memory_space<hbm>> -> memref<2000xi32, #tpu.memory_space<hbm>>
        %dma_wait3A_228 = arith.constant 0 : i32
        %dma_wait3A_229 = tpu.memref_slice %arg3[%dma_wait3A_228] : memref<1600000xi32, #tpu.memory_space<hbm>> -> memref<2000xi32, #tpu.memory_space<hbm>>
        tpu.wait_dma2 semaphore(%arg13 : memref<!tpu.dma_semaphore, #tpu.memory_space<semaphore_mem>>) src(%dma_wait3A_229 : memref<2000xi32, #tpu.memory_space<hbm>>) dst(%arg8 : memref<2000xi32, #tpu.memory_space<vmem>>)
        "tpu.region"() ({
          %run_scoped3A = tpu.sem_alloc : memref<!tpu.dma_semaphore, #tpu.memory_space<semaphore_mem>>
          %dma_start3A_240 = arith.constant 0 : i32
          %dma_start3A_241 = arith.constant 0 : i32
          %dma_start3A_242 = tpu.memref_slice %arg12[%dma_start3A_240, %dma_start3A_241] : memref<100000x8xf32, #tpu.memory_space<vmem_shared>> -> memref<100000x8xf32, #tpu.memory_space<vmem_shared>>
          tpu.enqueue_indirect_dma source(%arg10 : memref<2000x8xf32, #tpu.memory_space<vmem>>) target(%dma_start3A_242 : memref<100000x8xf32, #tpu.memory_space<vmem_shared>>) offsets(%arg8 : memref<2000xi32, #tpu.memory_space<vmem>>) semaphore(%run_scoped3A : memref<!tpu.dma_semaphore, #tpu.memory_space<semaphore_mem>>) {add = true}
          %dma_wait3A_243 = arith.constant 0 : i32
          %dma_wait3A_244 = arith.constant 0 : i32
          %dma_wait3A_245 = tpu.memref_slice %arg12[%dma_wait3A_243, %dma_wait3A_244] : memref<100000x8xf32, #tpu.memory_space<vmem_shared>> -> memref<100000x8xf32, #tpu.memory_space<vmem_shared>>
          tpu.wait_indirect_dma semaphore(%run_scoped3A : memref<!tpu.dma_semaphore, #tpu.memory_space<semaphore_mem>>) src(%arg10 : memref<2000x8xf32, #tpu.memory_space<vmem>>) dst(%dma_wait3A_245 : memref<100000x8xf32, #tpu.memory_space<vmem_shared>>)
          tpu.yield
        }) : () -> ()
        %lt3A_230 = arith.constant 25 : i32
        %lt3A_231 = arith.cmpi slt, %add3A_222, %lt3A_230 : i32
        %convert_element_type3A_232 = arith.extui %lt3A_231 : i1 to i32
        %cond3A_233 = arith.constant 0 : i32
        %cond3A_234 = arith.cmpi ne, %convert_element_type3A_232, %cond3A_233 : i32
        scf.if %cond3A_234 {
          %mul3A_240 = arith.constant 50000 : i32
          %mul3A_241 = arith.muli %arg1, %mul3A_240 : i32
          %mul3A_242 = arith.constant 2000 : i32
          %mul3A_243 = arith.muli %add3A_222, %mul3A_242 : i32
          %add3A_244 = arith.addi %mul3A_241, %mul3A_243 : i32
          %add3A_245 = arith.constant 0 : i32
          %add3A_246 = arith.addi %add3A_245, %add3A_244 : i32
          %dma_start3A_247 = tpu.memref_slice %arg3[%add3A_246] : memref<1600000xi32, #tpu.memory_space<hbm>> -> memref<2000xi32, #tpu.memory_space<hbm>>
          %dma_start3A_248 = tpu.memref_slice %arg3[%add3A_246] : memref<1600000xi32, #tpu.memory_space<hbm>> -> memref<2000xi32, #tpu.memory_space<hbm>>
          tpu.enqueue_dma source(%dma_start3A_248 : memref<2000xi32, #tpu.memory_space<hbm>>) target(%arg8 : memref<2000xi32, #tpu.memory_space<vmem>>) target_semaphore(%arg13 : memref<!tpu.dma_semaphore, #tpu.memory_space<semaphore_mem>>)
        } else {
        }
        %lt3A_235 = arith.constant 25 : i32
        %lt3A_236 = arith.cmpi slt, %add3A_218, %lt3A_235 : i32
        %convert_element_type3A_237 = arith.extui %lt3A_236 : i1 to i32
        %cond3A_238 = arith.constant 0 : i32
        %cond3A_239 = arith.cmpi ne, %convert_element_type3A_237, %cond3A_238 : i32
        scf.if %cond3A_239 {
          %dma_wait3A_240 = arith.constant 0 : i32
          %dma_wait3A_241 = tpu.memref_slice %arg3[%dma_wait3A_240] : memref<1600000xi32, #tpu.memory_space<hbm>> -> memref<2000xi32, #tpu.memory_space<hbm>>
          %dma_wait3A_242 = arith.constant 0 : i32
          %dma_wait3A_243 = tpu.memref_slice %arg3[%dma_wait3A_242] : memref<1600000xi32, #tpu.memory_space<hbm>> -> memref<2000xi32, #tpu.memory_space<hbm>>
          tpu.wait_dma2 semaphore(%arg14 : memref<!tpu.dma_semaphore, #tpu.memory_space<semaphore_mem>>) src(%dma_wait3A_243 : memref<2000xi32, #tpu.memory_space<hbm>>) dst(%arg9 : memref<2000xi32, #tpu.memory_space<vmem>>)
          "tpu.region"() ({
            %run_scoped3A = tpu.sem_alloc : memref<!tpu.dma_semaphore, #tpu.memory_space<semaphore_mem>>
            %dma_start3A_244 = arith.constant 0 : i32
            %dma_start3A_245 = arith.constant 0 : i32
            %dma_start3A_246 = tpu.memref_slice %arg12[%dma_start3A_244, %dma_start3A_245] : memref<100000x8xf32, #tpu.memory_space<vmem_shared>> -> memref<100000x8xf32, #tpu.memory_space<vmem_shared>>
            tpu.enqueue_indirect_dma source(%arg10 : memref<2000x8xf32, #tpu.memory_space<vmem>>) target(%dma_start3A_246 : memref<100000x8xf32, #tpu.memory_space<vmem_shared>>) offsets(%arg9 : memref<2000xi32, #tpu.memory_space<vmem>>) semaphore(%run_scoped3A : memref<!tpu.dma_semaphore, #tpu.memory_space<semaphore_mem>>) {add = true}
            %dma_wait3A_247 = arith.constant 0 : i32
            %dma_wait3A_248 = arith.constant 0 : i32
            %dma_wait3A_249 = tpu.memref_slice %arg12[%dma_wait3A_247, %dma_wait3A_248] : memref<100000x8xf32, #tpu.memory_space<vmem_shared>> -> memref<100000x8xf32, #tpu.memory_space<vmem_shared>>
            tpu.wait_indirect_dma semaphore(%run_scoped3A : memref<!tpu.dma_semaphore, #tpu.memory_space<semaphore_mem>>) src(%arg10 : memref<2000x8xf32, #tpu.memory_space<vmem>>) dst(%dma_wait3A_249 : memref<100000x8xf32, #tpu.memory_space<vmem_shared>>)
            tpu.yield
          }) : () -> ()
        } else {
        }
      }
      %scan3A_208 = arith.constant 13 : i32
      %barrier3A_209 = arith.constant 0 : index
      tpu.barrier barrier_id(%barrier3A_209)
      %mul3A_210 = arith.constant 6250 : i32
      %mul3A_211 = arith.muli %arg1, %mul3A_210 : i32
      %mul3A_212 = arith.constant 6250 : i32
      %mul3A_213 = arith.muli %arg1, %mul3A_212 : i32
      "tpu.region"() ({
        %run_scoped3A = tpu.sem_alloc : memref<!tpu.dma_semaphore, #tpu.memory_space<semaphore_mem>>
        %dma_start3A_214 = arith.constant 0 : i32
        %dma_start3A_215 = tpu.memref_slice %arg7[%mul3A_213, %dma_start3A_214] : memref<100000x16xf32, #tpu.memory_space<hbm>> -> memref<6250x8xf32, #tpu.memory_space<hbm>>
        %dma_start3A_216 = arith.constant 0 : i32
        %dma_start3A_217 = tpu.memref_slice %arg12[%mul3A_211, %dma_start3A_216] : memref<100000x8xf32, #tpu.memory_space<vmem_shared>> -> memref<6250x8xf32, #tpu.memory_space<vmem_shared>>
        tpu.enqueue_dma source(%dma_start3A_217 : memref<6250x8xf32, #tpu.memory_space<vmem_shared>>) target(%dma_start3A_215 : memref<6250x8xf32, #tpu.memory_space<hbm>>) target_semaphore(%run_scoped3A : memref<!tpu.dma_semaphore, #tpu.memory_space<semaphore_mem>>)
        %dma_wait3A = arith.constant 0 : i32
        %dma_wait3A_218 = tpu.memref_slice %arg7[%mul3A_213, %dma_wait3A] : memref<100000x16xf32, #tpu.memory_space<hbm>> -> memref<6250x8xf32, #tpu.memory_space<hbm>>
        %dma_wait3A_219 = arith.constant 0 : i32
        %dma_wait3A_220 = tpu.memref_slice %arg12[%mul3A_211, %dma_wait3A_219] : memref<100000x8xf32, #tpu.memory_space<vmem_shared>> -> memref<6250x8xf32, #tpu.memory_space<vmem_shared>>
        tpu.wait_dma2 semaphore(%run_scoped3A : memref<!tpu.dma_semaphore, #tpu.memory_space<semaphore_mem>>) src(%dma_wait3A_220 : memref<6250x8xf32, #tpu.memory_space<vmem_shared>>) dst(%dma_wait3A_218 : memref<6250x8xf32, #tpu.memory_space<hbm>>)
        tpu.yield
      }) : () -> ()
    } else {
    }
    %eq3A_2 = arith.constant 1 : i32
    %eq3A_3 = arith.cmpi eq, %arg0, %eq3A_2 : i32
    %convert_element_type3A_4 = arith.extui %eq3A_3 : i1 to i32
    %cond3A_5 = arith.constant 0 : i32
    %cond3A_6 = arith.cmpi ne, %convert_element_type3A_4, %cond3A_5 : i32
    scf.if %cond3A_6 {
      %mul3A = arith.constant 6250 : i32
      %mul3A_7 = arith.muli %arg1, %mul3A : i32
      %mul3A_8 = arith.constant 6250 : i32
      %mul3A_9 = arith.muli %arg1, %mul3A_8 : i32
      "tpu.region"() ({
        %run_scoped3A = tpu.sem_alloc : memref<!tpu.dma_semaphore, #tpu.memory_space<semaphore_mem>>
        %dma_start3A_214 = arith.constant 0 : i32
        %dma_start3A_215 = tpu.memref_slice %arg12[%mul3A_9, %dma_start3A_214] : memref<100000x8xf32, #tpu.memory_space<vmem_shared>> -> memref<6250x8xf32, #tpu.memory_space<vmem_shared>>
        %dma_start3A_216 = arith.constant 0 : i32
        %dma_start3A_217 = tpu.memref_slice %arg4[%mul3A_7, %dma_start3A_216] : memref<100000x8xf32, #tpu.memory_space<hbm>> -> memref<6250x8xf32, #tpu.memory_space<hbm>>
        tpu.enqueue_dma source(%dma_start3A_217 : memref<6250x8xf32, #tpu.memory_space<hbm>>) target(%dma_start3A_215 : memref<6250x8xf32, #tpu.memory_space<vmem_shared>>) target_semaphore(%run_scoped3A : memref<!tpu.dma_semaphore, #tpu.memory_space<semaphore_mem>>)
        %dma_wait3A = arith.constant 0 : i32
        %dma_wait3A_218 = tpu.memref_slice %arg12[%mul3A_9, %dma_wait3A] : memref<100000x8xf32, #tpu.memory_space<vmem_shared>> -> memref<6250x8xf32, #tpu.memory_space<vmem_shared>>
        %dma_wait3A_219 = arith.constant 0 : i32
        %dma_wait3A_220 = tpu.memref_slice %arg4[%mul3A_7, %dma_wait3A_219] : memref<100000x8xf32, #tpu.memory_space<hbm>> -> memref<6250x8xf32, #tpu.memory_space<hbm>>
        tpu.wait_dma2 semaphore(%run_scoped3A : memref<!tpu.dma_semaphore, #tpu.memory_space<semaphore_mem>>) src(%dma_wait3A_220 : memref<6250x8xf32, #tpu.memory_space<hbm>>) dst(%dma_wait3A_218 : memref<6250x8xf32, #tpu.memory_space<vmem_shared>>)
        tpu.yield
      }) : () -> ()
      %barrier3A = arith.constant 0 : index
      tpu.barrier barrier_id(%barrier3A)
      %mul3A_10 = arith.constant 50000 : i32
      %mul3A_11 = arith.muli %arg1, %mul3A_10 : i32
      %add3A = arith.constant 0 : i32
      %add3A_12 = arith.addi %mul3A_11, %add3A : i32
      %add3A_13 = arith.constant 0 : i32
      %add3A_14 = arith.addi %add3A_13, %add3A_12 : i32
      %dma_start3A = tpu.memref_slice %arg3[%add3A_14] : memref<1600000xi32, #tpu.memory_space<hbm>> -> memref<2000xi32, #tpu.memory_space<hbm>>
      %dma_start3A_15 = tpu.memref_slice %arg3[%add3A_14] : memref<1600000xi32, #tpu.memory_space<hbm>> -> memref<2000xi32, #tpu.memory_space<hbm>>
      tpu.enqueue_dma source(%dma_start3A_15 : memref<2000xi32, #tpu.memory_space<hbm>>) target(%arg8 : memref<2000xi32, #tpu.memory_space<vmem>>) target_semaphore(%arg13 : memref<!tpu.dma_semaphore, #tpu.memory_space<semaphore_mem>>)
      %dma_start3A_16 = arith.constant 32 : i32
      %dma_start3A_17 = tpu.memref_slice %arg2[%add3A_12, %dma_start3A_16] : memref<800000x128xf32, #tpu.memory_space<hbm>> -> memref<2000x8xf32, #tpu.memory_space<hbm>>
      %dma_start3A_18 = arith.constant 32 : i32
      %dma_start3A_19 = tpu.memref_slice %arg2[%add3A_12, %dma_start3A_18] : memref<800000x128xf32, #tpu.memory_space<hbm>> -> memref<2000x8xf32, #tpu.memory_space<hbm>>
      tpu.enqueue_dma source(%dma_start3A_19 : memref<2000x8xf32, #tpu.memory_space<hbm>>) target(%arg10 : memref<2000x8xf32, #tpu.memory_space<vmem>>) target_semaphore(%arg15 : memref<!tpu.dma_semaphore, #tpu.memory_space<semaphore_mem>>)
      %scan3A = arith.constant 0 : i32
      %scan3A_20 = arith.constant 0 : i32
      %scan3A_21 = arith.constant 13 : i32
      %scan3A_22 = arith.addi %scan3A_20, %scan3A_21 : i32
      %scan3A_23 = arith.constant 1 : i32
      scf.for %scan3A_214 = %scan3A_20 to %scan3A_22 step %scan3A_23  : i32 {
        %mul3A_215 = arith.constant 2 : i32
        %mul3A_216 = arith.muli %mul3A_215, %scan3A_214 : i32
        %add3A_217 = arith.constant 1 : i32
        %add3A_218 = arith.addi %mul3A_216, %add3A_217 : i32
        %mul3A_219 = arith.constant 2 : i32
        %mul3A_220 = arith.muli %mul3A_219, %scan3A_214 : i32
        %add3A_221 = arith.constant 2 : i32
        %add3A_222 = arith.addi %mul3A_220, %add3A_221 : i32
        %lt3A = arith.constant 25 : i32
        %lt3A_223 = arith.cmpi slt, %add3A_218, %lt3A : i32
        %convert_element_type3A_224 = arith.extui %lt3A_223 : i1 to i32
        %cond3A_225 = arith.constant 0 : i32
        %cond3A_226 = arith.cmpi ne, %convert_element_type3A_224, %cond3A_225 : i32
        scf.if %cond3A_226 {
          %mul3A_246 = arith.constant 50000 : i32
          %mul3A_247 = arith.muli %arg1, %mul3A_246 : i32
          %mul3A_248 = arith.constant 2000 : i32
          %mul3A_249 = arith.muli %add3A_218, %mul3A_248 : i32
          %add3A_250 = arith.addi %mul3A_247, %mul3A_249 : i32
          %add3A_251 = arith.constant 0 : i32
          %add3A_252 = arith.addi %add3A_251, %add3A_250 : i32
          %dma_start3A_253 = tpu.memref_slice %arg3[%add3A_252] : memref<1600000xi32, #tpu.memory_space<hbm>> -> memref<2000xi32, #tpu.memory_space<hbm>>
          %dma_start3A_254 = tpu.memref_slice %arg3[%add3A_252] : memref<1600000xi32, #tpu.memory_space<hbm>> -> memref<2000xi32, #tpu.memory_space<hbm>>
          tpu.enqueue_dma source(%dma_start3A_254 : memref<2000xi32, #tpu.memory_space<hbm>>) target(%arg9 : memref<2000xi32, #tpu.memory_space<vmem>>) target_semaphore(%arg14 : memref<!tpu.dma_semaphore, #tpu.memory_space<semaphore_mem>>)
          %dma_start3A_255 = arith.constant 32 : i32
          %dma_start3A_256 = tpu.memref_slice %arg2[%add3A_250, %dma_start3A_255] : memref<800000x128xf32, #tpu.memory_space<hbm>> -> memref<2000x8xf32, #tpu.memory_space<hbm>>
          %dma_start3A_257 = arith.constant 32 : i32
          %dma_start3A_258 = tpu.memref_slice %arg2[%add3A_250, %dma_start3A_257] : memref<800000x128xf32, #tpu.memory_space<hbm>> -> memref<2000x8xf32, #tpu.memory_space<hbm>>
          tpu.enqueue_dma source(%dma_start3A_258 : memref<2000x8xf32, #tpu.memory_space<hbm>>) target(%arg11 : memref<2000x8xf32, #tpu.memory_space<vmem>>) target_semaphore(%arg16 : memref<!tpu.dma_semaphore, #tpu.memory_space<semaphore_mem>>)
        } else {
        }
        %dma_wait3A = arith.constant 0 : i32
        %dma_wait3A_227 = tpu.memref_slice %arg3[%dma_wait3A] : memref<1600000xi32, #tpu.memory_space<hbm>> -> memref<2000xi32, #tpu.memory_space<hbm>>
        %dma_wait3A_228 = arith.constant 0 : i32
        %dma_wait3A_229 = tpu.memref_slice %arg3[%dma_wait3A_228] : memref<1600000xi32, #tpu.memory_space<hbm>> -> memref<2000xi32, #tpu.memory_space<hbm>>
        tpu.wait_dma2 semaphore(%arg13 : memref<!tpu.dma_semaphore, #tpu.memory_space<semaphore_mem>>) src(%dma_wait3A_229 : memref<2000xi32, #tpu.memory_space<hbm>>) dst(%arg8 : memref<2000xi32, #tpu.memory_space<vmem>>)
        %dma_wait3A_230 = arith.constant 0 : i32
        %dma_wait3A_231 = arith.constant 0 : i32
        %dma_wait3A_232 = tpu.memref_slice %arg2[%dma_wait3A_230, %dma_wait3A_231] : memref<800000x128xf32, #tpu.memory_space<hbm>> -> memref<2000x8xf32, #tpu.memory_space<hbm>>
        %dma_wait3A_233 = arith.constant 0 : i32
        %dma_wait3A_234 = arith.constant 0 : i32
        %dma_wait3A_235 = tpu.memref_slice %arg2[%dma_wait3A_233, %dma_wait3A_234] : memref<800000x128xf32, #tpu.memory_space<hbm>> -> memref<2000x8xf32, #tpu.memory_space<hbm>>
        tpu.wait_dma2 semaphore(%arg15 : memref<!tpu.dma_semaphore, #tpu.memory_space<semaphore_mem>>) src(%dma_wait3A_235 : memref<2000x8xf32, #tpu.memory_space<hbm>>) dst(%arg10 : memref<2000x8xf32, #tpu.memory_space<vmem>>)
        "tpu.region"() ({
          %run_scoped3A = tpu.sem_alloc : memref<!tpu.dma_semaphore, #tpu.memory_space<semaphore_mem>>
          %dma_start3A_246 = arith.constant 0 : i32
          %dma_start3A_247 = arith.constant 0 : i32
          %dma_start3A_248 = tpu.memref_slice %arg12[%dma_start3A_246, %dma_start3A_247] : memref<100000x8xf32, #tpu.memory_space<vmem_shared>> -> memref<100000x8xf32, #tpu.memory_space<vmem_shared>>
          tpu.enqueue_indirect_dma source(%arg10 : memref<2000x8xf32, #tpu.memory_space<vmem>>) target(%dma_start3A_248 : memref<100000x8xf32, #tpu.memory_space<vmem_shared>>) offsets(%arg8 : memref<2000xi32, #tpu.memory_space<vmem>>) semaphore(%run_scoped3A : memref<!tpu.dma_semaphore, #tpu.memory_space<semaphore_mem>>) {add = true}
          %dma_wait3A_249 = arith.constant 0 : i32
          %dma_wait3A_250 = arith.constant 0 : i32
          %dma_wait3A_251 = tpu.memref_slice %arg12[%dma_wait3A_249, %dma_wait3A_250] : memref<100000x8xf32, #tpu.memory_space<vmem_shared>> -> memref<100000x8xf32, #tpu.memory_space<vmem_shared>>
          tpu.wait_indirect_dma semaphore(%run_scoped3A : memref<!tpu.dma_semaphore, #tpu.memory_space<semaphore_mem>>) src(%arg10 : memref<2000x8xf32, #tpu.memory_space<vmem>>) dst(%dma_wait3A_251 : memref<100000x8xf32, #tpu.memory_space<vmem_shared>>)
          tpu.yield
        }) : () -> ()
        %lt3A_236 = arith.constant 25 : i32
        %lt3A_237 = arith.cmpi slt, %add3A_222, %lt3A_236 : i32
        %convert_element_type3A_238 = arith.extui %lt3A_237 : i1 to i32
        %cond3A_239 = arith.constant 0 : i32
        %cond3A_240 = arith.cmpi ne, %convert_element_type3A_238, %cond3A_239 : i32
        scf.if %cond3A_240 {
          %mul3A_246 = arith.constant 50000 : i32
          %mul3A_247 = arith.muli %arg1, %mul3A_246 : i32
          %mul3A_248 = arith.constant 2000 : i32
          %mul3A_249 = arith.muli %add3A_222, %mul3A_248 : i32
          %add3A_250 = arith.addi %mul3A_247, %mul3A_249 : i32
          %add3A_251 = arith.constant 0 : i32
          %add3A_252 = arith.addi %add3A_251, %add3A_250 : i32
          %dma_start3A_253 = tpu.memref_slice %arg3[%add3A_252] : memref<1600000xi32, #tpu.memory_space<hbm>> -> memref<2000xi32, #tpu.memory_space<hbm>>
          %dma_start3A_254 = tpu.memref_slice %arg3[%add3A_252] : memref<1600000xi32, #tpu.memory_space<hbm>> -> memref<2000xi32, #tpu.memory_space<hbm>>
          tpu.enqueue_dma source(%dma_start3A_254 : memref<2000xi32, #tpu.memory_space<hbm>>) target(%arg8 : memref<2000xi32, #tpu.memory_space<vmem>>) target_semaphore(%arg13 : memref<!tpu.dma_semaphore, #tpu.memory_space<semaphore_mem>>)
          %dma_start3A_255 = arith.constant 32 : i32
          %dma_start3A_256 = tpu.memref_slice %arg2[%add3A_250, %dma_start3A_255] : memref<800000x128xf32, #tpu.memory_space<hbm>> -> memref<2000x8xf32, #tpu.memory_space<hbm>>
          %dma_start3A_257 = arith.constant 32 : i32
          %dma_start3A_258 = tpu.memref_slice %arg2[%add3A_250, %dma_start3A_257] : memref<800000x128xf32, #tpu.memory_space<hbm>> -> memref<2000x8xf32, #tpu.memory_space<hbm>>
          tpu.enqueue_dma source(%dma_start3A_258 : memref<2000x8xf32, #tpu.memory_space<hbm>>) target(%arg10 : memref<2000x8xf32, #tpu.memory_space<vmem>>) target_semaphore(%arg15 : memref<!tpu.dma_semaphore, #tpu.memory_space<semaphore_mem>>)
        } else {
        }
        %lt3A_241 = arith.constant 25 : i32
        %lt3A_242 = arith.cmpi slt, %add3A_218, %lt3A_241 : i32
        %convert_element_type3A_243 = arith.extui %lt3A_242 : i1 to i32
        %cond3A_244 = arith.constant 0 : i32
        %cond3A_245 = arith.cmpi ne, %convert_element_type3A_243, %cond3A_244 : i32
        scf.if %cond3A_245 {
          %dma_wait3A_246 = arith.constant 0 : i32
          %dma_wait3A_247 = tpu.memref_slice %arg3[%dma_wait3A_246] : memref<1600000xi32, #tpu.memory_space<hbm>> -> memref<2000xi32, #tpu.memory_space<hbm>>
          %dma_wait3A_248 = arith.constant 0 : i32
          %dma_wait3A_249 = tpu.memref_slice %arg3[%dma_wait3A_248] : memref<1600000xi32, #tpu.memory_space<hbm>> -> memref<2000xi32, #tpu.memory_space<hbm>>
          tpu.wait_dma2 semaphore(%arg14 : memref<!tpu.dma_semaphore, #tpu.memory_space<semaphore_mem>>) src(%dma_wait3A_249 : memref<2000xi32, #tpu.memory_space<hbm>>) dst(%arg9 : memref<2000xi32, #tpu.memory_space<vmem>>)
          %dma_wait3A_250 = arith.constant 0 : i32
          %dma_wait3A_251 = arith.constant 0 : i32
          %dma_wait3A_252 = tpu.memref_slice %arg2[%dma_wait3A_250, %dma_wait3A_251] : memref<800000x128xf32, #tpu.memory_space<hbm>> -> memref<2000x8xf32, #tpu.memory_space<hbm>>
          %dma_wait3A_253 = arith.constant 0 : i32
          %dma_wait3A_254 = arith.constant 0 : i32
          %dma_wait3A_255 = tpu.memref_slice %arg2[%dma_wait3A_253, %dma_wait3A_254] : memref<800000x128xf32, #tpu.memory_space<hbm>> -> memref<2000x8xf32, #tpu.memory_space<hbm>>
          tpu.wait_dma2 semaphore(%arg16 : memref<!tpu.dma_semaphore, #tpu.memory_space<semaphore_mem>>) src(%dma_wait3A_255 : memref<2000x8xf32, #tpu.memory_space<hbm>>) dst(%arg11 : memref<2000x8xf32, #tpu.memory_space<vmem>>)
          "tpu.region"() ({
            %run_scoped3A = tpu.sem_alloc : memref<!tpu.dma_semaphore, #tpu.memory_space<semaphore_mem>>
            %dma_start3A_256 = arith.constant 0 : i32
            %dma_start3A_257 = arith.constant 0 : i32
            %dma_start3A_258 = tpu.memref_slice %arg12[%dma_start3A_256, %dma_start3A_257] : memref<100000x8xf32, #tpu.memory_space<vmem_shared>> -> memref<100000x8xf32, #tpu.memory_space<vmem_shared>>
            tpu.enqueue_indirect_dma source(%arg11 : memref<2000x8xf32, #tpu.memory_space<vmem>>) target(%dma_start3A_258 : memref<100000x8xf32, #tpu.memory_space<vmem_shared>>) offsets(%arg9 : memref<2000xi32, #tpu.memory_space<vmem>>) semaphore(%run_scoped3A : memref<!tpu.dma_semaphore, #tpu.memory_space<semaphore_mem>>) {add = true}
            %dma_wait3A_259 = arith.constant 0 : i32
            %dma_wait3A_260 = arith.constant 0 : i32
            %dma_wait3A_261 = tpu.memref_slice %arg12[%dma_wait3A_259, %dma_wait3A_260] : memref<100000x8xf32, #tpu.memory_space<vmem_shared>> -> memref<100000x8xf32, #tpu.memory_space<vmem_shared>>
            tpu.wait_indirect_dma semaphore(%run_scoped3A : memref<!tpu.dma_semaphore, #tpu.memory_space<semaphore_mem>>) src(%arg11 : memref<2000x8xf32, #tpu.memory_space<vmem>>) dst(%dma_wait3A_261 : memref<100000x8xf32, #tpu.memory_space<vmem_shared>>)
            tpu.yield
          }) : () -> ()
        } else {
        }
      }
      %scan3A_24 = arith.constant 13 : i32
      %mul3A_25 = arith.constant 50000 : i32
      %mul3A_26 = arith.muli %arg1, %mul3A_25 : i32
      %add3A_27 = arith.constant 0 : i32
      %add3A_28 = arith.addi %mul3A_26, %add3A_27 : i32
      %add3A_29 = arith.constant 800000 : i32
      %add3A_30 = arith.addi %add3A_29, %add3A_28 : i32
      %dma_start3A_31 = tpu.memref_slice %arg3[%add3A_30] : memref<1600000xi32, #tpu.memory_space<hbm>> -> memref<2000xi32, #tpu.memory_space<hbm>>
      %dma_start3A_32 = tpu.memref_slice %arg3[%add3A_30] : memref<1600000xi32, #tpu.memory_space<hbm>> -> memref<2000xi32, #tpu.memory_space<hbm>>
      tpu.enqueue_dma source(%dma_start3A_32 : memref<2000xi32, #tpu.memory_space<hbm>>) target(%arg8 : memref<2000xi32, #tpu.memory_space<vmem>>) target_semaphore(%arg13 : memref<!tpu.dma_semaphore, #tpu.memory_space<semaphore_mem>>)
      %dma_start3A_33 = arith.constant 96 : i32
      %dma_start3A_34 = tpu.memref_slice %arg2[%add3A_28, %dma_start3A_33] : memref<800000x128xf32, #tpu.memory_space<hbm>> -> memref<2000x8xf32, #tpu.memory_space<hbm>>
      %dma_start3A_35 = arith.constant 96 : i32
      %dma_start3A_36 = tpu.memref_slice %arg2[%add3A_28, %dma_start3A_35] : memref<800000x128xf32, #tpu.memory_space<hbm>> -> memref<2000x8xf32, #tpu.memory_space<hbm>>
      tpu.enqueue_dma source(%dma_start3A_36 : memref<2000x8xf32, #tpu.memory_space<hbm>>) target(%arg10 : memref<2000x8xf32, #tpu.memory_space<vmem>>) target_semaphore(%arg15 : memref<!tpu.dma_semaphore, #tpu.memory_space<semaphore_mem>>)
      %scan3A_37 = arith.constant 0 : i32
      %scan3A_38 = arith.constant 0 : i32
      %scan3A_39 = arith.constant 13 : i32
      %scan3A_40 = arith.addi %scan3A_38, %scan3A_39 : i32
      %scan3A_41 = arith.constant 1 : i32
      scf.for %scan3A_214 = %scan3A_38 to %scan3A_40 step %scan3A_41  : i32 {
        %mul3A_215 = arith.constant 2 : i32
        %mul3A_216 = arith.muli %mul3A_215, %scan3A_214 : i32
        %add3A_217 = arith.constant 1 : i32
        %add3A_218 = arith.addi %mul3A_216, %add3A_217 : i32
        %mul3A_219 = arith.constant 2 : i32
        %mul3A_220 = arith.muli %mul3A_219, %scan3A_214 : i32
        %add3A_221 = arith.constant 2 : i32
        %add3A_222 = arith.addi %mul3A_220, %add3A_221 : i32
        %lt3A = arith.constant 25 : i32
        %lt3A_223 = arith.cmpi slt, %add3A_218, %lt3A : i32
        %convert_element_type3A_224 = arith.extui %lt3A_223 : i1 to i32
        %cond3A_225 = arith.constant 0 : i32
        %cond3A_226 = arith.cmpi ne, %convert_element_type3A_224, %cond3A_225 : i32
        scf.if %cond3A_226 {
          %mul3A_246 = arith.constant 50000 : i32
          %mul3A_247 = arith.muli %arg1, %mul3A_246 : i32
          %mul3A_248 = arith.constant 2000 : i32
          %mul3A_249 = arith.muli %add3A_218, %mul3A_248 : i32
          %add3A_250 = arith.addi %mul3A_247, %mul3A_249 : i32
          %add3A_251 = arith.constant 800000 : i32
          %add3A_252 = arith.addi %add3A_251, %add3A_250 : i32
          %dma_start3A_253 = tpu.memref_slice %arg3[%add3A_252] : memref<1600000xi32, #tpu.memory_space<hbm>> -> memref<2000xi32, #tpu.memory_space<hbm>>
          %dma_start3A_254 = tpu.memref_slice %arg3[%add3A_252] : memref<1600000xi32, #tpu.memory_space<hbm>> -> memref<2000xi32, #tpu.memory_space<hbm>>
          tpu.enqueue_dma source(%dma_start3A_254 : memref<2000xi32, #tpu.memory_space<hbm>>) target(%arg9 : memref<2000xi32, #tpu.memory_space<vmem>>) target_semaphore(%arg14 : memref<!tpu.dma_semaphore, #tpu.memory_space<semaphore_mem>>)
          %dma_start3A_255 = arith.constant 96 : i32
          %dma_start3A_256 = tpu.memref_slice %arg2[%add3A_250, %dma_start3A_255] : memref<800000x128xf32, #tpu.memory_space<hbm>> -> memref<2000x8xf32, #tpu.memory_space<hbm>>
          %dma_start3A_257 = arith.constant 96 : i32
          %dma_start3A_258 = tpu.memref_slice %arg2[%add3A_250, %dma_start3A_257] : memref<800000x128xf32, #tpu.memory_space<hbm>> -> memref<2000x8xf32, #tpu.memory_space<hbm>>
          tpu.enqueue_dma source(%dma_start3A_258 : memref<2000x8xf32, #tpu.memory_space<hbm>>) target(%arg11 : memref<2000x8xf32, #tpu.memory_space<vmem>>) target_semaphore(%arg16 : memref<!tpu.dma_semaphore, #tpu.memory_space<semaphore_mem>>)
        } else {
        }
        %dma_wait3A = arith.constant 0 : i32
        %dma_wait3A_227 = tpu.memref_slice %arg3[%dma_wait3A] : memref<1600000xi32, #tpu.memory_space<hbm>> -> memref<2000xi32, #tpu.memory_space<hbm>>
        %dma_wait3A_228 = arith.constant 0 : i32
        %dma_wait3A_229 = tpu.memref_slice %arg3[%dma_wait3A_228] : memref<1600000xi32, #tpu.memory_space<hbm>> -> memref<2000xi32, #tpu.memory_space<hbm>>
        tpu.wait_dma2 semaphore(%arg13 : memref<!tpu.dma_semaphore, #tpu.memory_space<semaphore_mem>>) src(%dma_wait3A_229 : memref<2000xi32, #tpu.memory_space<hbm>>) dst(%arg8 : memref<2000xi32, #tpu.memory_space<vmem>>)
        %dma_wait3A_230 = arith.constant 0 : i32
        %dma_wait3A_231 = arith.constant 0 : i32
        %dma_wait3A_232 = tpu.memref_slice %arg2[%dma_wait3A_230, %dma_wait3A_231] : memref<800000x128xf32, #tpu.memory_space<hbm>> -> memref<2000x8xf32, #tpu.memory_space<hbm>>
        %dma_wait3A_233 = arith.constant 0 : i32
        %dma_wait3A_234 = arith.constant 0 : i32
        %dma_wait3A_235 = tpu.memref_slice %arg2[%dma_wait3A_233, %dma_wait3A_234] : memref<800000x128xf32, #tpu.memory_space<hbm>> -> memref<2000x8xf32, #tpu.memory_space<hbm>>
        tpu.wait_dma2 semaphore(%arg15 : memref<!tpu.dma_semaphore, #tpu.memory_space<semaphore_mem>>) src(%dma_wait3A_235 : memref<2000x8xf32, #tpu.memory_space<hbm>>) dst(%arg10 : memref<2000x8xf32, #tpu.memory_space<vmem>>)
        "tpu.region"() ({
          %run_scoped3A = tpu.sem_alloc : memref<!tpu.dma_semaphore, #tpu.memory_space<semaphore_mem>>
          %dma_start3A_246 = arith.constant 0 : i32
          %dma_start3A_247 = arith.constant 0 : i32
          %dma_start3A_248 = tpu.memref_slice %arg12[%dma_start3A_246, %dma_start3A_247] : memref<100000x8xf32, #tpu.memory_space<vmem_shared>> -> memref<100000x8xf32, #tpu.memory_space<vmem_shared>>
          tpu.enqueue_indirect_dma source(%arg10 : memref<2000x8xf32, #tpu.memory_space<vmem>>) target(%dma_start3A_248 : memref<100000x8xf32, #tpu.memory_space<vmem_shared>>) offsets(%arg8 : memref<2000xi32, #tpu.memory_space<vmem>>) semaphore(%run_scoped3A : memref<!tpu.dma_semaphore, #tpu.memory_space<semaphore_mem>>) {add = true}
          %dma_wait3A_249 = arith.constant 0 : i32
          %dma_wait3A_250 = arith.constant 0 : i32
          %dma_wait3A_251 = tpu.memref_slice %arg12[%dma_wait3A_249, %dma_wait3A_250] : memref<100000x8xf32, #tpu.memory_space<vmem_shared>> -> memref<100000x8xf32, #tpu.memory_space<vmem_shared>>
          tpu.wait_indirect_dma semaphore(%run_scoped3A : memref<!tpu.dma_semaphore, #tpu.memory_space<semaphore_mem>>) src(%arg10 : memref<2000x8xf32, #tpu.memory_space<vmem>>) dst(%dma_wait3A_251 : memref<100000x8xf32, #tpu.memory_space<vmem_shared>>)
          tpu.yield
        }) : () -> ()
        %lt3A_236 = arith.constant 25 : i32
        %lt3A_237 = arith.cmpi slt, %add3A_222, %lt3A_236 : i32
        %convert_element_type3A_238 = arith.extui %lt3A_237 : i1 to i32
        %cond3A_239 = arith.constant 0 : i32
        %cond3A_240 = arith.cmpi ne, %convert_element_type3A_238, %cond3A_239 : i32
        scf.if %cond3A_240 {
          %mul3A_246 = arith.constant 50000 : i32
          %mul3A_247 = arith.muli %arg1, %mul3A_246 : i32
          %mul3A_248 = arith.constant 2000 : i32
          %mul3A_249 = arith.muli %add3A_222, %mul3A_248 : i32
          %add3A_250 = arith.addi %mul3A_247, %mul3A_249 : i32
          %add3A_251 = arith.constant 800000 : i32
          %add3A_252 = arith.addi %add3A_251, %add3A_250 : i32
          %dma_start3A_253 = tpu.memref_slice %arg3[%add3A_252] : memref<1600000xi32, #tpu.memory_space<hbm>> -> memref<2000xi32, #tpu.memory_space<hbm>>
          %dma_start3A_254 = tpu.memref_slice %arg3[%add3A_252] : memref<1600000xi32, #tpu.memory_space<hbm>> -> memref<2000xi32, #tpu.memory_space<hbm>>
          tpu.enqueue_dma source(%dma_start3A_254 : memref<2000xi32, #tpu.memory_space<hbm>>) target(%arg8 : memref<2000xi32, #tpu.memory_space<vmem>>) target_semaphore(%arg13 : memref<!tpu.dma_semaphore, #tpu.memory_space<semaphore_mem>>)
          %dma_start3A_255 = arith.constant 96 : i32
          %dma_start3A_256 = tpu.memref_slice %arg2[%add3A_250, %dma_start3A_255] : memref<800000x128xf32, #tpu.memory_space<hbm>> -> memref<2000x8xf32, #tpu.memory_space<hbm>>
          %dma_start3A_257 = arith.constant 96 : i32
          %dma_start3A_258 = tpu.memref_slice %arg2[%add3A_250, %dma_start3A_257] : memref<800000x128xf32, #tpu.memory_space<hbm>> -> memref<2000x8xf32, #tpu.memory_space<hbm>>
          tpu.enqueue_dma source(%dma_start3A_258 : memref<2000x8xf32, #tpu.memory_space<hbm>>) target(%arg10 : memref<2000x8xf32, #tpu.memory_space<vmem>>) target_semaphore(%arg15 : memref<!tpu.dma_semaphore, #tpu.memory_space<semaphore_mem>>)
        } else {
        }
        %lt3A_241 = arith.constant 25 : i32
        %lt3A_242 = arith.cmpi slt, %add3A_218, %lt3A_241 : i32
        %convert_element_type3A_243 = arith.extui %lt3A_242 : i1 to i32
        %cond3A_244 = arith.constant 0 : i32
        %cond3A_245 = arith.cmpi ne, %convert_element_type3A_243, %cond3A_244 : i32
        scf.if %cond3A_245 {
          %dma_wait3A_246 = arith.constant 0 : i32
          %dma_wait3A_247 = tpu.memref_slice %arg3[%dma_wait3A_246] : memref<1600000xi32, #tpu.memory_space<hbm>> -> memref<2000xi32, #tpu.memory_space<hbm>>
          %dma_wait3A_248 = arith.constant 0 : i32
          %dma_wait3A_249 = tpu.memref_slice %arg3[%dma_wait3A_248] : memref<1600000xi32, #tpu.memory_space<hbm>> -> memref<2000xi32, #tpu.memory_space<hbm>>
          tpu.wait_dma2 semaphore(%arg14 : memref<!tpu.dma_semaphore, #tpu.memory_space<semaphore_mem>>) src(%dma_wait3A_249 : memref<2000xi32, #tpu.memory_space<hbm>>) dst(%arg9 : memref<2000xi32, #tpu.memory_space<vmem>>)
          %dma_wait3A_250 = arith.constant 0 : i32
          %dma_wait3A_251 = arith.constant 0 : i32
          %dma_wait3A_252 = tpu.memref_slice %arg2[%dma_wait3A_250, %dma_wait3A_251] : memref<800000x128xf32, #tpu.memory_space<hbm>> -> memref<2000x8xf32, #tpu.memory_space<hbm>>
          %dma_wait3A_253 = arith.constant 0 : i32
          %dma_wait3A_254 = arith.constant 0 : i32
          %dma_wait3A_255 = tpu.memref_slice %arg2[%dma_wait3A_253, %dma_wait3A_254] : memref<800000x128xf32, #tpu.memory_space<hbm>> -> memref<2000x8xf32, #tpu.memory_space<hbm>>
          tpu.wait_dma2 semaphore(%arg16 : memref<!tpu.dma_semaphore, #tpu.memory_space<semaphore_mem>>) src(%dma_wait3A_255 : memref<2000x8xf32, #tpu.memory_space<hbm>>) dst(%arg11 : memref<2000x8xf32, #tpu.memory_space<vmem>>)
          "tpu.region"() ({
            %run_scoped3A = tpu.sem_alloc : memref<!tpu.dma_semaphore, #tpu.memory_space<semaphore_mem>>
            %dma_start3A_256 = arith.constant 0 : i32
            %dma_start3A_257 = arith.constant 0 : i32
            %dma_start3A_258 = tpu.memref_slice %arg12[%dma_start3A_256, %dma_start3A_257] : memref<100000x8xf32, #tpu.memory_space<vmem_shared>> -> memref<100000x8xf32, #tpu.memory_space<vmem_shared>>
            tpu.enqueue_indirect_dma source(%arg11 : memref<2000x8xf32, #tpu.memory_space<vmem>>) target(%dma_start3A_258 : memref<100000x8xf32, #tpu.memory_space<vmem_shared>>) offsets(%arg9 : memref<2000xi32, #tpu.memory_space<vmem>>) semaphore(%run_scoped3A : memref<!tpu.dma_semaphore, #tpu.memory_space<semaphore_mem>>) {add = true}
            %dma_wait3A_259 = arith.constant 0 : i32
            %dma_wait3A_260 = arith.constant 0 : i32
            %dma_wait3A_261 = tpu.memref_slice %arg12[%dma_wait3A_259, %dma_wait3A_260] : memref<100000x8xf32, #tpu.memory_space<vmem_shared>> -> memref<100000x8xf32, #tpu.memory_space<vmem_shared>>
            tpu.wait_indirect_dma semaphore(%run_scoped3A : memref<!tpu.dma_semaphore, #tpu.memory_space<semaphore_mem>>) src(%arg11 : memref<2000x8xf32, #tpu.memory_space<vmem>>) dst(%dma_wait3A_261 : memref<100000x8xf32, #tpu.memory_space<vmem_shared>>)
            tpu.yield
          }) : () -> ()
        } else {
        }
      }
      %scan3A_42 = arith.constant 13 : i32
      %barrier3A_43 = arith.constant 0 : index
      tpu.barrier barrier_id(%barrier3A_43)
      %mul3A_44 = arith.constant 6250 : i32
      %mul3A_45 = arith.muli %arg1, %mul3A_44 : i32
      %mul3A_46 = arith.constant 6250 : i32
      %mul3A_47 = arith.muli %arg1, %mul3A_46 : i32
      "tpu.region"() ({
        %run_scoped3A = tpu.sem_alloc : memref<!tpu.dma_semaphore, #tpu.memory_space<semaphore_mem>>
        %dma_start3A_214 = arith.constant 32 : i32
        %dma_start3A_215 = tpu.memref_slice %arg6[%mul3A_47, %dma_start3A_214] : memref<100000x64xf32, #tpu.memory_space<hbm>> -> memref<6250x8xf32, #tpu.memory_space<hbm>>
        %dma_start3A_216 = arith.constant 0 : i32
        %dma_start3A_217 = tpu.memref_slice %arg12[%mul3A_45, %dma_start3A_216] : memref<100000x8xf32, #tpu.memory_space<vmem_shared>> -> memref<6250x8xf32, #tpu.memory_space<vmem_shared>>
        tpu.enqueue_dma source(%dma_start3A_217 : memref<6250x8xf32, #tpu.memory_space<vmem_shared>>) target(%dma_start3A_215 : memref<6250x8xf32, #tpu.memory_space<hbm>>) target_semaphore(%run_scoped3A : memref<!tpu.dma_semaphore, #tpu.memory_space<semaphore_mem>>)
        %dma_wait3A = arith.constant 32 : i32
        %dma_wait3A_218 = tpu.memref_slice %arg6[%mul3A_47, %dma_wait3A] : memref<100000x64xf32, #tpu.memory_space<hbm>> -> memref<6250x8xf32, #tpu.memory_space<hbm>>
        %dma_wait3A_219 = arith.constant 0 : i32
        %dma_wait3A_220 = tpu.memref_slice %arg12[%mul3A_45, %dma_wait3A_219] : memref<100000x8xf32, #tpu.memory_space<vmem_shared>> -> memref<6250x8xf32, #tpu.memory_space<vmem_shared>>
        tpu.wait_dma2 semaphore(%run_scoped3A : memref<!tpu.dma_semaphore, #tpu.memory_space<semaphore_mem>>) src(%dma_wait3A_220 : memref<6250x8xf32, #tpu.memory_space<vmem_shared>>) dst(%dma_wait3A_218 : memref<6250x8xf32, #tpu.memory_space<hbm>>)
        tpu.yield
      }) : () -> ()
      %barrier3A_48 = arith.constant 0 : index
      tpu.barrier barrier_id(%barrier3A_48)
      %mul3A_49 = arith.constant 6250 : i32
      %mul3A_50 = arith.muli %arg1, %mul3A_49 : i32
      %mul3A_51 = arith.constant 6250 : i32
      %mul3A_52 = arith.muli %arg1, %mul3A_51 : i32
      "tpu.region"() ({
        %run_scoped3A = tpu.sem_alloc : memref<!tpu.dma_semaphore, #tpu.memory_space<semaphore_mem>>
        %dma_start3A_214 = arith.constant 0 : i32
        %dma_start3A_215 = tpu.memref_slice %arg12[%mul3A_52, %dma_start3A_214] : memref<100000x8xf32, #tpu.memory_space<vmem_shared>> -> memref<6250x8xf32, #tpu.memory_space<vmem_shared>>
        %dma_start3A_216 = arith.constant 0 : i32
        %dma_start3A_217 = tpu.memref_slice %arg4[%mul3A_50, %dma_start3A_216] : memref<100000x8xf32, #tpu.memory_space<hbm>> -> memref<6250x8xf32, #tpu.memory_space<hbm>>
        tpu.enqueue_dma source(%dma_start3A_217 : memref<6250x8xf32, #tpu.memory_space<hbm>>) target(%dma_start3A_215 : memref<6250x8xf32, #tpu.memory_space<vmem_shared>>) target_semaphore(%run_scoped3A : memref<!tpu.dma_semaphore, #tpu.memory_space<semaphore_mem>>)
        %dma_wait3A = arith.constant 0 : i32
        %dma_wait3A_218 = tpu.memref_slice %arg12[%mul3A_52, %dma_wait3A] : memref<100000x8xf32, #tpu.memory_space<vmem_shared>> -> memref<6250x8xf32, #tpu.memory_space<vmem_shared>>
        %dma_wait3A_219 = arith.constant 0 : i32
        %dma_wait3A_220 = tpu.memref_slice %arg4[%mul3A_50, %dma_wait3A_219] : memref<100000x8xf32, #tpu.memory_space<hbm>> -> memref<6250x8xf32, #tpu.memory_space<hbm>>
        tpu.wait_dma2 semaphore(%run_scoped3A : memref<!tpu.dma_semaphore, #tpu.memory_space<semaphore_mem>>) src(%dma_wait3A_220 : memref<6250x8xf32, #tpu.memory_space<hbm>>) dst(%dma_wait3A_218 : memref<6250x8xf32, #tpu.memory_space<vmem_shared>>)
        tpu.yield
      }) : () -> ()
      %barrier3A_53 = arith.constant 0 : index
      tpu.barrier barrier_id(%barrier3A_53)
      %mul3A_54 = arith.constant 50000 : i32
      %mul3A_55 = arith.muli %arg1, %mul3A_54 : i32
      %add3A_56 = arith.constant 0 : i32
      %add3A_57 = arith.addi %mul3A_55, %add3A_56 : i32
      %add3A_58 = arith.constant 0 : i32
      %add3A_59 = arith.addi %add3A_58, %add3A_57 : i32
      %dma_start3A_60 = tpu.memref_slice %arg3[%add3A_59] : memref<1600000xi32, #tpu.memory_space<hbm>> -> memref<2000xi32, #tpu.memory_space<hbm>>
      %dma_start3A_61 = tpu.memref_slice %arg3[%add3A_59] : memref<1600000xi32, #tpu.memory_space<hbm>> -> memref<2000xi32, #tpu.memory_space<hbm>>
      tpu.enqueue_dma source(%dma_start3A_61 : memref<2000xi32, #tpu.memory_space<hbm>>) target(%arg8 : memref<2000xi32, #tpu.memory_space<vmem>>) target_semaphore(%arg13 : memref<!tpu.dma_semaphore, #tpu.memory_space<semaphore_mem>>)
      %dma_start3A_62 = arith.constant 40 : i32
      %dma_start3A_63 = tpu.memref_slice %arg2[%add3A_57, %dma_start3A_62] : memref<800000x128xf32, #tpu.memory_space<hbm>> -> memref<2000x8xf32, #tpu.memory_space<hbm>>
      %dma_start3A_64 = arith.constant 40 : i32
      %dma_start3A_65 = tpu.memref_slice %arg2[%add3A_57, %dma_start3A_64] : memref<800000x128xf32, #tpu.memory_space<hbm>> -> memref<2000x8xf32, #tpu.memory_space<hbm>>
      tpu.enqueue_dma source(%dma_start3A_65 : memref<2000x8xf32, #tpu.memory_space<hbm>>) target(%arg10 : memref<2000x8xf32, #tpu.memory_space<vmem>>) target_semaphore(%arg15 : memref<!tpu.dma_semaphore, #tpu.memory_space<semaphore_mem>>)
      %scan3A_66 = arith.constant 0 : i32
      %scan3A_67 = arith.constant 0 : i32
      %scan3A_68 = arith.constant 13 : i32
      %scan3A_69 = arith.addi %scan3A_67, %scan3A_68 : i32
      %scan3A_70 = arith.constant 1 : i32
      scf.for %scan3A_214 = %scan3A_67 to %scan3A_69 step %scan3A_70  : i32 {
        %mul3A_215 = arith.constant 2 : i32
        %mul3A_216 = arith.muli %mul3A_215, %scan3A_214 : i32
        %add3A_217 = arith.constant 1 : i32
        %add3A_218 = arith.addi %mul3A_216, %add3A_217 : i32
        %mul3A_219 = arith.constant 2 : i32
        %mul3A_220 = arith.muli %mul3A_219, %scan3A_214 : i32
        %add3A_221 = arith.constant 2 : i32
        %add3A_222 = arith.addi %mul3A_220, %add3A_221 : i32
        %lt3A = arith.constant 25 : i32
        %lt3A_223 = arith.cmpi slt, %add3A_218, %lt3A : i32
        %convert_element_type3A_224 = arith.extui %lt3A_223 : i1 to i32
        %cond3A_225 = arith.constant 0 : i32
        %cond3A_226 = arith.cmpi ne, %convert_element_type3A_224, %cond3A_225 : i32
        scf.if %cond3A_226 {
          %mul3A_246 = arith.constant 50000 : i32
          %mul3A_247 = arith.muli %arg1, %mul3A_246 : i32
          %mul3A_248 = arith.constant 2000 : i32
          %mul3A_249 = arith.muli %add3A_218, %mul3A_248 : i32
          %add3A_250 = arith.addi %mul3A_247, %mul3A_249 : i32
          %add3A_251 = arith.constant 0 : i32
          %add3A_252 = arith.addi %add3A_251, %add3A_250 : i32
          %dma_start3A_253 = tpu.memref_slice %arg3[%add3A_252] : memref<1600000xi32, #tpu.memory_space<hbm>> -> memref<2000xi32, #tpu.memory_space<hbm>>
          %dma_start3A_254 = tpu.memref_slice %arg3[%add3A_252] : memref<1600000xi32, #tpu.memory_space<hbm>> -> memref<2000xi32, #tpu.memory_space<hbm>>
          tpu.enqueue_dma source(%dma_start3A_254 : memref<2000xi32, #tpu.memory_space<hbm>>) target(%arg9 : memref<2000xi32, #tpu.memory_space<vmem>>) target_semaphore(%arg14 : memref<!tpu.dma_semaphore, #tpu.memory_space<semaphore_mem>>)
          %dma_start3A_255 = arith.constant 40 : i32
          %dma_start3A_256 = tpu.memref_slice %arg2[%add3A_250, %dma_start3A_255] : memref<800000x128xf32, #tpu.memory_space<hbm>> -> memref<2000x8xf32, #tpu.memory_space<hbm>>
          %dma_start3A_257 = arith.constant 40 : i32
          %dma_start3A_258 = tpu.memref_slice %arg2[%add3A_250, %dma_start3A_257] : memref<800000x128xf32, #tpu.memory_space<hbm>> -> memref<2000x8xf32, #tpu.memory_space<hbm>>
          tpu.enqueue_dma source(%dma_start3A_258 : memref<2000x8xf32, #tpu.memory_space<hbm>>) target(%arg11 : memref<2000x8xf32, #tpu.memory_space<vmem>>) target_semaphore(%arg16 : memref<!tpu.dma_semaphore, #tpu.memory_space<semaphore_mem>>)
        } else {
        }
        %dma_wait3A = arith.constant 0 : i32
        %dma_wait3A_227 = tpu.memref_slice %arg3[%dma_wait3A] : memref<1600000xi32, #tpu.memory_space<hbm>> -> memref<2000xi32, #tpu.memory_space<hbm>>
        %dma_wait3A_228 = arith.constant 0 : i32
        %dma_wait3A_229 = tpu.memref_slice %arg3[%dma_wait3A_228] : memref<1600000xi32, #tpu.memory_space<hbm>> -> memref<2000xi32, #tpu.memory_space<hbm>>
        tpu.wait_dma2 semaphore(%arg13 : memref<!tpu.dma_semaphore, #tpu.memory_space<semaphore_mem>>) src(%dma_wait3A_229 : memref<2000xi32, #tpu.memory_space<hbm>>) dst(%arg8 : memref<2000xi32, #tpu.memory_space<vmem>>)
        %dma_wait3A_230 = arith.constant 0 : i32
        %dma_wait3A_231 = arith.constant 0 : i32
        %dma_wait3A_232 = tpu.memref_slice %arg2[%dma_wait3A_230, %dma_wait3A_231] : memref<800000x128xf32, #tpu.memory_space<hbm>> -> memref<2000x8xf32, #tpu.memory_space<hbm>>
        %dma_wait3A_233 = arith.constant 0 : i32
        %dma_wait3A_234 = arith.constant 0 : i32
        %dma_wait3A_235 = tpu.memref_slice %arg2[%dma_wait3A_233, %dma_wait3A_234] : memref<800000x128xf32, #tpu.memory_space<hbm>> -> memref<2000x8xf32, #tpu.memory_space<hbm>>
        tpu.wait_dma2 semaphore(%arg15 : memref<!tpu.dma_semaphore, #tpu.memory_space<semaphore_mem>>) src(%dma_wait3A_235 : memref<2000x8xf32, #tpu.memory_space<hbm>>) dst(%arg10 : memref<2000x8xf32, #tpu.memory_space<vmem>>)
        "tpu.region"() ({
          %run_scoped3A = tpu.sem_alloc : memref<!tpu.dma_semaphore, #tpu.memory_space<semaphore_mem>>
          %dma_start3A_246 = arith.constant 0 : i32
          %dma_start3A_247 = arith.constant 0 : i32
          %dma_start3A_248 = tpu.memref_slice %arg12[%dma_start3A_246, %dma_start3A_247] : memref<100000x8xf32, #tpu.memory_space<vmem_shared>> -> memref<100000x8xf32, #tpu.memory_space<vmem_shared>>
          tpu.enqueue_indirect_dma source(%arg10 : memref<2000x8xf32, #tpu.memory_space<vmem>>) target(%dma_start3A_248 : memref<100000x8xf32, #tpu.memory_space<vmem_shared>>) offsets(%arg8 : memref<2000xi32, #tpu.memory_space<vmem>>) semaphore(%run_scoped3A : memref<!tpu.dma_semaphore, #tpu.memory_space<semaphore_mem>>) {add = true}
          %dma_wait3A_249 = arith.constant 0 : i32
          %dma_wait3A_250 = arith.constant 0 : i32
          %dma_wait3A_251 = tpu.memref_slice %arg12[%dma_wait3A_249, %dma_wait3A_250] : memref<100000x8xf32, #tpu.memory_space<vmem_shared>> -> memref<100000x8xf32, #tpu.memory_space<vmem_shared>>
          tpu.wait_indirect_dma semaphore(%run_scoped3A : memref<!tpu.dma_semaphore, #tpu.memory_space<semaphore_mem>>) src(%arg10 : memref<2000x8xf32, #tpu.memory_space<vmem>>) dst(%dma_wait3A_251 : memref<100000x8xf32, #tpu.memory_space<vmem_shared>>)
          tpu.yield
        }) : () -> ()
        %lt3A_236 = arith.constant 25 : i32
        %lt3A_237 = arith.cmpi slt, %add3A_222, %lt3A_236 : i32
        %convert_element_type3A_238 = arith.extui %lt3A_237 : i1 to i32
        %cond3A_239 = arith.constant 0 : i32
        %cond3A_240 = arith.cmpi ne, %convert_element_type3A_238, %cond3A_239 : i32
        scf.if %cond3A_240 {
          %mul3A_246 = arith.constant 50000 : i32
          %mul3A_247 = arith.muli %arg1, %mul3A_246 : i32
          %mul3A_248 = arith.constant 2000 : i32
          %mul3A_249 = arith.muli %add3A_222, %mul3A_248 : i32
          %add3A_250 = arith.addi %mul3A_247, %mul3A_249 : i32
          %add3A_251 = arith.constant 0 : i32
          %add3A_252 = arith.addi %add3A_251, %add3A_250 : i32
          %dma_start3A_253 = tpu.memref_slice %arg3[%add3A_252] : memref<1600000xi32, #tpu.memory_space<hbm>> -> memref<2000xi32, #tpu.memory_space<hbm>>
          %dma_start3A_254 = tpu.memref_slice %arg3[%add3A_252] : memref<1600000xi32, #tpu.memory_space<hbm>> -> memref<2000xi32, #tpu.memory_space<hbm>>
          tpu.enqueue_dma source(%dma_start3A_254 : memref<2000xi32, #tpu.memory_space<hbm>>) target(%arg8 : memref<2000xi32, #tpu.memory_space<vmem>>) target_semaphore(%arg13 : memref<!tpu.dma_semaphore, #tpu.memory_space<semaphore_mem>>)
          %dma_start3A_255 = arith.constant 40 : i32
          %dma_start3A_256 = tpu.memref_slice %arg2[%add3A_250, %dma_start3A_255] : memref<800000x128xf32, #tpu.memory_space<hbm>> -> memref<2000x8xf32, #tpu.memory_space<hbm>>
          %dma_start3A_257 = arith.constant 40 : i32
          %dma_start3A_258 = tpu.memref_slice %arg2[%add3A_250, %dma_start3A_257] : memref<800000x128xf32, #tpu.memory_space<hbm>> -> memref<2000x8xf32, #tpu.memory_space<hbm>>
          tpu.enqueue_dma source(%dma_start3A_258 : memref<2000x8xf32, #tpu.memory_space<hbm>>) target(%arg10 : memref<2000x8xf32, #tpu.memory_space<vmem>>) target_semaphore(%arg15 : memref<!tpu.dma_semaphore, #tpu.memory_space<semaphore_mem>>)
        } else {
        }
        %lt3A_241 = arith.constant 25 : i32
        %lt3A_242 = arith.cmpi slt, %add3A_218, %lt3A_241 : i32
        %convert_element_type3A_243 = arith.extui %lt3A_242 : i1 to i32
        %cond3A_244 = arith.constant 0 : i32
        %cond3A_245 = arith.cmpi ne, %convert_element_type3A_243, %cond3A_244 : i32
        scf.if %cond3A_245 {
          %dma_wait3A_246 = arith.constant 0 : i32
          %dma_wait3A_247 = tpu.memref_slice %arg3[%dma_wait3A_246] : memref<1600000xi32, #tpu.memory_space<hbm>> -> memref<2000xi32, #tpu.memory_space<hbm>>
          %dma_wait3A_248 = arith.constant 0 : i32
          %dma_wait3A_249 = tpu.memref_slice %arg3[%dma_wait3A_248] : memref<1600000xi32, #tpu.memory_space<hbm>> -> memref<2000xi32, #tpu.memory_space<hbm>>
          tpu.wait_dma2 semaphore(%arg14 : memref<!tpu.dma_semaphore, #tpu.memory_space<semaphore_mem>>) src(%dma_wait3A_249 : memref<2000xi32, #tpu.memory_space<hbm>>) dst(%arg9 : memref<2000xi32, #tpu.memory_space<vmem>>)
          %dma_wait3A_250 = arith.constant 0 : i32
          %dma_wait3A_251 = arith.constant 0 : i32
          %dma_wait3A_252 = tpu.memref_slice %arg2[%dma_wait3A_250, %dma_wait3A_251] : memref<800000x128xf32, #tpu.memory_space<hbm>> -> memref<2000x8xf32, #tpu.memory_space<hbm>>
          %dma_wait3A_253 = arith.constant 0 : i32
          %dma_wait3A_254 = arith.constant 0 : i32
          %dma_wait3A_255 = tpu.memref_slice %arg2[%dma_wait3A_253, %dma_wait3A_254] : memref<800000x128xf32, #tpu.memory_space<hbm>> -> memref<2000x8xf32, #tpu.memory_space<hbm>>
          tpu.wait_dma2 semaphore(%arg16 : memref<!tpu.dma_semaphore, #tpu.memory_space<semaphore_mem>>) src(%dma_wait3A_255 : memref<2000x8xf32, #tpu.memory_space<hbm>>) dst(%arg11 : memref<2000x8xf32, #tpu.memory_space<vmem>>)
          "tpu.region"() ({
            %run_scoped3A = tpu.sem_alloc : memref<!tpu.dma_semaphore, #tpu.memory_space<semaphore_mem>>
            %dma_start3A_256 = arith.constant 0 : i32
            %dma_start3A_257 = arith.constant 0 : i32
            %dma_start3A_258 = tpu.memref_slice %arg12[%dma_start3A_256, %dma_start3A_257] : memref<100000x8xf32, #tpu.memory_space<vmem_shared>> -> memref<100000x8xf32, #tpu.memory_space<vmem_shared>>
            tpu.enqueue_indirect_dma source(%arg11 : memref<2000x8xf32, #tpu.memory_space<vmem>>) target(%dma_start3A_258 : memref<100000x8xf32, #tpu.memory_space<vmem_shared>>) offsets(%arg9 : memref<2000xi32, #tpu.memory_space<vmem>>) semaphore(%run_scoped3A : memref<!tpu.dma_semaphore, #tpu.memory_space<semaphore_mem>>) {add = true}
            %dma_wait3A_259 = arith.constant 0 : i32
            %dma_wait3A_260 = arith.constant 0 : i32
            %dma_wait3A_261 = tpu.memref_slice %arg12[%dma_wait3A_259, %dma_wait3A_260] : memref<100000x8xf32, #tpu.memory_space<vmem_shared>> -> memref<100000x8xf32, #tpu.memory_space<vmem_shared>>
            tpu.wait_indirect_dma semaphore(%run_scoped3A : memref<!tpu.dma_semaphore, #tpu.memory_space<semaphore_mem>>) src(%arg11 : memref<2000x8xf32, #tpu.memory_space<vmem>>) dst(%dma_wait3A_261 : memref<100000x8xf32, #tpu.memory_space<vmem_shared>>)
            tpu.yield
          }) : () -> ()
        } else {
        }
      }
      %scan3A_71 = arith.constant 13 : i32
      %mul3A_72 = arith.constant 50000 : i32
      %mul3A_73 = arith.muli %arg1, %mul3A_72 : i32
      %add3A_74 = arith.constant 0 : i32
      %add3A_75 = arith.addi %mul3A_73, %add3A_74 : i32
      %add3A_76 = arith.constant 800000 : i32
      %add3A_77 = arith.addi %add3A_76, %add3A_75 : i32
      %dma_start3A_78 = tpu.memref_slice %arg3[%add3A_77] : memref<1600000xi32, #tpu.memory_space<hbm>> -> memref<2000xi32, #tpu.memory_space<hbm>>
      %dma_start3A_79 = tpu.memref_slice %arg3[%add3A_77] : memref<1600000xi32, #tpu.memory_space<hbm>> -> memref<2000xi32, #tpu.memory_space<hbm>>
      tpu.enqueue_dma source(%dma_start3A_79 : memref<2000xi32, #tpu.memory_space<hbm>>) target(%arg8 : memref<2000xi32, #tpu.memory_space<vmem>>) target_semaphore(%arg13 : memref<!tpu.dma_semaphore, #tpu.memory_space<semaphore_mem>>)
      %dma_start3A_80 = arith.constant 104 : i32
      %dma_start3A_81 = tpu.memref_slice %arg2[%add3A_75, %dma_start3A_80] : memref<800000x128xf32, #tpu.memory_space<hbm>> -> memref<2000x8xf32, #tpu.memory_space<hbm>>
      %dma_start3A_82 = arith.constant 104 : i32
      %dma_start3A_83 = tpu.memref_slice %arg2[%add3A_75, %dma_start3A_82] : memref<800000x128xf32, #tpu.memory_space<hbm>> -> memref<2000x8xf32, #tpu.memory_space<hbm>>
      tpu.enqueue_dma source(%dma_start3A_83 : memref<2000x8xf32, #tpu.memory_space<hbm>>) target(%arg10 : memref<2000x8xf32, #tpu.memory_space<vmem>>) target_semaphore(%arg15 : memref<!tpu.dma_semaphore, #tpu.memory_space<semaphore_mem>>)
      %scan3A_84 = arith.constant 0 : i32
      %scan3A_85 = arith.constant 0 : i32
      %scan3A_86 = arith.constant 13 : i32
      %scan3A_87 = arith.addi %scan3A_85, %scan3A_86 : i32
      %scan3A_88 = arith.constant 1 : i32
      scf.for %scan3A_214 = %scan3A_85 to %scan3A_87 step %scan3A_88  : i32 {
        %mul3A_215 = arith.constant 2 : i32
        %mul3A_216 = arith.muli %mul3A_215, %scan3A_214 : i32
        %add3A_217 = arith.constant 1 : i32
        %add3A_218 = arith.addi %mul3A_216, %add3A_217 : i32
        %mul3A_219 = arith.constant 2 : i32
        %mul3A_220 = arith.muli %mul3A_219, %scan3A_214 : i32
        %add3A_221 = arith.constant 2 : i32
        %add3A_222 = arith.addi %mul3A_220, %add3A_221 : i32
        %lt3A = arith.constant 25 : i32
        %lt3A_223 = arith.cmpi slt, %add3A_218, %lt3A : i32
        %convert_element_type3A_224 = arith.extui %lt3A_223 : i1 to i32
        %cond3A_225 = arith.constant 0 : i32
        %cond3A_226 = arith.cmpi ne, %convert_element_type3A_224, %cond3A_225 : i32
        scf.if %cond3A_226 {
          %mul3A_246 = arith.constant 50000 : i32
          %mul3A_247 = arith.muli %arg1, %mul3A_246 : i32
          %mul3A_248 = arith.constant 2000 : i32
          %mul3A_249 = arith.muli %add3A_218, %mul3A_248 : i32
          %add3A_250 = arith.addi %mul3A_247, %mul3A_249 : i32
          %add3A_251 = arith.constant 800000 : i32
          %add3A_252 = arith.addi %add3A_251, %add3A_250 : i32
          %dma_start3A_253 = tpu.memref_slice %arg3[%add3A_252] : memref<1600000xi32, #tpu.memory_space<hbm>> -> memref<2000xi32, #tpu.memory_space<hbm>>
          %dma_start3A_254 = tpu.memref_slice %arg3[%add3A_252] : memref<1600000xi32, #tpu.memory_space<hbm>> -> memref<2000xi32, #tpu.memory_space<hbm>>
          tpu.enqueue_dma source(%dma_start3A_254 : memref<2000xi32, #tpu.memory_space<hbm>>) target(%arg9 : memref<2000xi32, #tpu.memory_space<vmem>>) target_semaphore(%arg14 : memref<!tpu.dma_semaphore, #tpu.memory_space<semaphore_mem>>)
          %dma_start3A_255 = arith.constant 104 : i32
          %dma_start3A_256 = tpu.memref_slice %arg2[%add3A_250, %dma_start3A_255] : memref<800000x128xf32, #tpu.memory_space<hbm>> -> memref<2000x8xf32, #tpu.memory_space<hbm>>
          %dma_start3A_257 = arith.constant 104 : i32
          %dma_start3A_258 = tpu.memref_slice %arg2[%add3A_250, %dma_start3A_257] : memref<800000x128xf32, #tpu.memory_space<hbm>> -> memref<2000x8xf32, #tpu.memory_space<hbm>>
          tpu.enqueue_dma source(%dma_start3A_258 : memref<2000x8xf32, #tpu.memory_space<hbm>>) target(%arg11 : memref<2000x8xf32, #tpu.memory_space<vmem>>) target_semaphore(%arg16 : memref<!tpu.dma_semaphore, #tpu.memory_space<semaphore_mem>>)
        } else {
        }
        %dma_wait3A = arith.constant 0 : i32
        %dma_wait3A_227 = tpu.memref_slice %arg3[%dma_wait3A] : memref<1600000xi32, #tpu.memory_space<hbm>> -> memref<2000xi32, #tpu.memory_space<hbm>>
        %dma_wait3A_228 = arith.constant 0 : i32
        %dma_wait3A_229 = tpu.memref_slice %arg3[%dma_wait3A_228] : memref<1600000xi32, #tpu.memory_space<hbm>> -> memref<2000xi32, #tpu.memory_space<hbm>>
        tpu.wait_dma2 semaphore(%arg13 : memref<!tpu.dma_semaphore, #tpu.memory_space<semaphore_mem>>) src(%dma_wait3A_229 : memref<2000xi32, #tpu.memory_space<hbm>>) dst(%arg8 : memref<2000xi32, #tpu.memory_space<vmem>>)
        %dma_wait3A_230 = arith.constant 0 : i32
        %dma_wait3A_231 = arith.constant 0 : i32
        %dma_wait3A_232 = tpu.memref_slice %arg2[%dma_wait3A_230, %dma_wait3A_231] : memref<800000x128xf32, #tpu.memory_space<hbm>> -> memref<2000x8xf32, #tpu.memory_space<hbm>>
        %dma_wait3A_233 = arith.constant 0 : i32
        %dma_wait3A_234 = arith.constant 0 : i32
        %dma_wait3A_235 = tpu.memref_slice %arg2[%dma_wait3A_233, %dma_wait3A_234] : memref<800000x128xf32, #tpu.memory_space<hbm>> -> memref<2000x8xf32, #tpu.memory_space<hbm>>
        tpu.wait_dma2 semaphore(%arg15 : memref<!tpu.dma_semaphore, #tpu.memory_space<semaphore_mem>>) src(%dma_wait3A_235 : memref<2000x8xf32, #tpu.memory_space<hbm>>) dst(%arg10 : memref<2000x8xf32, #tpu.memory_space<vmem>>)
        "tpu.region"() ({
          %run_scoped3A = tpu.sem_alloc : memref<!tpu.dma_semaphore, #tpu.memory_space<semaphore_mem>>
          %dma_start3A_246 = arith.constant 0 : i32
          %dma_start3A_247 = arith.constant 0 : i32
          %dma_start3A_248 = tpu.memref_slice %arg12[%dma_start3A_246, %dma_start3A_247] : memref<100000x8xf32, #tpu.memory_space<vmem_shared>> -> memref<100000x8xf32, #tpu.memory_space<vmem_shared>>
          tpu.enqueue_indirect_dma source(%arg10 : memref<2000x8xf32, #tpu.memory_space<vmem>>) target(%dma_start3A_248 : memref<100000x8xf32, #tpu.memory_space<vmem_shared>>) offsets(%arg8 : memref<2000xi32, #tpu.memory_space<vmem>>) semaphore(%run_scoped3A : memref<!tpu.dma_semaphore, #tpu.memory_space<semaphore_mem>>) {add = true}
          %dma_wait3A_249 = arith.constant 0 : i32
          %dma_wait3A_250 = arith.constant 0 : i32
          %dma_wait3A_251 = tpu.memref_slice %arg12[%dma_wait3A_249, %dma_wait3A_250] : memref<100000x8xf32, #tpu.memory_space<vmem_shared>> -> memref<100000x8xf32, #tpu.memory_space<vmem_shared>>
          tpu.wait_indirect_dma semaphore(%run_scoped3A : memref<!tpu.dma_semaphore, #tpu.memory_space<semaphore_mem>>) src(%arg10 : memref<2000x8xf32, #tpu.memory_space<vmem>>) dst(%dma_wait3A_251 : memref<100000x8xf32, #tpu.memory_space<vmem_shared>>)
          tpu.yield
        }) : () -> ()
        %lt3A_236 = arith.constant 25 : i32
        %lt3A_237 = arith.cmpi slt, %add3A_222, %lt3A_236 : i32
        %convert_element_type3A_238 = arith.extui %lt3A_237 : i1 to i32
        %cond3A_239 = arith.constant 0 : i32
        %cond3A_240 = arith.cmpi ne, %convert_element_type3A_238, %cond3A_239 : i32
        scf.if %cond3A_240 {
          %mul3A_246 = arith.constant 50000 : i32
          %mul3A_247 = arith.muli %arg1, %mul3A_246 : i32
          %mul3A_248 = arith.constant 2000 : i32
          %mul3A_249 = arith.muli %add3A_222, %mul3A_248 : i32
          %add3A_250 = arith.addi %mul3A_247, %mul3A_249 : i32
          %add3A_251 = arith.constant 800000 : i32
          %add3A_252 = arith.addi %add3A_251, %add3A_250 : i32
          %dma_start3A_253 = tpu.memref_slice %arg3[%add3A_252] : memref<1600000xi32, #tpu.memory_space<hbm>> -> memref<2000xi32, #tpu.memory_space<hbm>>
          %dma_start3A_254 = tpu.memref_slice %arg3[%add3A_252] : memref<1600000xi32, #tpu.memory_space<hbm>> -> memref<2000xi32, #tpu.memory_space<hbm>>
          tpu.enqueue_dma source(%dma_start3A_254 : memref<2000xi32, #tpu.memory_space<hbm>>) target(%arg8 : memref<2000xi32, #tpu.memory_space<vmem>>) target_semaphore(%arg13 : memref<!tpu.dma_semaphore, #tpu.memory_space<semaphore_mem>>)
          %dma_start3A_255 = arith.constant 104 : i32
          %dma_start3A_256 = tpu.memref_slice %arg2[%add3A_250, %dma_start3A_255] : memref<800000x128xf32, #tpu.memory_space<hbm>> -> memref<2000x8xf32, #tpu.memory_space<hbm>>
          %dma_start3A_257 = arith.constant 104 : i32
          %dma_start3A_258 = tpu.memref_slice %arg2[%add3A_250, %dma_start3A_257] : memref<800000x128xf32, #tpu.memory_space<hbm>> -> memref<2000x8xf32, #tpu.memory_space<hbm>>
          tpu.enqueue_dma source(%dma_start3A_258 : memref<2000x8xf32, #tpu.memory_space<hbm>>) target(%arg10 : memref<2000x8xf32, #tpu.memory_space<vmem>>) target_semaphore(%arg15 : memref<!tpu.dma_semaphore, #tpu.memory_space<semaphore_mem>>)
        } else {
        }
        %lt3A_241 = arith.constant 25 : i32
        %lt3A_242 = arith.cmpi slt, %add3A_218, %lt3A_241 : i32
        %convert_element_type3A_243 = arith.extui %lt3A_242 : i1 to i32
        %cond3A_244 = arith.constant 0 : i32
        %cond3A_245 = arith.cmpi ne, %convert_element_type3A_243, %cond3A_244 : i32
        scf.if %cond3A_245 {
          %dma_wait3A_246 = arith.constant 0 : i32
          %dma_wait3A_247 = tpu.memref_slice %arg3[%dma_wait3A_246] : memref<1600000xi32, #tpu.memory_space<hbm>> -> memref<2000xi32, #tpu.memory_space<hbm>>
          %dma_wait3A_248 = arith.constant 0 : i32
          %dma_wait3A_249 = tpu.memref_slice %arg3[%dma_wait3A_248] : memref<1600000xi32, #tpu.memory_space<hbm>> -> memref<2000xi32, #tpu.memory_space<hbm>>
          tpu.wait_dma2 semaphore(%arg14 : memref<!tpu.dma_semaphore, #tpu.memory_space<semaphore_mem>>) src(%dma_wait3A_249 : memref<2000xi32, #tpu.memory_space<hbm>>) dst(%arg9 : memref<2000xi32, #tpu.memory_space<vmem>>)
          %dma_wait3A_250 = arith.constant 0 : i32
          %dma_wait3A_251 = arith.constant 0 : i32
          %dma_wait3A_252 = tpu.memref_slice %arg2[%dma_wait3A_250, %dma_wait3A_251] : memref<800000x128xf32, #tpu.memory_space<hbm>> -> memref<2000x8xf32, #tpu.memory_space<hbm>>
          %dma_wait3A_253 = arith.constant 0 : i32
          %dma_wait3A_254 = arith.constant 0 : i32
          %dma_wait3A_255 = tpu.memref_slice %arg2[%dma_wait3A_253, %dma_wait3A_254] : memref<800000x128xf32, #tpu.memory_space<hbm>> -> memref<2000x8xf32, #tpu.memory_space<hbm>>
          tpu.wait_dma2 semaphore(%arg16 : memref<!tpu.dma_semaphore, #tpu.memory_space<semaphore_mem>>) src(%dma_wait3A_255 : memref<2000x8xf32, #tpu.memory_space<hbm>>) dst(%arg11 : memref<2000x8xf32, #tpu.memory_space<vmem>>)
          "tpu.region"() ({
            %run_scoped3A = tpu.sem_alloc : memref<!tpu.dma_semaphore, #tpu.memory_space<semaphore_mem>>
            %dma_start3A_256 = arith.constant 0 : i32
            %dma_start3A_257 = arith.constant 0 : i32
            %dma_start3A_258 = tpu.memref_slice %arg12[%dma_start3A_256, %dma_start3A_257] : memref<100000x8xf32, #tpu.memory_space<vmem_shared>> -> memref<100000x8xf32, #tpu.memory_space<vmem_shared>>
            tpu.enqueue_indirect_dma source(%arg11 : memref<2000x8xf32, #tpu.memory_space<vmem>>) target(%dma_start3A_258 : memref<100000x8xf32, #tpu.memory_space<vmem_shared>>) offsets(%arg9 : memref<2000xi32, #tpu.memory_space<vmem>>) semaphore(%run_scoped3A : memref<!tpu.dma_semaphore, #tpu.memory_space<semaphore_mem>>) {add = true}
            %dma_wait3A_259 = arith.constant 0 : i32
            %dma_wait3A_260 = arith.constant 0 : i32
            %dma_wait3A_261 = tpu.memref_slice %arg12[%dma_wait3A_259, %dma_wait3A_260] : memref<100000x8xf32, #tpu.memory_space<vmem_shared>> -> memref<100000x8xf32, #tpu.memory_space<vmem_shared>>
            tpu.wait_indirect_dma semaphore(%run_scoped3A : memref<!tpu.dma_semaphore, #tpu.memory_space<semaphore_mem>>) src(%arg11 : memref<2000x8xf32, #tpu.memory_space<vmem>>) dst(%dma_wait3A_261 : memref<100000x8xf32, #tpu.memory_space<vmem_shared>>)
            tpu.yield
          }) : () -> ()
        } else {
        }
      }
      %scan3A_89 = arith.constant 13 : i32
      %barrier3A_90 = arith.constant 0 : index
      tpu.barrier barrier_id(%barrier3A_90)
      %mul3A_91 = arith.constant 6250 : i32
      %mul3A_92 = arith.muli %arg1, %mul3A_91 : i32
      %mul3A_93 = arith.constant 6250 : i32
      %mul3A_94 = arith.muli %arg1, %mul3A_93 : i32
      "tpu.region"() ({
        %run_scoped3A = tpu.sem_alloc : memref<!tpu.dma_semaphore, #tpu.memory_space<semaphore_mem>>
        %dma_start3A_214 = arith.constant 40 : i32
        %dma_start3A_215 = tpu.memref_slice %arg6[%mul3A_94, %dma_start3A_214] : memref<100000x64xf32, #tpu.memory_space<hbm>> -> memref<6250x8xf32, #tpu.memory_space<hbm>>
        %dma_start3A_216 = arith.constant 0 : i32
        %dma_start3A_217 = tpu.memref_slice %arg12[%mul3A_92, %dma_start3A_216] : memref<100000x8xf32, #tpu.memory_space<vmem_shared>> -> memref<6250x8xf32, #tpu.memory_space<vmem_shared>>
        tpu.enqueue_dma source(%dma_start3A_217 : memref<6250x8xf32, #tpu.memory_space<vmem_shared>>) target(%dma_start3A_215 : memref<6250x8xf32, #tpu.memory_space<hbm>>) target_semaphore(%run_scoped3A : memref<!tpu.dma_semaphore, #tpu.memory_space<semaphore_mem>>)
        %dma_wait3A = arith.constant 40 : i32
        %dma_wait3A_218 = tpu.memref_slice %arg6[%mul3A_94, %dma_wait3A] : memref<100000x64xf32, #tpu.memory_space<hbm>> -> memref<6250x8xf32, #tpu.memory_space<hbm>>
        %dma_wait3A_219 = arith.constant 0 : i32
        %dma_wait3A_220 = tpu.memref_slice %arg12[%mul3A_92, %dma_wait3A_219] : memref<100000x8xf32, #tpu.memory_space<vmem_shared>> -> memref<6250x8xf32, #tpu.memory_space<vmem_shared>>
        tpu.wait_dma2 semaphore(%run_scoped3A : memref<!tpu.dma_semaphore, #tpu.memory_space<semaphore_mem>>) src(%dma_wait3A_220 : memref<6250x8xf32, #tpu.memory_space<vmem_shared>>) dst(%dma_wait3A_218 : memref<6250x8xf32, #tpu.memory_space<hbm>>)
        tpu.yield
      }) : () -> ()
      %barrier3A_95 = arith.constant 0 : index
      tpu.barrier barrier_id(%barrier3A_95)
      %mul3A_96 = arith.constant 6250 : i32
      %mul3A_97 = arith.muli %arg1, %mul3A_96 : i32
      %mul3A_98 = arith.constant 6250 : i32
      %mul3A_99 = arith.muli %arg1, %mul3A_98 : i32
      "tpu.region"() ({
        %run_scoped3A = tpu.sem_alloc : memref<!tpu.dma_semaphore, #tpu.memory_space<semaphore_mem>>
        %dma_start3A_214 = arith.constant 0 : i32
        %dma_start3A_215 = tpu.memref_slice %arg12[%mul3A_99, %dma_start3A_214] : memref<100000x8xf32, #tpu.memory_space<vmem_shared>> -> memref<6250x8xf32, #tpu.memory_space<vmem_shared>>
        %dma_start3A_216 = arith.constant 0 : i32
        %dma_start3A_217 = tpu.memref_slice %arg4[%mul3A_97, %dma_start3A_216] : memref<100000x8xf32, #tpu.memory_space<hbm>> -> memref<6250x8xf32, #tpu.memory_space<hbm>>
        tpu.enqueue_dma source(%dma_start3A_217 : memref<6250x8xf32, #tpu.memory_space<hbm>>) target(%dma_start3A_215 : memref<6250x8xf32, #tpu.memory_space<vmem_shared>>) target_semaphore(%run_scoped3A : memref<!tpu.dma_semaphore, #tpu.memory_space<semaphore_mem>>)
        %dma_wait3A = arith.constant 0 : i32
        %dma_wait3A_218 = tpu.memref_slice %arg12[%mul3A_99, %dma_wait3A] : memref<100000x8xf32, #tpu.memory_space<vmem_shared>> -> memref<6250x8xf32, #tpu.memory_space<vmem_shared>>
        %dma_wait3A_219 = arith.constant 0 : i32
        %dma_wait3A_220 = tpu.memref_slice %arg4[%mul3A_97, %dma_wait3A_219] : memref<100000x8xf32, #tpu.memory_space<hbm>> -> memref<6250x8xf32, #tpu.memory_space<hbm>>
        tpu.wait_dma2 semaphore(%run_scoped3A : memref<!tpu.dma_semaphore, #tpu.memory_space<semaphore_mem>>) src(%dma_wait3A_220 : memref<6250x8xf32, #tpu.memory_space<hbm>>) dst(%dma_wait3A_218 : memref<6250x8xf32, #tpu.memory_space<vmem_shared>>)
        tpu.yield
      }) : () -> ()
      %barrier3A_100 = arith.constant 0 : index
      tpu.barrier barrier_id(%barrier3A_100)
      %mul3A_101 = arith.constant 50000 : i32
      %mul3A_102 = arith.muli %arg1, %mul3A_101 : i32
      %add3A_103 = arith.constant 0 : i32
      %add3A_104 = arith.addi %mul3A_102, %add3A_103 : i32
      %add3A_105 = arith.constant 0 : i32
      %add3A_106 = arith.addi %add3A_105, %add3A_104 : i32
      %dma_start3A_107 = tpu.memref_slice %arg3[%add3A_106] : memref<1600000xi32, #tpu.memory_space<hbm>> -> memref<2000xi32, #tpu.memory_space<hbm>>
      %dma_start3A_108 = tpu.memref_slice %arg3[%add3A_106] : memref<1600000xi32, #tpu.memory_space<hbm>> -> memref<2000xi32, #tpu.memory_space<hbm>>
      tpu.enqueue_dma source(%dma_start3A_108 : memref<2000xi32, #tpu.memory_space<hbm>>) target(%arg8 : memref<2000xi32, #tpu.memory_space<vmem>>) target_semaphore(%arg13 : memref<!tpu.dma_semaphore, #tpu.memory_space<semaphore_mem>>)
      %dma_start3A_109 = arith.constant 48 : i32
      %dma_start3A_110 = tpu.memref_slice %arg2[%add3A_104, %dma_start3A_109] : memref<800000x128xf32, #tpu.memory_space<hbm>> -> memref<2000x8xf32, #tpu.memory_space<hbm>>
      %dma_start3A_111 = arith.constant 48 : i32
      %dma_start3A_112 = tpu.memref_slice %arg2[%add3A_104, %dma_start3A_111] : memref<800000x128xf32, #tpu.memory_space<hbm>> -> memref<2000x8xf32, #tpu.memory_space<hbm>>
      tpu.enqueue_dma source(%dma_start3A_112 : memref<2000x8xf32, #tpu.memory_space<hbm>>) target(%arg10 : memref<2000x8xf32, #tpu.memory_space<vmem>>) target_semaphore(%arg15 : memref<!tpu.dma_semaphore, #tpu.memory_space<semaphore_mem>>)
      %scan3A_113 = arith.constant 0 : i32
      %scan3A_114 = arith.constant 0 : i32
      %scan3A_115 = arith.constant 13 : i32
      %scan3A_116 = arith.addi %scan3A_114, %scan3A_115 : i32
      %scan3A_117 = arith.constant 1 : i32
      scf.for %scan3A_214 = %scan3A_114 to %scan3A_116 step %scan3A_117  : i32 {
        %mul3A_215 = arith.constant 2 : i32
        %mul3A_216 = arith.muli %mul3A_215, %scan3A_214 : i32
        %add3A_217 = arith.constant 1 : i32
        %add3A_218 = arith.addi %mul3A_216, %add3A_217 : i32
        %mul3A_219 = arith.constant 2 : i32
        %mul3A_220 = arith.muli %mul3A_219, %scan3A_214 : i32
        %add3A_221 = arith.constant 2 : i32
        %add3A_222 = arith.addi %mul3A_220, %add3A_221 : i32
        %lt3A = arith.constant 25 : i32
        %lt3A_223 = arith.cmpi slt, %add3A_218, %lt3A : i32
        %convert_element_type3A_224 = arith.extui %lt3A_223 : i1 to i32
        %cond3A_225 = arith.constant 0 : i32
        %cond3A_226 = arith.cmpi ne, %convert_element_type3A_224, %cond3A_225 : i32
        scf.if %cond3A_226 {
          %mul3A_246 = arith.constant 50000 : i32
          %mul3A_247 = arith.muli %arg1, %mul3A_246 : i32
          %mul3A_248 = arith.constant 2000 : i32
          %mul3A_249 = arith.muli %add3A_218, %mul3A_248 : i32
          %add3A_250 = arith.addi %mul3A_247, %mul3A_249 : i32
          %add3A_251 = arith.constant 0 : i32
          %add3A_252 = arith.addi %add3A_251, %add3A_250 : i32
          %dma_start3A_253 = tpu.memref_slice %arg3[%add3A_252] : memref<1600000xi32, #tpu.memory_space<hbm>> -> memref<2000xi32, #tpu.memory_space<hbm>>
          %dma_start3A_254 = tpu.memref_slice %arg3[%add3A_252] : memref<1600000xi32, #tpu.memory_space<hbm>> -> memref<2000xi32, #tpu.memory_space<hbm>>
          tpu.enqueue_dma source(%dma_start3A_254 : memref<2000xi32, #tpu.memory_space<hbm>>) target(%arg9 : memref<2000xi32, #tpu.memory_space<vmem>>) target_semaphore(%arg14 : memref<!tpu.dma_semaphore, #tpu.memory_space<semaphore_mem>>)
          %dma_start3A_255 = arith.constant 48 : i32
          %dma_start3A_256 = tpu.memref_slice %arg2[%add3A_250, %dma_start3A_255] : memref<800000x128xf32, #tpu.memory_space<hbm>> -> memref<2000x8xf32, #tpu.memory_space<hbm>>
          %dma_start3A_257 = arith.constant 48 : i32
          %dma_start3A_258 = tpu.memref_slice %arg2[%add3A_250, %dma_start3A_257] : memref<800000x128xf32, #tpu.memory_space<hbm>> -> memref<2000x8xf32, #tpu.memory_space<hbm>>
          tpu.enqueue_dma source(%dma_start3A_258 : memref<2000x8xf32, #tpu.memory_space<hbm>>) target(%arg11 : memref<2000x8xf32, #tpu.memory_space<vmem>>) target_semaphore(%arg16 : memref<!tpu.dma_semaphore, #tpu.memory_space<semaphore_mem>>)
        } else {
        }
        %dma_wait3A = arith.constant 0 : i32
        %dma_wait3A_227 = tpu.memref_slice %arg3[%dma_wait3A] : memref<1600000xi32, #tpu.memory_space<hbm>> -> memref<2000xi32, #tpu.memory_space<hbm>>
        %dma_wait3A_228 = arith.constant 0 : i32
        %dma_wait3A_229 = tpu.memref_slice %arg3[%dma_wait3A_228] : memref<1600000xi32, #tpu.memory_space<hbm>> -> memref<2000xi32, #tpu.memory_space<hbm>>
        tpu.wait_dma2 semaphore(%arg13 : memref<!tpu.dma_semaphore, #tpu.memory_space<semaphore_mem>>) src(%dma_wait3A_229 : memref<2000xi32, #tpu.memory_space<hbm>>) dst(%arg8 : memref<2000xi32, #tpu.memory_space<vmem>>)
        %dma_wait3A_230 = arith.constant 0 : i32
        %dma_wait3A_231 = arith.constant 0 : i32
        %dma_wait3A_232 = tpu.memref_slice %arg2[%dma_wait3A_230, %dma_wait3A_231] : memref<800000x128xf32, #tpu.memory_space<hbm>> -> memref<2000x8xf32, #tpu.memory_space<hbm>>
        %dma_wait3A_233 = arith.constant 0 : i32
        %dma_wait3A_234 = arith.constant 0 : i32
        %dma_wait3A_235 = tpu.memref_slice %arg2[%dma_wait3A_233, %dma_wait3A_234] : memref<800000x128xf32, #tpu.memory_space<hbm>> -> memref<2000x8xf32, #tpu.memory_space<hbm>>
        tpu.wait_dma2 semaphore(%arg15 : memref<!tpu.dma_semaphore, #tpu.memory_space<semaphore_mem>>) src(%dma_wait3A_235 : memref<2000x8xf32, #tpu.memory_space<hbm>>) dst(%arg10 : memref<2000x8xf32, #tpu.memory_space<vmem>>)
        "tpu.region"() ({
          %run_scoped3A = tpu.sem_alloc : memref<!tpu.dma_semaphore, #tpu.memory_space<semaphore_mem>>
          %dma_start3A_246 = arith.constant 0 : i32
          %dma_start3A_247 = arith.constant 0 : i32
          %dma_start3A_248 = tpu.memref_slice %arg12[%dma_start3A_246, %dma_start3A_247] : memref<100000x8xf32, #tpu.memory_space<vmem_shared>> -> memref<100000x8xf32, #tpu.memory_space<vmem_shared>>
          tpu.enqueue_indirect_dma source(%arg10 : memref<2000x8xf32, #tpu.memory_space<vmem>>) target(%dma_start3A_248 : memref<100000x8xf32, #tpu.memory_space<vmem_shared>>) offsets(%arg8 : memref<2000xi32, #tpu.memory_space<vmem>>) semaphore(%run_scoped3A : memref<!tpu.dma_semaphore, #tpu.memory_space<semaphore_mem>>) {add = true}
          %dma_wait3A_249 = arith.constant 0 : i32
          %dma_wait3A_250 = arith.constant 0 : i32
          %dma_wait3A_251 = tpu.memref_slice %arg12[%dma_wait3A_249, %dma_wait3A_250] : memref<100000x8xf32, #tpu.memory_space<vmem_shared>> -> memref<100000x8xf32, #tpu.memory_space<vmem_shared>>
          tpu.wait_indirect_dma semaphore(%run_scoped3A : memref<!tpu.dma_semaphore, #tpu.memory_space<semaphore_mem>>) src(%arg10 : memref<2000x8xf32, #tpu.memory_space<vmem>>) dst(%dma_wait3A_251 : memref<100000x8xf32, #tpu.memory_space<vmem_shared>>)
          tpu.yield
        }) : () -> ()
        %lt3A_236 = arith.constant 25 : i32
        %lt3A_237 = arith.cmpi slt, %add3A_222, %lt3A_236 : i32
        %convert_element_type3A_238 = arith.extui %lt3A_237 : i1 to i32
        %cond3A_239 = arith.constant 0 : i32
        %cond3A_240 = arith.cmpi ne, %convert_element_type3A_238, %cond3A_239 : i32
        scf.if %cond3A_240 {
          %mul3A_246 = arith.constant 50000 : i32
          %mul3A_247 = arith.muli %arg1, %mul3A_246 : i32
          %mul3A_248 = arith.constant 2000 : i32
          %mul3A_249 = arith.muli %add3A_222, %mul3A_248 : i32
          %add3A_250 = arith.addi %mul3A_247, %mul3A_249 : i32
          %add3A_251 = arith.constant 0 : i32
          %add3A_252 = arith.addi %add3A_251, %add3A_250 : i32
          %dma_start3A_253 = tpu.memref_slice %arg3[%add3A_252] : memref<1600000xi32, #tpu.memory_space<hbm>> -> memref<2000xi32, #tpu.memory_space<hbm>>
          %dma_start3A_254 = tpu.memref_slice %arg3[%add3A_252] : memref<1600000xi32, #tpu.memory_space<hbm>> -> memref<2000xi32, #tpu.memory_space<hbm>>
          tpu.enqueue_dma source(%dma_start3A_254 : memref<2000xi32, #tpu.memory_space<hbm>>) target(%arg8 : memref<2000xi32, #tpu.memory_space<vmem>>) target_semaphore(%arg13 : memref<!tpu.dma_semaphore, #tpu.memory_space<semaphore_mem>>)
          %dma_start3A_255 = arith.constant 48 : i32
          %dma_start3A_256 = tpu.memref_slice %arg2[%add3A_250, %dma_start3A_255] : memref<800000x128xf32, #tpu.memory_space<hbm>> -> memref<2000x8xf32, #tpu.memory_space<hbm>>
          %dma_start3A_257 = arith.constant 48 : i32
          %dma_start3A_258 = tpu.memref_slice %arg2[%add3A_250, %dma_start3A_257] : memref<800000x128xf32, #tpu.memory_space<hbm>> -> memref<2000x8xf32, #tpu.memory_space<hbm>>
          tpu.enqueue_dma source(%dma_start3A_258 : memref<2000x8xf32, #tpu.memory_space<hbm>>) target(%arg10 : memref<2000x8xf32, #tpu.memory_space<vmem>>) target_semaphore(%arg15 : memref<!tpu.dma_semaphore, #tpu.memory_space<semaphore_mem>>)
        } else {
        }
        %lt3A_241 = arith.constant 25 : i32
        %lt3A_242 = arith.cmpi slt, %add3A_218, %lt3A_241 : i32
        %convert_element_type3A_243 = arith.extui %lt3A_242 : i1 to i32
        %cond3A_244 = arith.constant 0 : i32
        %cond3A_245 = arith.cmpi ne, %convert_element_type3A_243, %cond3A_244 : i32
        scf.if %cond3A_245 {
          %dma_wait3A_246 = arith.constant 0 : i32
          %dma_wait3A_247 = tpu.memref_slice %arg3[%dma_wait3A_246] : memref<1600000xi32, #tpu.memory_space<hbm>> -> memref<2000xi32, #tpu.memory_space<hbm>>
          %dma_wait3A_248 = arith.constant 0 : i32
          %dma_wait3A_249 = tpu.memref_slice %arg3[%dma_wait3A_248] : memref<1600000xi32, #tpu.memory_space<hbm>> -> memref<2000xi32, #tpu.memory_space<hbm>>
          tpu.wait_dma2 semaphore(%arg14 : memref<!tpu.dma_semaphore, #tpu.memory_space<semaphore_mem>>) src(%dma_wait3A_249 : memref<2000xi32, #tpu.memory_space<hbm>>) dst(%arg9 : memref<2000xi32, #tpu.memory_space<vmem>>)
          %dma_wait3A_250 = arith.constant 0 : i32
          %dma_wait3A_251 = arith.constant 0 : i32
          %dma_wait3A_252 = tpu.memref_slice %arg2[%dma_wait3A_250, %dma_wait3A_251] : memref<800000x128xf32, #tpu.memory_space<hbm>> -> memref<2000x8xf32, #tpu.memory_space<hbm>>
          %dma_wait3A_253 = arith.constant 0 : i32
          %dma_wait3A_254 = arith.constant 0 : i32
          %dma_wait3A_255 = tpu.memref_slice %arg2[%dma_wait3A_253, %dma_wait3A_254] : memref<800000x128xf32, #tpu.memory_space<hbm>> -> memref<2000x8xf32, #tpu.memory_space<hbm>>
          tpu.wait_dma2 semaphore(%arg16 : memref<!tpu.dma_semaphore, #tpu.memory_space<semaphore_mem>>) src(%dma_wait3A_255 : memref<2000x8xf32, #tpu.memory_space<hbm>>) dst(%arg11 : memref<2000x8xf32, #tpu.memory_space<vmem>>)
          "tpu.region"() ({
            %run_scoped3A = tpu.sem_alloc : memref<!tpu.dma_semaphore, #tpu.memory_space<semaphore_mem>>
            %dma_start3A_256 = arith.constant 0 : i32
            %dma_start3A_257 = arith.constant 0 : i32
            %dma_start3A_258 = tpu.memref_slice %arg12[%dma_start3A_256, %dma_start3A_257] : memref<100000x8xf32, #tpu.memory_space<vmem_shared>> -> memref<100000x8xf32, #tpu.memory_space<vmem_shared>>
            tpu.enqueue_indirect_dma source(%arg11 : memref<2000x8xf32, #tpu.memory_space<vmem>>) target(%dma_start3A_258 : memref<100000x8xf32, #tpu.memory_space<vmem_shared>>) offsets(%arg9 : memref<2000xi32, #tpu.memory_space<vmem>>) semaphore(%run_scoped3A : memref<!tpu.dma_semaphore, #tpu.memory_space<semaphore_mem>>) {add = true}
            %dma_wait3A_259 = arith.constant 0 : i32
            %dma_wait3A_260 = arith.constant 0 : i32
            %dma_wait3A_261 = tpu.memref_slice %arg12[%dma_wait3A_259, %dma_wait3A_260] : memref<100000x8xf32, #tpu.memory_space<vmem_shared>> -> memref<100000x8xf32, #tpu.memory_space<vmem_shared>>
            tpu.wait_indirect_dma semaphore(%run_scoped3A : memref<!tpu.dma_semaphore, #tpu.memory_space<semaphore_mem>>) src(%arg11 : memref<2000x8xf32, #tpu.memory_space<vmem>>) dst(%dma_wait3A_261 : memref<100000x8xf32, #tpu.memory_space<vmem_shared>>)
            tpu.yield
          }) : () -> ()
        } else {
        }
      }
      %scan3A_118 = arith.constant 13 : i32
      %mul3A_119 = arith.constant 50000 : i32
      %mul3A_120 = arith.muli %arg1, %mul3A_119 : i32
      %add3A_121 = arith.constant 0 : i32
      %add3A_122 = arith.addi %mul3A_120, %add3A_121 : i32
      %add3A_123 = arith.constant 800000 : i32
      %add3A_124 = arith.addi %add3A_123, %add3A_122 : i32
      %dma_start3A_125 = tpu.memref_slice %arg3[%add3A_124] : memref<1600000xi32, #tpu.memory_space<hbm>> -> memref<2000xi32, #tpu.memory_space<hbm>>
      %dma_start3A_126 = tpu.memref_slice %arg3[%add3A_124] : memref<1600000xi32, #tpu.memory_space<hbm>> -> memref<2000xi32, #tpu.memory_space<hbm>>
      tpu.enqueue_dma source(%dma_start3A_126 : memref<2000xi32, #tpu.memory_space<hbm>>) target(%arg8 : memref<2000xi32, #tpu.memory_space<vmem>>) target_semaphore(%arg13 : memref<!tpu.dma_semaphore, #tpu.memory_space<semaphore_mem>>)
      %dma_start3A_127 = arith.constant 112 : i32
      %dma_start3A_128 = tpu.memref_slice %arg2[%add3A_122, %dma_start3A_127] : memref<800000x128xf32, #tpu.memory_space<hbm>> -> memref<2000x8xf32, #tpu.memory_space<hbm>>
      %dma_start3A_129 = arith.constant 112 : i32
      %dma_start3A_130 = tpu.memref_slice %arg2[%add3A_122, %dma_start3A_129] : memref<800000x128xf32, #tpu.memory_space<hbm>> -> memref<2000x8xf32, #tpu.memory_space<hbm>>
      tpu.enqueue_dma source(%dma_start3A_130 : memref<2000x8xf32, #tpu.memory_space<hbm>>) target(%arg10 : memref<2000x8xf32, #tpu.memory_space<vmem>>) target_semaphore(%arg15 : memref<!tpu.dma_semaphore, #tpu.memory_space<semaphore_mem>>)
      %scan3A_131 = arith.constant 0 : i32
      %scan3A_132 = arith.constant 0 : i32
      %scan3A_133 = arith.constant 13 : i32
      %scan3A_134 = arith.addi %scan3A_132, %scan3A_133 : i32
      %scan3A_135 = arith.constant 1 : i32
      scf.for %scan3A_214 = %scan3A_132 to %scan3A_134 step %scan3A_135  : i32 {
        %mul3A_215 = arith.constant 2 : i32
        %mul3A_216 = arith.muli %mul3A_215, %scan3A_214 : i32
        %add3A_217 = arith.constant 1 : i32
        %add3A_218 = arith.addi %mul3A_216, %add3A_217 : i32
        %mul3A_219 = arith.constant 2 : i32
        %mul3A_220 = arith.muli %mul3A_219, %scan3A_214 : i32
        %add3A_221 = arith.constant 2 : i32
        %add3A_222 = arith.addi %mul3A_220, %add3A_221 : i32
        %lt3A = arith.constant 25 : i32
        %lt3A_223 = arith.cmpi slt, %add3A_218, %lt3A : i32
        %convert_element_type3A_224 = arith.extui %lt3A_223 : i1 to i32
        %cond3A_225 = arith.constant 0 : i32
        %cond3A_226 = arith.cmpi ne, %convert_element_type3A_224, %cond3A_225 : i32
        scf.if %cond3A_226 {
          %mul3A_246 = arith.constant 50000 : i32
          %mul3A_247 = arith.muli %arg1, %mul3A_246 : i32
          %mul3A_248 = arith.constant 2000 : i32
          %mul3A_249 = arith.muli %add3A_218, %mul3A_248 : i32
          %add3A_250 = arith.addi %mul3A_247, %mul3A_249 : i32
          %add3A_251 = arith.constant 800000 : i32
          %add3A_252 = arith.addi %add3A_251, %add3A_250 : i32
          %dma_start3A_253 = tpu.memref_slice %arg3[%add3A_252] : memref<1600000xi32, #tpu.memory_space<hbm>> -> memref<2000xi32, #tpu.memory_space<hbm>>
          %dma_start3A_254 = tpu.memref_slice %arg3[%add3A_252] : memref<1600000xi32, #tpu.memory_space<hbm>> -> memref<2000xi32, #tpu.memory_space<hbm>>
          tpu.enqueue_dma source(%dma_start3A_254 : memref<2000xi32, #tpu.memory_space<hbm>>) target(%arg9 : memref<2000xi32, #tpu.memory_space<vmem>>) target_semaphore(%arg14 : memref<!tpu.dma_semaphore, #tpu.memory_space<semaphore_mem>>)
          %dma_start3A_255 = arith.constant 112 : i32
          %dma_start3A_256 = tpu.memref_slice %arg2[%add3A_250, %dma_start3A_255] : memref<800000x128xf32, #tpu.memory_space<hbm>> -> memref<2000x8xf32, #tpu.memory_space<hbm>>
          %dma_start3A_257 = arith.constant 112 : i32
          %dma_start3A_258 = tpu.memref_slice %arg2[%add3A_250, %dma_start3A_257] : memref<800000x128xf32, #tpu.memory_space<hbm>> -> memref<2000x8xf32, #tpu.memory_space<hbm>>
          tpu.enqueue_dma source(%dma_start3A_258 : memref<2000x8xf32, #tpu.memory_space<hbm>>) target(%arg11 : memref<2000x8xf32, #tpu.memory_space<vmem>>) target_semaphore(%arg16 : memref<!tpu.dma_semaphore, #tpu.memory_space<semaphore_mem>>)
        } else {
        }
        %dma_wait3A = arith.constant 0 : i32
        %dma_wait3A_227 = tpu.memref_slice %arg3[%dma_wait3A] : memref<1600000xi32, #tpu.memory_space<hbm>> -> memref<2000xi32, #tpu.memory_space<hbm>>
        %dma_wait3A_228 = arith.constant 0 : i32
        %dma_wait3A_229 = tpu.memref_slice %arg3[%dma_wait3A_228] : memref<1600000xi32, #tpu.memory_space<hbm>> -> memref<2000xi32, #tpu.memory_space<hbm>>
        tpu.wait_dma2 semaphore(%arg13 : memref<!tpu.dma_semaphore, #tpu.memory_space<semaphore_mem>>) src(%dma_wait3A_229 : memref<2000xi32, #tpu.memory_space<hbm>>) dst(%arg8 : memref<2000xi32, #tpu.memory_space<vmem>>)
        %dma_wait3A_230 = arith.constant 0 : i32
        %dma_wait3A_231 = arith.constant 0 : i32
        %dma_wait3A_232 = tpu.memref_slice %arg2[%dma_wait3A_230, %dma_wait3A_231] : memref<800000x128xf32, #tpu.memory_space<hbm>> -> memref<2000x8xf32, #tpu.memory_space<hbm>>
        %dma_wait3A_233 = arith.constant 0 : i32
        %dma_wait3A_234 = arith.constant 0 : i32
        %dma_wait3A_235 = tpu.memref_slice %arg2[%dma_wait3A_233, %dma_wait3A_234] : memref<800000x128xf32, #tpu.memory_space<hbm>> -> memref<2000x8xf32, #tpu.memory_space<hbm>>
        tpu.wait_dma2 semaphore(%arg15 : memref<!tpu.dma_semaphore, #tpu.memory_space<semaphore_mem>>) src(%dma_wait3A_235 : memref<2000x8xf32, #tpu.memory_space<hbm>>) dst(%arg10 : memref<2000x8xf32, #tpu.memory_space<vmem>>)
        "tpu.region"() ({
          %run_scoped3A = tpu.sem_alloc : memref<!tpu.dma_semaphore, #tpu.memory_space<semaphore_mem>>
          %dma_start3A_246 = arith.constant 0 : i32
          %dma_start3A_247 = arith.constant 0 : i32
          %dma_start3A_248 = tpu.memref_slice %arg12[%dma_start3A_246, %dma_start3A_247] : memref<100000x8xf32, #tpu.memory_space<vmem_shared>> -> memref<100000x8xf32, #tpu.memory_space<vmem_shared>>
          tpu.enqueue_indirect_dma source(%arg10 : memref<2000x8xf32, #tpu.memory_space<vmem>>) target(%dma_start3A_248 : memref<100000x8xf32, #tpu.memory_space<vmem_shared>>) offsets(%arg8 : memref<2000xi32, #tpu.memory_space<vmem>>) semaphore(%run_scoped3A : memref<!tpu.dma_semaphore, #tpu.memory_space<semaphore_mem>>) {add = true}
          %dma_wait3A_249 = arith.constant 0 : i32
          %dma_wait3A_250 = arith.constant 0 : i32
          %dma_wait3A_251 = tpu.memref_slice %arg12[%dma_wait3A_249, %dma_wait3A_250] : memref<100000x8xf32, #tpu.memory_space<vmem_shared>> -> memref<100000x8xf32, #tpu.memory_space<vmem_shared>>
          tpu.wait_indirect_dma semaphore(%run_scoped3A : memref<!tpu.dma_semaphore, #tpu.memory_space<semaphore_mem>>) src(%arg10 : memref<2000x8xf32, #tpu.memory_space<vmem>>) dst(%dma_wait3A_251 : memref<100000x8xf32, #tpu.memory_space<vmem_shared>>)
          tpu.yield
        }) : () -> ()
        %lt3A_236 = arith.constant 25 : i32
        %lt3A_237 = arith.cmpi slt, %add3A_222, %lt3A_236 : i32
        %convert_element_type3A_238 = arith.extui %lt3A_237 : i1 to i32
        %cond3A_239 = arith.constant 0 : i32
        %cond3A_240 = arith.cmpi ne, %convert_element_type3A_238, %cond3A_239 : i32
        scf.if %cond3A_240 {
          %mul3A_246 = arith.constant 50000 : i32
          %mul3A_247 = arith.muli %arg1, %mul3A_246 : i32
          %mul3A_248 = arith.constant 2000 : i32
          %mul3A_249 = arith.muli %add3A_222, %mul3A_248 : i32
          %add3A_250 = arith.addi %mul3A_247, %mul3A_249 : i32
          %add3A_251 = arith.constant 800000 : i32
          %add3A_252 = arith.addi %add3A_251, %add3A_250 : i32
          %dma_start3A_253 = tpu.memref_slice %arg3[%add3A_252] : memref<1600000xi32, #tpu.memory_space<hbm>> -> memref<2000xi32, #tpu.memory_space<hbm>>
          %dma_start3A_254 = tpu.memref_slice %arg3[%add3A_252] : memref<1600000xi32, #tpu.memory_space<hbm>> -> memref<2000xi32, #tpu.memory_space<hbm>>
          tpu.enqueue_dma source(%dma_start3A_254 : memref<2000xi32, #tpu.memory_space<hbm>>) target(%arg8 : memref<2000xi32, #tpu.memory_space<vmem>>) target_semaphore(%arg13 : memref<!tpu.dma_semaphore, #tpu.memory_space<semaphore_mem>>)
          %dma_start3A_255 = arith.constant 112 : i32
          %dma_start3A_256 = tpu.memref_slice %arg2[%add3A_250, %dma_start3A_255] : memref<800000x128xf32, #tpu.memory_space<hbm>> -> memref<2000x8xf32, #tpu.memory_space<hbm>>
          %dma_start3A_257 = arith.constant 112 : i32
          %dma_start3A_258 = tpu.memref_slice %arg2[%add3A_250, %dma_start3A_257] : memref<800000x128xf32, #tpu.memory_space<hbm>> -> memref<2000x8xf32, #tpu.memory_space<hbm>>
          tpu.enqueue_dma source(%dma_start3A_258 : memref<2000x8xf32, #tpu.memory_space<hbm>>) target(%arg10 : memref<2000x8xf32, #tpu.memory_space<vmem>>) target_semaphore(%arg15 : memref<!tpu.dma_semaphore, #tpu.memory_space<semaphore_mem>>)
        } else {
        }
        %lt3A_241 = arith.constant 25 : i32
        %lt3A_242 = arith.cmpi slt, %add3A_218, %lt3A_241 : i32
        %convert_element_type3A_243 = arith.extui %lt3A_242 : i1 to i32
        %cond3A_244 = arith.constant 0 : i32
        %cond3A_245 = arith.cmpi ne, %convert_element_type3A_243, %cond3A_244 : i32
        scf.if %cond3A_245 {
          %dma_wait3A_246 = arith.constant 0 : i32
          %dma_wait3A_247 = tpu.memref_slice %arg3[%dma_wait3A_246] : memref<1600000xi32, #tpu.memory_space<hbm>> -> memref<2000xi32, #tpu.memory_space<hbm>>
          %dma_wait3A_248 = arith.constant 0 : i32
          %dma_wait3A_249 = tpu.memref_slice %arg3[%dma_wait3A_248] : memref<1600000xi32, #tpu.memory_space<hbm>> -> memref<2000xi32, #tpu.memory_space<hbm>>
          tpu.wait_dma2 semaphore(%arg14 : memref<!tpu.dma_semaphore, #tpu.memory_space<semaphore_mem>>) src(%dma_wait3A_249 : memref<2000xi32, #tpu.memory_space<hbm>>) dst(%arg9 : memref<2000xi32, #tpu.memory_space<vmem>>)
          %dma_wait3A_250 = arith.constant 0 : i32
          %dma_wait3A_251 = arith.constant 0 : i32
          %dma_wait3A_252 = tpu.memref_slice %arg2[%dma_wait3A_250, %dma_wait3A_251] : memref<800000x128xf32, #tpu.memory_space<hbm>> -> memref<2000x8xf32, #tpu.memory_space<hbm>>
          %dma_wait3A_253 = arith.constant 0 : i32
          %dma_wait3A_254 = arith.constant 0 : i32
          %dma_wait3A_255 = tpu.memref_slice %arg2[%dma_wait3A_253, %dma_wait3A_254] : memref<800000x128xf32, #tpu.memory_space<hbm>> -> memref<2000x8xf32, #tpu.memory_space<hbm>>
          tpu.wait_dma2 semaphore(%arg16 : memref<!tpu.dma_semaphore, #tpu.memory_space<semaphore_mem>>) src(%dma_wait3A_255 : memref<2000x8xf32, #tpu.memory_space<hbm>>) dst(%arg11 : memref<2000x8xf32, #tpu.memory_space<vmem>>)
          "tpu.region"() ({
            %run_scoped3A = tpu.sem_alloc : memref<!tpu.dma_semaphore, #tpu.memory_space<semaphore_mem>>
            %dma_start3A_256 = arith.constant 0 : i32
            %dma_start3A_257 = arith.constant 0 : i32
            %dma_start3A_258 = tpu.memref_slice %arg12[%dma_start3A_256, %dma_start3A_257] : memref<100000x8xf32, #tpu.memory_space<vmem_shared>> -> memref<100000x8xf32, #tpu.memory_space<vmem_shared>>
            tpu.enqueue_indirect_dma source(%arg11 : memref<2000x8xf32, #tpu.memory_space<vmem>>) target(%dma_start3A_258 : memref<100000x8xf32, #tpu.memory_space<vmem_shared>>) offsets(%arg9 : memref<2000xi32, #tpu.memory_space<vmem>>) semaphore(%run_scoped3A : memref<!tpu.dma_semaphore, #tpu.memory_space<semaphore_mem>>) {add = true}
            %dma_wait3A_259 = arith.constant 0 : i32
            %dma_wait3A_260 = arith.constant 0 : i32
            %dma_wait3A_261 = tpu.memref_slice %arg12[%dma_wait3A_259, %dma_wait3A_260] : memref<100000x8xf32, #tpu.memory_space<vmem_shared>> -> memref<100000x8xf32, #tpu.memory_space<vmem_shared>>
            tpu.wait_indirect_dma semaphore(%run_scoped3A : memref<!tpu.dma_semaphore, #tpu.memory_space<semaphore_mem>>) src(%arg11 : memref<2000x8xf32, #tpu.memory_space<vmem>>) dst(%dma_wait3A_261 : memref<100000x8xf32, #tpu.memory_space<vmem_shared>>)
            tpu.yield
          }) : () -> ()
        } else {
        }
      }
      %scan3A_136 = arith.constant 13 : i32
      %barrier3A_137 = arith.constant 0 : index
      tpu.barrier barrier_id(%barrier3A_137)
      %mul3A_138 = arith.constant 6250 : i32
      %mul3A_139 = arith.muli %arg1, %mul3A_138 : i32
      %mul3A_140 = arith.constant 6250 : i32
      %mul3A_141 = arith.muli %arg1, %mul3A_140 : i32
      "tpu.region"() ({
        %run_scoped3A = tpu.sem_alloc : memref<!tpu.dma_semaphore, #tpu.memory_space<semaphore_mem>>
        %dma_start3A_214 = arith.constant 48 : i32
        %dma_start3A_215 = tpu.memref_slice %arg6[%mul3A_141, %dma_start3A_214] : memref<100000x64xf32, #tpu.memory_space<hbm>> -> memref<6250x8xf32, #tpu.memory_space<hbm>>
        %dma_start3A_216 = arith.constant 0 : i32
        %dma_start3A_217 = tpu.memref_slice %arg12[%mul3A_139, %dma_start3A_216] : memref<100000x8xf32, #tpu.memory_space<vmem_shared>> -> memref<6250x8xf32, #tpu.memory_space<vmem_shared>>
        tpu.enqueue_dma source(%dma_start3A_217 : memref<6250x8xf32, #tpu.memory_space<vmem_shared>>) target(%dma_start3A_215 : memref<6250x8xf32, #tpu.memory_space<hbm>>) target_semaphore(%run_scoped3A : memref<!tpu.dma_semaphore, #tpu.memory_space<semaphore_mem>>)
        %dma_wait3A = arith.constant 48 : i32
        %dma_wait3A_218 = tpu.memref_slice %arg6[%mul3A_141, %dma_wait3A] : memref<100000x64xf32, #tpu.memory_space<hbm>> -> memref<6250x8xf32, #tpu.memory_space<hbm>>
        %dma_wait3A_219 = arith.constant 0 : i32
        %dma_wait3A_220 = tpu.memref_slice %arg12[%mul3A_139, %dma_wait3A_219] : memref<100000x8xf32, #tpu.memory_space<vmem_shared>> -> memref<6250x8xf32, #tpu.memory_space<vmem_shared>>
        tpu.wait_dma2 semaphore(%run_scoped3A : memref<!tpu.dma_semaphore, #tpu.memory_space<semaphore_mem>>) src(%dma_wait3A_220 : memref<6250x8xf32, #tpu.memory_space<vmem_shared>>) dst(%dma_wait3A_218 : memref<6250x8xf32, #tpu.memory_space<hbm>>)
        tpu.yield
      }) : () -> ()
      %barrier3A_142 = arith.constant 0 : index
      tpu.barrier barrier_id(%barrier3A_142)
      %mul3A_143 = arith.constant 6250 : i32
      %mul3A_144 = arith.muli %arg1, %mul3A_143 : i32
      %mul3A_145 = arith.constant 6250 : i32
      %mul3A_146 = arith.muli %arg1, %mul3A_145 : i32
      "tpu.region"() ({
        %run_scoped3A = tpu.sem_alloc : memref<!tpu.dma_semaphore, #tpu.memory_space<semaphore_mem>>
        %dma_start3A_214 = arith.constant 0 : i32
        %dma_start3A_215 = tpu.memref_slice %arg12[%mul3A_146, %dma_start3A_214] : memref<100000x8xf32, #tpu.memory_space<vmem_shared>> -> memref<6250x8xf32, #tpu.memory_space<vmem_shared>>
        %dma_start3A_216 = arith.constant 0 : i32
        %dma_start3A_217 = tpu.memref_slice %arg4[%mul3A_144, %dma_start3A_216] : memref<100000x8xf32, #tpu.memory_space<hbm>> -> memref<6250x8xf32, #tpu.memory_space<hbm>>
        tpu.enqueue_dma source(%dma_start3A_217 : memref<6250x8xf32, #tpu.memory_space<hbm>>) target(%dma_start3A_215 : memref<6250x8xf32, #tpu.memory_space<vmem_shared>>) target_semaphore(%run_scoped3A : memref<!tpu.dma_semaphore, #tpu.memory_space<semaphore_mem>>)
        %dma_wait3A = arith.constant 0 : i32
        %dma_wait3A_218 = tpu.memref_slice %arg12[%mul3A_146, %dma_wait3A] : memref<100000x8xf32, #tpu.memory_space<vmem_shared>> -> memref<6250x8xf32, #tpu.memory_space<vmem_shared>>
        %dma_wait3A_219 = arith.constant 0 : i32
        %dma_wait3A_220 = tpu.memref_slice %arg4[%mul3A_144, %dma_wait3A_219] : memref<100000x8xf32, #tpu.memory_space<hbm>> -> memref<6250x8xf32, #tpu.memory_space<hbm>>
        tpu.wait_dma2 semaphore(%run_scoped3A : memref<!tpu.dma_semaphore, #tpu.memory_space<semaphore_mem>>) src(%dma_wait3A_220 : memref<6250x8xf32, #tpu.memory_space<hbm>>) dst(%dma_wait3A_218 : memref<6250x8xf32, #tpu.memory_space<vmem_shared>>)
        tpu.yield
      }) : () -> ()
      %barrier3A_147 = arith.constant 0 : index
      tpu.barrier barrier_id(%barrier3A_147)
      %mul3A_148 = arith.constant 50000 : i32
      %mul3A_149 = arith.muli %arg1, %mul3A_148 : i32
      %add3A_150 = arith.constant 0 : i32
      %add3A_151 = arith.addi %mul3A_149, %add3A_150 : i32
      %add3A_152 = arith.constant 0 : i32
      %add3A_153 = arith.addi %add3A_152, %add3A_151 : i32
      %dma_start3A_154 = tpu.memref_slice %arg3[%add3A_153] : memref<1600000xi32, #tpu.memory_space<hbm>> -> memref<2000xi32, #tpu.memory_space<hbm>>
      %dma_start3A_155 = tpu.memref_slice %arg3[%add3A_153] : memref<1600000xi32, #tpu.memory_space<hbm>> -> memref<2000xi32, #tpu.memory_space<hbm>>
      tpu.enqueue_dma source(%dma_start3A_155 : memref<2000xi32, #tpu.memory_space<hbm>>) target(%arg8 : memref<2000xi32, #tpu.memory_space<vmem>>) target_semaphore(%arg13 : memref<!tpu.dma_semaphore, #tpu.memory_space<semaphore_mem>>)
      %dma_start3A_156 = arith.constant 56 : i32
      %dma_start3A_157 = tpu.memref_slice %arg2[%add3A_151, %dma_start3A_156] : memref<800000x128xf32, #tpu.memory_space<hbm>> -> memref<2000x8xf32, #tpu.memory_space<hbm>>
      %dma_start3A_158 = arith.constant 56 : i32
      %dma_start3A_159 = tpu.memref_slice %arg2[%add3A_151, %dma_start3A_158] : memref<800000x128xf32, #tpu.memory_space<hbm>> -> memref<2000x8xf32, #tpu.memory_space<hbm>>
      tpu.enqueue_dma source(%dma_start3A_159 : memref<2000x8xf32, #tpu.memory_space<hbm>>) target(%arg10 : memref<2000x8xf32, #tpu.memory_space<vmem>>) target_semaphore(%arg15 : memref<!tpu.dma_semaphore, #tpu.memory_space<semaphore_mem>>)
      %scan3A_160 = arith.constant 0 : i32
      %scan3A_161 = arith.constant 0 : i32
      %scan3A_162 = arith.constant 13 : i32
      %scan3A_163 = arith.addi %scan3A_161, %scan3A_162 : i32
      %scan3A_164 = arith.constant 1 : i32
      scf.for %scan3A_214 = %scan3A_161 to %scan3A_163 step %scan3A_164  : i32 {
        %mul3A_215 = arith.constant 2 : i32
        %mul3A_216 = arith.muli %mul3A_215, %scan3A_214 : i32
        %add3A_217 = arith.constant 1 : i32
        %add3A_218 = arith.addi %mul3A_216, %add3A_217 : i32
        %mul3A_219 = arith.constant 2 : i32
        %mul3A_220 = arith.muli %mul3A_219, %scan3A_214 : i32
        %add3A_221 = arith.constant 2 : i32
        %add3A_222 = arith.addi %mul3A_220, %add3A_221 : i32
        %lt3A = arith.constant 25 : i32
        %lt3A_223 = arith.cmpi slt, %add3A_218, %lt3A : i32
        %convert_element_type3A_224 = arith.extui %lt3A_223 : i1 to i32
        %cond3A_225 = arith.constant 0 : i32
        %cond3A_226 = arith.cmpi ne, %convert_element_type3A_224, %cond3A_225 : i32
        scf.if %cond3A_226 {
          %mul3A_246 = arith.constant 50000 : i32
          %mul3A_247 = arith.muli %arg1, %mul3A_246 : i32
          %mul3A_248 = arith.constant 2000 : i32
          %mul3A_249 = arith.muli %add3A_218, %mul3A_248 : i32
          %add3A_250 = arith.addi %mul3A_247, %mul3A_249 : i32
          %add3A_251 = arith.constant 0 : i32
          %add3A_252 = arith.addi %add3A_251, %add3A_250 : i32
          %dma_start3A_253 = tpu.memref_slice %arg3[%add3A_252] : memref<1600000xi32, #tpu.memory_space<hbm>> -> memref<2000xi32, #tpu.memory_space<hbm>>
          %dma_start3A_254 = tpu.memref_slice %arg3[%add3A_252] : memref<1600000xi32, #tpu.memory_space<hbm>> -> memref<2000xi32, #tpu.memory_space<hbm>>
          tpu.enqueue_dma source(%dma_start3A_254 : memref<2000xi32, #tpu.memory_space<hbm>>) target(%arg9 : memref<2000xi32, #tpu.memory_space<vmem>>) target_semaphore(%arg14 : memref<!tpu.dma_semaphore, #tpu.memory_space<semaphore_mem>>)
          %dma_start3A_255 = arith.constant 56 : i32
          %dma_start3A_256 = tpu.memref_slice %arg2[%add3A_250, %dma_start3A_255] : memref<800000x128xf32, #tpu.memory_space<hbm>> -> memref<2000x8xf32, #tpu.memory_space<hbm>>
          %dma_start3A_257 = arith.constant 56 : i32
          %dma_start3A_258 = tpu.memref_slice %arg2[%add3A_250, %dma_start3A_257] : memref<800000x128xf32, #tpu.memory_space<hbm>> -> memref<2000x8xf32, #tpu.memory_space<hbm>>
          tpu.enqueue_dma source(%dma_start3A_258 : memref<2000x8xf32, #tpu.memory_space<hbm>>) target(%arg11 : memref<2000x8xf32, #tpu.memory_space<vmem>>) target_semaphore(%arg16 : memref<!tpu.dma_semaphore, #tpu.memory_space<semaphore_mem>>)
        } else {
        }
        %dma_wait3A = arith.constant 0 : i32
        %dma_wait3A_227 = tpu.memref_slice %arg3[%dma_wait3A] : memref<1600000xi32, #tpu.memory_space<hbm>> -> memref<2000xi32, #tpu.memory_space<hbm>>
        %dma_wait3A_228 = arith.constant 0 : i32
        %dma_wait3A_229 = tpu.memref_slice %arg3[%dma_wait3A_228] : memref<1600000xi32, #tpu.memory_space<hbm>> -> memref<2000xi32, #tpu.memory_space<hbm>>
        tpu.wait_dma2 semaphore(%arg13 : memref<!tpu.dma_semaphore, #tpu.memory_space<semaphore_mem>>) src(%dma_wait3A_229 : memref<2000xi32, #tpu.memory_space<hbm>>) dst(%arg8 : memref<2000xi32, #tpu.memory_space<vmem>>)
        %dma_wait3A_230 = arith.constant 0 : i32
        %dma_wait3A_231 = arith.constant 0 : i32
        %dma_wait3A_232 = tpu.memref_slice %arg2[%dma_wait3A_230, %dma_wait3A_231] : memref<800000x128xf32, #tpu.memory_space<hbm>> -> memref<2000x8xf32, #tpu.memory_space<hbm>>
        %dma_wait3A_233 = arith.constant 0 : i32
        %dma_wait3A_234 = arith.constant 0 : i32
        %dma_wait3A_235 = tpu.memref_slice %arg2[%dma_wait3A_233, %dma_wait3A_234] : memref<800000x128xf32, #tpu.memory_space<hbm>> -> memref<2000x8xf32, #tpu.memory_space<hbm>>
        tpu.wait_dma2 semaphore(%arg15 : memref<!tpu.dma_semaphore, #tpu.memory_space<semaphore_mem>>) src(%dma_wait3A_235 : memref<2000x8xf32, #tpu.memory_space<hbm>>) dst(%arg10 : memref<2000x8xf32, #tpu.memory_space<vmem>>)
        "tpu.region"() ({
          %run_scoped3A = tpu.sem_alloc : memref<!tpu.dma_semaphore, #tpu.memory_space<semaphore_mem>>
          %dma_start3A_246 = arith.constant 0 : i32
          %dma_start3A_247 = arith.constant 0 : i32
          %dma_start3A_248 = tpu.memref_slice %arg12[%dma_start3A_246, %dma_start3A_247] : memref<100000x8xf32, #tpu.memory_space<vmem_shared>> -> memref<100000x8xf32, #tpu.memory_space<vmem_shared>>
          tpu.enqueue_indirect_dma source(%arg10 : memref<2000x8xf32, #tpu.memory_space<vmem>>) target(%dma_start3A_248 : memref<100000x8xf32, #tpu.memory_space<vmem_shared>>) offsets(%arg8 : memref<2000xi32, #tpu.memory_space<vmem>>) semaphore(%run_scoped3A : memref<!tpu.dma_semaphore, #tpu.memory_space<semaphore_mem>>) {add = true}
          %dma_wait3A_249 = arith.constant 0 : i32
          %dma_wait3A_250 = arith.constant 0 : i32
          %dma_wait3A_251 = tpu.memref_slice %arg12[%dma_wait3A_249, %dma_wait3A_250] : memref<100000x8xf32, #tpu.memory_space<vmem_shared>> -> memref<100000x8xf32, #tpu.memory_space<vmem_shared>>
          tpu.wait_indirect_dma semaphore(%run_scoped3A : memref<!tpu.dma_semaphore, #tpu.memory_space<semaphore_mem>>) src(%arg10 : memref<2000x8xf32, #tpu.memory_space<vmem>>) dst(%dma_wait3A_251 : memref<100000x8xf32, #tpu.memory_space<vmem_shared>>)
          tpu.yield
        }) : () -> ()
        %lt3A_236 = arith.constant 25 : i32
        %lt3A_237 = arith.cmpi slt, %add3A_222, %lt3A_236 : i32
        %convert_element_type3A_238 = arith.extui %lt3A_237 : i1 to i32
        %cond3A_239 = arith.constant 0 : i32
        %cond3A_240 = arith.cmpi ne, %convert_element_type3A_238, %cond3A_239 : i32
        scf.if %cond3A_240 {
          %mul3A_246 = arith.constant 50000 : i32
          %mul3A_247 = arith.muli %arg1, %mul3A_246 : i32
          %mul3A_248 = arith.constant 2000 : i32
          %mul3A_249 = arith.muli %add3A_222, %mul3A_248 : i32
          %add3A_250 = arith.addi %mul3A_247, %mul3A_249 : i32
          %add3A_251 = arith.constant 0 : i32
          %add3A_252 = arith.addi %add3A_251, %add3A_250 : i32
          %dma_start3A_253 = tpu.memref_slice %arg3[%add3A_252] : memref<1600000xi32, #tpu.memory_space<hbm>> -> memref<2000xi32, #tpu.memory_space<hbm>>
          %dma_start3A_254 = tpu.memref_slice %arg3[%add3A_252] : memref<1600000xi32, #tpu.memory_space<hbm>> -> memref<2000xi32, #tpu.memory_space<hbm>>
          tpu.enqueue_dma source(%dma_start3A_254 : memref<2000xi32, #tpu.memory_space<hbm>>) target(%arg8 : memref<2000xi32, #tpu.memory_space<vmem>>) target_semaphore(%arg13 : memref<!tpu.dma_semaphore, #tpu.memory_space<semaphore_mem>>)
          %dma_start3A_255 = arith.constant 56 : i32
          %dma_start3A_256 = tpu.memref_slice %arg2[%add3A_250, %dma_start3A_255] : memref<800000x128xf32, #tpu.memory_space<hbm>> -> memref<2000x8xf32, #tpu.memory_space<hbm>>
          %dma_start3A_257 = arith.constant 56 : i32
          %dma_start3A_258 = tpu.memref_slice %arg2[%add3A_250, %dma_start3A_257] : memref<800000x128xf32, #tpu.memory_space<hbm>> -> memref<2000x8xf32, #tpu.memory_space<hbm>>
          tpu.enqueue_dma source(%dma_start3A_258 : memref<2000x8xf32, #tpu.memory_space<hbm>>) target(%arg10 : memref<2000x8xf32, #tpu.memory_space<vmem>>) target_semaphore(%arg15 : memref<!tpu.dma_semaphore, #tpu.memory_space<semaphore_mem>>)
        } else {
        }
        %lt3A_241 = arith.constant 25 : i32
        %lt3A_242 = arith.cmpi slt, %add3A_218, %lt3A_241 : i32
        %convert_element_type3A_243 = arith.extui %lt3A_242 : i1 to i32
        %cond3A_244 = arith.constant 0 : i32
        %cond3A_245 = arith.cmpi ne, %convert_element_type3A_243, %cond3A_244 : i32
        scf.if %cond3A_245 {
          %dma_wait3A_246 = arith.constant 0 : i32
          %dma_wait3A_247 = tpu.memref_slice %arg3[%dma_wait3A_246] : memref<1600000xi32, #tpu.memory_space<hbm>> -> memref<2000xi32, #tpu.memory_space<hbm>>
          %dma_wait3A_248 = arith.constant 0 : i32
          %dma_wait3A_249 = tpu.memref_slice %arg3[%dma_wait3A_248] : memref<1600000xi32, #tpu.memory_space<hbm>> -> memref<2000xi32, #tpu.memory_space<hbm>>
          tpu.wait_dma2 semaphore(%arg14 : memref<!tpu.dma_semaphore, #tpu.memory_space<semaphore_mem>>) src(%dma_wait3A_249 : memref<2000xi32, #tpu.memory_space<hbm>>) dst(%arg9 : memref<2000xi32, #tpu.memory_space<vmem>>)
          %dma_wait3A_250 = arith.constant 0 : i32
          %dma_wait3A_251 = arith.constant 0 : i32
          %dma_wait3A_252 = tpu.memref_slice %arg2[%dma_wait3A_250, %dma_wait3A_251] : memref<800000x128xf32, #tpu.memory_space<hbm>> -> memref<2000x8xf32, #tpu.memory_space<hbm>>
          %dma_wait3A_253 = arith.constant 0 : i32
          %dma_wait3A_254 = arith.constant 0 : i32
          %dma_wait3A_255 = tpu.memref_slice %arg2[%dma_wait3A_253, %dma_wait3A_254] : memref<800000x128xf32, #tpu.memory_space<hbm>> -> memref<2000x8xf32, #tpu.memory_space<hbm>>
          tpu.wait_dma2 semaphore(%arg16 : memref<!tpu.dma_semaphore, #tpu.memory_space<semaphore_mem>>) src(%dma_wait3A_255 : memref<2000x8xf32, #tpu.memory_space<hbm>>) dst(%arg11 : memref<2000x8xf32, #tpu.memory_space<vmem>>)
          "tpu.region"() ({
            %run_scoped3A = tpu.sem_alloc : memref<!tpu.dma_semaphore, #tpu.memory_space<semaphore_mem>>
            %dma_start3A_256 = arith.constant 0 : i32
            %dma_start3A_257 = arith.constant 0 : i32
            %dma_start3A_258 = tpu.memref_slice %arg12[%dma_start3A_256, %dma_start3A_257] : memref<100000x8xf32, #tpu.memory_space<vmem_shared>> -> memref<100000x8xf32, #tpu.memory_space<vmem_shared>>
            tpu.enqueue_indirect_dma source(%arg11 : memref<2000x8xf32, #tpu.memory_space<vmem>>) target(%dma_start3A_258 : memref<100000x8xf32, #tpu.memory_space<vmem_shared>>) offsets(%arg9 : memref<2000xi32, #tpu.memory_space<vmem>>) semaphore(%run_scoped3A : memref<!tpu.dma_semaphore, #tpu.memory_space<semaphore_mem>>) {add = true}
            %dma_wait3A_259 = arith.constant 0 : i32
            %dma_wait3A_260 = arith.constant 0 : i32
            %dma_wait3A_261 = tpu.memref_slice %arg12[%dma_wait3A_259, %dma_wait3A_260] : memref<100000x8xf32, #tpu.memory_space<vmem_shared>> -> memref<100000x8xf32, #tpu.memory_space<vmem_shared>>
            tpu.wait_indirect_dma semaphore(%run_scoped3A : memref<!tpu.dma_semaphore, #tpu.memory_space<semaphore_mem>>) src(%arg11 : memref<2000x8xf32, #tpu.memory_space<vmem>>) dst(%dma_wait3A_261 : memref<100000x8xf32, #tpu.memory_space<vmem_shared>>)
            tpu.yield
          }) : () -> ()
        } else {
        }
      }
      %scan3A_165 = arith.constant 13 : i32
      %mul3A_166 = arith.constant 50000 : i32
      %mul3A_167 = arith.muli %arg1, %mul3A_166 : i32
      %add3A_168 = arith.constant 0 : i32
      %add3A_169 = arith.addi %mul3A_167, %add3A_168 : i32
      %add3A_170 = arith.constant 800000 : i32
      %add3A_171 = arith.addi %add3A_170, %add3A_169 : i32
      %dma_start3A_172 = tpu.memref_slice %arg3[%add3A_171] : memref<1600000xi32, #tpu.memory_space<hbm>> -> memref<2000xi32, #tpu.memory_space<hbm>>
      %dma_start3A_173 = tpu.memref_slice %arg3[%add3A_171] : memref<1600000xi32, #tpu.memory_space<hbm>> -> memref<2000xi32, #tpu.memory_space<hbm>>
      tpu.enqueue_dma source(%dma_start3A_173 : memref<2000xi32, #tpu.memory_space<hbm>>) target(%arg8 : memref<2000xi32, #tpu.memory_space<vmem>>) target_semaphore(%arg13 : memref<!tpu.dma_semaphore, #tpu.memory_space<semaphore_mem>>)
      %dma_start3A_174 = arith.constant 120 : i32
      %dma_start3A_175 = tpu.memref_slice %arg2[%add3A_169, %dma_start3A_174] : memref<800000x128xf32, #tpu.memory_space<hbm>> -> memref<2000x8xf32, #tpu.memory_space<hbm>>
      %dma_start3A_176 = arith.constant 120 : i32
      %dma_start3A_177 = tpu.memref_slice %arg2[%add3A_169, %dma_start3A_176] : memref<800000x128xf32, #tpu.memory_space<hbm>> -> memref<2000x8xf32, #tpu.memory_space<hbm>>
      tpu.enqueue_dma source(%dma_start3A_177 : memref<2000x8xf32, #tpu.memory_space<hbm>>) target(%arg10 : memref<2000x8xf32, #tpu.memory_space<vmem>>) target_semaphore(%arg15 : memref<!tpu.dma_semaphore, #tpu.memory_space<semaphore_mem>>)
      %scan3A_178 = arith.constant 0 : i32
      %scan3A_179 = arith.constant 0 : i32
      %scan3A_180 = arith.constant 13 : i32
      %scan3A_181 = arith.addi %scan3A_179, %scan3A_180 : i32
      %scan3A_182 = arith.constant 1 : i32
      scf.for %scan3A_214 = %scan3A_179 to %scan3A_181 step %scan3A_182  : i32 {
        %mul3A_215 = arith.constant 2 : i32
        %mul3A_216 = arith.muli %mul3A_215, %scan3A_214 : i32
        %add3A_217 = arith.constant 1 : i32
        %add3A_218 = arith.addi %mul3A_216, %add3A_217 : i32
        %mul3A_219 = arith.constant 2 : i32
        %mul3A_220 = arith.muli %mul3A_219, %scan3A_214 : i32
        %add3A_221 = arith.constant 2 : i32
        %add3A_222 = arith.addi %mul3A_220, %add3A_221 : i32
        %lt3A = arith.constant 25 : i32
        %lt3A_223 = arith.cmpi slt, %add3A_218, %lt3A : i32
        %convert_element_type3A_224 = arith.extui %lt3A_223 : i1 to i32
        %cond3A_225 = arith.constant 0 : i32
        %cond3A_226 = arith.cmpi ne, %convert_element_type3A_224, %cond3A_225 : i32
        scf.if %cond3A_226 {
          %mul3A_246 = arith.constant 50000 : i32
          %mul3A_247 = arith.muli %arg1, %mul3A_246 : i32
          %mul3A_248 = arith.constant 2000 : i32
          %mul3A_249 = arith.muli %add3A_218, %mul3A_248 : i32
          %add3A_250 = arith.addi %mul3A_247, %mul3A_249 : i32
          %add3A_251 = arith.constant 800000 : i32
          %add3A_252 = arith.addi %add3A_251, %add3A_250 : i32
          %dma_start3A_253 = tpu.memref_slice %arg3[%add3A_252] : memref<1600000xi32, #tpu.memory_space<hbm>> -> memref<2000xi32, #tpu.memory_space<hbm>>
          %dma_start3A_254 = tpu.memref_slice %arg3[%add3A_252] : memref<1600000xi32, #tpu.memory_space<hbm>> -> memref<2000xi32, #tpu.memory_space<hbm>>
          tpu.enqueue_dma source(%dma_start3A_254 : memref<2000xi32, #tpu.memory_space<hbm>>) target(%arg9 : memref<2000xi32, #tpu.memory_space<vmem>>) target_semaphore(%arg14 : memref<!tpu.dma_semaphore, #tpu.memory_space<semaphore_mem>>)
          %dma_start3A_255 = arith.constant 120 : i32
          %dma_start3A_256 = tpu.memref_slice %arg2[%add3A_250, %dma_start3A_255] : memref<800000x128xf32, #tpu.memory_space<hbm>> -> memref<2000x8xf32, #tpu.memory_space<hbm>>
          %dma_start3A_257 = arith.constant 120 : i32
          %dma_start3A_258 = tpu.memref_slice %arg2[%add3A_250, %dma_start3A_257] : memref<800000x128xf32, #tpu.memory_space<hbm>> -> memref<2000x8xf32, #tpu.memory_space<hbm>>
          tpu.enqueue_dma source(%dma_start3A_258 : memref<2000x8xf32, #tpu.memory_space<hbm>>) target(%arg11 : memref<2000x8xf32, #tpu.memory_space<vmem>>) target_semaphore(%arg16 : memref<!tpu.dma_semaphore, #tpu.memory_space<semaphore_mem>>)
        } else {
        }
        %dma_wait3A = arith.constant 0 : i32
        %dma_wait3A_227 = tpu.memref_slice %arg3[%dma_wait3A] : memref<1600000xi32, #tpu.memory_space<hbm>> -> memref<2000xi32, #tpu.memory_space<hbm>>
        %dma_wait3A_228 = arith.constant 0 : i32
        %dma_wait3A_229 = tpu.memref_slice %arg3[%dma_wait3A_228] : memref<1600000xi32, #tpu.memory_space<hbm>> -> memref<2000xi32, #tpu.memory_space<hbm>>
        tpu.wait_dma2 semaphore(%arg13 : memref<!tpu.dma_semaphore, #tpu.memory_space<semaphore_mem>>) src(%dma_wait3A_229 : memref<2000xi32, #tpu.memory_space<hbm>>) dst(%arg8 : memref<2000xi32, #tpu.memory_space<vmem>>)
        %dma_wait3A_230 = arith.constant 0 : i32
        %dma_wait3A_231 = arith.constant 0 : i32
        %dma_wait3A_232 = tpu.memref_slice %arg2[%dma_wait3A_230, %dma_wait3A_231] : memref<800000x128xf32, #tpu.memory_space<hbm>> -> memref<2000x8xf32, #tpu.memory_space<hbm>>
        %dma_wait3A_233 = arith.constant 0 : i32
        %dma_wait3A_234 = arith.constant 0 : i32
        %dma_wait3A_235 = tpu.memref_slice %arg2[%dma_wait3A_233, %dma_wait3A_234] : memref<800000x128xf32, #tpu.memory_space<hbm>> -> memref<2000x8xf32, #tpu.memory_space<hbm>>
        tpu.wait_dma2 semaphore(%arg15 : memref<!tpu.dma_semaphore, #tpu.memory_space<semaphore_mem>>) src(%dma_wait3A_235 : memref<2000x8xf32, #tpu.memory_space<hbm>>) dst(%arg10 : memref<2000x8xf32, #tpu.memory_space<vmem>>)
        "tpu.region"() ({
          %run_scoped3A = tpu.sem_alloc : memref<!tpu.dma_semaphore, #tpu.memory_space<semaphore_mem>>
          %dma_start3A_246 = arith.constant 0 : i32
          %dma_start3A_247 = arith.constant 0 : i32
          %dma_start3A_248 = tpu.memref_slice %arg12[%dma_start3A_246, %dma_start3A_247] : memref<100000x8xf32, #tpu.memory_space<vmem_shared>> -> memref<100000x8xf32, #tpu.memory_space<vmem_shared>>
          tpu.enqueue_indirect_dma source(%arg10 : memref<2000x8xf32, #tpu.memory_space<vmem>>) target(%dma_start3A_248 : memref<100000x8xf32, #tpu.memory_space<vmem_shared>>) offsets(%arg8 : memref<2000xi32, #tpu.memory_space<vmem>>) semaphore(%run_scoped3A : memref<!tpu.dma_semaphore, #tpu.memory_space<semaphore_mem>>) {add = true}
          %dma_wait3A_249 = arith.constant 0 : i32
          %dma_wait3A_250 = arith.constant 0 : i32
          %dma_wait3A_251 = tpu.memref_slice %arg12[%dma_wait3A_249, %dma_wait3A_250] : memref<100000x8xf32, #tpu.memory_space<vmem_shared>> -> memref<100000x8xf32, #tpu.memory_space<vmem_shared>>
          tpu.wait_indirect_dma semaphore(%run_scoped3A : memref<!tpu.dma_semaphore, #tpu.memory_space<semaphore_mem>>) src(%arg10 : memref<2000x8xf32, #tpu.memory_space<vmem>>) dst(%dma_wait3A_251 : memref<100000x8xf32, #tpu.memory_space<vmem_shared>>)
          tpu.yield
        }) : () -> ()
        %lt3A_236 = arith.constant 25 : i32
        %lt3A_237 = arith.cmpi slt, %add3A_222, %lt3A_236 : i32
        %convert_element_type3A_238 = arith.extui %lt3A_237 : i1 to i32
        %cond3A_239 = arith.constant 0 : i32
        %cond3A_240 = arith.cmpi ne, %convert_element_type3A_238, %cond3A_239 : i32
        scf.if %cond3A_240 {
          %mul3A_246 = arith.constant 50000 : i32
          %mul3A_247 = arith.muli %arg1, %mul3A_246 : i32
          %mul3A_248 = arith.constant 2000 : i32
          %mul3A_249 = arith.muli %add3A_222, %mul3A_248 : i32
          %add3A_250 = arith.addi %mul3A_247, %mul3A_249 : i32
          %add3A_251 = arith.constant 800000 : i32
          %add3A_252 = arith.addi %add3A_251, %add3A_250 : i32
          %dma_start3A_253 = tpu.memref_slice %arg3[%add3A_252] : memref<1600000xi32, #tpu.memory_space<hbm>> -> memref<2000xi32, #tpu.memory_space<hbm>>
          %dma_start3A_254 = tpu.memref_slice %arg3[%add3A_252] : memref<1600000xi32, #tpu.memory_space<hbm>> -> memref<2000xi32, #tpu.memory_space<hbm>>
          tpu.enqueue_dma source(%dma_start3A_254 : memref<2000xi32, #tpu.memory_space<hbm>>) target(%arg8 : memref<2000xi32, #tpu.memory_space<vmem>>) target_semaphore(%arg13 : memref<!tpu.dma_semaphore, #tpu.memory_space<semaphore_mem>>)
          %dma_start3A_255 = arith.constant 120 : i32
          %dma_start3A_256 = tpu.memref_slice %arg2[%add3A_250, %dma_start3A_255] : memref<800000x128xf32, #tpu.memory_space<hbm>> -> memref<2000x8xf32, #tpu.memory_space<hbm>>
          %dma_start3A_257 = arith.constant 120 : i32
          %dma_start3A_258 = tpu.memref_slice %arg2[%add3A_250, %dma_start3A_257] : memref<800000x128xf32, #tpu.memory_space<hbm>> -> memref<2000x8xf32, #tpu.memory_space<hbm>>
          tpu.enqueue_dma source(%dma_start3A_258 : memref<2000x8xf32, #tpu.memory_space<hbm>>) target(%arg10 : memref<2000x8xf32, #tpu.memory_space<vmem>>) target_semaphore(%arg15 : memref<!tpu.dma_semaphore, #tpu.memory_space<semaphore_mem>>)
        } else {
        }
        %lt3A_241 = arith.constant 25 : i32
        %lt3A_242 = arith.cmpi slt, %add3A_218, %lt3A_241 : i32
        %convert_element_type3A_243 = arith.extui %lt3A_242 : i1 to i32
        %cond3A_244 = arith.constant 0 : i32
        %cond3A_245 = arith.cmpi ne, %convert_element_type3A_243, %cond3A_244 : i32
        scf.if %cond3A_245 {
          %dma_wait3A_246 = arith.constant 0 : i32
          %dma_wait3A_247 = tpu.memref_slice %arg3[%dma_wait3A_246] : memref<1600000xi32, #tpu.memory_space<hbm>> -> memref<2000xi32, #tpu.memory_space<hbm>>
          %dma_wait3A_248 = arith.constant 0 : i32
          %dma_wait3A_249 = tpu.memref_slice %arg3[%dma_wait3A_248] : memref<1600000xi32, #tpu.memory_space<hbm>> -> memref<2000xi32, #tpu.memory_space<hbm>>
          tpu.wait_dma2 semaphore(%arg14 : memref<!tpu.dma_semaphore, #tpu.memory_space<semaphore_mem>>) src(%dma_wait3A_249 : memref<2000xi32, #tpu.memory_space<hbm>>) dst(%arg9 : memref<2000xi32, #tpu.memory_space<vmem>>)
          %dma_wait3A_250 = arith.constant 0 : i32
          %dma_wait3A_251 = arith.constant 0 : i32
          %dma_wait3A_252 = tpu.memref_slice %arg2[%dma_wait3A_250, %dma_wait3A_251] : memref<800000x128xf32, #tpu.memory_space<hbm>> -> memref<2000x8xf32, #tpu.memory_space<hbm>>
          %dma_wait3A_253 = arith.constant 0 : i32
          %dma_wait3A_254 = arith.constant 0 : i32
          %dma_wait3A_255 = tpu.memref_slice %arg2[%dma_wait3A_253, %dma_wait3A_254] : memref<800000x128xf32, #tpu.memory_space<hbm>> -> memref<2000x8xf32, #tpu.memory_space<hbm>>
          tpu.wait_dma2 semaphore(%arg16 : memref<!tpu.dma_semaphore, #tpu.memory_space<semaphore_mem>>) src(%dma_wait3A_255 : memref<2000x8xf32, #tpu.memory_space<hbm>>) dst(%arg11 : memref<2000x8xf32, #tpu.memory_space<vmem>>)
          "tpu.region"() ({
            %run_scoped3A = tpu.sem_alloc : memref<!tpu.dma_semaphore, #tpu.memory_space<semaphore_mem>>
            %dma_start3A_256 = arith.constant 0 : i32
            %dma_start3A_257 = arith.constant 0 : i32
            %dma_start3A_258 = tpu.memref_slice %arg12[%dma_start3A_256, %dma_start3A_257] : memref<100000x8xf32, #tpu.memory_space<vmem_shared>> -> memref<100000x8xf32, #tpu.memory_space<vmem_shared>>
            tpu.enqueue_indirect_dma source(%arg11 : memref<2000x8xf32, #tpu.memory_space<vmem>>) target(%dma_start3A_258 : memref<100000x8xf32, #tpu.memory_space<vmem_shared>>) offsets(%arg9 : memref<2000xi32, #tpu.memory_space<vmem>>) semaphore(%run_scoped3A : memref<!tpu.dma_semaphore, #tpu.memory_space<semaphore_mem>>) {add = true}
            %dma_wait3A_259 = arith.constant 0 : i32
            %dma_wait3A_260 = arith.constant 0 : i32
            %dma_wait3A_261 = tpu.memref_slice %arg12[%dma_wait3A_259, %dma_wait3A_260] : memref<100000x8xf32, #tpu.memory_space<vmem_shared>> -> memref<100000x8xf32, #tpu.memory_space<vmem_shared>>
            tpu.wait_indirect_dma semaphore(%run_scoped3A : memref<!tpu.dma_semaphore, #tpu.memory_space<semaphore_mem>>) src(%arg11 : memref<2000x8xf32, #tpu.memory_space<vmem>>) dst(%dma_wait3A_261 : memref<100000x8xf32, #tpu.memory_space<vmem_shared>>)
            tpu.yield
          }) : () -> ()
        } else {
        }
      }
      %scan3A_183 = arith.constant 13 : i32
      %barrier3A_184 = arith.constant 0 : index
      tpu.barrier barrier_id(%barrier3A_184)
      %mul3A_185 = arith.constant 6250 : i32
      %mul3A_186 = arith.muli %arg1, %mul3A_185 : i32
      %mul3A_187 = arith.constant 6250 : i32
      %mul3A_188 = arith.muli %arg1, %mul3A_187 : i32
      "tpu.region"() ({
        %run_scoped3A = tpu.sem_alloc : memref<!tpu.dma_semaphore, #tpu.memory_space<semaphore_mem>>
        %dma_start3A_214 = arith.constant 56 : i32
        %dma_start3A_215 = tpu.memref_slice %arg6[%mul3A_188, %dma_start3A_214] : memref<100000x64xf32, #tpu.memory_space<hbm>> -> memref<6250x8xf32, #tpu.memory_space<hbm>>
        %dma_start3A_216 = arith.constant 0 : i32
        %dma_start3A_217 = tpu.memref_slice %arg12[%mul3A_186, %dma_start3A_216] : memref<100000x8xf32, #tpu.memory_space<vmem_shared>> -> memref<6250x8xf32, #tpu.memory_space<vmem_shared>>
        tpu.enqueue_dma source(%dma_start3A_217 : memref<6250x8xf32, #tpu.memory_space<vmem_shared>>) target(%dma_start3A_215 : memref<6250x8xf32, #tpu.memory_space<hbm>>) target_semaphore(%run_scoped3A : memref<!tpu.dma_semaphore, #tpu.memory_space<semaphore_mem>>)
        %dma_wait3A = arith.constant 56 : i32
        %dma_wait3A_218 = tpu.memref_slice %arg6[%mul3A_188, %dma_wait3A] : memref<100000x64xf32, #tpu.memory_space<hbm>> -> memref<6250x8xf32, #tpu.memory_space<hbm>>
        %dma_wait3A_219 = arith.constant 0 : i32
        %dma_wait3A_220 = tpu.memref_slice %arg12[%mul3A_186, %dma_wait3A_219] : memref<100000x8xf32, #tpu.memory_space<vmem_shared>> -> memref<6250x8xf32, #tpu.memory_space<vmem_shared>>
        tpu.wait_dma2 semaphore(%run_scoped3A : memref<!tpu.dma_semaphore, #tpu.memory_space<semaphore_mem>>) src(%dma_wait3A_220 : memref<6250x8xf32, #tpu.memory_space<vmem_shared>>) dst(%dma_wait3A_218 : memref<6250x8xf32, #tpu.memory_space<hbm>>)
        tpu.yield
      }) : () -> ()
      %barrier3A_189 = arith.constant 0 : index
      tpu.barrier barrier_id(%barrier3A_189)
      %mul3A_190 = arith.constant 6250 : i32
      %mul3A_191 = arith.muli %arg1, %mul3A_190 : i32
      %mul3A_192 = arith.constant 6250 : i32
      %mul3A_193 = arith.muli %arg1, %mul3A_192 : i32
      "tpu.region"() ({
        %run_scoped3A = tpu.sem_alloc : memref<!tpu.dma_semaphore, #tpu.memory_space<semaphore_mem>>
        %dma_start3A_214 = arith.constant 0 : i32
        %dma_start3A_215 = tpu.memref_slice %arg12[%mul3A_193, %dma_start3A_214] : memref<100000x8xf32, #tpu.memory_space<vmem_shared>> -> memref<6250x8xf32, #tpu.memory_space<vmem_shared>>
        %dma_start3A_216 = arith.constant 0 : i32
        %dma_start3A_217 = tpu.memref_slice %arg4[%mul3A_191, %dma_start3A_216] : memref<100000x8xf32, #tpu.memory_space<hbm>> -> memref<6250x8xf32, #tpu.memory_space<hbm>>
        tpu.enqueue_dma source(%dma_start3A_217 : memref<6250x8xf32, #tpu.memory_space<hbm>>) target(%dma_start3A_215 : memref<6250x8xf32, #tpu.memory_space<vmem_shared>>) target_semaphore(%run_scoped3A : memref<!tpu.dma_semaphore, #tpu.memory_space<semaphore_mem>>)
        %dma_wait3A = arith.constant 0 : i32
        %dma_wait3A_218 = tpu.memref_slice %arg12[%mul3A_193, %dma_wait3A] : memref<100000x8xf32, #tpu.memory_space<vmem_shared>> -> memref<6250x8xf32, #tpu.memory_space<vmem_shared>>
        %dma_wait3A_219 = arith.constant 0 : i32
        %dma_wait3A_220 = tpu.memref_slice %arg4[%mul3A_191, %dma_wait3A_219] : memref<100000x8xf32, #tpu.memory_space<hbm>> -> memref<6250x8xf32, #tpu.memory_space<hbm>>
        tpu.wait_dma2 semaphore(%run_scoped3A : memref<!tpu.dma_semaphore, #tpu.memory_space<semaphore_mem>>) src(%dma_wait3A_220 : memref<6250x8xf32, #tpu.memory_space<hbm>>) dst(%dma_wait3A_218 : memref<6250x8xf32, #tpu.memory_space<vmem_shared>>)
        tpu.yield
      }) : () -> ()
      "tpu.region"() ({
        %run_scoped3A = tpu.sem_alloc : memref<!tpu.dma_semaphore, #tpu.memory_space<semaphore_mem>>
        tpu.enqueue_dma source(%arg5 : memref<2000x8xf32, #tpu.memory_space<hbm>>) target(%arg10 : memref<2000x8xf32, #tpu.memory_space<vmem>>) target_semaphore(%run_scoped3A : memref<!tpu.dma_semaphore, #tpu.memory_space<semaphore_mem>>)
        tpu.wait_dma2 semaphore(%run_scoped3A : memref<!tpu.dma_semaphore, #tpu.memory_space<semaphore_mem>>) src(%arg5 : memref<2000x8xf32, #tpu.memory_space<hbm>>) dst(%arg10 : memref<2000x8xf32, #tpu.memory_space<vmem>>)
        tpu.yield
      }) : () -> ()
      %barrier3A_194 = arith.constant 0 : index
      tpu.barrier barrier_id(%barrier3A_194)
      %mul3A_195 = arith.constant 50000 : i32
      %mul3A_196 = arith.muli %arg1, %mul3A_195 : i32
      %add3A_197 = arith.constant 0 : i32
      %add3A_198 = arith.addi %mul3A_196, %add3A_197 : i32
      %add3A_199 = arith.constant 800000 : i32
      %add3A_200 = arith.addi %add3A_199, %add3A_198 : i32
      %dma_start3A_201 = tpu.memref_slice %arg3[%add3A_200] : memref<1600000xi32, #tpu.memory_space<hbm>> -> memref<2000xi32, #tpu.memory_space<hbm>>
      %dma_start3A_202 = tpu.memref_slice %arg3[%add3A_200] : memref<1600000xi32, #tpu.memory_space<hbm>> -> memref<2000xi32, #tpu.memory_space<hbm>>
      tpu.enqueue_dma source(%dma_start3A_202 : memref<2000xi32, #tpu.memory_space<hbm>>) target(%arg8 : memref<2000xi32, #tpu.memory_space<vmem>>) target_semaphore(%arg13 : memref<!tpu.dma_semaphore, #tpu.memory_space<semaphore_mem>>)
      %scan3A_203 = arith.constant 0 : i32
      %scan3A_204 = arith.constant 0 : i32
      %scan3A_205 = arith.constant 13 : i32
      %scan3A_206 = arith.addi %scan3A_204, %scan3A_205 : i32
      %scan3A_207 = arith.constant 1 : i32
      scf.for %scan3A_214 = %scan3A_204 to %scan3A_206 step %scan3A_207  : i32 {
        %mul3A_215 = arith.constant 2 : i32
        %mul3A_216 = arith.muli %mul3A_215, %scan3A_214 : i32
        %add3A_217 = arith.constant 1 : i32
        %add3A_218 = arith.addi %mul3A_216, %add3A_217 : i32
        %mul3A_219 = arith.constant 2 : i32
        %mul3A_220 = arith.muli %mul3A_219, %scan3A_214 : i32
        %add3A_221 = arith.constant 2 : i32
        %add3A_222 = arith.addi %mul3A_220, %add3A_221 : i32
        %lt3A = arith.constant 25 : i32
        %lt3A_223 = arith.cmpi slt, %add3A_218, %lt3A : i32
        %convert_element_type3A_224 = arith.extui %lt3A_223 : i1 to i32
        %cond3A_225 = arith.constant 0 : i32
        %cond3A_226 = arith.cmpi ne, %convert_element_type3A_224, %cond3A_225 : i32
        scf.if %cond3A_226 {
          %mul3A_240 = arith.constant 50000 : i32
          %mul3A_241 = arith.muli %arg1, %mul3A_240 : i32
          %mul3A_242 = arith.constant 2000 : i32
          %mul3A_243 = arith.muli %add3A_218, %mul3A_242 : i32
          %add3A_244 = arith.addi %mul3A_241, %mul3A_243 : i32
          %add3A_245 = arith.constant 800000 : i32
          %add3A_246 = arith.addi %add3A_245, %add3A_244 : i32
          %dma_start3A_247 = tpu.memref_slice %arg3[%add3A_246] : memref<1600000xi32, #tpu.memory_space<hbm>> -> memref<2000xi32, #tpu.memory_space<hbm>>
          %dma_start3A_248 = tpu.memref_slice %arg3[%add3A_246] : memref<1600000xi32, #tpu.memory_space<hbm>> -> memref<2000xi32, #tpu.memory_space<hbm>>
          tpu.enqueue_dma source(%dma_start3A_248 : memref<2000xi32, #tpu.memory_space<hbm>>) target(%arg9 : memref<2000xi32, #tpu.memory_space<vmem>>) target_semaphore(%arg14 : memref<!tpu.dma_semaphore, #tpu.memory_space<semaphore_mem>>)
        } else {
        }
        %dma_wait3A = arith.constant 0 : i32
        %dma_wait3A_227 = tpu.memref_slice %arg3[%dma_wait3A] : memref<1600000xi32, #tpu.memory_space<hbm>> -> memref<2000xi32, #tpu.memory_space<hbm>>
        %dma_wait3A_228 = arith.constant 0 : i32
        %dma_wait3A_229 = tpu.memref_slice %arg3[%dma_wait3A_228] : memref<1600000xi32, #tpu.memory_space<hbm>> -> memref<2000xi32, #tpu.memory_space<hbm>>
        tpu.wait_dma2 semaphore(%arg13 : memref<!tpu.dma_semaphore, #tpu.memory_space<semaphore_mem>>) src(%dma_wait3A_229 : memref<2000xi32, #tpu.memory_space<hbm>>) dst(%arg8 : memref<2000xi32, #tpu.memory_space<vmem>>)
        "tpu.region"() ({
          %run_scoped3A = tpu.sem_alloc : memref<!tpu.dma_semaphore, #tpu.memory_space<semaphore_mem>>
          %dma_start3A_240 = arith.constant 0 : i32
          %dma_start3A_241 = arith.constant 0 : i32
          %dma_start3A_242 = tpu.memref_slice %arg12[%dma_start3A_240, %dma_start3A_241] : memref<100000x8xf32, #tpu.memory_space<vmem_shared>> -> memref<100000x8xf32, #tpu.memory_space<vmem_shared>>
          tpu.enqueue_indirect_dma source(%arg10 : memref<2000x8xf32, #tpu.memory_space<vmem>>) target(%dma_start3A_242 : memref<100000x8xf32, #tpu.memory_space<vmem_shared>>) offsets(%arg8 : memref<2000xi32, #tpu.memory_space<vmem>>) semaphore(%run_scoped3A : memref<!tpu.dma_semaphore, #tpu.memory_space<semaphore_mem>>) {add = true}
          %dma_wait3A_243 = arith.constant 0 : i32
          %dma_wait3A_244 = arith.constant 0 : i32
          %dma_wait3A_245 = tpu.memref_slice %arg12[%dma_wait3A_243, %dma_wait3A_244] : memref<100000x8xf32, #tpu.memory_space<vmem_shared>> -> memref<100000x8xf32, #tpu.memory_space<vmem_shared>>
          tpu.wait_indirect_dma semaphore(%run_scoped3A : memref<!tpu.dma_semaphore, #tpu.memory_space<semaphore_mem>>) src(%arg10 : memref<2000x8xf32, #tpu.memory_space<vmem>>) dst(%dma_wait3A_245 : memref<100000x8xf32, #tpu.memory_space<vmem_shared>>)
          tpu.yield
        }) : () -> ()
        %lt3A_230 = arith.constant 25 : i32
        %lt3A_231 = arith.cmpi slt, %add3A_222, %lt3A_230 : i32
        %convert_element_type3A_232 = arith.extui %lt3A_231 : i1 to i32
        %cond3A_233 = arith.constant 0 : i32
        %cond3A_234 = arith.cmpi ne, %convert_element_type3A_232, %cond3A_233 : i32
        scf.if %cond3A_234 {
          %mul3A_240 = arith.constant 50000 : i32
          %mul3A_241 = arith.muli %arg1, %mul3A_240 : i32
          %mul3A_242 = arith.constant 2000 : i32
          %mul3A_243 = arith.muli %add3A_222, %mul3A_242 : i32
          %add3A_244 = arith.addi %mul3A_241, %mul3A_243 : i32
          %add3A_245 = arith.constant 800000 : i32
          %add3A_246 = arith.addi %add3A_245, %add3A_244 : i32
          %dma_start3A_247 = tpu.memref_slice %arg3[%add3A_246] : memref<1600000xi32, #tpu.memory_space<hbm>> -> memref<2000xi32, #tpu.memory_space<hbm>>
          %dma_start3A_248 = tpu.memref_slice %arg3[%add3A_246] : memref<1600000xi32, #tpu.memory_space<hbm>> -> memref<2000xi32, #tpu.memory_space<hbm>>
          tpu.enqueue_dma source(%dma_start3A_248 : memref<2000xi32, #tpu.memory_space<hbm>>) target(%arg8 : memref<2000xi32, #tpu.memory_space<vmem>>) target_semaphore(%arg13 : memref<!tpu.dma_semaphore, #tpu.memory_space<semaphore_mem>>)
        } else {
        }
        %lt3A_235 = arith.constant 25 : i32
        %lt3A_236 = arith.cmpi slt, %add3A_218, %lt3A_235 : i32
        %convert_element_type3A_237 = arith.extui %lt3A_236 : i1 to i32
        %cond3A_238 = arith.constant 0 : i32
        %cond3A_239 = arith.cmpi ne, %convert_element_type3A_237, %cond3A_238 : i32
        scf.if %cond3A_239 {
          %dma_wait3A_240 = arith.constant 0 : i32
          %dma_wait3A_241 = tpu.memref_slice %arg3[%dma_wait3A_240] : memref<1600000xi32, #tpu.memory_space<hbm>> -> memref<2000xi32, #tpu.memory_space<hbm>>
          %dma_wait3A_242 = arith.constant 0 : i32
          %dma_wait3A_243 = tpu.memref_slice %arg3[%dma_wait3A_242] : memref<1600000xi32, #tpu.memory_space<hbm>> -> memref<2000xi32, #tpu.memory_space<hbm>>
          tpu.wait_dma2 semaphore(%arg14 : memref<!tpu.dma_semaphore, #tpu.memory_space<semaphore_mem>>) src(%dma_wait3A_243 : memref<2000xi32, #tpu.memory_space<hbm>>) dst(%arg9 : memref<2000xi32, #tpu.memory_space<vmem>>)
          "tpu.region"() ({
            %run_scoped3A = tpu.sem_alloc : memref<!tpu.dma_semaphore, #tpu.memory_space<semaphore_mem>>
            %dma_start3A_244 = arith.constant 0 : i32
            %dma_start3A_245 = arith.constant 0 : i32
            %dma_start3A_246 = tpu.memref_slice %arg12[%dma_start3A_244, %dma_start3A_245] : memref<100000x8xf32, #tpu.memory_space<vmem_shared>> -> memref<100000x8xf32, #tpu.memory_space<vmem_shared>>
            tpu.enqueue_indirect_dma source(%arg10 : memref<2000x8xf32, #tpu.memory_space<vmem>>) target(%dma_start3A_246 : memref<100000x8xf32, #tpu.memory_space<vmem_shared>>) offsets(%arg9 : memref<2000xi32, #tpu.memory_space<vmem>>) semaphore(%run_scoped3A : memref<!tpu.dma_semaphore, #tpu.memory_space<semaphore_mem>>) {add = true}
            %dma_wait3A_247 = arith.constant 0 : i32
            %dma_wait3A_248 = arith.constant 0 : i32
            %dma_wait3A_249 = tpu.memref_slice %arg12[%dma_wait3A_247, %dma_wait3A_248] : memref<100000x8xf32, #tpu.memory_space<vmem_shared>> -> memref<100000x8xf32, #tpu.memory_space<vmem_shared>>
            tpu.wait_indirect_dma semaphore(%run_scoped3A : memref<!tpu.dma_semaphore, #tpu.memory_space<semaphore_mem>>) src(%arg10 : memref<2000x8xf32, #tpu.memory_space<vmem>>) dst(%dma_wait3A_249 : memref<100000x8xf32, #tpu.memory_space<vmem_shared>>)
            tpu.yield
          }) : () -> ()
        } else {
        }
      }
      %scan3A_208 = arith.constant 13 : i32
      %barrier3A_209 = arith.constant 0 : index
      tpu.barrier barrier_id(%barrier3A_209)
      %mul3A_210 = arith.constant 6250 : i32
      %mul3A_211 = arith.muli %arg1, %mul3A_210 : i32
      %mul3A_212 = arith.constant 6250 : i32
      %mul3A_213 = arith.muli %arg1, %mul3A_212 : i32
      "tpu.region"() ({
        %run_scoped3A = tpu.sem_alloc : memref<!tpu.dma_semaphore, #tpu.memory_space<semaphore_mem>>
        %dma_start3A_214 = arith.constant 8 : i32
        %dma_start3A_215 = tpu.memref_slice %arg7[%mul3A_213, %dma_start3A_214] : memref<100000x16xf32, #tpu.memory_space<hbm>> -> memref<6250x8xf32, #tpu.memory_space<hbm>>
        %dma_start3A_216 = arith.constant 0 : i32
        %dma_start3A_217 = tpu.memref_slice %arg12[%mul3A_211, %dma_start3A_216] : memref<100000x8xf32, #tpu.memory_space<vmem_shared>> -> memref<6250x8xf32, #tpu.memory_space<vmem_shared>>
        tpu.enqueue_dma source(%dma_start3A_217 : memref<6250x8xf32, #tpu.memory_space<vmem_shared>>) target(%dma_start3A_215 : memref<6250x8xf32, #tpu.memory_space<hbm>>) target_semaphore(%run_scoped3A : memref<!tpu.dma_semaphore, #tpu.memory_space<semaphore_mem>>)
        %dma_wait3A = arith.constant 8 : i32
        %dma_wait3A_218 = tpu.memref_slice %arg7[%mul3A_213, %dma_wait3A] : memref<100000x16xf32, #tpu.memory_space<hbm>> -> memref<6250x8xf32, #tpu.memory_space<hbm>>
        %dma_wait3A_219 = arith.constant 0 : i32
        %dma_wait3A_220 = tpu.memref_slice %arg12[%mul3A_211, %dma_wait3A_219] : memref<100000x8xf32, #tpu.memory_space<vmem_shared>> -> memref<6250x8xf32, #tpu.memory_space<vmem_shared>>
        tpu.wait_dma2 semaphore(%run_scoped3A : memref<!tpu.dma_semaphore, #tpu.memory_space<semaphore_mem>>) src(%dma_wait3A_220 : memref<6250x8xf32, #tpu.memory_space<vmem_shared>>) dst(%dma_wait3A_218 : memref<6250x8xf32, #tpu.memory_space<hbm>>)
        tpu.yield
      }) : () -> ()
    } else {
    }
    return
  }
}

module attributes {stable_mosaic.version = 14 : i64} {
  func.func @body(%arg0: i32, %arg1: memref<4000x83xf32, #tpu.memory_space<vmem>>, %arg2: memref<83x8xf32, #tpu.memory_space<vmem>>, %arg3: memref<1x8xf32, #tpu.memory_space<vmem>>, %arg4: memref<8x16xf32, #tpu.memory_space<vmem>>, %arg5: memref<1x16xf32, #tpu.memory_space<vmem>>, %arg6: memref<4000x16xf32, #tpu.memory_space<vmem>>) attributes {dimension_semantics = [#tpu.dimension_semantics<arbitrary>], iteration_bounds = array<i64: 25>, scalar_prefetch = 0 : i64, scratch_operands = 0 : i64, tpu.core_type = #tpu.core_type<tc>, window_params = [{transform_indices = @transform_0, window_bounds = array<i64: 4000, 83>}, {pipeline_mode = #tpu.pipeline_mode<synchronous>, transform_indices = @transform_1, window_bounds = array<i64: 83, 8>}, {pipeline_mode = #tpu.pipeline_mode<synchronous>, transform_indices = @transform_2, window_bounds = array<i64: 1, 8>}, {pipeline_mode = #tpu.pipeline_mode<synchronous>, transform_indices = @transform_3, window_bounds = array<i64: 8, 16>}, {pipeline_mode = #tpu.pipeline_mode<synchronous>, transform_indices = @transform_4, window_bounds = array<i64: 1, 16>}, {transform_indices = @transform_5, window_bounds = array<i64: 4000, 16>}]} {
    %get3A = arith.constant 0 : index
    %get3A_0 = arith.constant 0 : index
    %get3A_1 = vector.load %arg1[%get3A, %get3A_0] : memref<4000x83xf32, #tpu.memory_space<vmem>>, vector<4000x83xf32>
    %get3A_2 = arith.constant 0 : index
    %get3A_3 = arith.constant 0 : index
    %get3A_4 = vector.load %arg2[%get3A_2, %get3A_3] : memref<83x8xf32, #tpu.memory_space<vmem>>, vector<83x8xf32>
    %dot_general3A = arith.constant dense<0.000000e+00> : vector<4000x8xf32>
    %dot_general3A_5 = tpu.matmul %get3A_1, %get3A_4, %dot_general3A {dimension_numbers = #tpu.dot_dimension_numbers<[1], [0], [0], [1], [0, 0, 1, 1], [], []>, transpose_lhs_hint = false} : vector<4000x83xf32>, vector<83x8xf32>, vector<4000x8xf32> -> vector<4000x8xf32>
    %get3A_6 = arith.constant 0 : index
    %get3A_7 = arith.constant 0 : index
    %get3A_8 = vector.load %arg3[%get3A_6, %get3A_7] : memref<1x8xf32, #tpu.memory_space<vmem>>, vector<1x8xf32>
    %add3A = vector.broadcast %get3A_8 : vector<1x8xf32> to vector<4000x8xf32>
    %add3A_9 = arith.addf %dot_general3A_5, %add3A : vector<4000x8xf32>
    %max3A = arith.constant 0.000000e+00 : f32
    %max3A_10 = vector.broadcast %max3A : f32 to vector<4000x8xf32>
    %max3A_11 = arith.maximumf %add3A_9, %max3A_10 : vector<4000x8xf32>
    %get3A_12 = arith.constant 0 : index
    %get3A_13 = arith.constant 0 : index
    %get3A_14 = vector.load %arg4[%get3A_12, %get3A_13] : memref<8x16xf32, #tpu.memory_space<vmem>>, vector<8x16xf32>
    %dot_general3A_15 = arith.constant dense<0.000000e+00> : vector<4000x16xf32>
    %dot_general3A_16 = tpu.matmul %max3A_11, %get3A_14, %dot_general3A_15 {dimension_numbers = #tpu.dot_dimension_numbers<[1], [0], [0], [1], [0, 0, 1, 1], [], []>, transpose_lhs_hint = false} : vector<4000x8xf32>, vector<8x16xf32>, vector<4000x16xf32> -> vector<4000x16xf32>
    %get3A_17 = arith.constant 0 : index
    %get3A_18 = arith.constant 0 : index
    %get3A_19 = vector.load %arg5[%get3A_17, %get3A_18] : memref<1x16xf32, #tpu.memory_space<vmem>>, vector<1x16xf32>
    %add3A_20 = vector.broadcast %get3A_19 : vector<1x16xf32> to vector<4000x16xf32>
    %add3A_21 = arith.addf %dot_general3A_16, %add3A_20 : vector<4000x16xf32>
    %max3A_22 = arith.constant 0.000000e+00 : f32
    %max3A_23 = vector.broadcast %max3A_22 : f32 to vector<4000x16xf32>
    %max3A_24 = arith.maximumf %add3A_21, %max3A_23 : vector<4000x16xf32>
    %swap3A = arith.constant 0 : index
    %swap3A_25 = arith.constant 0 : index
    %swap3A_26 = vector.load %arg6[%swap3A, %swap3A_25] : memref<4000x16xf32, #tpu.memory_space<vmem>>, vector<4000x16xf32>
    tpu.vector_store %arg6[%swap3A, %swap3A_25], %max3A_24 {strides = array<i32>} : memref<4000x16xf32, #tpu.memory_space<vmem>>, vector<4000x16xf32>,
    return
  }
  func.func @transform_0(%arg0: i32) -> (i32, i32) {
    %c0_i32 = arith.constant 0 : i32
    %c0_i32_0 = arith.constant 0 : i32
    return %arg0, %c0_i32 : i32, i32
  }
  func.func @transform_1(%arg0: i32) -> (i32, i32) {
    %c0_i32 = arith.constant 0 : i32
    %c0_i32_0 = arith.constant 0 : i32
    %c0_i32_1 = arith.constant 0 : i32
    return %c0_i32, %c0_i32_0 : i32, i32
  }
  func.func @transform_2(%arg0: i32) -> (i32, i32) {
    %c0_i32 = arith.constant 0 : i32
    %c0_i32_0 = arith.constant 0 : i32
    %c0_i32_1 = arith.constant 0 : i32
    return %c0_i32, %c0_i32_0 : i32, i32
  }
  func.func @transform_3(%arg0: i32) -> (i32, i32) {
    %c0_i32 = arith.constant 0 : i32
    %c0_i32_0 = arith.constant 0 : i32
    %c0_i32_1 = arith.constant 0 : i32
    return %c0_i32, %c0_i32_0 : i32, i32
  }
  func.func @transform_4(%arg0: i32) -> (i32, i32) {
    %c0_i32 = arith.constant 0 : i32
    %c0_i32_0 = arith.constant 0 : i32
    %c0_i32_1 = arith.constant 0 : i32
    return %c0_i32, %c0_i32_0 : i32, i32
  }
  func.func @transform_5(%arg0: i32) -> (i32, i32) {
    %c0_i32 = arith.constant 0 : i32
    %c0_i32_0 = arith.constant 0 : i32
    return %arg0, %c0_i32 : i32, i32
  }
}

module attributes {stable_mosaic.version = 14 : i64} {
  func.func @body(%arg0: i32, %arg1: memref<1x2x4000xf32, #tpu.memory_space<vmem>>, %arg2: memref<1x2x4000xf32, #tpu.memory_space<vmem>>, %arg3: memref<4000x16xf32, #tpu.memory_space<vmem>>, %arg4: memref<4000x16xf32, #tpu.memory_space<vmem>>, %arg5: memref<1x1x4000xi32, #tpu.memory_space<vmem>>, %arg6: memref<1x1x4000xi32, #tpu.memory_space<vmem>>, %arg7: memref<2x4xf32, #tpu.memory_space<vmem>>, %arg8: memref<4x1xf32, #tpu.memory_space<vmem>>, %arg9: memref<4x8xf32, #tpu.memory_space<vmem>>, %arg10: memref<8x1xf32, #tpu.memory_space<vmem>>, %arg11: memref<8x64xf32, #tpu.memory_space<vmem>>, %arg12: memref<16x64xf32, #tpu.memory_space<vmem>>, %arg13: memref<1x4xf32, #tpu.memory_space<vmem>>, %arg14: memref<4x64xf32, #tpu.memory_space<vmem>>, %arg15: memref<1x64xf32, #tpu.memory_space<vmem>>, %arg16: memref<4000x128xf32, #tpu.memory_space<vmem>>, %arg17: memref<64x64xf32, #tpu.memory_space<vmem>>, %arg18: memref<64x8xf32, #tpu.memory_space<vmem>>) attributes {dimension_semantics = [#tpu.dimension_semantics<arbitrary>], iteration_bounds = array<i64: 200>, scalar_prefetch = 0 : i64, scratch_operands = 0 : i64, tpu.core_type = #tpu.core_type<tc>, window_params = [{transform_indices = @transform_0, window_bounds = array<i64: 1, 2, 4000>}, {transform_indices = @transform_1, window_bounds = array<i64: 1, 2, 4000>}, {transform_indices = @transform_2, window_bounds = array<i64: 4000, 16>}, {transform_indices = @transform_3, window_bounds = array<i64: 4000, 16>}, {transform_indices = @transform_4, window_bounds = array<i64: 1, 1, 4000>}, {transform_indices = @transform_5, window_bounds = array<i64: 1, 1, 4000>}, {pipeline_mode = #tpu.pipeline_mode<synchronous>, transform_indices = @transform_6, window_bounds = array<i64: 2, 4>}, {pipeline_mode = #tpu.pipeline_mode<synchronous>, transform_indices = @transform_7, window_bounds = array<i64: 4, 1>}, {pipeline_mode = #tpu.pipeline_mode<synchronous>, transform_indices = @transform_8, window_bounds = array<i64: 4, 8>}, {pipeline_mode = #tpu.pipeline_mode<synchronous>, transform_indices = @transform_9, window_bounds = array<i64: 8, 1>}, {pipeline_mode = #tpu.pipeline_mode<synchronous>, transform_indices = @transform_10, window_bounds = array<i64: 8, 64>}, {pipeline_mode = #tpu.pipeline_mode<synchronous>, transform_indices = @transform_11, window_bounds = array<i64: 16, 64>}, {pipeline_mode = #tpu.pipeline_mode<synchronous>, transform_indices = @transform_12, window_bounds = array<i64: 1, 4>}, {pipeline_mode = #tpu.pipeline_mode<synchronous>, transform_indices = @transform_13, window_bounds = array<i64: 4, 64>}, {pipeline_mode = #tpu.pipeline_mode<synchronous>, transform_indices = @transform_14, window_bounds = array<i64: 1, 64>}, {transform_indices = @transform_15, window_bounds = array<i64: 4000, 128>}, {pipeline_mode = #tpu.pipeline_mode<synchronous>, transform_indices = @transform_16, window_bounds = array<i64: 64, 64>}, {pipeline_mode = #tpu.pipeline_mode<synchronous>, transform_indices = @transform_17, window_bounds = array<i64: 64, 8>}]} {
    %get3A = arith.constant 0 : index
    %get3A_0 = arith.constant 0 : index
    %get3A_1 = vector.load %arg13[%get3A, %get3A_0] : memref<1x4xf32, #tpu.memory_space<vmem>>, vector<1x4xf32>
    %max3A = arith.constant 0.000000e+00 : f32
    %max3A_2 = vector.broadcast %max3A : f32 to vector<1x4xf32>
    %max3A_3 = arith.maximumf %get3A_1, %max3A_2 : vector<1x4xf32>
    %get3A_4 = arith.constant 0 : index
    %get3A_5 = arith.constant 0 : index
    %get3A_6 = vector.load %arg14[%get3A_4, %get3A_5] : memref<4x64xf32, #tpu.memory_space<vmem>>, vector<4x64xf32>
    %dot_general3A = arith.constant dense<0.000000e+00> : vector<1x64xf32>
    %dot_general3A_7 = tpu.matmul %max3A_3, %get3A_6, %dot_general3A {dimension_numbers = #tpu.dot_dimension_numbers<[1], [0], [0], [1], [0, 0, 1, 1], [], []>, transpose_lhs_hint = false} : vector<1x4xf32>, vector<4x64xf32>, vector<1x64xf32> -> vector<1x64xf32>
    %get3A_8 = arith.constant 0 : index
    %get3A_9 = arith.constant 0 : index
    %get3A_10 = vector.load %arg15[%get3A_8, %get3A_9] : memref<1x64xf32, #tpu.memory_space<vmem>>, vector<1x64xf32>
    %add3A = arith.addf %dot_general3A_7, %get3A_10 : vector<1x64xf32>
    %get3A_11 = arith.constant 0 : index
    %get3A_12 = arith.constant 0 : index
    %get3A_13 = arith.constant 0 : index
    %get3A_14 = vector.load %arg1[%get3A_11, %get3A_12, %get3A_13] : memref<1x2x4000xf32, #tpu.memory_space<vmem>>, vector<1x2x4000xf32>
    %get3A_15 = arith.constant 0 : index
    %get3A_16 = arith.constant 0 : index
    %get3A_17 = vector.load %arg3[%get3A_15, %get3A_16] : memref<4000x16xf32, #tpu.memory_space<vmem>>, vector<4000x16xf32>
    %get3A_18 = arith.constant 0 : index
    %get3A_19 = arith.constant 0 : index
    %get3A_20 = arith.constant 0 : index
    %get3A_21 = vector.load %arg5[%get3A_18, %get3A_19, %get3A_20] : memref<1x1x4000xi32, #tpu.memory_space<vmem>>, vector<1x1x4000xi32>
    %squeeze3A = vector.shape_cast %get3A_14 : vector<1x2x4000xf32> to vector<2x4000xf32>
    %get3A_22 = arith.constant 0 : index
    %get3A_23 = arith.constant 0 : index
    %get3A_24 = vector.load %arg7[%get3A_22, %get3A_23] : memref<2x4xf32, #tpu.memory_space<vmem>>, vector<2x4xf32>
    %dot_general3A_25 = arith.constant dense<0.000000e+00> : vector<4x4000xf32>
    %dot_general3A_26 = tpu.matmul %get3A_24, %squeeze3A, %dot_general3A_25 {dimension_numbers = #tpu.dot_dimension_numbers<[0], [0], [1], [1], [0, 1, 1, 1], [], []>, transpose_lhs_hint = false} : vector<2x4xf32>, vector<2x4000xf32>, vector<4x4000xf32> -> vector<4x4000xf32>
    %get3A_27 = arith.constant 0 : index
    %get3A_28 = arith.constant 0 : index
    %get3A_29 = vector.load %arg8[%get3A_27, %get3A_28] : memref<4x1xf32, #tpu.memory_space<vmem>>, vector<4x1xf32>
    %add3A_30 = vector.broadcast %get3A_29 : vector<4x1xf32> to vector<4x4000xf32>
    %add3A_31 = arith.addf %dot_general3A_26, %add3A_30 : vector<4x4000xf32>
    %max3A_32 = arith.constant 0.000000e+00 : f32
    %max3A_33 = vector.broadcast %max3A_32 : f32 to vector<4x4000xf32>
    %max3A_34 = arith.maximumf %add3A_31, %max3A_33 : vector<4x4000xf32>
    %get3A_35 = arith.constant 0 : index
    %get3A_36 = arith.constant 0 : index
    %get3A_37 = vector.load %arg9[%get3A_35, %get3A_36] : memref<4x8xf32, #tpu.memory_space<vmem>>, vector<4x8xf32>
    %dot_general3A_38 = arith.constant dense<0.000000e+00> : vector<8x4000xf32>
    %dot_general3A_39 = tpu.matmul %get3A_37, %max3A_34, %dot_general3A_38 {dimension_numbers = #tpu.dot_dimension_numbers<[0], [0], [1], [1], [0, 1, 1, 1], [], []>, transpose_lhs_hint = false} : vector<4x8xf32>, vector<4x4000xf32>, vector<8x4000xf32> -> vector<8x4000xf32>
    %get3A_40 = arith.constant 0 : index
    %get3A_41 = arith.constant 0 : index
    %get3A_42 = vector.load %arg10[%get3A_40, %get3A_41] : memref<8x1xf32, #tpu.memory_space<vmem>>, vector<8x1xf32>
    %add3A_43 = vector.broadcast %get3A_42 : vector<8x1xf32> to vector<8x4000xf32>
    %add3A_44 = arith.addf %dot_general3A_39, %add3A_43 : vector<8x4000xf32>
    %max3A_45 = arith.constant 0.000000e+00 : f32
    %max3A_46 = vector.broadcast %max3A_45 : f32 to vector<8x4000xf32>
    %max3A_47 = arith.maximumf %add3A_44, %max3A_46 : vector<8x4000xf32>
    %get3A_48 = arith.constant 0 : index
    %get3A_49 = arith.constant 0 : index
    %get3A_50 = vector.load %arg11[%get3A_48, %get3A_49] : memref<8x64xf32, #tpu.memory_space<vmem>>, vector<8x64xf32>
    %dot_general3A_51 = arith.constant dense<0.000000e+00> : vector<4000x64xf32>
    %dot_general3A_52 = tpu.matmul %max3A_47, %get3A_50, %dot_general3A_51 {dimension_numbers = #tpu.dot_dimension_numbers<[0], [0], [1], [1], [0, 1, 1, 1], [], []>, transpose_lhs_hint = false} : vector<8x4000xf32>, vector<8x64xf32>, vector<4000x64xf32> -> vector<4000x64xf32>
    %get3A_53 = arith.constant 0 : index
    %get3A_54 = arith.constant 0 : index
    %get3A_55 = vector.load %arg12[%get3A_53, %get3A_54] : memref<16x64xf32, #tpu.memory_space<vmem>>, vector<16x64xf32>
    %dot_general3A_56 = arith.constant dense<0.000000e+00> : vector<4000x64xf32>
    %dot_general3A_57 = tpu.matmul %get3A_17, %get3A_55, %dot_general3A_56 {dimension_numbers = #tpu.dot_dimension_numbers<[1], [0], [0], [1], [0, 0, 1, 1], [], []>, transpose_lhs_hint = false} : vector<4000x16xf32>, vector<16x64xf32>, vector<4000x64xf32> -> vector<4000x64xf32>
    %add3A_58 = arith.addf %dot_general3A_52, %dot_general3A_57 : vector<4000x64xf32>
    %add3A_59 = vector.broadcast %add3A : vector<1x64xf32> to vector<4000x64xf32>
    %add3A_60 = arith.addf %add3A_58, %add3A_59 : vector<4000x64xf32>
    %max3A_61 = arith.constant 0.000000e+00 : f32
    %max3A_62 = vector.broadcast %max3A_61 : f32 to vector<4000x64xf32>
    %max3A_63 = arith.maximumf %add3A_60, %max3A_62 : vector<4000x64xf32>
    %iota3A = tpu.iota {dimensions = array<i32: 0>} : vector<64x4000xi32>
    %squeeze3A_64 = vector.shape_cast %get3A_21 : vector<1x1x4000xi32> to vector<1x4000xi32>
    %eq3A = vector.broadcast %squeeze3A_64 : vector<1x4000xi32> to vector<64x4000xi32>
    %eq3A_65 = arith.cmpi eq, %iota3A, %eq3A : vector<64x4000xi32>
    %convert_element_type3A = arith.extui %eq3A_65 : vector<64x4000xi1> to vector<64x4000xi32>
    %convert_element_type3A_66 = arith.sitofp %convert_element_type3A : vector<64x4000xi32> to vector<64x4000xf32>
    %dot_general3A_67 = arith.constant dense<0.000000e+00> : vector<64x64xf32>
    %dot_general3A_68 = tpu.matmul %convert_element_type3A_66, %max3A_63, %dot_general3A_67 {dimension_numbers = #tpu.dot_dimension_numbers<[1], [0], [0], [1], [0, 0, 1, 1], [], []>, transpose_lhs_hint = false} : vector<64x4000xf32>, vector<4000x64xf32>, vector<64x64xf32> -> vector<64x64xf32>
    %broadcast_in_dim3A = arith.constant 1.000000e+00 : f32
    %broadcast_in_dim3A_69 = vector.broadcast %broadcast_in_dim3A : f32 to vector<8x4000xf32>
    %dot_general3A_70 = arith.constant dense<0.000000e+00> : vector<64x8xf32>
    %dot_general3A_71 = tpu.matmul %convert_element_type3A_66, %broadcast_in_dim3A_69, %dot_general3A_70 {dimension_numbers = #tpu.dot_dimension_numbers<[1], [1], [0], [0], [0, 0, 1, 0], [], []>, transpose_lhs_hint = false} : vector<64x4000xf32>, vector<8x4000xf32>, vector<64x8xf32> -> vector<64x8xf32>
    %get3A_72 = arith.constant 0 : index
    %get3A_73 = arith.constant 0 : index
    %get3A_74 = arith.constant 0 : index
    %get3A_75 = vector.load %arg2[%get3A_72, %get3A_73, %get3A_74] : memref<1x2x4000xf32, #tpu.memory_space<vmem>>, vector<1x2x4000xf32>
    %get3A_76 = arith.constant 0 : index
    %get3A_77 = arith.constant 0 : index
    %get3A_78 = vector.load %arg4[%get3A_76, %get3A_77] : memref<4000x16xf32, #tpu.memory_space<vmem>>, vector<4000x16xf32>
    %get3A_79 = arith.constant 0 : index
    %get3A_80 = arith.constant 0 : index
    %get3A_81 = arith.constant 0 : index
    %get3A_82 = vector.load %arg6[%get3A_79, %get3A_80, %get3A_81] : memref<1x1x4000xi32, #tpu.memory_space<vmem>>, vector<1x1x4000xi32>
    %squeeze3A_83 = vector.shape_cast %get3A_75 : vector<1x2x4000xf32> to vector<2x4000xf32>
    %get3A_84 = arith.constant 0 : index
    %get3A_85 = arith.constant 0 : index
    %get3A_86 = vector.load %arg7[%get3A_84, %get3A_85] : memref<2x4xf32, #tpu.memory_space<vmem>>, vector<2x4xf32>
    %dot_general3A_87 = arith.constant dense<0.000000e+00> : vector<4x4000xf32>
    %dot_general3A_88 = tpu.matmul %get3A_86, %squeeze3A_83, %dot_general3A_87 {dimension_numbers = #tpu.dot_dimension_numbers<[0], [0], [1], [1], [0, 1, 1, 1], [], []>, transpose_lhs_hint = false} : vector<2x4xf32>, vector<2x4000xf32>, vector<4x4000xf32> -> vector<4x4000xf32>
    %get3A_89 = arith.constant 0 : index
    %get3A_90 = arith.constant 0 : index
    %get3A_91 = vector.load %arg8[%get3A_89, %get3A_90] : memref<4x1xf32, #tpu.memory_space<vmem>>, vector<4x1xf32>
    %add3A_92 = vector.broadcast %get3A_91 : vector<4x1xf32> to vector<4x4000xf32>
    %add3A_93 = arith.addf %dot_general3A_88, %add3A_92 : vector<4x4000xf32>
    %max3A_94 = arith.constant 0.000000e+00 : f32
    %max3A_95 = vector.broadcast %max3A_94 : f32 to vector<4x4000xf32>
    %max3A_96 = arith.maximumf %add3A_93, %max3A_95 : vector<4x4000xf32>
    %get3A_97 = arith.constant 0 : index
    %get3A_98 = arith.constant 0 : index
    %get3A_99 = vector.load %arg9[%get3A_97, %get3A_98] : memref<4x8xf32, #tpu.memory_space<vmem>>, vector<4x8xf32>
    %dot_general3A_100 = arith.constant dense<0.000000e+00> : vector<8x4000xf32>
    %dot_general3A_101 = tpu.matmul %get3A_99, %max3A_96, %dot_general3A_100 {dimension_numbers = #tpu.dot_dimension_numbers<[0], [0], [1], [1], [0, 1, 1, 1], [], []>, transpose_lhs_hint = false} : vector<4x8xf32>, vector<4x4000xf32>, vector<8x4000xf32> -> vector<8x4000xf32>
    %get3A_102 = arith.constant 0 : index
    %get3A_103 = arith.constant 0 : index
    %get3A_104 = vector.load %arg10[%get3A_102, %get3A_103] : memref<8x1xf32, #tpu.memory_space<vmem>>, vector<8x1xf32>
    %add3A_105 = vector.broadcast %get3A_104 : vector<8x1xf32> to vector<8x4000xf32>
    %add3A_106 = arith.addf %dot_general3A_101, %add3A_105 : vector<8x4000xf32>
    %max3A_107 = arith.constant 0.000000e+00 : f32
    %max3A_108 = vector.broadcast %max3A_107 : f32 to vector<8x4000xf32>
    %max3A_109 = arith.maximumf %add3A_106, %max3A_108 : vector<8x4000xf32>
    %get3A_110 = arith.constant 0 : index
    %get3A_111 = arith.constant 0 : index
    %get3A_112 = vector.load %arg11[%get3A_110, %get3A_111] : memref<8x64xf32, #tpu.memory_space<vmem>>, vector<8x64xf32>
    %dot_general3A_113 = arith.constant dense<0.000000e+00> : vector<4000x64xf32>
    %dot_general3A_114 = tpu.matmul %max3A_109, %get3A_112, %dot_general3A_113 {dimension_numbers = #tpu.dot_dimension_numbers<[0], [0], [1], [1], [0, 1, 1, 1], [], []>, transpose_lhs_hint = false} : vector<8x4000xf32>, vector<8x64xf32>, vector<4000x64xf32> -> vector<4000x64xf32>
    %get3A_115 = arith.constant 0 : index
    %get3A_116 = arith.constant 0 : index
    %get3A_117 = vector.load %arg12[%get3A_115, %get3A_116] : memref<16x64xf32, #tpu.memory_space<vmem>>, vector<16x64xf32>
    %dot_general3A_118 = arith.constant dense<0.000000e+00> : vector<4000x64xf32>
    %dot_general3A_119 = tpu.matmul %get3A_78, %get3A_117, %dot_general3A_118 {dimension_numbers = #tpu.dot_dimension_numbers<[1], [0], [0], [1], [0, 0, 1, 1], [], []>, transpose_lhs_hint = false} : vector<4000x16xf32>, vector<16x64xf32>, vector<4000x64xf32> -> vector<4000x64xf32>
    %add3A_120 = arith.addf %dot_general3A_114, %dot_general3A_119 : vector<4000x64xf32>
    %add3A_121 = vector.broadcast %add3A : vector<1x64xf32> to vector<4000x64xf32>
    %add3A_122 = arith.addf %add3A_120, %add3A_121 : vector<4000x64xf32>
    %max3A_123 = arith.constant 0.000000e+00 : f32
    %max3A_124 = vector.broadcast %max3A_123 : f32 to vector<4000x64xf32>
    %max3A_125 = arith.maximumf %add3A_122, %max3A_124 : vector<4000x64xf32>
    %iota3A_126 = tpu.iota {dimensions = array<i32: 0>} : vector<64x4000xi32>
    %squeeze3A_127 = vector.shape_cast %get3A_82 : vector<1x1x4000xi32> to vector<1x4000xi32>
    %eq3A_128 = vector.broadcast %squeeze3A_127 : vector<1x4000xi32> to vector<64x4000xi32>
    %eq3A_129 = arith.cmpi eq, %iota3A_126, %eq3A_128 : vector<64x4000xi32>
    %convert_element_type3A_130 = arith.extui %eq3A_129 : vector<64x4000xi1> to vector<64x4000xi32>
    %convert_element_type3A_131 = arith.sitofp %convert_element_type3A_130 : vector<64x4000xi32> to vector<64x4000xf32>
    %dot_general3A_132 = arith.constant dense<0.000000e+00> : vector<64x64xf32>
    %dot_general3A_133 = tpu.matmul %convert_element_type3A_131, %max3A_125, %dot_general3A_132 {dimension_numbers = #tpu.dot_dimension_numbers<[1], [0], [0], [1], [0, 0, 1, 1], [], []>, transpose_lhs_hint = false} : vector<64x4000xf32>, vector<4000x64xf32>, vector<64x64xf32> -> vector<64x64xf32>
    %broadcast_in_dim3A_134 = arith.constant 1.000000e+00 : f32
    %broadcast_in_dim3A_135 = vector.broadcast %broadcast_in_dim3A_134 : f32 to vector<8x4000xf32>
    %dot_general3A_136 = arith.constant dense<0.000000e+00> : vector<64x8xf32>
    %dot_general3A_137 = tpu.matmul %convert_element_type3A_131, %broadcast_in_dim3A_135, %dot_general3A_136 {dimension_numbers = #tpu.dot_dimension_numbers<[1], [1], [0], [0], [0, 0, 1, 0], [], []>, transpose_lhs_hint = false} : vector<64x4000xf32>, vector<8x4000xf32>, vector<64x8xf32> -> vector<64x8xf32>
    %swap3A = arith.constant 0 : index
    %swap3A_138 = arith.constant 0 : index
    %swap3A_139 = vector.load %arg16[%swap3A, %swap3A_138] : memref<4000x128xf32, #tpu.memory_space<vmem>>, vector<4000x64xf32>
    tpu.vector_store %arg16[%swap3A, %swap3A_138], %max3A_63 {strides = array<i32>} : memref<4000x128xf32, #tpu.memory_space<vmem>>, vector<4000x64xf32>,
    %swap3A_140 = arith.constant 0 : index
    %swap3A_141 = arith.constant 64 : index
    %swap3A_142 = vector.load %arg16[%swap3A_140, %swap3A_141] : memref<4000x128xf32, #tpu.memory_space<vmem>>, vector<4000x64xf32>
    tpu.vector_store %arg16[%swap3A_140, %swap3A_141], %max3A_125 {strides = array<i32>} : memref<4000x128xf32, #tpu.memory_space<vmem>>, vector<4000x64xf32>,
    %eq3A_143 = arith.constant 0 : i32
    %eq3A_144 = arith.cmpi eq, %arg0, %eq3A_143 : i32
    %convert_element_type3A_145 = arith.extui %eq3A_144 : i1 to i32
    %cond3A = arith.constant 0 : i32
    %cond3A_146 = arith.cmpi ne, %convert_element_type3A_145, %cond3A : i32
    scf.if %cond3A_146 {
      %broadcast_in_dim3A_163 = arith.constant 0.000000e+00 : f32
      %broadcast_in_dim3A_164 = vector.broadcast %broadcast_in_dim3A_163 : f32 to vector<64x64xf32>
      %swap3A_165 = arith.constant 0 : index
      %swap3A_166 = arith.constant 0 : index
      %swap3A_167 = vector.load %arg17[%swap3A_165, %swap3A_166] : memref<64x64xf32, #tpu.memory_space<vmem>>, vector<64x64xf32>
      tpu.vector_store %arg17[%swap3A_165, %swap3A_166], %broadcast_in_dim3A_164 {strides = array<i32>} : memref<64x64xf32, #tpu.memory_space<vmem>>, vector<64x64xf32>,
      %broadcast_in_dim3A_168 = arith.constant 0.000000e+00 : f32
      %broadcast_in_dim3A_169 = vector.broadcast %broadcast_in_dim3A_168 : f32 to vector<64x8xf32>
      %swap3A_170 = arith.constant 0 : index
      %swap3A_171 = arith.constant 0 : index
      %swap3A_172 = vector.load %arg18[%swap3A_170, %swap3A_171] : memref<64x8xf32, #tpu.memory_space<vmem>>, vector<64x8xf32>
      tpu.vector_store %arg18[%swap3A_170, %swap3A_171], %broadcast_in_dim3A_169 {strides = array<i32>} : memref<64x8xf32, #tpu.memory_space<vmem>>, vector<64x8xf32>,
    } else {
    }
    %get3A_147 = arith.constant 0 : index
    %get3A_148 = arith.constant 0 : index
    %get3A_149 = vector.load %arg17[%get3A_147, %get3A_148] : memref<64x64xf32, #tpu.memory_space<vmem>>, vector<64x64xf32>
    %add3A_150 = arith.addf %dot_general3A_68, %dot_general3A_133 : vector<64x64xf32>
    %add3A_151 = arith.addf %get3A_149, %add3A_150 : vector<64x64xf32>
    %swap3A_152 = arith.constant 0 : index
    %swap3A_153 = arith.constant 0 : index
    %swap3A_154 = vector.load %arg17[%swap3A_152, %swap3A_153] : memref<64x64xf32, #tpu.memory_space<vmem>>, vector<64x64xf32>
    tpu.vector_store %arg17[%swap3A_152, %swap3A_153], %add3A_151 {strides = array<i32>} : memref<64x64xf32, #tpu.memory_space<vmem>>, vector<64x64xf32>,
    %get3A_155 = arith.constant 0 : index
    %get3A_156 = arith.constant 0 : index
    %get3A_157 = vector.load %arg18[%get3A_155, %get3A_156] : memref<64x8xf32, #tpu.memory_space<vmem>>, vector<64x8xf32>
    %add3A_158 = arith.addf %dot_general3A_71, %dot_general3A_137 : vector<64x8xf32>
    %add3A_159 = arith.addf %get3A_157, %add3A_158 : vector<64x8xf32>
    %swap3A_160 = arith.constant 0 : index
    %swap3A_161 = arith.constant 0 : index
    %swap3A_162 = vector.load %arg18[%swap3A_160, %swap3A_161] : memref<64x8xf32, #tpu.memory_space<vmem>>, vector<64x8xf32>
    tpu.vector_store %arg18[%swap3A_160, %swap3A_161], %add3A_159 {strides = array<i32>} : memref<64x8xf32, #tpu.memory_space<vmem>>, vector<64x8xf32>,
    return
  }
  func.func @transform_0(%arg0: i32) -> (i32, i32, i32) {
    %c0_i32 = arith.constant 0 : i32
    %c0_i32_0 = arith.constant 0 : i32
    %c0_i32_1 = arith.constant 0 : i32
    return %arg0, %c0_i32, %c0_i32_0 : i32, i32, i32
  }
  func.func @transform_1(%arg0: i32) -> (i32, i32, i32) {
    %add3A = arith.constant 200 : i32
    %add3A_0 = arith.addi %arg0, %add3A : i32
    %c0_i32 = arith.constant 0 : i32
    %c0_i32_1 = arith.constant 0 : i32
    %c0_i32_2 = arith.constant 0 : i32
    return %add3A_0, %c0_i32, %c0_i32_1 : i32, i32, i32
  }
  func.func @transform_2(%arg0: i32) -> (i32, i32) {
    %c0_i32 = arith.constant 0 : i32
    %c0_i32_0 = arith.constant 0 : i32
    return %arg0, %c0_i32 : i32, i32
  }
  func.func @transform_3(%arg0: i32) -> (i32, i32) {
    %add3A = arith.constant 200 : i32
    %add3A_0 = arith.addi %arg0, %add3A : i32
    %c0_i32 = arith.constant 0 : i32
    %c0_i32_1 = arith.constant 0 : i32
    return %add3A_0, %c0_i32 : i32, i32
  }
  func.func @transform_4(%arg0: i32) -> (i32, i32, i32) {
    %c0_i32 = arith.constant 0 : i32
    %c0_i32_0 = arith.constant 0 : i32
    %c0_i32_1 = arith.constant 0 : i32
    return %arg0, %c0_i32, %c0_i32_0 : i32, i32, i32
  }
  func.func @transform_5(%arg0: i32) -> (i32, i32, i32) {
    %add3A = arith.constant 200 : i32
    %add3A_0 = arith.addi %arg0, %add3A : i32
    %c0_i32 = arith.constant 0 : i32
    %c0_i32_1 = arith.constant 0 : i32
    %c0_i32_2 = arith.constant 0 : i32
    return %add3A_0, %c0_i32, %c0_i32_1 : i32, i32, i32
  }
  func.func @transform_6(%arg0: i32) -> (i32, i32) {
    %c0_i32 = arith.constant 0 : i32
    %c0_i32_0 = arith.constant 0 : i32
    %c0_i32_1 = arith.constant 0 : i32
    return %c0_i32, %c0_i32_0 : i32, i32
  }
  func.func @transform_7(%arg0: i32) -> (i32, i32) {
    %c0_i32 = arith.constant 0 : i32
    %c0_i32_0 = arith.constant 0 : i32
    %c0_i32_1 = arith.constant 0 : i32
    return %c0_i32, %c0_i32_0 : i32, i32
  }
  func.func @transform_8(%arg0: i32) -> (i32, i32) {
    %c0_i32 = arith.constant 0 : i32
    %c0_i32_0 = arith.constant 0 : i32
    %c0_i32_1 = arith.constant 0 : i32
    return %c0_i32, %c0_i32_0 : i32, i32
  }
  func.func @transform_9(%arg0: i32) -> (i32, i32) {
    %c0_i32 = arith.constant 0 : i32
    %c0_i32_0 = arith.constant 0 : i32
    %c0_i32_1 = arith.constant 0 : i32
    return %c0_i32, %c0_i32_0 : i32, i32
  }
  func.func @transform_10(%arg0: i32) -> (i32, i32) {
    %c0_i32 = arith.constant 0 : i32
    %c0_i32_0 = arith.constant 0 : i32
    %c0_i32_1 = arith.constant 0 : i32
    return %c0_i32, %c0_i32_0 : i32, i32
  }
  func.func @transform_11(%arg0: i32) -> (i32, i32) {
    %c0_i32 = arith.constant 0 : i32
    %c0_i32_0 = arith.constant 0 : i32
    %c0_i32_1 = arith.constant 0 : i32
    return %c0_i32, %c0_i32_0 : i32, i32
  }
  func.func @transform_12(%arg0: i32) -> (i32, i32) {
    %c0_i32 = arith.constant 0 : i32
    %c0_i32_0 = arith.constant 0 : i32
    %c0_i32_1 = arith.constant 0 : i32
    return %c0_i32, %c0_i32_0 : i32, i32
  }
  func.func @transform_13(%arg0: i32) -> (i32, i32) {
    %c0_i32 = arith.constant 0 : i32
    %c0_i32_0 = arith.constant 0 : i32
    %c0_i32_1 = arith.constant 0 : i32
    return %c0_i32, %c0_i32_0 : i32, i32
  }
  func.func @transform_14(%arg0: i32) -> (i32, i32) {
    %c0_i32 = arith.constant 0 : i32
    %c0_i32_0 = arith.constant 0 : i32
    %c0_i32_1 = arith.constant 0 : i32
    return %c0_i32, %c0_i32_0 : i32, i32
  }
  func.func @transform_15(%arg0: i32) -> (i32, i32) {
    %c0_i32 = arith.constant 0 : i32
    %c0_i32_0 = arith.constant 0 : i32
    return %arg0, %c0_i32 : i32, i32
  }
  func.func @transform_16(%arg0: i32) -> (i32, i32) {
    %c0_i32 = arith.constant 0 : i32
    %c0_i32_0 = arith.constant 0 : i32
    %c0_i32_1 = arith.constant 0 : i32
    return %c0_i32, %c0_i32_0 : i32, i32
  }
  func.func @transform_17(%arg0: i32) -> (i32, i32) {
    %c0_i32 = arith.constant 0 : i32
    %c0_i32_0 = arith.constant 0 : i32
    %c0_i32_1 = arith.constant 0 : i32
    return %c0_i32, %c0_i32_0 : i32, i32
  }
}

module attributes {stable_mosaic.version = 14 : i64} {
  func.func @body(%arg0: i32, %arg1: memref<4000x16xf32, #tpu.memory_space<vmem>>, %arg2: memref<4000x64xf32, #tpu.memory_space<vmem>>, %arg3: memref<4000x16xf32, #tpu.memory_space<vmem>>, %arg4: memref<1x1x4000xi32, #tpu.memory_space<vmem>>, %arg5: memref<64x64xf32, #tpu.memory_space<vmem>>, %arg6: memref<64x8xf32, #tpu.memory_space<vmem>>, %arg7: memref<16x128xf32, #tpu.memory_space<vmem>>, %arg8: memref<64x128xf32, #tpu.memory_space<vmem>>, %arg9: memref<1x4xf32, #tpu.memory_space<vmem>>, %arg10: memref<4x128xf32, #tpu.memory_space<vmem>>, %arg11: memref<1x128xf32, #tpu.memory_space<vmem>>, %arg12: memref<128x1xf32, #tpu.memory_space<vmem>>, %arg13: memref<1x1xf32, #tpu.memory_space<vmem>>, %arg14: memref<64x32xf32, #tpu.memory_space<vmem>>, %arg15: memref<128x32xf32, #tpu.memory_space<vmem>>, %arg16: memref<4x32xf32, #tpu.memory_space<vmem>>, %arg17: memref<1x32xf32, #tpu.memory_space<vmem>>, %arg18: memref<32x1xf32, #tpu.memory_space<vmem>>, %arg19: memref<1x1xf32, #tpu.memory_space<vmem>>, %arg20: memref<1x1xf32, #tpu.memory_space<vmem>>, %arg21: memref<1x1x4000xf32, #tpu.memory_space<vmem>>, %arg22: memref<64x128xf32, #tpu.memory_space<vmem>>, %arg23: memref<64x8xf32, #tpu.memory_space<vmem>>, %arg24: memref<64x8xf32, #tpu.memory_space<vmem>>) attributes {dimension_semantics = [#tpu.dimension_semantics<arbitrary>], iteration_bounds = array<i64: 25>, scalar_prefetch = 0 : i64, scratch_operands = 0 : i64, tpu.core_type = #tpu.core_type<tc>, window_params = [{transform_indices = @transform_0, window_bounds = array<i64: 4000, 16>}, {transform_indices = @transform_1, window_bounds = array<i64: 4000, 64>}, {transform_indices = @transform_2, window_bounds = array<i64: 4000, 16>}, {transform_indices = @transform_3, window_bounds = array<i64: 1, 1, 4000>}, {pipeline_mode = #tpu.pipeline_mode<synchronous>, transform_indices = @transform_4, window_bounds = array<i64: 64, 64>}, {pipeline_mode = #tpu.pipeline_mode<synchronous>, transform_indices = @transform_5, window_bounds = array<i64: 64, 8>}, {pipeline_mode = #tpu.pipeline_mode<synchronous>, transform_indices = @transform_6, window_bounds = array<i64: 16, 128>}, {pipeline_mode = #tpu.pipeline_mode<synchronous>, transform_indices = @transform_7, window_bounds = array<i64: 64, 128>}, {pipeline_mode = #tpu.pipeline_mode<synchronous>, transform_indices = @transform_8, window_bounds = array<i64: 1, 4>}, {pipeline_mode = #tpu.pipeline_mode<synchronous>, transform_indices = @transform_9, window_bounds = array<i64: 4, 128>}, {pipeline_mode = #tpu.pipeline_mode<synchronous>, transform_indices = @transform_10, window_bounds = array<i64: 1, 128>}, {pipeline_mode = #tpu.pipeline_mode<synchronous>, transform_indices = @transform_11, window_bounds = array<i64: 128, 1>}, {pipeline_mode = #tpu.pipeline_mode<synchronous>, transform_indices = @transform_12, window_bounds = array<i64: 1, 1>}, {pipeline_mode = #tpu.pipeline_mode<synchronous>, transform_indices = @transform_13, window_bounds = array<i64: 64, 32>}, {pipeline_mode = #tpu.pipeline_mode<synchronous>, transform_indices = @transform_14, window_bounds = array<i64: 128, 32>}, {pipeline_mode = #tpu.pipeline_mode<synchronous>, transform_indices = @transform_15, window_bounds = array<i64: 4, 32>}, {pipeline_mode = #tpu.pipeline_mode<synchronous>, transform_indices = @transform_16, window_bounds = array<i64: 1, 32>}, {pipeline_mode = #tpu.pipeline_mode<synchronous>, transform_indices = @transform_17, window_bounds = array<i64: 32, 1>}, {pipeline_mode = #tpu.pipeline_mode<synchronous>, transform_indices = @transform_18, window_bounds = array<i64: 1, 1>}, {pipeline_mode = #tpu.pipeline_mode<synchronous>, transform_indices = @transform_19, window_bounds = array<i64: 1, 1>}, {transform_indices = @transform_20, window_bounds = array<i64: 1, 1, 4000>}, {pipeline_mode = #tpu.pipeline_mode<synchronous>, transform_indices = @transform_21, window_bounds = array<i64: 64, 128>}, {pipeline_mode = #tpu.pipeline_mode<synchronous>, transform_indices = @transform_22, window_bounds = array<i64: 64, 8>}, {pipeline_mode = #tpu.pipeline_mode<synchronous>, transform_indices = @transform_23, window_bounds = array<i64: 64, 8>}]} {
    %get3A = arith.constant 0 : index
    %get3A_0 = arith.constant 0 : index
    %get3A_1 = vector.load %arg3[%get3A, %get3A_0] : memref<4000x16xf32, #tpu.memory_space<vmem>>, vector<4000x1xf32>
    %get3A_2 = arith.constant 0 : index
    %get3A_3 = arith.constant 8 : index
    %get3A_4 = vector.load %arg3[%get3A_2, %get3A_3] : memref<4000x16xf32, #tpu.memory_space<vmem>>, vector<4000x1xf32>
    %add3A = arith.addf %get3A_1, %get3A_4 : vector<4000x1xf32>
    %get3A_5 = arith.constant 0 : index
    %get3A_6 = arith.constant 0 : index
    %get3A_7 = vector.load %arg2[%get3A_5, %get3A_6] : memref<4000x64xf32, #tpu.memory_space<vmem>>, vector<4000x64xf32>
    %max3A = arith.constant 1.000000e+00 : f32
    %max3A_8 = vector.broadcast %max3A : f32 to vector<4000x1xf32>
    %max3A_9 = arith.maximumf %add3A, %max3A_8 : vector<4000x1xf32>
    %div3A = vector.broadcast %max3A_9 : vector<4000x1xf32> to vector<4000x64xf32>
    %div3A_10 = arith.divf %get3A_7, %div3A : vector<4000x64xf32>
    %get3A_11 = arith.constant 0 : index
    %get3A_12 = arith.constant 0 : index
    %get3A_13 = vector.load %arg9[%get3A_11, %get3A_12] : memref<1x4xf32, #tpu.memory_space<vmem>>, vector<1x4xf32>
    %max3A_14 = arith.constant 0.000000e+00 : f32
    %max3A_15 = vector.broadcast %max3A_14 : f32 to vector<1x4xf32>
    %max3A_16 = arith.maximumf %get3A_13, %max3A_15 : vector<1x4xf32>
    %get3A_17 = arith.constant 0 : index
    %get3A_18 = arith.constant 0 : index
    %get3A_19 = vector.load %arg1[%get3A_17, %get3A_18] : memref<4000x16xf32, #tpu.memory_space<vmem>>, vector<4000x16xf32>
    %get3A_20 = arith.constant 0 : index
    %get3A_21 = arith.constant 0 : index
    %get3A_22 = vector.load %arg7[%get3A_20, %get3A_21] : memref<16x128xf32, #tpu.memory_space<vmem>>, vector<16x128xf32>
    %dot_general3A = arith.constant dense<0.000000e+00> : vector<4000x128xf32>
    %dot_general3A_23 = tpu.matmul %get3A_19, %get3A_22, %dot_general3A {dimension_numbers = #tpu.dot_dimension_numbers<[1], [0], [0], [1], [0, 0, 1, 1], [], []>, transpose_lhs_hint = false} : vector<4000x16xf32>, vector<16x128xf32>, vector<4000x128xf32> -> vector<4000x128xf32>
    %get3A_24 = arith.constant 0 : index
    %get3A_25 = arith.constant 0 : index
    %get3A_26 = vector.load %arg8[%get3A_24, %get3A_25] : memref<64x128xf32, #tpu.memory_space<vmem>>, vector<64x128xf32>
    %dot_general3A_27 = arith.constant dense<0.000000e+00> : vector<4000x128xf32>
    %dot_general3A_28 = tpu.matmul %div3A_10, %get3A_26, %dot_general3A_27 {dimension_numbers = #tpu.dot_dimension_numbers<[1], [0], [0], [1], [0, 0, 1, 1], [], []>, transpose_lhs_hint = false} : vector<4000x64xf32>, vector<64x128xf32>, vector<4000x128xf32> -> vector<4000x128xf32>
    %add3A_29 = arith.addf %dot_general3A_23, %dot_general3A_28 : vector<4000x128xf32>
    %get3A_30 = arith.constant 0 : index
    %get3A_31 = arith.constant 0 : index
    %get3A_32 = vector.load %arg10[%get3A_30, %get3A_31] : memref<4x128xf32, #tpu.memory_space<vmem>>, vector<4x128xf32>
    %dot_general3A_33 = arith.constant dense<0.000000e+00> : vector<1x128xf32>
    %dot_general3A_34 = tpu.matmul %max3A_16, %get3A_32, %dot_general3A_33 {dimension_numbers = #tpu.dot_dimension_numbers<[1], [0], [0], [1], [0, 0, 1, 1], [], []>, transpose_lhs_hint = false} : vector<1x4xf32>, vector<4x128xf32>, vector<1x128xf32> -> vector<1x128xf32>
    %add3A_35 = vector.broadcast %dot_general3A_34 : vector<1x128xf32> to vector<4000x128xf32>
    %add3A_36 = arith.addf %add3A_29, %add3A_35 : vector<4000x128xf32>
    %get3A_37 = arith.constant 0 : index
    %get3A_38 = arith.constant 0 : index
    %get3A_39 = vector.load %arg11[%get3A_37, %get3A_38] : memref<1x128xf32, #tpu.memory_space<vmem>>, vector<1x128xf32>
    %add3A_40 = vector.broadcast %get3A_39 : vector<1x128xf32> to vector<4000x128xf32>
    %add3A_41 = arith.addf %add3A_36, %add3A_40 : vector<4000x128xf32>
    %max3A_42 = arith.constant 0.000000e+00 : f32
    %max3A_43 = vector.broadcast %max3A_42 : f32 to vector<4000x128xf32>
    %max3A_44 = arith.maximumf %add3A_41, %max3A_43 : vector<4000x128xf32>
    %get3A_45 = arith.constant 0 : index
    %get3A_46 = arith.constant 0 : index
    %get3A_47 = vector.load %arg12[%get3A_45, %get3A_46] : memref<128x1xf32, #tpu.memory_space<vmem>>, vector<128x1xf32>
    %dot_general3A_48 = arith.constant dense<0.000000e+00> : vector<1x4000xf32>
    %dot_general3A_49 = tpu.matmul %get3A_47, %max3A_44, %dot_general3A_48 {dimension_numbers = #tpu.dot_dimension_numbers<[0], [1], [1], [0], [0, 1, 1, 0], [], []>, transpose_lhs_hint = false} : vector<128x1xf32>, vector<4000x128xf32>, vector<1x4000xf32> -> vector<1x4000xf32>
    %get3A_50 = arith.constant 0 : index
    %get3A_51 = arith.constant 0 : index
    %get3A_52 = vector.load %arg13[%get3A_50, %get3A_51] : memref<1x1xf32, #tpu.memory_space<vmem>>, vector<1x1xf32>
    %add3A_53 = vector.broadcast %get3A_52 : vector<1x1xf32> to vector<1x4000xf32>
    %add3A_54 = arith.addf %dot_general3A_49, %add3A_53 : vector<1x4000xf32>
    %logistic3A = arith.negf %add3A_54 : vector<1x4000xf32>
    %logistic3A_55 = math.exp %logistic3A : vector<1x4000xf32>
    %logistic3A_56 = arith.constant 1.000000e+00 : f32
    %logistic3A_57 = vector.broadcast %logistic3A_56 : f32 to vector<1x4000xf32>
    %logistic3A_58 = arith.addf %logistic3A_57, %logistic3A_55 : vector<1x4000xf32>
    %logistic3A_59 = arith.divf %logistic3A_57, %logistic3A_58 : vector<1x4000xf32>
    %broadcast_in_dim3A = vector.shape_cast %logistic3A_59 : vector<1x4000xf32> to vector<1x1x4000xf32>
    %swap3A = arith.constant 0 : index
    %swap3A_60 = arith.constant 0 : index
    %swap3A_61 = arith.constant 0 : index
    %swap3A_62 = vector.load %arg21[%swap3A, %swap3A_60, %swap3A_61] : memref<1x1x4000xf32, #tpu.memory_space<vmem>>, vector<1x1x4000xf32>
    tpu.vector_store %arg21[%swap3A, %swap3A_60, %swap3A_61], %broadcast_in_dim3A {strides = array<i32>} : memref<1x1x4000xf32, #tpu.memory_space<vmem>>, vector<1x1x4000xf32>,
    %iota3A = tpu.iota {dimensions = array<i32: 0>} : vector<64x4000xi32>
    %get3A_63 = arith.constant 0 : index
    %get3A_64 = arith.constant 0 : index
    %get3A_65 = arith.constant 0 : index
    %get3A_66 = vector.load %arg4[%get3A_63, %get3A_64, %get3A_65] : memref<1x1x4000xi32, #tpu.memory_space<vmem>>, vector<1x1x4000xi32>
    %get3A_67 = vector.shape_cast %get3A_66 : vector<1x1x4000xi32> to vector<1x4000xi32>
    %eq3A = vector.broadcast %get3A_67 : vector<1x4000xi32> to vector<64x4000xi32>
    %eq3A_68 = arith.cmpi eq, %iota3A, %eq3A : vector<64x4000xi32>
    %convert_element_type3A = arith.extui %eq3A_68 : vector<64x4000xi1> to vector<64x4000xi32>
    %convert_element_type3A_69 = arith.sitofp %convert_element_type3A : vector<64x4000xi32> to vector<64x4000xf32>
    %eq3A_70 = arith.constant 0 : i32
    %eq3A_71 = arith.cmpi eq, %arg0, %eq3A_70 : i32
    %convert_element_type3A_72 = arith.extui %eq3A_71 : i1 to i32
    %cond3A = arith.constant 0 : i32
    %cond3A_73 = arith.cmpi ne, %convert_element_type3A_72, %cond3A : i32
    scf.if %cond3A_73 {
      %broadcast_in_dim3A_99 = arith.constant 0.000000e+00 : f32
      %broadcast_in_dim3A_100 = vector.broadcast %broadcast_in_dim3A_99 : f32 to vector<64x128xf32>
      %swap3A_101 = arith.constant 0 : index
      %swap3A_102 = arith.constant 0 : index
      %swap3A_103 = vector.load %arg22[%swap3A_101, %swap3A_102] : memref<64x128xf32, #tpu.memory_space<vmem>>, vector<64x128xf32>
      tpu.vector_store %arg22[%swap3A_101, %swap3A_102], %broadcast_in_dim3A_100 {strides = array<i32>} : memref<64x128xf32, #tpu.memory_space<vmem>>, vector<64x128xf32>,
      %broadcast_in_dim3A_104 = arith.constant 0.000000e+00 : f32
      %broadcast_in_dim3A_105 = vector.broadcast %broadcast_in_dim3A_104 : f32 to vector<64x8xf32>
      %swap3A_106 = arith.constant 0 : index
      %swap3A_107 = arith.constant 0 : index
      %swap3A_108 = vector.load %arg23[%swap3A_106, %swap3A_107] : memref<64x8xf32, #tpu.memory_space<vmem>>, vector<64x8xf32>
      tpu.vector_store %arg23[%swap3A_106, %swap3A_107], %broadcast_in_dim3A_105 {strides = array<i32>} : memref<64x8xf32, #tpu.memory_space<vmem>>, vector<64x8xf32>,
    } else {
    }
    %get3A_74 = arith.constant 0 : index
    %get3A_75 = arith.constant 0 : index
    %get3A_76 = vector.load %arg22[%get3A_74, %get3A_75] : memref<64x128xf32, #tpu.memory_space<vmem>>, vector<64x128xf32>
    %dot_general3A_77 = arith.constant dense<0.000000e+00> : vector<64x128xf32>
    %dot_general3A_78 = tpu.matmul %convert_element_type3A_69, %max3A_44, %dot_general3A_77 {dimension_numbers = #tpu.dot_dimension_numbers<[1], [0], [0], [1], [0, 0, 1, 1], [], []>, transpose_lhs_hint = false} : vector<64x4000xf32>, vector<4000x128xf32>, vector<64x128xf32> -> vector<64x128xf32>
    %add3A_79 = arith.addf %get3A_76, %dot_general3A_78 : vector<64x128xf32>
    %swap3A_80 = arith.constant 0 : index
    %swap3A_81 = arith.constant 0 : index
    %swap3A_82 = vector.load %arg22[%swap3A_80, %swap3A_81] : memref<64x128xf32, #tpu.memory_space<vmem>>, vector<64x128xf32>
    tpu.vector_store %arg22[%swap3A_80, %swap3A_81], %add3A_79 {strides = array<i32>} : memref<64x128xf32, #tpu.memory_space<vmem>>, vector<64x128xf32>,
    %broadcast_in_dim3A_83 = arith.constant 1.000000e+00 : f32
    %broadcast_in_dim3A_84 = vector.broadcast %broadcast_in_dim3A_83 : f32 to vector<7x4000xf32>
    %concatenate3A = tpu.concatenate %logistic3A_59, %broadcast_in_dim3A_84 in 0 : vector<1x4000xf32>, vector<7x4000xf32> -> vector<8x4000xf32>
    %get3A_85 = arith.constant 0 : index
    %get3A_86 = arith.constant 0 : index
    %get3A_87 = vector.load %arg23[%get3A_85, %get3A_86] : memref<64x8xf32, #tpu.memory_space<vmem>>, vector<64x8xf32>
    %dot_general3A_88 = arith.constant dense<0.000000e+00> : vector<64x8xf32>
    %dot_general3A_89 = tpu.matmul %convert_element_type3A_69, %concatenate3A, %dot_general3A_88 {dimension_numbers = #tpu.dot_dimension_numbers<[1], [1], [0], [0], [0, 0, 1, 0], [], []>, transpose_lhs_hint = false} : vector<64x4000xf32>, vector<8x4000xf32>, vector<64x8xf32> -> vector<64x8xf32>
    %add3A_90 = arith.addf %get3A_87, %dot_general3A_89 : vector<64x8xf32>
    %swap3A_91 = arith.constant 0 : index
    %swap3A_92 = arith.constant 0 : index
    %swap3A_93 = vector.load %arg23[%swap3A_91, %swap3A_92] : memref<64x8xf32, #tpu.memory_space<vmem>>, vector<64x8xf32>
    tpu.vector_store %arg23[%swap3A_91, %swap3A_92], %add3A_90 {strides = array<i32>} : memref<64x8xf32, #tpu.memory_space<vmem>>, vector<64x8xf32>,
    %eq3A_94 = arith.constant 24 : i32
    %eq3A_95 = arith.cmpi eq, %arg0, %eq3A_94 : i32
    %convert_element_type3A_96 = arith.extui %eq3A_95 : i1 to i32
    %cond3A_97 = arith.constant 0 : i32
    %cond3A_98 = arith.cmpi ne, %convert_element_type3A_96, %cond3A_97 : i32
    scf.if %cond3A_98 {
      %get3A_99 = arith.constant 0 : index
      %get3A_100 = arith.constant 1 : index
      %get3A_101 = vector.load %arg23[%get3A_99, %get3A_100] : memref<64x8xf32, #tpu.memory_space<vmem>>, vector<64x1xf32>
      %max3A_102 = arith.constant 1.000000e+00 : f32
      %max3A_103 = vector.broadcast %max3A_102 : f32 to vector<64x1xf32>
      %max3A_104 = arith.maximumf %get3A_101, %max3A_103 : vector<64x1xf32>
      %get3A_105 = arith.constant 0 : index
      %get3A_106 = arith.constant 0 : index
      %get3A_107 = vector.load %arg22[%get3A_105, %get3A_106] : memref<64x128xf32, #tpu.memory_space<vmem>>, vector<64x128xf32>
      %div3A_108 = vector.broadcast %max3A_104 : vector<64x1xf32> to vector<64x128xf32>
      %div3A_109 = arith.divf %get3A_107, %div3A_108 : vector<64x128xf32>
      %get3A_110 = arith.constant 0 : index
      %get3A_111 = arith.constant 0 : index
      %get3A_112 = vector.load %arg5[%get3A_110, %get3A_111] : memref<64x64xf32, #tpu.memory_space<vmem>>, vector<64x64xf32>
      %get3A_113 = arith.constant 0 : index
      %get3A_114 = arith.constant 0 : index
      %get3A_115 = vector.load %arg6[%get3A_113, %get3A_114] : memref<64x8xf32, #tpu.memory_space<vmem>>, vector<64x1xf32>
      %max3A_116 = arith.constant 1.000000e+00 : f32
      %max3A_117 = vector.broadcast %max3A_116 : f32 to vector<64x1xf32>
      %max3A_118 = arith.maximumf %get3A_115, %max3A_117 : vector<64x1xf32>
      %div3A_119 = vector.broadcast %max3A_118 : vector<64x1xf32> to vector<64x64xf32>
      %div3A_120 = arith.divf %get3A_112, %div3A_119 : vector<64x64xf32>
      %get3A_121 = arith.constant 0 : index
      %get3A_122 = arith.constant 0 : index
      %get3A_123 = vector.load %arg14[%get3A_121, %get3A_122] : memref<64x32xf32, #tpu.memory_space<vmem>>, vector<64x32xf32>
      %dot_general3A_124 = arith.constant dense<0.000000e+00> : vector<64x32xf32>
      %dot_general3A_125 = tpu.matmul %div3A_120, %get3A_123, %dot_general3A_124 {dimension_numbers = #tpu.dot_dimension_numbers<[1], [0], [0], [1], [0, 0, 1, 1], [], []>, transpose_lhs_hint = false} : vector<64x64xf32>, vector<64x32xf32>, vector<64x32xf32> -> vector<64x32xf32>
      %get3A_126 = arith.constant 0 : index
      %get3A_127 = arith.constant 0 : index
      %get3A_128 = vector.load %arg15[%get3A_126, %get3A_127] : memref<128x32xf32, #tpu.memory_space<vmem>>, vector<128x32xf32>
      %dot_general3A_129 = arith.constant dense<0.000000e+00> : vector<64x32xf32>
      %dot_general3A_130 = tpu.matmul %div3A_109, %get3A_128, %dot_general3A_129 {dimension_numbers = #tpu.dot_dimension_numbers<[1], [0], [0], [1], [0, 0, 1, 1], [], []>, transpose_lhs_hint = false} : vector<64x128xf32>, vector<128x32xf32>, vector<64x32xf32> -> vector<64x32xf32>
      %add3A_131 = arith.addf %dot_general3A_125, %dot_general3A_130 : vector<64x32xf32>
      %get3A_132 = arith.constant 0 : index
      %get3A_133 = arith.constant 0 : index
      %get3A_134 = vector.load %arg16[%get3A_132, %get3A_133] : memref<4x32xf32, #tpu.memory_space<vmem>>, vector<4x32xf32>
      %dot_general3A_135 = arith.constant dense<0.000000e+00> : vector<1x32xf32>
      %dot_general3A_136 = tpu.matmul %max3A_16, %get3A_134, %dot_general3A_135 {dimension_numbers = #tpu.dot_dimension_numbers<[1], [0], [0], [1], [0, 0, 1, 1], [], []>, transpose_lhs_hint = false} : vector<1x4xf32>, vector<4x32xf32>, vector<1x32xf32> -> vector<1x32xf32>
      %add3A_137 = vector.broadcast %dot_general3A_136 : vector<1x32xf32> to vector<64x32xf32>
      %add3A_138 = arith.addf %add3A_131, %add3A_137 : vector<64x32xf32>
      %get3A_139 = arith.constant 0 : index
      %get3A_140 = arith.constant 0 : index
      %get3A_141 = vector.load %arg17[%get3A_139, %get3A_140] : memref<1x32xf32, #tpu.memory_space<vmem>>, vector<1x32xf32>
      %add3A_142 = vector.broadcast %get3A_141 : vector<1x32xf32> to vector<64x32xf32>
      %add3A_143 = arith.addf %add3A_138, %add3A_142 : vector<64x32xf32>
      %max3A_144 = arith.constant 0.000000e+00 : f32
      %max3A_145 = vector.broadcast %max3A_144 : f32 to vector<64x32xf32>
      %max3A_146 = arith.maximumf %add3A_143, %max3A_145 : vector<64x32xf32>
      %get3A_147 = arith.constant 0 : index
      %get3A_148 = arith.constant 0 : index
      %get3A_149 = vector.load %arg23[%get3A_147, %get3A_148] : memref<64x8xf32, #tpu.memory_space<vmem>>, vector<64x1xf32>
      %div3A_150 = arith.divf %get3A_149, %max3A_104 : vector<64x1xf32>
      %get3A_151 = arith.constant 0 : index
      %get3A_152 = arith.constant 0 : index
      %get3A_153 = vector.load %arg18[%get3A_151, %get3A_152] : memref<32x1xf32, #tpu.memory_space<vmem>>, vector<32x1xf32>
      %dot_general3A_154 = arith.constant dense<0.000000e+00> : vector<64x1xf32>
      %dot_general3A_155 = tpu.matmul %max3A_146, %get3A_153, %dot_general3A_154 {dimension_numbers = #tpu.dot_dimension_numbers<[1], [0], [0], [1], [0, 0, 1, 1], [], []>, transpose_lhs_hint = false} : vector<64x32xf32>, vector<32x1xf32>, vector<64x1xf32> -> vector<64x1xf32>
      %get3A_156 = arith.constant 0 : index
      %get3A_157 = arith.constant 0 : index
      %get3A_158 = vector.load %arg19[%get3A_156, %get3A_157] : memref<1x1xf32, #tpu.memory_space<vmem>>, vector<1x1xf32>
      %mul3A = vector.broadcast %get3A_158 : vector<1x1xf32> to vector<64x1xf32>
      %mul3A_159 = arith.mulf %div3A_150, %mul3A : vector<64x1xf32>
      %add3A_160 = arith.addf %dot_general3A_155, %mul3A_159 : vector<64x1xf32>
      %get3A_161 = arith.constant 0 : index
      %get3A_162 = arith.constant 0 : index
      %get3A_163 = vector.load %arg20[%get3A_161, %get3A_162] : memref<1x1xf32, #tpu.memory_space<vmem>>, vector<1x1xf32>
      %add3A_164 = vector.broadcast %get3A_163 : vector<1x1xf32> to vector<64x1xf32>
      %add3A_165 = arith.addf %add3A_160, %add3A_164 : vector<64x1xf32>
      %logistic3A_166 = arith.negf %add3A_165 : vector<64x1xf32>
      %logistic3A_167 = math.exp %logistic3A_166 : vector<64x1xf32>
      %logistic3A_168 = arith.constant 1.000000e+00 : f32
      %logistic3A_169 = vector.broadcast %logistic3A_168 : f32 to vector<64x1xf32>
      %logistic3A_170 = arith.addf %logistic3A_169, %logistic3A_167 : vector<64x1xf32>
      %logistic3A_171 = arith.divf %logistic3A_169, %logistic3A_170 : vector<64x1xf32>
      %broadcast_in_dim3A_172 = vector.shape_cast %logistic3A_171 : vector<64x1xf32> to vector<64x1xf32>
      %broadcast_in_dim3A_173 = vector.broadcast %broadcast_in_dim3A_172 : vector<64x1xf32> to vector<64x8xf32>
      %swap3A_174 = arith.constant 0 : index
      %swap3A_175 = arith.constant 0 : index
      %swap3A_176 = vector.load %arg24[%swap3A_174, %swap3A_175] : memref<64x8xf32, #tpu.memory_space<vmem>>, vector<64x8xf32>
      tpu.vector_store %arg24[%swap3A_174, %swap3A_175], %broadcast_in_dim3A_173 {strides = array<i32>} : memref<64x8xf32, #tpu.memory_space<vmem>>, vector<64x8xf32>,
    } else {
    }
    return
  }
  func.func @transform_0(%arg0: i32) -> (i32, i32) {
    %c0_i32 = arith.constant 0 : i32
    %c0_i32_0 = arith.constant 0 : i32
    return %arg0, %c0_i32 : i32, i32
  }
  func.func @transform_1(%arg0: i32) -> (i32, i32) {
    %c0_i32 = arith.constant 0 : i32
    %c0_i32_0 = arith.constant 0 : i32
    return %arg0, %c0_i32 : i32, i32
  }
  func.func @transform_2(%arg0: i32) -> (i32, i32) {
    %c0_i32 = arith.constant 0 : i32
    %c0_i32_0 = arith.constant 0 : i32
    return %arg0, %c0_i32 : i32, i32
  }
  func.func @transform_3(%arg0: i32) -> (i32, i32, i32) {
    %c0_i32 = arith.constant 0 : i32
    %c0_i32_0 = arith.constant 0 : i32
    %c0_i32_1 = arith.constant 0 : i32
    return %arg0, %c0_i32, %c0_i32_0 : i32, i32, i32
  }
  func.func @transform_4(%arg0: i32) -> (i32, i32) {
    %c0_i32 = arith.constant 0 : i32
    %c0_i32_0 = arith.constant 0 : i32
    %c0_i32_1 = arith.constant 0 : i32
    return %c0_i32, %c0_i32_0 : i32, i32
  }
  func.func @transform_5(%arg0: i32) -> (i32, i32) {
    %c0_i32 = arith.constant 0 : i32
    %c0_i32_0 = arith.constant 0 : i32
    %c0_i32_1 = arith.constant 0 : i32
    return %c0_i32, %c0_i32_0 : i32, i32
  }
  func.func @transform_6(%arg0: i32) -> (i32, i32) {
    %c0_i32 = arith.constant 0 : i32
    %c0_i32_0 = arith.constant 0 : i32
    %c0_i32_1 = arith.constant 0 : i32
    return %c0_i32, %c0_i32_0 : i32, i32
  }
  func.func @transform_7(%arg0: i32) -> (i32, i32) {
    %c0_i32 = arith.constant 0 : i32
    %c0_i32_0 = arith.constant 0 : i32
    %c0_i32_1 = arith.constant 0 : i32
    return %c0_i32, %c0_i32_0 : i32, i32
  }
  func.func @transform_8(%arg0: i32) -> (i32, i32) {
    %c0_i32 = arith.constant 0 : i32
    %c0_i32_0 = arith.constant 0 : i32
    %c0_i32_1 = arith.constant 0 : i32
    return %c0_i32, %c0_i32_0 : i32, i32
  }
  func.func @transform_9(%arg0: i32) -> (i32, i32) {
    %c0_i32 = arith.constant 0 : i32
    %c0_i32_0 = arith.constant 0 : i32
    %c0_i32_1 = arith.constant 0 : i32
    return %c0_i32, %c0_i32_0 : i32, i32
  }
  func.func @transform_10(%arg0: i32) -> (i32, i32) {
    %c0_i32 = arith.constant 0 : i32
    %c0_i32_0 = arith.constant 0 : i32
    %c0_i32_1 = arith.constant 0 : i32
    return %c0_i32, %c0_i32_0 : i32, i32
  }
  func.func @transform_11(%arg0: i32) -> (i32, i32) {
    %c0_i32 = arith.constant 0 : i32
    %c0_i32_0 = arith.constant 0 : i32
    %c0_i32_1 = arith.constant 0 : i32
    return %c0_i32, %c0_i32_0 : i32, i32
  }
  func.func @transform_12(%arg0: i32) -> (i32, i32) {
    %c0_i32 = arith.constant 0 : i32
    %c0_i32_0 = arith.constant 0 : i32
    %c0_i32_1 = arith.constant 0 : i32
    return %c0_i32, %c0_i32_0 : i32, i32
  }
  func.func @transform_13(%arg0: i32) -> (i32, i32) {
    %c0_i32 = arith.constant 0 : i32
    %c0_i32_0 = arith.constant 0 : i32
    %c0_i32_1 = arith.constant 0 : i32
    return %c0_i32, %c0_i32_0 : i32, i32
  }
  func.func @transform_14(%arg0: i32) -> (i32, i32) {
    %c0_i32 = arith.constant 0 : i32
    %c0_i32_0 = arith.constant 0 : i32
    %c0_i32_1 = arith.constant 0 : i32
    return %c0_i32, %c0_i32_0 : i32, i32
  }
  func.func @transform_15(%arg0: i32) -> (i32, i32) {
    %c0_i32 = arith.constant 0 : i32
    %c0_i32_0 = arith.constant 0 : i32
    %c0_i32_1 = arith.constant 0 : i32
    return %c0_i32, %c0_i32_0 : i32, i32
  }
  func.func @transform_16(%arg0: i32) -> (i32, i32) {
    %c0_i32 = arith.constant 0 : i32
    %c0_i32_0 = arith.constant 0 : i32
    %c0_i32_1 = arith.constant 0 : i32
    return %c0_i32, %c0_i32_0 : i32, i32
  }
  func.func @transform_17(%arg0: i32) -> (i32, i32) {
    %c0_i32 = arith.constant 0 : i32
    %c0_i32_0 = arith.constant 0 : i32
    %c0_i32_1 = arith.constant 0 : i32
    return %c0_i32, %c0_i32_0 : i32, i32
  }
  func.func @transform_18(%arg0: i32) -> (i32, i32) {
    %c0_i32 = arith.constant 0 : i32
    %c0_i32_0 = arith.constant 0 : i32
    %c0_i32_1 = arith.constant 0 : i32
    return %c0_i32, %c0_i32_0 : i32, i32
  }
  func.func @transform_19(%arg0: i32) -> (i32, i32) {
    %c0_i32 = arith.constant 0 : i32
    %c0_i32_0 = arith.constant 0 : i32
    %c0_i32_1 = arith.constant 0 : i32
    return %c0_i32, %c0_i32_0 : i32, i32
  }
  func.func @transform_20(%arg0: i32) -> (i32, i32, i32) {
    %c0_i32 = arith.constant 0 : i32
    %c0_i32_0 = arith.constant 0 : i32
    %c0_i32_1 = arith.constant 0 : i32
    return %arg0, %c0_i32, %c0_i32_0 : i32, i32, i32
  }
  func.func @transform_21(%arg0: i32) -> (i32, i32) {
    %c0_i32 = arith.constant 0 : i32
    %c0_i32_0 = arith.constant 0 : i32
    %c0_i32_1 = arith.constant 0 : i32
    return %c0_i32, %c0_i32_0 : i32, i32
  }
  func.func @transform_22(%arg0: i32) -> (i32, i32) {
    %c0_i32 = arith.constant 0 : i32
    %c0_i32_0 = arith.constant 0 : i32
    %c0_i32_1 = arith.constant 0 : i32
    return %c0_i32, %c0_i32_0 : i32, i32
  }
  func.func @transform_23(%arg0: i32) -> (i32, i32) {
    %c0_i32 = arith.constant 0 : i32
    %c0_i32_0 = arith.constant 0 : i32
    %c0_i32_1 = arith.constant 0 : i32
    return %c0_i32, %c0_i32_0 : i32, i32
  }
}

</mosaic_0001>

<sc_bundles>
// kernel: kernel.10.cloned.1.call-start
scs
__scs_entry_jumppad:
0x0: {  	(pc) =	sbr.rel $0x88, $3  }
0x1: {  	(tag) =	ssettag $0x0;
	lr =	simm.s32 $0x1  }
0x2: {  	[smem:$0x3F81] =	sst lr;
	_ =	strace $0xD0000000  }
0x3: {  	_ = 	snop  }
0x4: {  	_ = 	snop  }
0x5: {  	_ = 	snop  }
0x6: {  	_ = 	snop  }
0x7: {  	_ = 	snop  }
__scs_overlays_trampoline_lowered:
0x8: {  	[smem:$0x3F90] =	sst s0  }
0x9: {  	[smem:$0x3F91] =	sst s1  }
0xa: {  	[smem:$0x3F92] =	sst s2  }
0xb: {  	[smem:$0x3F93] =	sst s3  }
0xc: {  	[smem:$0x3F94] =	sst s4  }
0xd: {  	[smem:$0x3F95] =	sst s5  }
0xe: {  	[smem:$0x3F96] =	sst s6  }
0xf: {  	[smem:$0x3F97] =	sst s7  }
0x10: {  	[smem:$0x3F98] =	sst s8  }
0x11: {  	[smem:$0x3F99] =	sst s9;
	s0 =	simm.s32 @!p0 $0x0  }
0x12: {  	s1 =	sld [smem:$0x3F7F];
	s0 =	simm.s32 @p0 $0x1  }
0x13: {  	[smem:$0x3F9A] =	sst s0;
	s0 =	simm.s32 @!p1 $0x0  }
0x14: {  	s2 =	sld [smem:$0x3F7E];
	s0 =	simm.s32 @p1 $0x1  }
0x15: {  	[smem:$0x3F9B] =	sst s0;
	s0 =	simm.s32 @!p2 $0x0  }
0x16: {  	s3 =	sld [smem:$0x3FDB];
	s0 =	simm.s32 @p2 $0x1  }
0x17: {  	s4 =	simm.s32 $0x1BF5;
	[smem:$0x3F9D] =	sst s0  }
0x18: {  	s0 =	sld [smem:$0x3F80];
	_ =	swait.ge [sflag:s4], $0x0  }
0x19: {  	s7 =	sld [smem:$0x3F81]  }
0x1a: {  	s8 =	sadd.s32 $0xFFFFE003, lr  }
0x1b: {  	s9 =	sadd.s32 $0xFFFFFEF7, lr;
	s5 =	simm.s32 $0xFFFFFFFF;
	p2 =	slt.u32 s8, $0xFFFFF086  }
0x1c: {  	p1 =	slt.u32 s9, $0xF7A;
	s5 =	simm.s32 @!p2 $0x0  }
0x1d: {  	s5 =	simm.s32 @p1 $0x1;
	p0 =	seq.s32 s7, s2  }
0x1e: {  	s7 =	smul.u32 @!p0 $0xF7A, s2;
	p2 =	seq.s32 @!p0 s5, $0x0  }
0x1f: {  	s9 =	smul.u32 $0xF7A, s1;
	s8 =	simm.s32 @!p0 $0x1BF5;
	p2 =	por !p2, p0  }
0x20: {  	[sflag:s8] =	ssyncset.s32 @!p0 $0xFFFFF086;
	s6 =	sadd.s32 @!p0 s3, s7;
	s7 =	simm.s32 @!p0 $0x108  }
0x21: {  	s3 =	sadd.s32 s3, s9;
	s6 =	sadd.s32 @!p0 $0x88, s6;
	s7 =	simm.s32 @p2 $0x1082  }
0x22: {  	[simem:s7], [sflag:s8] =	dma.local @!p0 [hbm:s6], $0xF7A  }
0x23: {  	s9 =	sor.u32 $0xD0000000, s2;
	s6 =	simm.s32 $0x108;
	_ =	swait.ge @!p0 [sflag:s8], $0x0  }
0x24: {  	s3 =	sadd.s32 $0x88, s3;
	s6 =	simm.s32 @!p1 $0x1082;
	[sflag:s4] =	ssyncset.s32 $0xFFFFF086  }
0x25: {  	[simem:s6], [sflag:s4] =	dma.local [hbm:s3], $0xF7A  }
0x26: {  	[smem:$0x3F81] =	sst s1;
	(tag) =	ssettag s2;
	_ =	strace s9  }
0x27: {  	s1 =	sld [smem:$0x3F91]  }
0x28: {  	s2 =	sld [smem:$0x3F92]  }
0x29: {  	s4 =	sld [smem:$0x3F94]  }
0x2a: {  	p0 =	seq.s32 s5, $0x0;
	s5 =	sld [smem:$0x3F95]  }
0x2b: {  	s6 =	sld [smem:$0x3F96]  }
0x2c: {  	s7 =	sld [smem:$0x3F97]  }
0x2d: {  	s3 =	simm.s32 $0x108;
	s8 =	sld [smem:$0x3F98]  }
0x2e: {  	s3 =	simm.s32 @!p0 $0x1082;
	s9 =	sld [smem:$0x3F99]  }
0x2f: {  	lr =	sadd.s32 s0, s3;
	s0 =	sld [smem:$0x3F90]  }
0x30: {  	s3 =	sld [smem:$0x3F93]  }
0x31: {  	[smem:$0x3F9C] =	sst s10  }
0x32: {  	s10 =	sld [smem:$0x3F9A];
	_ =	sdelay $0x3  }
0x33: {  	p0 =	seq.s32 s10, $0x1;
	s10 =	sld [smem:$0x3F9C];
	_ =	sdelay $0x3  }
0x34: {  	[smem:$0x3F9C] =	sst s10  }
0x35: {  	s10 =	sld [smem:$0x3F9B];
	_ =	sdelay $0x3  }
0x36: {  	p1 =	seq.s32 s10, $0x1;
	s10 =	sld [smem:$0x3F9C];
	_ =	sdelay $0x3  }
0x37: {  	[smem:$0x3F9C] =	sst s10  }
0x38: {  	s10 =	sld [smem:$0x3F9D]  }
0x39: {  	_ = 	snop;
	(pc) =	sbr.ind lr, $3  }
0x3a: {  	_ = 	snop  }
0x3b: {  	_ = 	snop  }
0x3c: {  	p2 =	seq.s32 s10, $0x1;
	s10 =	sld [smem:$0x3F9C]  }
0x3d: {  	_ =	shalt  }
0x3e: {  	_ =	shalt  }
0x3f: {  	_ =	shalt  }
0x40: {  	_ =	shalt  }
0x41: {  	_ =	shalt  }
0x42: {  	_ =	shalt  }
0x43: {  	_ =	shalt  }
0x44: {  	_ =	shalt  }
0x45: {  	_ =	shalt  }
0x46: {  	_ =	shalt  }
0x47: {  	_ =	shalt  }
0x48: {  	_ =	shalt  }
0x49: {  	_ =	shalt  }
0x4a: {  	_ =	shalt  }
0x4b: {  	_ =	shalt  }
0x4c: {  	_ =	shalt  }
0x4d: {  	_ =	shalt  }
0x4e: {  	_ =	shalt  }
0x4f: {  	_ =	shalt  }
0x50: {  	_ =	shalt  }
0x51: {  	_ =	shalt  }
0x52: {  	_ =	shalt  }
0x53: {  	_ =	shalt  }
0x54: {  	_ =	shalt  }
0x55: {  	_ =	shalt  }
0x56: {  	_ =	shalt  }
0x57: {  	_ =	shalt  }
0x58: {  	_ =	shalt  }
0x59: {  	_ =	shalt  }
0x5a: {  	_ =	shalt  }
0x5b: {  	_ =	shalt  }
0x5c: {  	_ =	shalt  }
0x5d: {  	_ =	shalt  }
0x5e: {  	_ =	shalt  }
0x5f: {  	_ =	shalt  }
0x60: {  	_ =	shalt  }
0x61: {  	_ =	shalt  }
0x62: {  	_ =	shalt  }
0x63: {  	_ =	shalt  }
0x64: {  	_ =	shalt  }
0x65: {  	_ =	shalt  }
0x66: {  	_ =	shalt  }
0x67: {  	_ =	shalt  }
0x68: {  	_ =	shalt  }
0x69: {  	_ =	shalt  }
0x6a: {  	_ =	shalt  }
0x6b: {  	_ =	shalt  }
0x6c: {  	_ =	shalt  }
0x6d: {  	_ =	shalt  }
0x6e: {  	_ =	shalt  }
0x6f: {  	_ =	shalt  }
0x70: {  	_ =	shalt  }
0x71: {  	_ =	shalt  }
0x72: {  	_ =	shalt  }
0x73: {  	_ =	shalt  }
0x74: {  	_ =	shalt  }
0x75: {  	_ =	shalt  }
0x76: {  	_ =	shalt  }
0x77: {  	_ =	shalt  }
0x78: {  	_ =	shalt  }
0x79: {  	_ =	shalt  }
0x7a: {  	_ =	shalt  }
0x7b: {  	_ =	shalt  }
0x7c: {  	_ =	shalt  }
0x7d: {  	_ =	shalt  }
0x7e: {  	_ =	shalt  }
0x7f: {  	_ =	shalt  }
0x80: {  	_ =	shalt  }
0x81: {  	_ =	shalt  }
0x82: {  	_ =	shalt  }
0x83: {  	_ =	shalt  }
0x84: {  	_ =	shalt  }
0x85: {  	_ =	shalt  }
0x86: {  	_ =	shalt  }
0x87: {  	_ =	shalt  }
.Lfunc_end0:
.L_simem_size_0:
called_computation.1_lowered:
.L_overlay_start_0:
0x88: {  	s2 =	sld [smem:$0x3FD9]  }
0x89: {  	s3 =	sld [smem:$0x3FFE];
	_ =	sdelay $0x1  }
0x8a: {  	s1 =	srdreg.scid  }
0x8b: {  	s0 =	sand.u32 $0x1, s1  }
0x8c: {  	s14 =	sshll.u32 s0, $0xA;
	s2 =	sadd.s32 s3, s2  }
0x8d: {  	s2 =	sadd.s32 s2, s14  }
0x8e: {  	[smem:$0x3FA8] =	sst s2  }
0x8f: {  	_ = 	snop  }
0x90: {  	s2 =	sld [smem:$0x3FD0];
	_ =	sdelay $0x2  }
0x91: {  	s4 =	simm.s32 $0xA;
	s5 =	simm.s32 $0x10;
	s15 =	sld [smem:$0x3FC6]  }
0x92: {  	[smem:s5], [sflag:s4] =	dma.local [hbm:s2], $0x1  }
0x93: {  	_ =	swait.eq [sflag:s4], $0x1  }
0x94: {  	[sflag:s4] =	ssyncset.done $0x0  }
0x95: {  	[sflag:s4] =	ssyncadd.s32 $0xFFFFFFFF  }
0x96: {  	s16 =	sld [smem:$0x10];
	(tm) =	ssettm $0x1  }
0x97: {  	s17 =	sld [smem:$0x3FFB];
	_ =	sdelay $0x3  }
0x98: {  	_ =	strace s17  }
0x99: {  	s4 =	sld [smem:$0x3FFC];
	_ =	sdelay $0x3  }
0x9a: {  	_ =	strace s4  }
0x9b: {  	s4 =	sld [smem:$0x3FFD];
	_ =	sdelay $0x3  }
0x9c: {  	_ =	strace s4  }
0x9d: {  	_ =	strace $0x8FFFFFFF  }
0x9e: {  	s18 =	sld [smem:$0x3FDB];
	_ =	sdelay $0x1  }
0x9f: {  	s19 =	simm.s32 $_scs_section_size  }
0xa0: {  	s6 =	simm.s32 $_size__tile_overlayer_lowered;
	s7 =	simm.s32 $_tile_overlayer_lowered  }
0xa1: {  	s22 =	simm.s32 $0x1BFF;
	s21 =	sshll.u32 s7, $0x1;
	s4 =	sadd.s32 s19, s18  }
0xa2: {  	s8 =	simm.s32 $0x0;
	s20 =	sshll.u32 s6, $0x1;
	s6 =	sadd.s32 s21, s4  }
0xa3: {  	[timem:s8], [sflag:s22] =	dma.local [hbm:s6], s20  }
0xa4: {  	_ =	swait.ge [sflag:s22], s20  }
0xa5: {  	s5 =	ssub.s32 $0x0, s20;
	[sflag:s22] =	ssyncset.done $0x0  }
0xa6: {  	[sflag:s22] =	ssyncadd.s32 s5;
	_ =	sdelay $0x1  }
0xa7: {  	s23 =	simm.s32 $0x1B8B  }
0xa8: {  	_ =	swait.ge [sflag:s23], $0x1  }
0xa9: {  	[sflag:s23] =	ssyncset.done $0x0  }
0xaa: {  	s25 =	simm.s32 $0x1B8E;
	s24 =	sld [smem:$0x3FFE];
	[sflag:s23] =	ssyncadd.s32 $0xFFFFFFFF  }
0xab: {  	s26 =	simm.s32 $execute0_lowered;
	[smem:$0x3FD2] =	sst s25  }
0xac: {  	s6 =	sshll.u32 s26, $0x1;
	_ =	strace $0x80000049;
	[dreg:$0x1] =	wrdreg $0xFFFFFFFF  }
0xad: {  	s28 =	simm.s32 $_size_execute0_lowered;
	s4 =	sadd.s32 s4, s6;
	[dreg:$0x0] =	wrdreg $0x0  }
0xae: {  	s6 =	sshll.u32 s28, $0x1;
	[dreg:$0x2] =	wrdreg s4  }
0xaf: {  	[dreg:$0x3] =	wrdreg s6  }
0xb0: {  	[dreg:$0x4] =	wrdreg $0xC0  }
0xb1: {  	_ =	task [dreg:s8], $0x5FFFF  }
0xb2: {  	[dreg:$0x1] =	wrdreg $0xFFFFFFFF  }
0xb3: {  	[dreg:$0x0] =	wrdreg $0x60  }
0xb4: {  	[dreg:$0x2] =	wrdreg s24  }
0xb5: {  	[dreg:$0x3] =	wrdreg s15  }
0xb6: {  	[dreg:$0x4] =	wrdreg s16  }
0xb7: {  	[dreg:$0x5] =	wrdreg $0x8CA00  }
0xb8: {  	[dreg:$0x6] =	wrdreg $0x9  }
0xb9: {  	_ =	task.clear_ibuf [dreg:s8], $0x7FFFF;
	_ =	strace $0x90000049  }
0xba: {  	s29 =	simm.s32 $0x9;
	_ =	strace $0x8000004B  }
0xbb: {  	_ =	swait.ge [sflag:s29], $0x1  }
0xbc: {  	[sflag:s29] =	ssyncadd.s32 $0xFFFFFFFF  }
0xbd: {  	_ =	strace $0x9000004B  }
0xbe: {  	_ =	sfence  }
0xbf: {  	s30 =	sld [smem:$0x0];
	_ =	sdelay $0x2  }
0xc0: {  	s31 =	sshll.u32 s1, $0xD;
	s1 =	sshrl.u32 s1, $0x2  }
0xc1: {  	s3 =	sand.u32 $0x4000, s31;
	s1 =	sadd.s32 s1, s30  }
0xc2: {  	s0 =	sor.u32 s3, s0;
	s1 =	sshll.u32 s1, $0x11  }
0xc3: {  	s0 =	sor.u32 s1, s0  }
0xc4: {  	s0 =	sadd.s32 $0x8F2B, s0  }
0xc5: {  	[sflag:s0] =	ssyncadd.remote.s32 $0x1  }
0xc6: {  	_ =	sfence.sel $0xFFFF  }
0xc7: {  	[dreg:$0x0] =	wrdreg $0xFFFFFFFF;
	(pc) =	sbr.abs _section_cstart, $3  }
0xc8: {  	[dreg:$0x1] =	wrdreg $0xFFFFFFFF  }
0xc9: {  	_ =	task.clear_ibuf [dreg:s8], $0x2FFFF;
	_ =	strace $0x9FFFFFFF  }
0xca: {  	(tm) =	ssettm $0x7FFFFFFF  }
0xcb: {  	_ =	shalt  }
tec
execute0_lowered:
.L_overlay_start_1:
0x0: {  	(tag) =	ssettag $0x1  }
0x1: {  	s0 =	rddreg [dreg:$0x0];
	s12 =	stileid.u32  }
0x2: {  	s1 =	rddreg [dreg:$0x1];
	s2 =	smul.u32 $0xC3500, s12  }
0x3: {  	s3 =	rddreg [dreg:$0x3];
	s4 =	simm.s32 $0x0;
	s5 =	smul.u32 $0xC350, s12  }
0x4: {  	s8 =	srdreg.scid;
	[smem:$0x7FF] =	sst s4;
	s2 =	sadd.s32 s2, s0  }
0x5: {  	s6 =	sshrl.u32 s5, $0x3;
	s10 =	sadd.s32 s5, s0;
	s5 =	sadd.s32 s5, s3  }
0x6: {  	_ =	strace $0x8000004A;
	s11 =	sadd.s32 $0x1E8B008, s2;
	[dreg:$0xc] =	wrdreg s5  }
0x7: {  	s28 =	simm.s32 $0x0;
	s13 =	sadd.s32 $0x1E8B001, s2;
	[dreg:$0x5] =	wrdreg s11  }
0x8: {  	s7 =	smul.u32 $0x30D4, s12;
	s22 =	sadd.s32 $0x1E8B009, s2;
	[dreg:$0x6] =	wrdreg s13  }
0x9: {  	s8 =	sand.u32 $0x1, s8;
	s23 =	sadd.s32 $0x1E8B002, s2;
	[dreg:$0x7] =	wrdreg s22  }
0xa: {  	s20 =	ssub.s32 $0x2, s8;
	s24 =	sadd.s32 $0x1E8B00A, s2;
	[dreg:$0x8] =	wrdreg s23  }
0xb: {  	p0 =	seq.s32 s8, $0x1;
	s25 =	sadd.s32 $0x1E8B003, s2;
	[dreg:$0x9] =	wrdreg s24  }
0xc: {  	s8 =	smul.u32 $0x186A, s12;
	s26 =	sadd.s32 $0x1E8B00B, s2;
	[dreg:$0xa] =	wrdreg s25  }
0xd: {  	s21 =	sshrl.u32 s20, $0x1;
	s29 =	sadd.s32 $0x1E8B004, s2;
	[dreg:$0xb] =	wrdreg s26  }
0xe: {  	s9 =	sadd.s32 s6, s0;
	s30 =	sadd.s32 $0x1E8B00C, s2;
	[dreg:$0xd] =	wrdreg s29  }
0xf: {  	s0 =	sadd.s32 s7, s0;
	s31 =	sadd.s32 $0x1E8B005, s2;
	[dreg:$0xe] =	wrdreg s30  }
0x10: {  	s7 =	ssub.s32 s20, s21;
	s14 =	sadd.s32 $0x1E8B007, s2;
	[dreg:$0xf] =	wrdreg s31  }
0x11: {  	s17 =	sadd.s32 s1, s6;
	s16 =	sadd.s32 $0x1E8B00F, s2;
	[dreg:$0x13] =	wrdreg s14  }
0x12: {  	s20 =	sadd.s32 s8, s1;
	s18 =	sadd.s32 $0x50600, s10;
	[dreg:$0x14] =	wrdreg s16  }
0x13: {  	s19 =	sadd.s32 $0x50601, s10;
	s21 =	sadd.s32 $0x50602, s10;
	[dreg:$0x15] =	wrdreg s18  }
0x14: {  	s15 =	sadd.s32 $0x7000, s9;
	s9 =	sadd.s32 $0x1E8B00D, s2;
	[dreg:$0x16] =	wrdreg s19  }
0x15: {  	s11 =	sadd.s32 $0x1E8B006, s2;
	s13 =	sadd.s32 $0x1E8B00E, s2;
	[dreg:$0x17] =	wrdreg s21  }
0x16: {  	s23 =	sadd.s32 $0x1E8B000, s2;
	s22 =	sadd.s32 $0x50603, s10;
	[dreg:$0x10] =	wrdreg s9  }
0x17: {  	s24 =	sadd.s32 $0x50604, s10;
	s25 =	sadd.s32 $0x50605, s10;
	[dreg:$0x11] =	wrdreg s11  }
0x18: {  	s26 =	sadd.s32 $0x50606, s10;
	s29 =	sadd.s32 $0x50607, s10;
	[dreg:$0x12] =	wrdreg s13  }
0x19: {  	s30 =	sadd.s32 $0x1F800, s0;
	s31 =	sshll.u32 s12, $0x6;
	[dreg:$0x18] =	wrdreg s22  }
0x1a: {  	s0 =	sadd.s32 $0x1F801, s0;
	s6 =	smax.u32 s7, $0x1;
	[dreg:$0x19] =	wrdreg s24  }
0x1b: {  	s8 =	sadd.s32 $0x186A0, s17;
	s10 =	sadd.s32 $0x18894, s20;
	[dreg:$0x1a] =	wrdreg s25  }
0x1c: {  	s14 =	simm.s32 $0x80;
	s16 =	simm.s32 $0xFA0;
	[dreg:$0x1b] =	wrdreg s26  }
.Ltmp0:
0x1d: {  	s18 =	simm.s32 $0x7D0;
	[dreg:$0x1c] =	wrdreg s29;
	(pc) =	sbr.rel .LBB2_1-.Ltmp0, $4  }
0x1e: {  	s19 =	simm.s32 $0x4E20;
	s21 =	simm.s32 $0x1;
	[dreg:$0x1d] =	wrdreg s30  }
0x1f: {  	[dreg:$0x1e] =	wrdreg s0;
	s7 =	sor.u32 $0x1C05, s31;
	s9 =	sadd.s32 $0x1F4, s20  }
0x20: {  	s11 =	simm.s32 $0x5;
	s13 =	simm.s32 $0x8;
	s22 =	simm.s32 $0x3  }
0x21: {  	s24 =	simm.s32 $0x6;
	s25 =	simm.s32 $0x2;
	s26 =	simm.s32 $0x4  }
.LBB2_39:
0x22: {  	s1 =	sadd.s32 $0x19F0A, s0;
	[sflag:s11] =	ssyncadd.s32 $0xFFFFC180  }
0x23: {  	[tilespmem:s18], [sflag:$0x2] =	stream.linear.gather [hbm4b:s1+s4], $0x7D0, $0x38;
	[tilespmem:$0x14FF0] =	vst v63  }
0x24: {  	_ =	swait.ge [sflag:s21], $0x7D0  }
0x25: {  	[sflag:s21] =	ssyncset.done $0x0  }
0x26: {  	[sflag:s21] =	ssyncadd.s32 $0xFFFFF830  }
0x27: {  	[spmem:s3] =	stream.indirect.scatter.add.f32 [tilespmem:s16], [sflag:$0x6], $0x8, s4, s18, $0xb8;
	[tilespmem:$0x14FF0] =	vst v63  }
0x28: {  	_ =	swait.ge [sflag:s24], $0x3E80  }
0x29: {  	[sflag:s24] =	ssyncset.done $0x0  }
0x2a: {  	s31 =	sadd.s32 $0x1A004, s0;
	[sflag:s24] =	ssyncadd.s32 $0xFFFFC180  }
0x2b: {  	[tilespmem:s4], [sflag:$0x1] =	stream.linear.gather [hbm4b:s31+s4], $0x7D0, $0x38;
	[tilespmem:$0x14FF0] =	vst v63  }
0x2c: {  	_ =	swait.ge [sflag:s25], $0x7D0  }
0x2d: {  	[sflag:s25] =	ssyncset.done $0x0  }
0x2e: {  	[sflag:s25] =	ssyncadd.s32 $0xFFFFF830  }
0x2f: {  	[spmem:s3] =	stream.indirect.scatter.add.f32 [tilespmem:s16], [sflag:$0x5], $0x8, s18, s18, $0xb8;
	[tilespmem:$0x14FF0] =	vst v63  }
0x30: {  	_ =	swait.ge [sflag:s11], $0x3E80  }
0x31: {  	[sflag:s11] =	ssyncset.done $0x0  }
0x32: {  	s0 =	rddreg [dreg:$0x1e];
	[sflag:s11] =	ssyncadd.s32 $0xFFFFC180  }
.LBB2_40:
0x33: {  	_ =	swait.ge [sflag:s21], $0x7D0  }
0x34: {  	[sflag:s21] =	ssyncset.done $0x0  }
0x35: {  	[sflag:s21] =	ssyncadd.s32 $0xFFFFF830  }
0x36: {  	[spmem:s3] =	stream.indirect.scatter.add.f32 [tilespmem:s16], [sflag:$0x6], $0x8, s4, s18, $0xb8;
	[tilespmem:$0x14FF0] =	vst v63  }
0x37: {  	_ =	swait.ge [sflag:s24], $0x3E80  }
0x38: {  	s28 =	sadd.s32 $0x1, s28;
	[sflag:s24] =	ssyncset.done $0x0  }
0x39: {  	p1 =	sne.s32 s28, s6;
	[sflag:s24] =	ssyncadd.s32 $0xFFFFC180  }
.Ltmp1:
0x3a: {  	[bflag:$0x0] =	sbarrier.arrive $0xFFFF;
	(pc) =	sbr.rel @!p1 .LBB2_41-.Ltmp1, $4  }
0x3b: {  	[hbm:s0@s25], [sflag:s7] =	dma.strided [spmem:s29@s21], $0x186A, s21, $0x1   }
0x3c: {  	_ =	swait.ge [sflag:s11], $0x186A  }
0x3d: {  	[sflag:s11] =	ssyncset.done $0x0  }
0x3e: {  	[sflag:s11] =	ssyncadd.s32 $0xFFFFE796  }
.LBB2_1:
0x3f: {  	s0 =	rddreg [dreg:$0xc]  }
0x40: {  	s29 =	sshrl.u32 s0, $0x3  }
0x41: {  	[spmem:s29], [sflag:s7] =	dma.local [hbm:s15], $0x186A  }
.Ltmp2:
0x42: {  	_ =	swait.ge [sflag:s11], $0x186A;
	(pc) =	sbr.rel @!p0 .LBB2_2-.Ltmp2, $4  }
0x43: {  	[sflag:s11] =	ssyncset.done $0x0  }
0x44: {  	[sflag:s11] =	ssyncadd.s32 $0xFFFFE796  }
0x45: {  	[bflag:$0x0] =	sbarrier.arrive $0xFFFF  }
0x46: {  	[tilespmem:s4], [sflag:$0x1] =	stream.linear.gather [hbm4b:s17+s4], $0x7D0, $0x38;
	[tilespmem:$0x14FF0] =	vst v63  }
0x47: {  	s0 =	rddreg [dreg:$0xd]  }
0x48: {  	[tilespmem:s16], [sflag:$0x3] =	stream.strided.gather [hbm4b:s0+s13], $0x3E80, s14, s13, $0x38;
	[tilespmem:$0x14FF0] =	vst v63  }
0x49: {  	s30 =	sadd.s32 $0xFFFFFF06, s9;
	s31 =	sadd.s32 $0x0, s23  }
0x4a: {  	[tilespmem:s18], [sflag:$0x2] =	stream.linear.gather [hbm4b:s30+s4], $0x7D0, $0x38;
	[tilespmem:$0x14FF0] =	vst v63  }
0x4b: {  	s1 =	sadd.s32 $0x7D04, s31  }
0x4c: {  	[tilespmem:s19], [sflag:$0x4] =	stream.strided.gather [hbm4b:s1+s13], $0x3E80, s14, s13, $0x38;
	[tilespmem:$0x14FF0] =	vst v63  }
0x4d: {  	_ =	swait.ge [sflag:s21], $0x7D0  }
0x4e: {  	[sflag:s21] =	ssyncset.done $0x0  }
0x4f: {  	[sflag:s21] =	ssyncadd.s32 $0xFFFFF830  }
0x50: {  	_ =	swait.ge [sflag:s22], $0x3E80  }
0x51: {  	[sflag:s22] =	ssyncset.done $0x0  }
0x52: {  	[sflag:s22] =	ssyncadd.s32 $0xFFFFC180  }
0x53: {  	[spmem:s3] =	stream.indirect.scatter.add.f32 [tilespmem:s16], [sflag:$0x6], $0x8, s4, s18, $0xb8;
	[tilespmem:$0x14FF0] =	vst v63  }
0x54: {  	_ =	swait.ge [sflag:s24], $0x3E80  }
0x55: {  	[sflag:s24] =	ssyncset.done $0x0  }
0x56: {  	[sflag:s24] =	ssyncadd.s32 $0xFFFFC180  }
0x57: {  	[tilespmem:s4], [sflag:$0x1] =	stream.linear.gather [hbm4b:s9+s4], $0x7D0, $0x38;
	[tilespmem:$0x14FF0] =	vst v63  }
0x58: {  	s0 =	sadd.s32 $0xFA04, s31  }
0x59: {  	[tilespmem:s16], [sflag:$0x3] =	stream.strided.gather [hbm4b:s0+s13], $0x3E80, s14, s13, $0x38;
	[tilespmem:$0x14FF0] =	vst v63  }
0x5a: {  	_ =	swait.ge [sflag:s25], $0x7D0  }
0x5b: {  	[sflag:s25] =	ssyncset.done $0x0  }
0x5c: {  	[sflag:s25] =	ssyncadd.s32 $0xFFFFF830  }
0x5d: {  	_ =	swait.ge [sflag:s26], $0x3E80  }
0x5e: {  	[sflag:s26] =	ssyncset.done $0x0  }
0x5f: {  	[sflag:s26] =	ssyncadd.s32 $0xFFFFC180  }
0x60: {  	[spmem:s3] =	stream.indirect.scatter.add.f32 [tilespmem:s19], [sflag:$0x5], $0x8, s18, s18, $0xb8;
	[tilespmem:$0x14FF0] =	vst v63  }
0x61: {  	s2 =	simm.s32 $0x1F400;
	_ =	swait.ge [sflag:s11], $0x3E80  }
0x62: {  	s1 =	simm.s32 $0xFA00;
	s0 =	sadd.s32 $0x1F4, s9;
	[sflag:s11] =	ssyncset.done $0x0  }
.LBB2_22:
0x63: {  	s5 =	sadd.s32 $0xFFFFFF06, s0  }
0x64: {  	s12 =	sadd.s32 s1, s23;
	[sflag:s11] =	ssyncadd.s32 $0xFFFFC180;
	s1 =	smov.u32 s2  }
0x65: {  	[tilespmem:s18], [sflag:$0x2] =	stream.linear.gather [hbm4b:s5+s4], $0x7D0, $0x38;
	[tilespmem:$0x14FF0] =	vst v63  }
0x66: {  	p1 =	sne.s32 s2, $0xABE00;
	s2 =	sadd.s32 $0xFA00, s2;
	s5 =	sadd.s32 $0x7D04, s12  }
0x67: {  	[tilespmem:s19], [sflag:$0x4] =	stream.strided.gather [hbm4b:s5+s13], $0x3E80, s14, s13, $0x38;
	[tilespmem:$0x14FF0] =	vst v63  }
0x68: {  	_ =	swait.ge [sflag:s21], $0x7D0  }
0x69: {  	[sflag:s21] =	ssyncset.done $0x0  }
0x6a: {  	[sflag:s21] =	ssyncadd.s32 $0xFFFFF830  }
0x6b: {  	_ =	swait.ge [sflag:s22], $0x3E80  }
0x6c: {  	[sflag:s22] =	ssyncset.done $0x0  }
0x6d: {  	[sflag:s22] =	ssyncadd.s32 $0xFFFFC180  }
0x6e: {  	[spmem:s3] =	stream.indirect.scatter.add.f32 [tilespmem:s16], [sflag:$0x6], $0x8, s4, s18, $0xb8;
	[tilespmem:$0x14FF0] =	vst v63  }
0x6f: {  	_ =	swait.ge [sflag:s24], $0x3E80  }
0x70: {  	[sflag:s24] =	ssyncset.done $0x0  }
0x71: {  	[sflag:s24] =	ssyncadd.s32 $0xFFFFC180  }
0x72: {  	[tilespmem:s4], [sflag:$0x1] =	stream.linear.gather [hbm4b:s0+s4], $0x7D0, $0x38;
	[tilespmem:$0x14FF0] =	vst v63  }
0x73: {  	s5 =	sadd.s32 $0xFA04, s12  }
0x74: {  	[tilespmem:s16], [sflag:$0x3] =	stream.strided.gather [hbm4b:s5+s13], $0x3E80, s14, s13, $0x38;
	[tilespmem:$0x14FF0] =	vst v63  }
0x75: {  	_ =	swait.ge [sflag:s25], $0x7D0  }
0x76: {  	[sflag:s25] =	ssyncset.done $0x0  }
0x77: {  	[sflag:s25] =	ssyncadd.s32 $0xFFFFF830  }
0x78: {  	_ =	swait.ge [sflag:s26], $0x3E80  }
.Ltmp3:
0x79: {  	[sflag:s26] =	ssyncset.done $0x0;
	(pc) =	sbr.rel @p1 .LBB2_22-.Ltmp3, $4  }
0x7a: {  	[sflag:s26] =	ssyncadd.s32 $0xFFFFC180  }
0x7b: {  	[spmem:s3] =	stream.indirect.scatter.add.f32 [tilespmem:s19], [sflag:$0x5], $0x8, s18, s18, $0xb8;
	[tilespmem:$0x14FF0] =	vst v63  }
0x7c: {  	_ =	swait.ge [sflag:s11], $0x3E80  }
0x7d: {  	s0 =	sadd.s32 $0x1F4, s0;
	[sflag:s11] =	ssyncset.done $0x0  }
0x7e: {  	s2 =	sadd.s32 $0xFFFFFF06, s0;
	s1 =	sadd.s32 s1, s23;
	[sflag:s11] =	ssyncadd.s32 $0xFFFFC180  }
0x7f: {  	[tilespmem:s18], [sflag:$0x2] =	stream.linear.gather [hbm4b:s2+s4], $0x7D0, $0x38;
	[tilespmem:$0x14FF0] =	vst v63  }
0x80: {  	s5 =	sadd.s32 $0x7D04, s1  }
0x81: {  	[tilespmem:s19], [sflag:$0x4] =	stream.strided.gather [hbm4b:s5+s13], $0x3E80, s14, s13, $0x38;
	[tilespmem:$0x14FF0] =	vst v63  }
0x82: {  	_ =	swait.ge [sflag:s21], $0x7D0  }
0x83: {  	[sflag:s21] =	ssyncset.done $0x0  }
0x84: {  	[sflag:s21] =	ssyncadd.s32 $0xFFFFF830  }
0x85: {  	_ =	swait.ge [sflag:s22], $0x3E80  }
0x86: {  	[sflag:s22] =	ssyncset.done $0x0  }
0x87: {  	[sflag:s22] =	ssyncadd.s32 $0xFFFFC180  }
0x88: {  	[spmem:s3] =	stream.indirect.scatter.add.f32 [tilespmem:s16], [sflag:$0x6], $0x8, s4, s18, $0xb8;
	[tilespmem:$0x14FF0] =	vst v63  }
0x89: {  	_ =	swait.ge [sflag:s24], $0x3E80  }
0x8a: {  	[sflag:s24] =	ssyncset.done $0x0  }
0x8b: {  	[sflag:s24] =	ssyncadd.s32 $0xFFFFC180  }
0x8c: {  	[tilespmem:s4], [sflag:$0x1] =	stream.linear.gather [hbm4b:s0+s4], $0x7D0, $0x38;
	[tilespmem:$0x14FF0] =	vst v63  }
0x8d: {  	s12 =	sadd.s32 $0xFA04, s1  }
0x8e: {  	[tilespmem:s16], [sflag:$0x3] =	stream.strided.gather [hbm4b:s12+s13], $0x3E80, s14, s13, $0x38;
	[tilespmem:$0x14FF0] =	vst v63  }
0x8f: {  	_ =	swait.ge [sflag:s25], $0x7D0  }
0x90: {  	[sflag:s25] =	ssyncset.done $0x0  }
0x91: {  	[sflag:s25] =	ssyncadd.s32 $0xFFFFF830  }
0x92: {  	_ =	swait.ge [sflag:s26], $0x3E80  }
0x93: {  	[sflag:s26] =	ssyncset.done $0x0  }
0x94: {  	[sflag:s26] =	ssyncadd.s32 $0xFFFFC180  }
0x95: {  	[spmem:s3] =	stream.indirect.scatter.add.f32 [tilespmem:s19], [sflag:$0x5], $0x8, s18, s18, $0xb8;
	[tilespmem:$0x14FF0] =	vst v63  }
0x96: {  	_ =	swait.ge [sflag:s11], $0x3E80  }
0x97: {  	[sflag:s11] =	ssyncset.done $0x0  }
0x98: {  	[sflag:s11] =	ssyncadd.s32 $0xFFFFC180  }
0x99: {  	_ =	swait.ge [sflag:s21], $0x7D0  }
0x9a: {  	[sflag:s21] =	ssyncset.done $0x0  }
0x9b: {  	[sflag:s21] =	ssyncadd.s32 $0xFFFFF830  }
0x9c: {  	_ =	swait.ge [sflag:s22], $0x3E80  }
0x9d: {  	[sflag:s22] =	ssyncset.done $0x0  }
0x9e: {  	s1 =	simm.s32 $0x0;
	[sflag:s22] =	ssyncadd.s32 $0xFFFFC180  }
0x9f: {  	[spmem:s3] =	stream.indirect.scatter.add.f32 [tilespmem:s16], [sflag:$0x6], $0x8, s1, s18, $0xb8;
	[tilespmem:$0x14FF0] =	vst v63  }
0xa0: {  	_ =	swait.ge [sflag:s24], $0x3E80  }
0xa1: {  	[sflag:s24] =	ssyncset.done $0x0  }
0xa2: {  	[sflag:s24] =	ssyncadd.s32 $0xFFFFC180  }
0xa3: {  	[tilespmem:s1], [sflag:$0x1] =	stream.linear.gather [hbm4b:s8+s1], $0x7D0, $0x38;
	[tilespmem:$0x14FF0] =	vst v63  }
0xa4: {  	s2 =	rddreg [dreg:$0xe]  }
0xa5: {  	[tilespmem:s16], [sflag:$0x3] =	stream.strided.gather [hbm4b:s2+s13], $0x3E80, s14, s13, $0x38;
	[tilespmem:$0x14FF0] =	vst v63  }
0xa6: {  	s31 =	sadd.s32 $0xFFFFFF06, s10;
	s5 =	sadd.s32 $0x0, s23  }
0xa7: {  	[tilespmem:s18], [sflag:$0x2] =	stream.linear.gather [hbm4b:s31+s4], $0x7D0, $0x38;
	[tilespmem:$0x14FF0] =	vst v63  }
0xa8: {  	s12 =	sadd.s32 $0x7D0C, s5  }
0xa9: {  	[tilespmem:s19], [sflag:$0x4] =	stream.strided.gather [hbm4b:s12+s13], $0x3E80, s14, s13, $0x38;
	[tilespmem:$0x14FF0] =	vst v63  }
0xaa: {  	_ =	swait.ge [sflag:s21], $0x7D0  }
0xab: {  	[sflag:s21] =	ssyncset.done $0x0  }
0xac: {  	[sflag:s21] =	ssyncadd.s32 $0xFFFFF830  }
0xad: {  	_ =	swait.ge [sflag:s22], $0x3E80  }
0xae: {  	[sflag:s22] =	ssyncset.done $0x0  }
0xaf: {  	[sflag:s22] =	ssyncadd.s32 $0xFFFFC180  }
0xb0: {  	[spmem:s3] =	stream.indirect.scatter.add.f32 [tilespmem:s16], [sflag:$0x6], $0x8, s4, s18, $0xb8;
	[tilespmem:$0x14FF0] =	vst v63  }
0xb1: {  	_ =	swait.ge [sflag:s24], $0x3E80  }
0xb2: {  	[sflag:s24] =	ssyncset.done $0x0  }
0xb3: {  	[sflag:s24] =	ssyncadd.s32 $0xFFFFC180  }
0xb4: {  	[tilespmem:s4], [sflag:$0x1] =	stream.linear.gather [hbm4b:s10+s4], $0x7D0, $0x38;
	[tilespmem:$0x14FF0] =	vst v63  }
0xb5: {  	s0 =	sadd.s32 $0xFA0C, s5  }
0xb6: {  	[tilespmem:s16], [sflag:$0x3] =	stream.strided.gather [hbm4b:s0+s13], $0x3E80, s14, s13, $0x38;
	[tilespmem:$0x14FF0] =	vst v63  }
0xb7: {  	_ =	swait.ge [sflag:s25], $0x7D0  }
0xb8: {  	[sflag:s25] =	ssyncset.done $0x0  }
0xb9: {  	[sflag:s25] =	ssyncadd.s32 $0xFFFFF830  }
0xba: {  	_ =	swait.ge [sflag:s26], $0x3E80  }
0xbb: {  	[sflag:s26] =	ssyncset.done $0x0  }
0xbc: {  	[sflag:s26] =	ssyncadd.s32 $0xFFFFC180  }
0xbd: {  	[spmem:s3] =	stream.indirect.scatter.add.f32 [tilespmem:s19], [sflag:$0x5], $0x8, s18, s18, $0xb8;
	[tilespmem:$0x14FF0] =	vst v63  }
0xbe: {  	s1 =	simm.s32 $0xFA00;
	_ =	swait.ge [sflag:s11], $0x3E80  }
0xbf: {  	s2 =	simm.s32 $0x1F400;
	s0 =	sadd.s32 $0x1F4, s10;
	[sflag:s11] =	ssyncset.done $0x0  }
.LBB2_24:
0xc0: {  	s5 =	sadd.s32 $0xFFFFFF06, s0  }
0xc1: {  	s12 =	sadd.s32 s1, s23;
	[sflag:s11] =	ssyncadd.s32 $0xFFFFC180;
	s1 =	smov.u32 s2  }
0xc2: {  	[tilespmem:s18], [sflag:$0x2] =	stream.linear.gather [hbm4b:s5+s4], $0x7D0, $0x38;
	[tilespmem:$0x14FF0] =	vst v63  }
0xc3: {  	p1 =	sne.s32 s2, $0xABE00;
	s2 =	sadd.s32 $0xFA00, s2;
	s5 =	sadd.s32 $0x7D0C, s12  }
0xc4: {  	[tilespmem:s19], [sflag:$0x4] =	stream.strided.gather [hbm4b:s5+s13], $0x3E80, s14, s13, $0x38;
	[tilespmem:$0x14FF0] =	vst v63  }
0xc5: {  	_ =	swait.ge [sflag:s21], $0x7D0  }
0xc6: {  	[sflag:s21] =	ssyncset.done $0x0  }
0xc7: {  	[sflag:s21] =	ssyncadd.s32 $0xFFFFF830  }
0xc8: {  	_ =	swait.ge [sflag:s22], $0x3E80  }
0xc9: {  	[sflag:s22] =	ssyncset.done $0x0  }
0xca: {  	[sflag:s22] =	ssyncadd.s32 $0xFFFFC180  }
0xcb: {  	[spmem:s3] =	stream.indirect.scatter.add.f32 [tilespmem:s16], [sflag:$0x6], $0x8, s4, s18, $0xb8;
	[tilespmem:$0x14FF0] =	vst v63  }
0xcc: {  	_ =	swait.ge [sflag:s24], $0x3E80  }
0xcd: {  	[sflag:s24] =	ssyncset.done $0x0  }
0xce: {  	[sflag:s24] =	ssyncadd.s32 $0xFFFFC180  }
0xcf: {  	[tilespmem:s4], [sflag:$0x1] =	stream.linear.gather [hbm4b:s0+s4], $0x7D0, $0x38;
	[tilespmem:$0x14FF0] =	vst v63  }
0xd0: {  	s5 =	sadd.s32 $0xFA0C, s12  }
0xd1: {  	[tilespmem:s16], [sflag:$0x3] =	stream.strided.gather [hbm4b:s5+s13], $0x3E80, s14, s13, $0x38;
	[tilespmem:$0x14FF0] =	vst v63  }
0xd2: {  	_ =	swait.ge [sflag:s25], $0x7D0  }
0xd3: {  	[sflag:s25] =	ssyncset.done $0x0  }
0xd4: {  	[sflag:s25] =	ssyncadd.s32 $0xFFFFF830  }
0xd5: {  	_ =	swait.ge [sflag:s26], $0x3E80  }
.Ltmp4:
0xd6: {  	[sflag:s26] =	ssyncset.done $0x0;
	(pc) =	sbr.rel @p1 .LBB2_24-.Ltmp4, $4  }
0xd7: {  	[sflag:s26] =	ssyncadd.s32 $0xFFFFC180  }
0xd8: {  	[spmem:s3] =	stream.indirect.scatter.add.f32 [tilespmem:s19], [sflag:$0x5], $0x8, s18, s18, $0xb8;
	[tilespmem:$0x14FF0] =	vst v63  }
0xd9: {  	_ =	swait.ge [sflag:s11], $0x3E80  }
0xda: {  	s0 =	sadd.s32 $0x1F4, s0;
	[sflag:s11] =	ssyncset.done $0x0  }
0xdb: {  	s2 =	sadd.s32 $0xFFFFFF06, s0;
	s1 =	sadd.s32 s1, s23;
	[sflag:s11] =	ssyncadd.s32 $0xFFFFC180  }
0xdc: {  	[tilespmem:s18], [sflag:$0x2] =	stream.linear.gather [hbm4b:s2+s4], $0x7D0, $0x38;
	[tilespmem:$0x14FF0] =	vst v63  }
0xdd: {  	s12 =	sadd.s32 $0x7D0C, s1  }
0xde: {  	[tilespmem:s19], [sflag:$0x4] =	stream.strided.gather [hbm4b:s12+s13], $0x3E80, s14, s13, $0x38;
	[tilespmem:$0x14FF0] =	vst v63  }
0xdf: {  	_ =	swait.ge [sflag:s21], $0x7D0  }
0xe0: {  	[sflag:s21] =	ssyncset.done $0x0  }
0xe1: {  	[sflag:s21] =	ssyncadd.s32 $0xFFFFF830  }
0xe2: {  	_ =	swait.ge [sflag:s22], $0x3E80  }
0xe3: {  	[sflag:s22] =	ssyncset.done $0x0  }
0xe4: {  	[sflag:s22] =	ssyncadd.s32 $0xFFFFC180  }
0xe5: {  	[spmem:s3] =	stream.indirect.scatter.add.f32 [tilespmem:s16], [sflag:$0x6], $0x8, s4, s18, $0xb8;
	[tilespmem:$0x14FF0] =	vst v63  }
0xe6: {  	_ =	swait.ge [sflag:s24], $0x3E80  }
0xe7: {  	[sflag:s24] =	ssyncset.done $0x0  }
0xe8: {  	[sflag:s24] =	ssyncadd.s32 $0xFFFFC180  }
0xe9: {  	[tilespmem:s4], [sflag:$0x1] =	stream.linear.gather [hbm4b:s0+s4], $0x7D0, $0x38;
	[tilespmem:$0x14FF0] =	vst v63  }
0xea: {  	s2 =	sadd.s32 $0xFA0C, s1  }
0xeb: {  	[tilespmem:s16], [sflag:$0x3] =	stream.strided.gather [hbm4b:s2+s13], $0x3E80, s14, s13, $0x38;
	[tilespmem:$0x14FF0] =	vst v63  }
0xec: {  	_ =	swait.ge [sflag:s25], $0x7D0  }
0xed: {  	[sflag:s25] =	ssyncset.done $0x0  }
0xee: {  	[sflag:s25] =	ssyncadd.s32 $0xFFFFF830  }
0xef: {  	_ =	swait.ge [sflag:s26], $0x3E80  }
0xf0: {  	[sflag:s26] =	ssyncset.done $0x0  }
0xf1: {  	[sflag:s26] =	ssyncadd.s32 $0xFFFFC180  }
0xf2: {  	[spmem:s3] =	stream.indirect.scatter.add.f32 [tilespmem:s19], [sflag:$0x5], $0x8, s18, s18, $0xb8;
	[tilespmem:$0x14FF0] =	vst v63  }
0xf3: {  	_ =	swait.ge [sflag:s11], $0x3E80  }
0xf4: {  	[sflag:s11] =	ssyncset.done $0x0  }
0xf5: {  	[sflag:s11] =	ssyncadd.s32 $0xFFFFC180  }
0xf6: {  	_ =	swait.ge [sflag:s21], $0x7D0  }
0xf7: {  	[sflag:s21] =	ssyncset.done $0x0  }
0xf8: {  	[sflag:s21] =	ssyncadd.s32 $0xFFFFF830  }
0xf9: {  	_ =	swait.ge [sflag:s22], $0x3E80  }
0xfa: {  	[sflag:s22] =	ssyncset.done $0x0  }
0xfb: {  	s5 =	simm.s32 $0x0;
	[sflag:s22] =	ssyncadd.s32 $0xFFFFC180  }
0xfc: {  	[spmem:s3] =	stream.indirect.scatter.add.f32 [tilespmem:s16], [sflag:$0x6], $0x8, s5, s18, $0xb8;
	[tilespmem:$0x14FF0] =	vst v63  }
0xfd: {  	_ =	swait.ge [sflag:s24], $0x3E80  }
0xfe: {  	[sflag:s24] =	ssyncset.done $0x0  }
0xff: {  	[sflag:s24] =	ssyncadd.s32 $0xFFFFC180  }
0x100: {  	[bflag:$0x0] =	sbarrier.arrive $0xFFFF  }
0x101: {  	s12 =	rddreg [dreg:$0x19]  }
0x102: {  	[hbm:s12@s13], [sflag:s7] =	dma.strided [spmem:s29@s21], $0x186A, s21, $0x1   }
0x103: {  	_ =	swait.ge [sflag:s11], $0x186A  }
0x104: {  	[sflag:s11] =	ssyncset.done $0x0  }
0x105: {  	[sflag:s11] =	ssyncadd.s32 $0xFFFFE796  }
0x106: {  	[bflag:$0x0] =	sbarrier.arrive $0xFFFF  }
0x107: {  	[spmem:s29], [sflag:s7] =	dma.local [hbm:s15], $0x186A  }
0x108: {  	_ =	swait.ge [sflag:s11], $0x186A  }
0x109: {  	[sflag:s11] =	ssyncset.done $0x0  }
0x10a: {  	[sflag:s11] =	ssyncadd.s32 $0xFFFFE796  }
0x10b: {  	[bflag:$0x0] =	sbarrier.arrive $0xFFFF  }
0x10c: {  	[tilespmem:s5], [sflag:$0x1] =	stream.linear.gather [hbm4b:s17+s5], $0x7D0, $0x38;
	[tilespmem:$0x14FF0] =	vst v63  }
0x10d: {  	s2 =	rddreg [dreg:$0xf]  }
0x10e: {  	[tilespmem:s16], [sflag:$0x3] =	stream.strided.gather [hbm4b:s2+s13], $0x3E80, s14, s13, $0x38;
	[tilespmem:$0x14FF0] =	vst v63  }
0x10f: {  	s5 =	sadd.s32 $0x0, s23  }
0x110: {  	[tilespmem:s18], [sflag:$0x2] =	stream.linear.gather [hbm4b:s30+s4], $0x7D0, $0x38;
	[tilespmem:$0x14FF0] =	vst v63  }
0x111: {  	s12 =	sadd.s32 $0x7D05, s5  }
0x112: {  	[tilespmem:s19], [sflag:$0x4] =	stream.strided.gather [hbm4b:s12+s13], $0x3E80, s14, s13, $0x38;
	[tilespmem:$0x14FF0] =	vst v63  }
0x113: {  	_ =	swait.ge [sflag:s21], $0x7D0  }
0x114: {  	[sflag:s21] =	ssyncset.done $0x0  }
0x115: {  	[sflag:s21] =	ssyncadd.s32 $0xFFFFF830  }
0x116: {  	_ =	swait.ge [sflag:s22], $0x3E80  }
0x117: {  	[sflag:s22] =	ssyncset.done $0x0  }
0x118: {  	[sflag:s22] =	ssyncadd.s32 $0xFFFFC180  }
0x119: {  	[spmem:s3] =	stream.indirect.scatter.add.f32 [tilespmem:s16], [sflag:$0x6], $0x8, s4, s18, $0xb8;
	[tilespmem:$0x14FF0] =	vst v63  }
0x11a: {  	_ =	swait.ge [sflag:s24], $0x3E80  }
0x11b: {  	[sflag:s24] =	ssyncset.done $0x0  }
0x11c: {  	[sflag:s24] =	ssyncadd.s32 $0xFFFFC180  }
0x11d: {  	[tilespmem:s4], [sflag:$0x1] =	stream.linear.gather [hbm4b:s9+s4], $0x7D0, $0x38;
	[tilespmem:$0x14FF0] =	vst v63  }
0x11e: {  	s0 =	sadd.s32 $0xFA05, s5  }
0x11f: {  	[tilespmem:s16], [sflag:$0x3] =	stream.strided.gather [hbm4b:s0+s13], $0x3E80, s14, s13, $0x38;
	[tilespmem:$0x14FF0] =	vst v63  }
0x120: {  	_ =	swait.ge [sflag:s25], $0x7D0  }
0x121: {  	[sflag:s25] =	ssyncset.done $0x0  }
0x122: {  	[sflag:s25] =	ssyncadd.s32 $0xFFFFF830  }
0x123: {  	_ =	swait.ge [sflag:s26], $0x3E80  }
0x124: {  	[sflag:s26] =	ssyncset.done $0x0  }
0x125: {  	[sflag:s26] =	ssyncadd.s32 $0xFFFFC180  }
0x126: {  	[spmem:s3] =	stream.indirect.scatter.add.f32 [tilespmem:s19], [sflag:$0x5], $0x8, s18, s18, $0xb8;
	[tilespmem:$0x14FF0] =	vst v63  }
0x127: {  	s1 =	simm.s32 $0xFA00;
	_ =	swait.ge [sflag:s11], $0x3E80  }
0x128: {  	s2 =	simm.s32 $0x1F400;
	s0 =	sadd.s32 $0x1F4, s9;
	[sflag:s11] =	ssyncset.done $0x0  }
.LBB2_26:
0x129: {  	s5 =	sadd.s32 $0xFFFFFF06, s0  }
0x12a: {  	s12 =	sadd.s32 s1, s23;
	[sflag:s11] =	ssyncadd.s32 $0xFFFFC180;
	s1 =	smov.u32 s2  }
0x12b: {  	[tilespmem:s18], [sflag:$0x2] =	stream.linear.gather [hbm4b:s5+s4], $0x7D0, $0x38;
	[tilespmem:$0x14FF0] =	vst v63  }
0x12c: {  	p1 =	sne.s32 s2, $0xABE00;
	s2 =	sadd.s32 $0xFA00, s2;
	s5 =	sadd.s32 $0x7D05, s12  }
0x12d: {  	[tilespmem:s19], [sflag:$0x4] =	stream.strided.gather [hbm4b:s5+s13], $0x3E80, s14, s13, $0x38;
	[tilespmem:$0x14FF0] =	vst v63  }
0x12e: {  	_ =	swait.ge [sflag:s21], $0x7D0  }
0x12f: {  	[sflag:s21] =	ssyncset.done $0x0  }
0x130: {  	[sflag:s21] =	ssyncadd.s32 $0xFFFFF830  }
0x131: {  	_ =	swait.ge [sflag:s22], $0x3E80  }
0x132: {  	[sflag:s22] =	ssyncset.done $0x0  }
0x133: {  	[sflag:s22] =	ssyncadd.s32 $0xFFFFC180  }
0x134: {  	[spmem:s3] =	stream.indirect.scatter.add.f32 [tilespmem:s16], [sflag:$0x6], $0x8, s4, s18, $0xb8;
	[tilespmem:$0x14FF0] =	vst v63  }
0x135: {  	_ =	swait.ge [sflag:s24], $0x3E80  }
0x136: {  	[sflag:s24] =	ssyncset.done $0x0  }
0x137: {  	[sflag:s24] =	ssyncadd.s32 $0xFFFFC180  }
0x138: {  	[tilespmem:s4], [sflag:$0x1] =	stream.linear.gather [hbm4b:s0+s4], $0x7D0, $0x38;
	[tilespmem:$0x14FF0] =	vst v63  }
0x139: {  	s5 =	sadd.s32 $0xFA05, s12  }
0x13a: {  	[tilespmem:s16], [sflag:$0x3] =	stream.strided.gather [hbm4b:s5+s13], $0x3E80, s14, s13, $0x38;
	[tilespmem:$0x14FF0] =	vst v63  }
0x13b: {  	_ =	swait.ge [sflag:s25], $0x7D0  }
0x13c: {  	[sflag:s25] =	ssyncset.done $0x0  }
0x13d: {  	[sflag:s25] =	ssyncadd.s32 $0xFFFFF830  }
0x13e: {  	_ =	swait.ge [sflag:s26], $0x3E80  }
.Ltmp5:
0x13f: {  	[sflag:s26] =	ssyncset.done $0x0;
	(pc) =	sbr.rel @p1 .LBB2_26-.Ltmp5, $4  }
0x140: {  	[sflag:s26] =	ssyncadd.s32 $0xFFFFC180  }
0x141: {  	[spmem:s3] =	stream.indirect.scatter.add.f32 [tilespmem:s19], [sflag:$0x5], $0x8, s18, s18, $0xb8;
	[tilespmem:$0x14FF0] =	vst v63  }
0x142: {  	_ =	swait.ge [sflag:s11], $0x3E80  }
0x143: {  	s0 =	sadd.s32 $0x1F4, s0;
	[sflag:s11] =	ssyncset.done $0x0  }
0x144: {  	s2 =	sadd.s32 $0xFFFFFF06, s0;
	s1 =	sadd.s32 s1, s23;
	[sflag:s11] =	ssyncadd.s32 $0xFFFFC180  }
0x145: {  	[tilespmem:s18], [sflag:$0x2] =	stream.linear.gather [hbm4b:s2+s4], $0x7D0, $0x38;
	[tilespmem:$0x14FF0] =	vst v63  }
0x146: {  	s5 =	sadd.s32 $0x7D05, s1  }
0x147: {  	[tilespmem:s19], [sflag:$0x4] =	stream.strided.gather [hbm4b:s5+s13], $0x3E80, s14, s13, $0x38;
	[tilespmem:$0x14FF0] =	vst v63  }
0x148: {  	_ =	swait.ge [sflag:s21], $0x7D0  }
0x149: {  	[sflag:s21] =	ssyncset.done $0x0  }
0x14a: {  	[sflag:s21] =	ssyncadd.s32 $0xFFFFF830  }
0x14b: {  	_ =	swait.ge [sflag:s22], $0x3E80  }
0x14c: {  	[sflag:s22] =	ssyncset.done $0x0  }
0x14d: {  	[sflag:s22] =	ssyncadd.s32 $0xFFFFC180  }
0x14e: {  	[spmem:s3] =	stream.indirect.scatter.add.f32 [tilespmem:s16], [sflag:$0x6], $0x8, s4, s18, $0xb8;
	[tilespmem:$0x14FF0] =	vst v63  }
0x14f: {  	_ =	swait.ge [sflag:s24], $0x3E80  }
0x150: {  	[sflag:s24] =	ssyncset.done $0x0  }
0x151: {  	[sflag:s24] =	ssyncadd.s32 $0xFFFFC180  }
0x152: {  	[tilespmem:s4], [sflag:$0x1] =	stream.linear.gather [hbm4b:s0+s4], $0x7D0, $0x38;
	[tilespmem:$0x14FF0] =	vst v63  }
0x153: {  	s12 =	sadd.s32 $0xFA05, s1  }
0x154: {  	[tilespmem:s16], [sflag:$0x3] =	stream.strided.gather [hbm4b:s12+s13], $0x3E80, s14, s13, $0x38;
	[tilespmem:$0x14FF0] =	vst v63  }
0x155: {  	_ =	swait.ge [sflag:s25], $0x7D0  }
0x156: {  	[sflag:s25] =	ssyncset.done $0x0  }
0x157: {  	[sflag:s25] =	ssyncadd.s32 $0xFFFFF830  }
0x158: {  	_ =	swait.ge [sflag:s26], $0x3E80  }
0x159: {  	[sflag:s26] =	ssyncset.done $0x0  }
0x15a: {  	[sflag:s26] =	ssyncadd.s32 $0xFFFFC180  }
0x15b: {  	[spmem:s3] =	stream.indirect.scatter.add.f32 [tilespmem:s19], [sflag:$0x5], $0x8, s18, s18, $0xb8;
	[tilespmem:$0x14FF0] =	vst v63  }
0x15c: {  	_ =	swait.ge [sflag:s11], $0x3E80  }
0x15d: {  	[sflag:s11] =	ssyncset.done $0x0  }
0x15e: {  	[sflag:s11] =	ssyncadd.s32 $0xFFFFC180  }
0x15f: {  	_ =	swait.ge [sflag:s21], $0x7D0  }
0x160: {  	[sflag:s21] =	ssyncset.done $0x0  }
0x161: {  	[sflag:s21] =	ssyncadd.s32 $0xFFFFF830  }
0x162: {  	_ =	swait.ge [sflag:s22], $0x3E80  }
0x163: {  	[sflag:s22] =	ssyncset.done $0x0  }
0x164: {  	s1 =	simm.s32 $0x0;
	[sflag:s22] =	ssyncadd.s32 $0xFFFFC180  }
0x165: {  	[spmem:s3] =	stream.indirect.scatter.add.f32 [tilespmem:s16], [sflag:$0x6], $0x8, s1, s18, $0xb8;
	[tilespmem:$0x14FF0] =	vst v63  }
0x166: {  	_ =	swait.ge [sflag:s24], $0x3E80  }
0x167: {  	[sflag:s24] =	ssyncset.done $0x0  }
0x168: {  	[sflag:s24] =	ssyncadd.s32 $0xFFFFC180  }
0x169: {  	[tilespmem:s1], [sflag:$0x1] =	stream.linear.gather [hbm4b:s8+s1], $0x7D0, $0x38;
	[tilespmem:$0x14FF0] =	vst v63  }
0x16a: {  	s2 =	rddreg [dreg:$0x10]  }
0x16b: {  	[tilespmem:s16], [sflag:$0x3] =	stream.strided.gather [hbm4b:s2+s13], $0x3E80, s14, s13, $0x38;
	[tilespmem:$0x14FF0] =	vst v63  }
0x16c: {  	s5 =	sadd.s32 $0x0, s23  }
0x16d: {  	[tilespmem:s18], [sflag:$0x2] =	stream.linear.gather [hbm4b:s31+s4], $0x7D0, $0x38;
	[tilespmem:$0x14FF0] =	vst v63  }
0x16e: {  	s12 =	sadd.s32 $0x7D0D, s5  }
0x16f: {  	[tilespmem:s19], [sflag:$0x4] =	stream.strided.gather [hbm4b:s12+s13], $0x3E80, s14, s13, $0x38;
	[tilespmem:$0x14FF0] =	vst v63  }
0x170: {  	_ =	swait.ge [sflag:s21], $0x7D0  }
0x171: {  	[sflag:s21] =	ssyncset.done $0x0  }
0x172: {  	[sflag:s21] =	ssyncadd.s32 $0xFFFFF830  }
0x173: {  	_ =	swait.ge [sflag:s22], $0x3E80  }
0x174: {  	[sflag:s22] =	ssyncset.done $0x0  }
0x175: {  	[sflag:s22] =	ssyncadd.s32 $0xFFFFC180  }
0x176: {  	[spmem:s3] =	stream.indirect.scatter.add.f32 [tilespmem:s16], [sflag:$0x6], $0x8, s4, s18, $0xb8;
	[tilespmem:$0x14FF0] =	vst v63  }
0x177: {  	_ =	swait.ge [sflag:s24], $0x3E80  }
0x178: {  	[sflag:s24] =	ssyncset.done $0x0  }
0x179: {  	[sflag:s24] =	ssyncadd.s32 $0xFFFFC180  }
0x17a: {  	[tilespmem:s4], [sflag:$0x1] =	stream.linear.gather [hbm4b:s10+s4], $0x7D0, $0x38;
	[tilespmem:$0x14FF0] =	vst v63  }
0x17b: {  	s0 =	sadd.s32 $0xFA0D, s5  }
0x17c: {  	[tilespmem:s16], [sflag:$0x3] =	stream.strided.gather [hbm4b:s0+s13], $0x3E80, s14, s13, $0x38;
	[tilespmem:$0x14FF0] =	vst v63  }
0x17d: {  	_ =	swait.ge [sflag:s25], $0x7D0  }
0x17e: {  	[sflag:s25] =	ssyncset.done $0x0  }
0x17f: {  	[sflag:s25] =	ssyncadd.s32 $0xFFFFF830  }
0x180: {  	_ =	swait.ge [sflag:s26], $0x3E80  }
0x181: {  	[sflag:s26] =	ssyncset.done $0x0  }
0x182: {  	[sflag:s26] =	ssyncadd.s32 $0xFFFFC180  }
0x183: {  	[spmem:s3] =	stream.indirect.scatter.add.f32 [tilespmem:s19], [sflag:$0x5], $0x8, s18, s18, $0xb8;
	[tilespmem:$0x14FF0] =	vst v63  }
0x184: {  	s1 =	simm.s32 $0xFA00;
	_ =	swait.ge [sflag:s11], $0x3E80  }
0x185: {  	s2 =	simm.s32 $0x1F400;
	s0 =	sadd.s32 $0x1F4, s10;
	[sflag:s11] =	ssyncset.done $0x0  }
.LBB2_28:
0x186: {  	s5 =	sadd.s32 $0xFFFFFF06, s0  }
0x187: {  	s12 =	sadd.s32 s1, s23;
	[sflag:s11] =	ssyncadd.s32 $0xFFFFC180;
	s1 =	smov.u32 s2  }
0x188: {  	[tilespmem:s18], [sflag:$0x2] =	stream.linear.gather [hbm4b:s5+s4], $0x7D0, $0x38;
	[tilespmem:$0x14FF0] =	vst v63  }
0x189: {  	p1 =	sne.s32 s2, $0xABE00;
	s2 =	sadd.s32 $0xFA00, s2;
	s5 =	sadd.s32 $0x7D0D, s12  }
0x18a: {  	[tilespmem:s19], [sflag:$0x4] =	stream.strided.gather [hbm4b:s5+s13], $0x3E80, s14, s13, $0x38;
	[tilespmem:$0x14FF0] =	vst v63  }
0x18b: {  	_ =	swait.ge [sflag:s21], $0x7D0  }
0x18c: {  	[sflag:s21] =	ssyncset.done $0x0  }
0x18d: {  	[sflag:s21] =	ssyncadd.s32 $0xFFFFF830  }
0x18e: {  	_ =	swait.ge [sflag:s22], $0x3E80  }
0x18f: {  	[sflag:s22] =	ssyncset.done $0x0  }
0x190: {  	[sflag:s22] =	ssyncadd.s32 $0xFFFFC180  }
0x191: {  	[spmem:s3] =	stream.indirect.scatter.add.f32 [tilespmem:s16], [sflag:$0x6], $0x8, s4, s18, $0xb8;
	[tilespmem:$0x14FF0] =	vst v63  }
0x192: {  	_ =	swait.ge [sflag:s24], $0x3E80  }
0x193: {  	[sflag:s24] =	ssyncset.done $0x0  }
0x194: {  	[sflag:s24] =	ssyncadd.s32 $0xFFFFC180  }
0x195: {  	[tilespmem:s4], [sflag:$0x1] =	stream.linear.gather [hbm4b:s0+s4], $0x7D0, $0x38;
	[tilespmem:$0x14FF0] =	vst v63  }
0x196: {  	s5 =	sadd.s32 $0xFA0D, s12  }
0x197: {  	[tilespmem:s16], [sflag:$0x3] =	stream.strided.gather [hbm4b:s5+s13], $0x3E80, s14, s13, $0x38;
	[tilespmem:$0x14FF0] =	vst v63  }
0x198: {  	_ =	swait.ge [sflag:s25], $0x7D0  }
0x199: {  	[sflag:s25] =	ssyncset.done $0x0  }
0x19a: {  	[sflag:s25] =	ssyncadd.s32 $0xFFFFF830  }
0x19b: {  	_ =	swait.ge [sflag:s26], $0x3E80  }
.Ltmp6:
0x19c: {  	[sflag:s26] =	ssyncset.done $0x0;
	(pc) =	sbr.rel @p1 .LBB2_28-.Ltmp6, $4  }
0x19d: {  	[sflag:s26] =	ssyncadd.s32 $0xFFFFC180  }
0x19e: {  	[spmem:s3] =	stream.indirect.scatter.add.f32 [tilespmem:s19], [sflag:$0x5], $0x8, s18, s18, $0xb8;
	[tilespmem:$0x14FF0] =	vst v63  }
0x19f: {  	_ =	swait.ge [sflag:s11], $0x3E80  }
0x1a0: {  	s0 =	sadd.s32 $0x1F4, s0;
	[sflag:s11] =	ssyncset.done $0x0  }
0x1a1: {  	s2 =	sadd.s32 $0xFFFFFF06, s0;
	s1 =	sadd.s32 s1, s23;
	[sflag:s11] =	ssyncadd.s32 $0xFFFFC180  }
0x1a2: {  	[tilespmem:s18], [sflag:$0x2] =	stream.linear.gather [hbm4b:s2+s4], $0x7D0, $0x38;
	[tilespmem:$0x14FF0] =	vst v63  }
0x1a3: {  	s12 =	sadd.s32 $0x7D0D, s1  }
0x1a4: {  	[tilespmem:s19], [sflag:$0x4] =	stream.strided.gather [hbm4b:s12+s13], $0x3E80, s14, s13, $0x38;
	[tilespmem:$0x14FF0] =	vst v63  }
0x1a5: {  	_ =	swait.ge [sflag:s21], $0x7D0  }
0x1a6: {  	[sflag:s21] =	ssyncset.done $0x0  }
0x1a7: {  	[sflag:s21] =	ssyncadd.s32 $0xFFFFF830  }
0x1a8: {  	_ =	swait.ge [sflag:s22], $0x3E80  }
0x1a9: {  	[sflag:s22] =	ssyncset.done $0x0  }
0x1aa: {  	[sflag:s22] =	ssyncadd.s32 $0xFFFFC180  }
0x1ab: {  	[spmem:s3] =	stream.indirect.scatter.add.f32 [tilespmem:s16], [sflag:$0x6], $0x8, s4, s18, $0xb8;
	[tilespmem:$0x14FF0] =	vst v63  }
0x1ac: {  	_ =	swait.ge [sflag:s24], $0x3E80  }
0x1ad: {  	[sflag:s24] =	ssyncset.done $0x0  }
0x1ae: {  	[sflag:s24] =	ssyncadd.s32 $0xFFFFC180  }
0x1af: {  	[tilespmem:s4], [sflag:$0x1] =	stream.linear.gather [hbm4b:s0+s4], $0x7D0, $0x38;
	[tilespmem:$0x14FF0] =	vst v63  }
0x1b0: {  	s2 =	sadd.s32 $0xFA0D, s1  }
0x1b1: {  	[tilespmem:s16], [sflag:$0x3] =	stream.strided.gather [hbm4b:s2+s13], $0x3E80, s14, s13, $0x38;
	[tilespmem:$0x14FF0] =	vst v63  }
0x1b2: {  	_ =	swait.ge [sflag:s25], $0x7D0  }
0x1b3: {  	[sflag:s25] =	ssyncset.done $0x0  }
0x1b4: {  	[sflag:s25] =	ssyncadd.s32 $0xFFFFF830  }
0x1b5: {  	_ =	swait.ge [sflag:s26], $0x3E80  }
0x1b6: {  	[sflag:s26] =	ssyncset.done $0x0  }
0x1b7: {  	[sflag:s26] =	ssyncadd.s32 $0xFFFFC180  }
0x1b8: {  	[spmem:s3] =	stream.indirect.scatter.add.f32 [tilespmem:s19], [sflag:$0x5], $0x8, s18, s18, $0xb8;
	[tilespmem:$0x14FF0] =	vst v63  }
0x1b9: {  	_ =	swait.ge [sflag:s11], $0x3E80  }
0x1ba: {  	[sflag:s11] =	ssyncset.done $0x0  }
0x1bb: {  	[sflag:s11] =	ssyncadd.s32 $0xFFFFC180  }
0x1bc: {  	_ =	swait.ge [sflag:s21], $0x7D0  }
0x1bd: {  	[sflag:s21] =	ssyncset.done $0x0  }
0x1be: {  	[sflag:s21] =	ssyncadd.s32 $0xFFFFF830  }
0x1bf: {  	_ =	swait.ge [sflag:s22], $0x3E80  }
0x1c0: {  	[sflag:s22] =	ssyncset.done $0x0  }
0x1c1: {  	s5 =	simm.s32 $0x0;
	[sflag:s22] =	ssyncadd.s32 $0xFFFFC180  }
0x1c2: {  	[spmem:s3] =	stream.indirect.scatter.add.f32 [tilespmem:s16], [sflag:$0x6], $0x8, s5, s18, $0xb8;
	[tilespmem:$0x14FF0] =	vst v63  }
0x1c3: {  	_ =	swait.ge [sflag:s24], $0x3E80  }
0x1c4: {  	[sflag:s24] =	ssyncset.done $0x0  }
0x1c5: {  	[sflag:s24] =	ssyncadd.s32 $0xFFFFC180  }
0x1c6: {  	[bflag:$0x0] =	sbarrier.arrive $0xFFFF  }
0x1c7: {  	s12 =	rddreg [dreg:$0x1a]  }
0x1c8: {  	[hbm:s12@s13], [sflag:s7] =	dma.strided [spmem:s29@s21], $0x186A, s21, $0x1   }
0x1c9: {  	_ =	swait.ge [sflag:s11], $0x186A  }
0x1ca: {  	[sflag:s11] =	ssyncset.done $0x0  }
0x1cb: {  	[sflag:s11] =	ssyncadd.s32 $0xFFFFE796  }
0x1cc: {  	[bflag:$0x0] =	sbarrier.arrive $0xFFFF  }
0x1cd: {  	[spmem:s29], [sflag:s7] =	dma.local [hbm:s15], $0x186A  }
0x1ce: {  	_ =	swait.ge [sflag:s11], $0x186A  }
0x1cf: {  	[sflag:s11] =	ssyncset.done $0x0  }
0x1d0: {  	[sflag:s11] =	ssyncadd.s32 $0xFFFFE796  }
0x1d1: {  	[bflag:$0x0] =	sbarrier.arrive $0xFFFF  }
0x1d2: {  	[tilespmem:s5], [sflag:$0x1] =	stream.linear.gather [hbm4b:s17+s5], $0x7D0, $0x38;
	[tilespmem:$0x14FF0] =	vst v63  }
0x1d3: {  	s2 =	rddreg [dreg:$0x11]  }
0x1d4: {  	[tilespmem:s16], [sflag:$0x3] =	stream.strided.gather [hbm4b:s2+s13], $0x3E80, s14, s13, $0x38;
	[tilespmem:$0x14FF0] =	vst v63  }
0x1d5: {  	s5 =	sadd.s32 $0x0, s23  }
0x1d6: {  	[tilespmem:s18], [sflag:$0x2] =	stream.linear.gather [hbm4b:s30+s4], $0x7D0, $0x38;
	[tilespmem:$0x14FF0] =	vst v63  }
0x1d7: {  	s12 =	sadd.s32 $0x7D06, s5  }
0x1d8: {  	[tilespmem:s19], [sflag:$0x4] =	stream.strided.gather [hbm4b:s12+s13], $0x3E80, s14, s13, $0x38;
	[tilespmem:$0x14FF0] =	vst v63  }
0x1d9: {  	_ =	swait.ge [sflag:s21], $0x7D0  }
0x1da: {  	[sflag:s21] =	ssyncset.done $0x0  }
0x1db: {  	[sflag:s21] =	ssyncadd.s32 $0xFFFFF830  }
0x1dc: {  	_ =	swait.ge [sflag:s22], $0x3E80  }
0x1dd: {  	[sflag:s22] =	ssyncset.done $0x0  }
0x1de: {  	[sflag:s22] =	ssyncadd.s32 $0xFFFFC180  }
0x1df: {  	[spmem:s3] =	stream.indirect.scatter.add.f32 [tilespmem:s16], [sflag:$0x6], $0x8, s4, s18, $0xb8;
	[tilespmem:$0x14FF0] =	vst v63  }
0x1e0: {  	_ =	swait.ge [sflag:s24], $0x3E80  }
0x1e1: {  	[sflag:s24] =	ssyncset.done $0x0  }
0x1e2: {  	[sflag:s24] =	ssyncadd.s32 $0xFFFFC180  }
0x1e3: {  	[tilespmem:s4], [sflag:$0x1] =	stream.linear.gather [hbm4b:s9+s4], $0x7D0, $0x38;
	[tilespmem:$0x14FF0] =	vst v63  }
0x1e4: {  	s0 =	sadd.s32 $0xFA06, s5  }
0x1e5: {  	[tilespmem:s16], [sflag:$0x3] =	stream.strided.gather [hbm4b:s0+s13], $0x3E80, s14, s13, $0x38;
	[tilespmem:$0x14FF0] =	vst v63  }
0x1e6: {  	_ =	swait.ge [sflag:s25], $0x7D0  }
0x1e7: {  	[sflag:s25] =	ssyncset.done $0x0  }
0x1e8: {  	[sflag:s25] =	ssyncadd.s32 $0xFFFFF830  }
0x1e9: {  	_ =	swait.ge [sflag:s26], $0x3E80  }
0x1ea: {  	[sflag:s26] =	ssyncset.done $0x0  }
0x1eb: {  	[sflag:s26] =	ssyncadd.s32 $0xFFFFC180  }
0x1ec: {  	[spmem:s3] =	stream.indirect.scatter.add.f32 [tilespmem:s19], [sflag:$0x5], $0x8, s18, s18, $0xb8;
	[tilespmem:$0x14FF0] =	vst v63  }
0x1ed: {  	s1 =	simm.s32 $0xFA00;
	_ =	swait.ge [sflag:s11], $0x3E80  }
0x1ee: {  	s2 =	simm.s32 $0x1F400;
	s0 =	sadd.s32 $0x1F4, s9;
	[sflag:s11] =	ssyncset.done $0x0  }
.LBB2_30:
0x1ef: {  	s5 =	sadd.s32 $0xFFFFFF06, s0  }
0x1f0: {  	s12 =	sadd.s32 s1, s23;
	[sflag:s11] =	ssyncadd.s32 $0xFFFFC180;
	s1 =	smov.u32 s2  }
0x1f1: {  	[tilespmem:s18], [sflag:$0x2] =	stream.linear.gather [hbm4b:s5+s4], $0x7D0, $0x38;
	[tilespmem:$0x14FF0] =	vst v63  }
0x1f2: {  	p1 =	sne.s32 s2, $0xABE00;
	s2 =	sadd.s32 $0xFA00, s2;
	s5 =	sadd.s32 $0x7D06, s12  }
0x1f3: {  	[tilespmem:s19], [sflag:$0x4] =	stream.strided.gather [hbm4b:s5+s13], $0x3E80, s14, s13, $0x38;
	[tilespmem:$0x14FF0] =	vst v63  }
0x1f4: {  	_ =	swait.ge [sflag:s21], $0x7D0  }
0x1f5: {  	[sflag:s21] =	ssyncset.done $0x0  }
0x1f6: {  	[sflag:s21] =	ssyncadd.s32 $0xFFFFF830  }
0x1f7: {  	_ =	swait.ge [sflag:s22], $0x3E80  }
0x1f8: {  	[sflag:s22] =	ssyncset.done $0x0  }
0x1f9: {  	[sflag:s22] =	ssyncadd.s32 $0xFFFFC180  }
0x1fa: {  	[spmem:s3] =	stream.indirect.scatter.add.f32 [tilespmem:s16], [sflag:$0x6], $0x8, s4, s18, $0xb8;
	[tilespmem:$0x14FF0] =	vst v63  }
0x1fb: {  	_ =	swait.ge [sflag:s24], $0x3E80  }
0x1fc: {  	[sflag:s24] =	ssyncset.done $0x0  }
0x1fd: {  	[sflag:s24] =	ssyncadd.s32 $0xFFFFC180  }
0x1fe: {  	[tilespmem:s4], [sflag:$0x1] =	stream.linear.gather [hbm4b:s0+s4], $0x7D0, $0x38;
	[tilespmem:$0x14FF0] =	vst v63  }
0x1ff: {  	s5 =	sadd.s32 $0xFA06, s12  }
0x200: {  	[tilespmem:s16], [sflag:$0x3] =	stream.strided.gather [hbm4b:s5+s13], $0x3E80, s14, s13, $0x38;
	[tilespmem:$0x14FF0] =	vst v63  }
0x201: {  	_ =	swait.ge [sflag:s25], $0x7D0  }
0x202: {  	[sflag:s25] =	ssyncset.done $0x0  }
0x203: {  	[sflag:s25] =	ssyncadd.s32 $0xFFFFF830  }
0x204: {  	_ =	swait.ge [sflag:s26], $0x3E80  }
.Ltmp7:
0x205: {  	[sflag:s26] =	ssyncset.done $0x0;
	(pc) =	sbr.rel @p1 .LBB2_30-.Ltmp7, $4  }
0x206: {  	[sflag:s26] =	ssyncadd.s32 $0xFFFFC180  }
0x207: {  	[spmem:s3] =	stream.indirect.scatter.add.f32 [tilespmem:s19], [sflag:$0x5], $0x8, s18, s18, $0xb8;
	[tilespmem:$0x14FF0] =	vst v63  }
0x208: {  	_ =	swait.ge [sflag:s11], $0x3E80  }
0x209: {  	s0 =	sadd.s32 $0x1F4, s0;
	[sflag:s11] =	ssyncset.done $0x0  }
0x20a: {  	s2 =	sadd.s32 $0xFFFFFF06, s0;
	s1 =	sadd.s32 s1, s23;
	[sflag:s11] =	ssyncadd.s32 $0xFFFFC180  }
0x20b: {  	[tilespmem:s18], [sflag:$0x2] =	stream.linear.gather [hbm4b:s2+s4], $0x7D0, $0x38;
	[tilespmem:$0x14FF0] =	vst v63  }
0x20c: {  	s5 =	sadd.s32 $0x7D06, s1  }
0x20d: {  	[tilespmem:s19], [sflag:$0x4] =	stream.strided.gather [hbm4b:s5+s13], $0x3E80, s14, s13, $0x38;
	[tilespmem:$0x14FF0] =	vst v63  }
0x20e: {  	_ =	swait.ge [sflag:s21], $0x7D0  }
0x20f: {  	[sflag:s21] =	ssyncset.done $0x0  }
0x210: {  	[sflag:s21] =	ssyncadd.s32 $0xFFFFF830  }
0x211: {  	_ =	swait.ge [sflag:s22], $0x3E80  }
0x212: {  	[sflag:s22] =	ssyncset.done $0x0  }
0x213: {  	[sflag:s22] =	ssyncadd.s32 $0xFFFFC180  }
0x214: {  	[spmem:s3] =	stream.indirect.scatter.add.f32 [tilespmem:s16], [sflag:$0x6], $0x8, s4, s18, $0xb8;
	[tilespmem:$0x14FF0] =	vst v63  }
0x215: {  	_ =	swait.ge [sflag:s24], $0x3E80  }
0x216: {  	[sflag:s24] =	ssyncset.done $0x0  }
0x217: {  	[sflag:s24] =	ssyncadd.s32 $0xFFFFC180  }
0x218: {  	[tilespmem:s4], [sflag:$0x1] =	stream.linear.gather [hbm4b:s0+s4], $0x7D0, $0x38;
	[tilespmem:$0x14FF0] =	vst v63  }
0x219: {  	s12 =	sadd.s32 $0xFA06, s1  }
0x21a: {  	[tilespmem:s16], [sflag:$0x3] =	stream.strided.gather [hbm4b:s12+s13], $0x3E80, s14, s13, $0x38;
	[tilespmem:$0x14FF0] =	vst v63  }
0x21b: {  	_ =	swait.ge [sflag:s25], $0x7D0  }
0x21c: {  	[sflag:s25] =	ssyncset.done $0x0  }
0x21d: {  	[sflag:s25] =	ssyncadd.s32 $0xFFFFF830  }
0x21e: {  	_ =	swait.ge [sflag:s26], $0x3E80  }
0x21f: {  	[sflag:s26] =	ssyncset.done $0x0  }
0x220: {  	[sflag:s26] =	ssyncadd.s32 $0xFFFFC180  }
0x221: {  	[spmem:s3] =	stream.indirect.scatter.add.f32 [tilespmem:s19], [sflag:$0x5], $0x8, s18, s18, $0xb8;
	[tilespmem:$0x14FF0] =	vst v63  }
0x222: {  	_ =	swait.ge [sflag:s11], $0x3E80  }
0x223: {  	[sflag:s11] =	ssyncset.done $0x0  }
0x224: {  	[sflag:s11] =	ssyncadd.s32 $0xFFFFC180  }
0x225: {  	_ =	swait.ge [sflag:s21], $0x7D0  }
0x226: {  	[sflag:s21] =	ssyncset.done $0x0  }
0x227: {  	[sflag:s21] =	ssyncadd.s32 $0xFFFFF830  }
0x228: {  	_ =	swait.ge [sflag:s22], $0x3E80  }
0x229: {  	[sflag:s22] =	ssyncset.done $0x0  }
0x22a: {  	s1 =	simm.s32 $0x0;
	[sflag:s22] =	ssyncadd.s32 $0xFFFFC180  }
0x22b: {  	[spmem:s3] =	stream.indirect.scatter.add.f32 [tilespmem:s16], [sflag:$0x6], $0x8, s1, s18, $0xb8;
	[tilespmem:$0x14FF0] =	vst v63  }
0x22c: {  	_ =	swait.ge [sflag:s24], $0x3E80  }
0x22d: {  	[sflag:s24] =	ssyncset.done $0x0  }
0x22e: {  	[sflag:s24] =	ssyncadd.s32 $0xFFFFC180  }
0x22f: {  	[tilespmem:s1], [sflag:$0x1] =	stream.linear.gather [hbm4b:s8+s1], $0x7D0, $0x38;
	[tilespmem:$0x14FF0] =	vst v63  }
0x230: {  	s2 =	rddreg [dreg:$0x12]  }
0x231: {  	[tilespmem:s16], [sflag:$0x3] =	stream.strided.gather [hbm4b:s2+s13], $0x3E80, s14, s13, $0x38;
	[tilespmem:$0x14FF0] =	vst v63  }
0x232: {  	s5 =	sadd.s32 $0x0, s23  }
0x233: {  	[tilespmem:s18], [sflag:$0x2] =	stream.linear.gather [hbm4b:s31+s4], $0x7D0, $0x38;
	[tilespmem:$0x14FF0] =	vst v63  }
0x234: {  	s12 =	sadd.s32 $0x7D0E, s5  }
0x235: {  	[tilespmem:s19], [sflag:$0x4] =	stream.strided.gather [hbm4b:s12+s13], $0x3E80, s14, s13, $0x38;
	[tilespmem:$0x14FF0] =	vst v63  }
0x236: {  	_ =	swait.ge [sflag:s21], $0x7D0  }
0x237: {  	[sflag:s21] =	ssyncset.done $0x0  }
0x238: {  	[sflag:s21] =	ssyncadd.s32 $0xFFFFF830  }
0x239: {  	_ =	swait.ge [sflag:s22], $0x3E80  }
0x23a: {  	[sflag:s22] =	ssyncset.done $0x0  }
0x23b: {  	[sflag:s22] =	ssyncadd.s32 $0xFFFFC180  }
0x23c: {  	[spmem:s3] =	stream.indirect.scatter.add.f32 [tilespmem:s16], [sflag:$0x6], $0x8, s4, s18, $0xb8;
	[tilespmem:$0x14FF0] =	vst v63  }
0x23d: {  	_ =	swait.ge [sflag:s24], $0x3E80  }
0x23e: {  	[sflag:s24] =	ssyncset.done $0x0  }
0x23f: {  	[sflag:s24] =	ssyncadd.s32 $0xFFFFC180  }
0x240: {  	[tilespmem:s4], [sflag:$0x1] =	stream.linear.gather [hbm4b:s10+s4], $0x7D0, $0x38;
	[tilespmem:$0x14FF0] =	vst v63  }
0x241: {  	s0 =	sadd.s32 $0xFA0E, s5  }
0x242: {  	[tilespmem:s16], [sflag:$0x3] =	stream.strided.gather [hbm4b:s0+s13], $0x3E80, s14, s13, $0x38;
	[tilespmem:$0x14FF0] =	vst v63  }
0x243: {  	_ =	swait.ge [sflag:s25], $0x7D0  }
0x244: {  	[sflag:s25] =	ssyncset.done $0x0  }
0x245: {  	[sflag:s25] =	ssyncadd.s32 $0xFFFFF830  }
0x246: {  	_ =	swait.ge [sflag:s26], $0x3E80  }
0x247: {  	[sflag:s26] =	ssyncset.done $0x0  }
0x248: {  	[sflag:s26] =	ssyncadd.s32 $0xFFFFC180  }
0x249: {  	[spmem:s3] =	stream.indirect.scatter.add.f32 [tilespmem:s19], [sflag:$0x5], $0x8, s18, s18, $0xb8;
	[tilespmem:$0x14FF0] =	vst v63  }
0x24a: {  	s1 =	simm.s32 $0xFA00;
	_ =	swait.ge [sflag:s11], $0x3E80  }
0x24b: {  	s2 =	simm.s32 $0x1F400;
	s0 =	sadd.s32 $0x1F4, s10;
	[sflag:s11] =	ssyncset.done $0x0  }
.LBB2_32:
0x24c: {  	s5 =	sadd.s32 $0xFFFFFF06, s0  }
0x24d: {  	s12 =	sadd.s32 s1, s23;
	[sflag:s11] =	ssyncadd.s32 $0xFFFFC180;
	s1 =	smov.u32 s2  }
0x24e: {  	[tilespmem:s18], [sflag:$0x2] =	stream.linear.gather [hbm4b:s5+s4], $0x7D0, $0x38;
	[tilespmem:$0x14FF0] =	vst v63  }
0x24f: {  	p1 =	sne.s32 s2, $0xABE00;
	s2 =	sadd.s32 $0xFA00, s2;
	s5 =	sadd.s32 $0x7D0E, s12  }
0x250: {  	[tilespmem:s19], [sflag:$0x4] =	stream.strided.gather [hbm4b:s5+s13], $0x3E80, s14, s13, $0x38;
	[tilespmem:$0x14FF0] =	vst v63  }
0x251: {  	_ =	swait.ge [sflag:s21], $0x7D0  }
0x252: {  	[sflag:s21] =	ssyncset.done $0x0  }
0x253: {  	[sflag:s21] =	ssyncadd.s32 $0xFFFFF830  }
0x254: {  	_ =	swait.ge [sflag:s22], $0x3E80  }
0x255: {  	[sflag:s22] =	ssyncset.done $0x0  }
0x256: {  	[sflag:s22] =	ssyncadd.s32 $0xFFFFC180  }
0x257: {  	[spmem:s3] =	stream.indirect.scatter.add.f32 [tilespmem:s16], [sflag:$0x6], $0x8, s4, s18, $0xb8;
	[tilespmem:$0x14FF0] =	vst v63  }
0x258: {  	_ =	swait.ge [sflag:s24], $0x3E80  }
0x259: {  	[sflag:s24] =	ssyncset.done $0x0  }
0x25a: {  	[sflag:s24] =	ssyncadd.s32 $0xFFFFC180  }
0x25b: {  	[tilespmem:s4], [sflag:$0x1] =	stream.linear.gather [hbm4b:s0+s4], $0x7D0, $0x38;
	[tilespmem:$0x14FF0] =	vst v63  }
0x25c: {  	s5 =	sadd.s32 $0xFA0E, s12  }
0x25d: {  	[tilespmem:s16], [sflag:$0x3] =	stream.strided.gather [hbm4b:s5+s13], $0x3E80, s14, s13, $0x38;
	[tilespmem:$0x14FF0] =	vst v63  }
0x25e: {  	_ =	swait.ge [sflag:s25], $0x7D0  }
0x25f: {  	[sflag:s25] =	ssyncset.done $0x0  }
0x260: {  	[sflag:s25] =	ssyncadd.s32 $0xFFFFF830  }
0x261: {  	_ =	swait.ge [sflag:s26], $0x3E80  }
.Ltmp8:
0x262: {  	[sflag:s26] =	ssyncset.done $0x0;
	(pc) =	sbr.rel @p1 .LBB2_32-.Ltmp8, $4  }
0x263: {  	[sflag:s26] =	ssyncadd.s32 $0xFFFFC180  }
0x264: {  	[spmem:s3] =	stream.indirect.scatter.add.f32 [tilespmem:s19], [sflag:$0x5], $0x8, s18, s18, $0xb8;
	[tilespmem:$0x14FF0] =	vst v63  }
0x265: {  	_ =	swait.ge [sflag:s11], $0x3E80  }
0x266: {  	s0 =	sadd.s32 $0x1F4, s0;
	[sflag:s11] =	ssyncset.done $0x0  }
0x267: {  	s2 =	sadd.s32 $0xFFFFFF06, s0;
	s1 =	sadd.s32 s1, s23;
	[sflag:s11] =	ssyncadd.s32 $0xFFFFC180  }
0x268: {  	[tilespmem:s18], [sflag:$0x2] =	stream.linear.gather [hbm4b:s2+s4], $0x7D0, $0x38;
	[tilespmem:$0x14FF0] =	vst v63  }
0x269: {  	s12 =	sadd.s32 $0x7D0E, s1  }
0x26a: {  	[tilespmem:s19], [sflag:$0x4] =	stream.strided.gather [hbm4b:s12+s13], $0x3E80, s14, s13, $0x38;
	[tilespmem:$0x14FF0] =	vst v63  }
0x26b: {  	_ =	swait.ge [sflag:s21], $0x7D0  }
0x26c: {  	[sflag:s21] =	ssyncset.done $0x0  }
0x26d: {  	[sflag:s21] =	ssyncadd.s32 $0xFFFFF830  }
0x26e: {  	_ =	swait.ge [sflag:s22], $0x3E80  }
0x26f: {  	[sflag:s22] =	ssyncset.done $0x0  }
0x270: {  	[sflag:s22] =	ssyncadd.s32 $0xFFFFC180  }
0x271: {  	[spmem:s3] =	stream.indirect.scatter.add.f32 [tilespmem:s16], [sflag:$0x6], $0x8, s4, s18, $0xb8;
	[tilespmem:$0x14FF0] =	vst v63  }
0x272: {  	_ =	swait.ge [sflag:s24], $0x3E80  }
0x273: {  	[sflag:s24] =	ssyncset.done $0x0  }
0x274: {  	[sflag:s24] =	ssyncadd.s32 $0xFFFFC180  }
0x275: {  	[tilespmem:s4], [sflag:$0x1] =	stream.linear.gather [hbm4b:s0+s4], $0x7D0, $0x38;
	[tilespmem:$0x14FF0] =	vst v63  }
0x276: {  	s5 =	sadd.s32 $0xFA0E, s1  }
0x277: {  	[tilespmem:s16], [sflag:$0x3] =	stream.strided.gather [hbm4b:s5+s13], $0x3E80, s14, s13, $0x38;
	[tilespmem:$0x14FF0] =	vst v63  }
0x278: {  	_ =	swait.ge [sflag:s25], $0x7D0  }
0x279: {  	[sflag:s25] =	ssyncset.done $0x0  }
0x27a: {  	[sflag:s25] =	ssyncadd.s32 $0xFFFFF830  }
0x27b: {  	_ =	swait.ge [sflag:s26], $0x3E80  }
0x27c: {  	[sflag:s26] =	ssyncset.done $0x0  }
0x27d: {  	[sflag:s26] =	ssyncadd.s32 $0xFFFFC180  }
0x27e: {  	[spmem:s3] =	stream.indirect.scatter.add.f32 [tilespmem:s19], [sflag:$0x5], $0x8, s18, s18, $0xb8;
	[tilespmem:$0x14FF0] =	vst v63  }
0x27f: {  	_ =	swait.ge [sflag:s11], $0x3E80  }
0x280: {  	[sflag:s11] =	ssyncset.done $0x0  }
0x281: {  	[sflag:s11] =	ssyncadd.s32 $0xFFFFC180  }
0x282: {  	_ =	swait.ge [sflag:s21], $0x7D0  }
0x283: {  	[sflag:s21] =	ssyncset.done $0x0  }
0x284: {  	[sflag:s21] =	ssyncadd.s32 $0xFFFFF830  }
0x285: {  	_ =	swait.ge [sflag:s22], $0x3E80  }
0x286: {  	[sflag:s22] =	ssyncset.done $0x0  }
0x287: {  	s12 =	simm.s32 $0x0;
	[sflag:s22] =	ssyncadd.s32 $0xFFFFC180  }
0x288: {  	[spmem:s3] =	stream.indirect.scatter.add.f32 [tilespmem:s16], [sflag:$0x6], $0x8, s12, s18, $0xb8;
	[tilespmem:$0x14FF0] =	vst v63  }
0x289: {  	_ =	swait.ge [sflag:s24], $0x3E80  }
0x28a: {  	[sflag:s24] =	ssyncset.done $0x0  }
0x28b: {  	[sflag:s24] =	ssyncadd.s32 $0xFFFFC180  }
0x28c: {  	[bflag:$0x0] =	sbarrier.arrive $0xFFFF  }
0x28d: {  	s2 =	rddreg [dreg:$0x1b]  }
0x28e: {  	[hbm:s2@s13], [sflag:s7] =	dma.strided [spmem:s29@s21], $0x186A, s21, $0x1   }
0x28f: {  	_ =	swait.ge [sflag:s11], $0x186A  }
0x290: {  	[sflag:s11] =	ssyncset.done $0x0  }
0x291: {  	[sflag:s11] =	ssyncadd.s32 $0xFFFFE796  }
0x292: {  	[bflag:$0x0] =	sbarrier.arrive $0xFFFF  }
0x293: {  	[spmem:s29], [sflag:s7] =	dma.local [hbm:s15], $0x186A  }
0x294: {  	_ =	swait.ge [sflag:s11], $0x186A  }
0x295: {  	[sflag:s11] =	ssyncset.done $0x0  }
0x296: {  	[sflag:s11] =	ssyncadd.s32 $0xFFFFE796  }
0x297: {  	[bflag:$0x0] =	sbarrier.arrive $0xFFFF  }
0x298: {  	[tilespmem:s12], [sflag:$0x1] =	stream.linear.gather [hbm4b:s17+s12], $0x7D0, $0x38;
	[tilespmem:$0x14FF0] =	vst v63  }
0x299: {  	s5 =	rddreg [dreg:$0x13]  }
0x29a: {  	[tilespmem:s16], [sflag:$0x3] =	stream.strided.gather [hbm4b:s5+s13], $0x3E80, s14, s13, $0x38;
	[tilespmem:$0x14FF0] =	vst v63  }
0x29b: {  	s12 =	sadd.s32 $0x0, s23  }
0x29c: {  	[tilespmem:s18], [sflag:$0x2] =	stream.linear.gather [hbm4b:s30+s4], $0x7D0, $0x38;
	[tilespmem:$0x14FF0] =	vst v63  }
0x29d: {  	s30 =	sadd.s32 $0x7D07, s12  }
0x29e: {  	[tilespmem:s19], [sflag:$0x4] =	stream.strided.gather [hbm4b:s30+s13], $0x3E80, s14, s13, $0x38;
	[tilespmem:$0x14FF0] =	vst v63  }
0x29f: {  	_ =	swait.ge [sflag:s21], $0x7D0  }
0x2a0: {  	[sflag:s21] =	ssyncset.done $0x0  }
0x2a1: {  	[sflag:s21] =	ssyncadd.s32 $0xFFFFF830  }
0x2a2: {  	_ =	swait.ge [sflag:s22], $0x3E80  }
0x2a3: {  	[sflag:s22] =	ssyncset.done $0x0  }
0x2a4: {  	[sflag:s22] =	ssyncadd.s32 $0xFFFFC180  }
0x2a5: {  	[spmem:s3] =	stream.indirect.scatter.add.f32 [tilespmem:s16], [sflag:$0x6], $0x8, s4, s18, $0xb8;
	[tilespmem:$0x14FF0] =	vst v63  }
0x2a6: {  	_ =	swait.ge [sflag:s24], $0x3E80  }
0x2a7: {  	[sflag:s24] =	ssyncset.done $0x0  }
0x2a8: {  	[sflag:s24] =	ssyncadd.s32 $0xFFFFC180  }
0x2a9: {  	[tilespmem:s4], [sflag:$0x1] =	stream.linear.gather [hbm4b:s9+s4], $0x7D0, $0x38;
	[tilespmem:$0x14FF0] =	vst v63  }
0x2aa: {  	s0 =	sadd.s32 $0xFA07, s12  }
0x2ab: {  	[tilespmem:s16], [sflag:$0x3] =	stream.strided.gather [hbm4b:s0+s13], $0x3E80, s14, s13, $0x38;
	[tilespmem:$0x14FF0] =	vst v63  }
0x2ac: {  	_ =	swait.ge [sflag:s25], $0x7D0  }
0x2ad: {  	[sflag:s25] =	ssyncset.done $0x0  }
0x2ae: {  	[sflag:s25] =	ssyncadd.s32 $0xFFFFF830  }
0x2af: {  	_ =	swait.ge [sflag:s26], $0x3E80  }
0x2b0: {  	[sflag:s26] =	ssyncset.done $0x0  }
0x2b1: {  	[sflag:s26] =	ssyncadd.s32 $0xFFFFC180  }
0x2b2: {  	[spmem:s3] =	stream.indirect.scatter.add.f32 [tilespmem:s19], [sflag:$0x5], $0x8, s18, s18, $0xb8;
	[tilespmem:$0x14FF0] =	vst v63  }
0x2b3: {  	s1 =	simm.s32 $0xFA00;
	_ =	swait.ge [sflag:s11], $0x3E80  }
0x2b4: {  	s2 =	simm.s32 $0x1F400;
	s0 =	sadd.s32 $0x1F4, s9;
	[sflag:s11] =	ssyncset.done $0x0  }
.LBB2_34:
0x2b5: {  	s5 =	sadd.s32 $0xFFFFFF06, s0  }
0x2b6: {  	s12 =	sadd.s32 s1, s23;
	[sflag:s11] =	ssyncadd.s32 $0xFFFFC180;
	s1 =	smov.u32 s2  }
0x2b7: {  	[tilespmem:s18], [sflag:$0x2] =	stream.linear.gather [hbm4b:s5+s4], $0x7D0, $0x38;
	[tilespmem:$0x14FF0] =	vst v63  }
0x2b8: {  	p1 =	sne.s32 s2, $0xABE00;
	s2 =	sadd.s32 $0xFA00, s2;
	s5 =	sadd.s32 $0x7D07, s12  }
0x2b9: {  	[tilespmem:s19], [sflag:$0x4] =	stream.strided.gather [hbm4b:s5+s13], $0x3E80, s14, s13, $0x38;
	[tilespmem:$0x14FF0] =	vst v63  }
0x2ba: {  	_ =	swait.ge [sflag:s21], $0x7D0  }
0x2bb: {  	[sflag:s21] =	ssyncset.done $0x0  }
0x2bc: {  	[sflag:s21] =	ssyncadd.s32 $0xFFFFF830  }
0x2bd: {  	_ =	swait.ge [sflag:s22], $0x3E80  }
0x2be: {  	[sflag:s22] =	ssyncset.done $0x0  }
0x2bf: {  	[sflag:s22] =	ssyncadd.s32 $0xFFFFC180  }
0x2c0: {  	[spmem:s3] =	stream.indirect.scatter.add.f32 [tilespmem:s16], [sflag:$0x6], $0x8, s4, s18, $0xb8;
	[tilespmem:$0x14FF0] =	vst v63  }
0x2c1: {  	_ =	swait.ge [sflag:s24], $0x3E80  }
0x2c2: {  	[sflag:s24] =	ssyncset.done $0x0  }
0x2c3: {  	[sflag:s24] =	ssyncadd.s32 $0xFFFFC180  }
0x2c4: {  	[tilespmem:s4], [sflag:$0x1] =	stream.linear.gather [hbm4b:s0+s4], $0x7D0, $0x38;
	[tilespmem:$0x14FF0] =	vst v63  }
0x2c5: {  	s5 =	sadd.s32 $0xFA07, s12  }
0x2c6: {  	[tilespmem:s16], [sflag:$0x3] =	stream.strided.gather [hbm4b:s5+s13], $0x3E80, s14, s13, $0x38;
	[tilespmem:$0x14FF0] =	vst v63  }
0x2c7: {  	_ =	swait.ge [sflag:s25], $0x7D0  }
0x2c8: {  	[sflag:s25] =	ssyncset.done $0x0  }
0x2c9: {  	[sflag:s25] =	ssyncadd.s32 $0xFFFFF830  }
0x2ca: {  	_ =	swait.ge [sflag:s26], $0x3E80  }
.Ltmp9:
0x2cb: {  	[sflag:s26] =	ssyncset.done $0x0;
	(pc) =	sbr.rel @p1 .LBB2_34-.Ltmp9, $4  }
0x2cc: {  	[sflag:s26] =	ssyncadd.s32 $0xFFFFC180  }
0x2cd: {  	[spmem:s3] =	stream.indirect.scatter.add.f32 [tilespmem:s19], [sflag:$0x5], $0x8, s18, s18, $0xb8;
	[tilespmem:$0x14FF0] =	vst v63  }
0x2ce: {  	_ =	swait.ge [sflag:s11], $0x3E80  }
0x2cf: {  	s0 =	sadd.s32 $0x1F4, s0;
	[sflag:s11] =	ssyncset.done $0x0  }
0x2d0: {  	s2 =	sadd.s32 $0xFFFFFF06, s0;
	s1 =	sadd.s32 s1, s23;
	[sflag:s11] =	ssyncadd.s32 $0xFFFFC180  }
0x2d1: {  	[tilespmem:s18], [sflag:$0x2] =	stream.linear.gather [hbm4b:s2+s4], $0x7D0, $0x38;
	[tilespmem:$0x14FF0] =	vst v63  }
0x2d2: {  	s30 =	sadd.s32 $0x7D07, s1  }
0x2d3: {  	[tilespmem:s19], [sflag:$0x4] =	stream.strided.gather [hbm4b:s30+s13], $0x3E80, s14, s13, $0x38;
	[tilespmem:$0x14FF0] =	vst v63  }
0x2d4: {  	_ =	swait.ge [sflag:s21], $0x7D0  }
0x2d5: {  	[sflag:s21] =	ssyncset.done $0x0  }
0x2d6: {  	[sflag:s21] =	ssyncadd.s32 $0xFFFFF830  }
0x2d7: {  	_ =	swait.ge [sflag:s22], $0x3E80  }
0x2d8: {  	[sflag:s22] =	ssyncset.done $0x0  }
0x2d9: {  	[sflag:s22] =	ssyncadd.s32 $0xFFFFC180  }
0x2da: {  	[spmem:s3] =	stream.indirect.scatter.add.f32 [tilespmem:s16], [sflag:$0x6], $0x8, s4, s18, $0xb8;
	[tilespmem:$0x14FF0] =	vst v63  }
0x2db: {  	_ =	swait.ge [sflag:s24], $0x3E80  }
0x2dc: {  	[sflag:s24] =	ssyncset.done $0x0  }
0x2dd: {  	[sflag:s24] =	ssyncadd.s32 $0xFFFFC180  }
0x2de: {  	[tilespmem:s4], [sflag:$0x1] =	stream.linear.gather [hbm4b:s0+s4], $0x7D0, $0x38;
	[tilespmem:$0x14FF0] =	vst v63  }
0x2df: {  	s2 =	sadd.s32 $0xFA07, s1  }
0x2e0: {  	[tilespmem:s16], [sflag:$0x3] =	stream.strided.gather [hbm4b:s2+s13], $0x3E80, s14, s13, $0x38;
	[tilespmem:$0x14FF0] =	vst v63  }
0x2e1: {  	_ =	swait.ge [sflag:s25], $0x7D0  }
0x2e2: {  	[sflag:s25] =	ssyncset.done $0x0  }
0x2e3: {  	[sflag:s25] =	ssyncadd.s32 $0xFFFFF830  }
0x2e4: {  	_ =	swait.ge [sflag:s26], $0x3E80  }
0x2e5: {  	[sflag:s26] =	ssyncset.done $0x0  }
0x2e6: {  	[sflag:s26] =	ssyncadd.s32 $0xFFFFC180  }
0x2e7: {  	[spmem:s3] =	stream.indirect.scatter.add.f32 [tilespmem:s19], [sflag:$0x5], $0x8, s18, s18, $0xb8;
	[tilespmem:$0x14FF0] =	vst v63  }
0x2e8: {  	_ =	swait.ge [sflag:s11], $0x3E80  }
0x2e9: {  	[sflag:s11] =	ssyncset.done $0x0  }
0x2ea: {  	[sflag:s11] =	ssyncadd.s32 $0xFFFFC180  }
0x2eb: {  	_ =	swait.ge [sflag:s21], $0x7D0  }
0x2ec: {  	[sflag:s21] =	ssyncset.done $0x0  }
0x2ed: {  	[sflag:s21] =	ssyncadd.s32 $0xFFFFF830  }
0x2ee: {  	_ =	swait.ge [sflag:s22], $0x3E80  }
0x2ef: {  	[sflag:s22] =	ssyncset.done $0x0  }
0x2f0: {  	s5 =	simm.s32 $0x0;
	[sflag:s22] =	ssyncadd.s32 $0xFFFFC180  }
0x2f1: {  	[spmem:s3] =	stream.indirect.scatter.add.f32 [tilespmem:s16], [sflag:$0x6], $0x8, s5, s18, $0xb8;
	[tilespmem:$0x14FF0] =	vst v63  }
0x2f2: {  	_ =	swait.ge [sflag:s24], $0x3E80  }
0x2f3: {  	[sflag:s24] =	ssyncset.done $0x0  }
0x2f4: {  	[sflag:s24] =	ssyncadd.s32 $0xFFFFC180  }
0x2f5: {  	[tilespmem:s5], [sflag:$0x1] =	stream.linear.gather [hbm4b:s8+s5], $0x7D0, $0x38;
	[tilespmem:$0x14FF0] =	vst v63  }
0x2f6: {  	s12 =	rddreg [dreg:$0x14]  }
0x2f7: {  	[tilespmem:s16], [sflag:$0x3] =	stream.strided.gather [hbm4b:s12+s13], $0x3E80, s14, s13, $0x38;
	[tilespmem:$0x14FF0] =	vst v63  }
0x2f8: {  	s30 =	sadd.s32 $0x0, s23  }
0x2f9: {  	[tilespmem:s18], [sflag:$0x2] =	stream.linear.gather [hbm4b:s31+s4], $0x7D0, $0x38;
	[tilespmem:$0x14FF0] =	vst v63  }
0x2fa: {  	s31 =	sadd.s32 $0x7D0F, s30  }
0x2fb: {  	[tilespmem:s19], [sflag:$0x4] =	stream.strided.gather [hbm4b:s31+s13], $0x3E80, s14, s13, $0x38;
	[tilespmem:$0x14FF0] =	vst v63  }
0x2fc: {  	_ =	swait.ge [sflag:s21], $0x7D0  }
0x2fd: {  	[sflag:s21] =	ssyncset.done $0x0  }
0x2fe: {  	[sflag:s21] =	ssyncadd.s32 $0xFFFFF830  }
0x2ff: {  	_ =	swait.ge [sflag:s22], $0x3E80  }
0x300: {  	[sflag:s22] =	ssyncset.done $0x0  }
0x301: {  	[sflag:s22] =	ssyncadd.s32 $0xFFFFC180  }
0x302: {  	[spmem:s3] =	stream.indirect.scatter.add.f32 [tilespmem:s16], [sflag:$0x6], $0x8, s4, s18, $0xb8;
	[tilespmem:$0x14FF0] =	vst v63  }
0x303: {  	_ =	swait.ge [sflag:s24], $0x3E80  }
0x304: {  	[sflag:s24] =	ssyncset.done $0x0  }
0x305: {  	[sflag:s24] =	ssyncadd.s32 $0xFFFFC180  }
0x306: {  	[tilespmem:s4], [sflag:$0x1] =	stream.linear.gather [hbm4b:s10+s4], $0x7D0, $0x38;
	[tilespmem:$0x14FF0] =	vst v63  }
0x307: {  	s0 =	sadd.s32 $0xFA0F, s30  }
0x308: {  	[tilespmem:s16], [sflag:$0x3] =	stream.strided.gather [hbm4b:s0+s13], $0x3E80, s14, s13, $0x38;
	[tilespmem:$0x14FF0] =	vst v63  }
0x309: {  	_ =	swait.ge [sflag:s25], $0x7D0  }
0x30a: {  	[sflag:s25] =	ssyncset.done $0x0  }
0x30b: {  	[sflag:s25] =	ssyncadd.s32 $0xFFFFF830  }
0x30c: {  	_ =	swait.ge [sflag:s26], $0x3E80  }
0x30d: {  	[sflag:s26] =	ssyncset.done $0x0  }
0x30e: {  	[sflag:s26] =	ssyncadd.s32 $0xFFFFC180  }
0x30f: {  	[spmem:s3] =	stream.indirect.scatter.add.f32 [tilespmem:s19], [sflag:$0x5], $0x8, s18, s18, $0xb8;
	[tilespmem:$0x14FF0] =	vst v63  }
0x310: {  	s1 =	simm.s32 $0xFA00;
	_ =	swait.ge [sflag:s11], $0x3E80  }
0x311: {  	s2 =	simm.s32 $0x1F400;
	s0 =	sadd.s32 $0x1F4, s10;
	[sflag:s11] =	ssyncset.done $0x0  }
.LBB2_36:
0x312: {  	s5 =	sadd.s32 $0xFFFFFF06, s0  }
0x313: {  	s12 =	sadd.s32 s1, s23;
	[sflag:s11] =	ssyncadd.s32 $0xFFFFC180;
	s1 =	smov.u32 s2  }
0x314: {  	[tilespmem:s18], [sflag:$0x2] =	stream.linear.gather [hbm4b:s5+s4], $0x7D0, $0x38;
	[tilespmem:$0x14FF0] =	vst v63  }
0x315: {  	p1 =	sne.s32 s2, $0xABE00;
	s2 =	sadd.s32 $0xFA00, s2;
	s5 =	sadd.s32 $0x7D0F, s12  }
0x316: {  	[tilespmem:s19], [sflag:$0x4] =	stream.strided.gather [hbm4b:s5+s13], $0x3E80, s14, s13, $0x38;
	[tilespmem:$0x14FF0] =	vst v63  }
0x317: {  	_ =	swait.ge [sflag:s21], $0x7D0  }
0x318: {  	[sflag:s21] =	ssyncset.done $0x0  }
0x319: {  	[sflag:s21] =	ssyncadd.s32 $0xFFFFF830  }
0x31a: {  	_ =	swait.ge [sflag:s22], $0x3E80  }
0x31b: {  	[sflag:s22] =	ssyncset.done $0x0  }
0x31c: {  	[sflag:s22] =	ssyncadd.s32 $0xFFFFC180  }
0x31d: {  	[spmem:s3] =	stream.indirect.scatter.add.f32 [tilespmem:s16], [sflag:$0x6], $0x8, s4, s18, $0xb8;
	[tilespmem:$0x14FF0] =	vst v63  }
0x31e: {  	_ =	swait.ge [sflag:s24], $0x3E80  }
0x31f: {  	[sflag:s24] =	ssyncset.done $0x0  }
0x320: {  	[sflag:s24] =	ssyncadd.s32 $0xFFFFC180  }
0x321: {  	[tilespmem:s4], [sflag:$0x1] =	stream.linear.gather [hbm4b:s0+s4], $0x7D0, $0x38;
	[tilespmem:$0x14FF0] =	vst v63  }
0x322: {  	s5 =	sadd.s32 $0xFA0F, s12  }
0x323: {  	[tilespmem:s16], [sflag:$0x3] =	stream.strided.gather [hbm4b:s5+s13], $0x3E80, s14, s13, $0x38;
	[tilespmem:$0x14FF0] =	vst v63  }
0x324: {  	_ =	swait.ge [sflag:s25], $0x7D0  }
0x325: {  	[sflag:s25] =	ssyncset.done $0x0  }
0x326: {  	[sflag:s25] =	ssyncadd.s32 $0xFFFFF830  }
0x327: {  	_ =	swait.ge [sflag:s26], $0x3E80  }
.Ltmp10:
0x328: {  	[sflag:s26] =	ssyncset.done $0x0;
	(pc) =	sbr.rel @p1 .LBB2_36-.Ltmp10, $4  }
0x329: {  	[sflag:s26] =	ssyncadd.s32 $0xFFFFC180  }
0x32a: {  	[spmem:s3] =	stream.indirect.scatter.add.f32 [tilespmem:s19], [sflag:$0x5], $0x8, s18, s18, $0xb8;
	[tilespmem:$0x14FF0] =	vst v63  }
0x32b: {  	_ =	swait.ge [sflag:s11], $0x3E80  }
0x32c: {  	s0 =	sadd.s32 $0x1F4, s0;
	[sflag:s11] =	ssyncset.done $0x0  }
0x32d: {  	s2 =	sadd.s32 $0xFFFFFF06, s0;
	s1 =	sadd.s32 s1, s23;
	[sflag:s11] =	ssyncadd.s32 $0xFFFFC180  }
0x32e: {  	[tilespmem:s18], [sflag:$0x2] =	stream.linear.gather [hbm4b:s2+s4], $0x7D0, $0x38;
	[tilespmem:$0x14FF0] =	vst v63  }
0x32f: {  	s31 =	sadd.s32 $0x7D0F, s1  }
0x330: {  	[tilespmem:s19], [sflag:$0x4] =	stream.strided.gather [hbm4b:s31+s13], $0x3E80, s14, s13, $0x38;
	[tilespmem:$0x14FF0] =	vst v63  }
0x331: {  	_ =	swait.ge [sflag:s21], $0x7D0  }
0x332: {  	[sflag:s21] =	ssyncset.done $0x0  }
0x333: {  	[sflag:s21] =	ssyncadd.s32 $0xFFFFF830  }
0x334: {  	_ =	swait.ge [sflag:s22], $0x3E80  }
0x335: {  	[sflag:s22] =	ssyncset.done $0x0  }
0x336: {  	[sflag:s22] =	ssyncadd.s32 $0xFFFFC180  }
0x337: {  	[spmem:s3] =	stream.indirect.scatter.add.f32 [tilespmem:s16], [sflag:$0x6], $0x8, s4, s18, $0xb8;
	[tilespmem:$0x14FF0] =	vst v63  }
0x338: {  	_ =	swait.ge [sflag:s24], $0x3E80  }
0x339: {  	[sflag:s24] =	ssyncset.done $0x0  }
0x33a: {  	[sflag:s24] =	ssyncadd.s32 $0xFFFFC180  }
0x33b: {  	[tilespmem:s4], [sflag:$0x1] =	stream.linear.gather [hbm4b:s0+s4], $0x7D0, $0x38;
	[tilespmem:$0x14FF0] =	vst v63  }
0x33c: {  	s2 =	sadd.s32 $0xFA0F, s1  }
0x33d: {  	[tilespmem:s16], [sflag:$0x3] =	stream.strided.gather [hbm4b:s2+s13], $0x3E80, s14, s13, $0x38;
	[tilespmem:$0x14FF0] =	vst v63  }
0x33e: {  	_ =	swait.ge [sflag:s25], $0x7D0  }
0x33f: {  	[sflag:s25] =	ssyncset.done $0x0  }
0x340: {  	[sflag:s25] =	ssyncadd.s32 $0xFFFFF830  }
0x341: {  	_ =	swait.ge [sflag:s26], $0x3E80  }
0x342: {  	[sflag:s26] =	ssyncset.done $0x0  }
0x343: {  	[sflag:s26] =	ssyncadd.s32 $0xFFFFC180  }
0x344: {  	[spmem:s3] =	stream.indirect.scatter.add.f32 [tilespmem:s19], [sflag:$0x5], $0x8, s18, s18, $0xb8;
	[tilespmem:$0x14FF0] =	vst v63  }
0x345: {  	_ =	swait.ge [sflag:s11], $0x3E80  }
0x346: {  	[sflag:s11] =	ssyncset.done $0x0  }
0x347: {  	[sflag:s11] =	ssyncadd.s32 $0xFFFFC180  }
0x348: {  	_ =	swait.ge [sflag:s21], $0x7D0  }
0x349: {  	[sflag:s21] =	ssyncset.done $0x0  }
0x34a: {  	[sflag:s21] =	ssyncadd.s32 $0xFFFFF830  }
0x34b: {  	_ =	swait.ge [sflag:s22], $0x3E80  }
0x34c: {  	[sflag:s22] =	ssyncset.done $0x0  }
0x34d: {  	[sflag:s22] =	ssyncadd.s32 $0xFFFFC180  }
0x34e: {  	[spmem:s3] =	stream.indirect.scatter.add.f32 [tilespmem:s16], [sflag:$0x6], $0x8, s4, s18, $0xb8;
	[tilespmem:$0x14FF0] =	vst v63  }
0x34f: {  	_ =	swait.ge [sflag:s24], $0x3E80  }
0x350: {  	[sflag:s24] =	ssyncset.done $0x0  }
0x351: {  	[sflag:s24] =	ssyncadd.s32 $0xFFFFC180  }
0x352: {  	[bflag:$0x0] =	sbarrier.arrive $0xFFFF  }
0x353: {  	s5 =	rddreg [dreg:$0x1c]  }
0x354: {  	[hbm:s5@s13], [sflag:s7] =	dma.strided [spmem:s29@s21], $0x186A, s21, $0x1   }
0x355: {  	_ =	swait.ge [sflag:s11], $0x186A  }
0x356: {  	[sflag:s11] =	ssyncset.done $0x0  }
0x357: {  	[sflag:s11] =	ssyncadd.s32 $0xFFFFE796  }
0x358: {  	[bflag:$0x0] =	sbarrier.arrive $0xFFFF  }
0x359: {  	[spmem:s29], [sflag:s7] =	dma.local [hbm:s15], $0x186A  }
0x35a: {  	_ =	swait.ge [sflag:s11], $0x186A  }
0x35b: {  	[sflag:s11] =	ssyncset.done $0x0  }
0x35c: {  	[sflag:s11] =	ssyncadd.s32 $0xFFFFE796  }
0x35d: {  	s12 =	rddreg [dreg:$0x2]  }
0x35e: {  	[tilespmem:s16], [sflag:$0x5] =	stream.linear.gather [hbm4b:s12+s4], $0x3E80, $0x38;
	[tilespmem:$0x14FF0] =	vst v63  }
0x35f: {  	_ =	swait.ge [sflag:s11], $0x3E80  }
0x360: {  	[sflag:s11] =	ssyncset.done $0x0  }
0x361: {  	[sflag:s11] =	ssyncadd.s32 $0xFFFFC180  }
0x362: {  	s30 =	sadd.s32 $0xFFFFE890, s20;
	[bflag:$0x0] =	sbarrier.arrive $0xFFFF  }
0x363: {  	[tilespmem:s4], [sflag:$0x1] =	stream.linear.gather [hbm4b:s8+s4], $0x7D0, $0x38;
	[tilespmem:$0x14FF0] =	vst v63  }
0x364: {  	s31 =	sadd.s32 $0x19F0A, s30  }
0x365: {  	[tilespmem:s18], [sflag:$0x2] =	stream.linear.gather [hbm4b:s31+s4], $0x7D0, $0x38;
	[tilespmem:$0x14FF0] =	vst v63  }
0x366: {  	_ =	swait.ge [sflag:s21], $0x7D0  }
0x367: {  	[sflag:s21] =	ssyncset.done $0x0  }
0x368: {  	[sflag:s21] =	ssyncadd.s32 $0xFFFFF830  }
0x369: {  	[spmem:s3] =	stream.indirect.scatter.add.f32 [tilespmem:s16], [sflag:$0x6], $0x8, s4, s18, $0xb8;
	[tilespmem:$0x14FF0] =	vst v63  }
0x36a: {  	_ =	swait.ge [sflag:s24], $0x3E80  }
0x36b: {  	[sflag:s24] =	ssyncset.done $0x0  }
0x36c: {  	s0 =	sadd.s32 $0x1A004, s30;
	[sflag:s24] =	ssyncadd.s32 $0xFFFFC180  }
0x36d: {  	[tilespmem:s4], [sflag:$0x1] =	stream.linear.gather [hbm4b:s0+s4], $0x7D0, $0x38;
	[tilespmem:$0x14FF0] =	vst v63  }
0x36e: {  	_ =	swait.ge [sflag:s25], $0x7D0  }
0x36f: {  	[sflag:s25] =	ssyncset.done $0x0  }
0x370: {  	[sflag:s25] =	ssyncadd.s32 $0xFFFFF830  }
0x371: {  	[spmem:s3] =	stream.indirect.scatter.add.f32 [tilespmem:s16], [sflag:$0x5], $0x8, s18, s18, $0xb8;
	[tilespmem:$0x14FF0] =	vst v63  }
0x372: {  	_ =	swait.ge [sflag:s11], $0x3E80  }
0x373: {  	s1 =	simm.s32 $0xFFFFEC78;
	s0 =	sadd.s32 $0xFFFFEA84, s20;
	[sflag:s11] =	ssyncset.done $0x0  }
.LBB2_38:
0x374: {  	s2 =	sadd.s32 $0x19F0A, s0  }
0x375: {  	[sflag:s11] =	ssyncadd.s32 $0xFFFFC180;
	s5 =	smov.u32 s1;
	s12 =	sadd.s32 $0x1F4, s1  }
0x376: {  	[tilespmem:s18], [sflag:$0x2] =	stream.linear.gather [hbm4b:s2+s4], $0x7D0, $0x38;
	[tilespmem:$0x14FF0] =	vst v63  }
0x377: {  	p1 =	sne.s32 s1, $0xFFFFFE0C;
	_ =	swait.ge [sflag:s21], $0x7D0  }
0x378: {  	[sflag:s21] =	ssyncset.done $0x0  }
0x379: {  	[sflag:s21] =	ssyncadd.s32 $0xFFFFF830  }
0x37a: {  	[spmem:s3] =	stream.indirect.scatter.add.f32 [tilespmem:s16], [sflag:$0x6], $0x8, s4, s18, $0xb8;
	[tilespmem:$0x14FF0] =	vst v63  }
0x37b: {  	_ =	swait.ge [sflag:s24], $0x3E80  }
0x37c: {  	[sflag:s24] =	ssyncset.done $0x0  }
0x37d: {  	s0 =	sadd.s32 $0x1A004, s0;
	[sflag:s24] =	ssyncadd.s32 $0xFFFFC180  }
0x37e: {  	[tilespmem:s4], [sflag:$0x1] =	stream.linear.gather [hbm4b:s0+s4], $0x7D0, $0x38;
	[tilespmem:$0x14FF0] =	vst v63  }
0x37f: {  	_ =	swait.ge [sflag:s25], $0x7D0  }
.Ltmp11:
0x380: {  	[sflag:s25] =	ssyncset.done $0x0;
	(pc) =	sbr.rel @p1 .LBB2_38-.Ltmp11, $4  }
0x381: {  	[sflag:s25] =	ssyncadd.s32 $0xFFFFF830  }
0x382: {  	[spmem:s3] =	stream.indirect.scatter.add.f32 [tilespmem:s16], [sflag:$0x5], $0x8, s18, s18, $0xb8;
	[tilespmem:$0x14FF0] =	vst v63  }
0x383: {  	_ =	swait.ge [sflag:s11], $0x3E80  }
0x384: {  	s1 =	smov.u32 s12;
	s0 =	sadd.s32 s5, s20;
	[sflag:s11] =	ssyncset.done $0x0  }
.Ltmp12:
0x385: {  	_ = 	snop;
	(pc) =	sbr.rel .LBB2_39-.Ltmp12, $1  }
0x386: {  	_ =	sdelay $0x3  }
.LBB2_2:
0x387: {  	[tilespmem:s16], [sflag:$0x3] =	stream.strided.gather [hbm4b:s23+s13], $0x3E80, s14, s13, $0x38;
	[tilespmem:$0x14FF0] =	vst v63  }
0x388: {  	s30 =	sadd.s32 $0xFFFFFF06, s9;
	s0 =	sadd.s32 $0x0, s23  }
0x389: {  	[tilespmem:s18], [sflag:$0x2] =	stream.linear.gather [hbm4b:s30+s4], $0x7D0, $0x38;
	[tilespmem:$0x14FF0] =	vst v63  }
0x38a: {  	s1 =	sadd.s32 $0x7D00, s0  }
0x38b: {  	[tilespmem:s19], [sflag:$0x4] =	stream.strided.gather [hbm4b:s1+s13], $0x3E80, s14, s13, $0x38;
	[tilespmem:$0x14FF0] =	vst v63  }
0x38c: {  	_ =	swait.ge [sflag:s21], $0x7D0  }
0x38d: {  	[sflag:s21] =	ssyncset.done $0x0  }
0x38e: {  	[sflag:s21] =	ssyncadd.s32 $0xFFFFF830  }
0x38f: {  	_ =	swait.ge [sflag:s22], $0x3E80  }
0x390: {  	[sflag:s22] =	ssyncset.done $0x0  }
0x391: {  	[sflag:s22] =	ssyncadd.s32 $0xFFFFC180  }
0x392: {  	[spmem:s3] =	stream.indirect.scatter.add.f32 [tilespmem:s16], [sflag:$0x6], $0x8, s4, s18, $0xb8;
	[tilespmem:$0x14FF0] =	vst v63  }
0x393: {  	_ =	swait.ge [sflag:s24], $0x3E80  }
0x394: {  	[sflag:s24] =	ssyncset.done $0x0  }
0x395: {  	[sflag:s24] =	ssyncadd.s32 $0xFFFFC180  }
0x396: {  	[tilespmem:s4], [sflag:$0x1] =	stream.linear.gather [hbm4b:s9+s4], $0x7D0, $0x38;
	[tilespmem:$0x14FF0] =	vst v63  }
0x397: {  	s0 =	sadd.s32 $0xFA00, s0  }
0x398: {  	[tilespmem:s16], [sflag:$0x3] =	stream.strided.gather [hbm4b:s0+s13], $0x3E80, s14, s13, $0x38;
	[tilespmem:$0x14FF0] =	vst v63  }
0x399: {  	_ =	swait.ge [sflag:s25], $0x7D0  }
0x39a: {  	[sflag:s25] =	ssyncset.done $0x0  }
0x39b: {  	[sflag:s25] =	ssyncadd.s32 $0xFFFFF830  }
0x39c: {  	_ =	swait.ge [sflag:s26], $0x3E80  }
0x39d: {  	[sflag:s26] =	ssyncset.done $0x0  }
0x39e: {  	[sflag:s26] =	ssyncadd.s32 $0xFFFFC180  }
0x39f: {  	[spmem:s3] =	stream.indirect.scatter.add.f32 [tilespmem:s19], [sflag:$0x5], $0x8, s18, s18, $0xb8;
	[tilespmem:$0x14FF0] =	vst v63  }
0x3a0: {  	s31 =	sadd.s32 $0x1F4, s9;
	_ =	swait.ge [sflag:s11], $0x3E80  }
0x3a1: {  	s1 =	simm.s32 $0x1F400;
	s0 =	simm.s32 $0xFA00;
	[sflag:s11] =	ssyncset.done $0x0  }
.LBB2_3:
0x3a2: {  	s2 =	sadd.s32 $0xFFFFFF06, s31  }
0x3a3: {  	s5 =	sadd.s32 s0, s23;
	[sflag:s11] =	ssyncadd.s32 $0xFFFFC180;
	s0 =	smov.u32 s1  }
0x3a4: {  	[tilespmem:s18], [sflag:$0x2] =	stream.linear.gather [hbm4b:s2+s4], $0x7D0, $0x38;
	[tilespmem:$0x14FF0] =	vst v63  }
0x3a5: {  	p1 =	sne.s32 s1, $0xABE00;
	s1 =	sadd.s32 $0xFA00, s1;
	s2 =	sadd.s32 $0x7D00, s5  }
0x3a6: {  	[tilespmem:s19], [sflag:$0x4] =	stream.strided.gather [hbm4b:s2+s13], $0x3E80, s14, s13, $0x38;
	[tilespmem:$0x14FF0] =	vst v63  }
0x3a7: {  	_ =	swait.ge [sflag:s21], $0x7D0  }
0x3a8: {  	[sflag:s21] =	ssyncset.done $0x0  }
0x3a9: {  	[sflag:s21] =	ssyncadd.s32 $0xFFFFF830  }
0x3aa: {  	_ =	swait.ge [sflag:s22], $0x3E80  }
0x3ab: {  	[sflag:s22] =	ssyncset.done $0x0  }
0x3ac: {  	[sflag:s22] =	ssyncadd.s32 $0xFFFFC180  }
0x3ad: {  	[spmem:s3] =	stream.indirect.scatter.add.f32 [tilespmem:s16], [sflag:$0x6], $0x8, s4, s18, $0xb8;
	[tilespmem:$0x14FF0] =	vst v63  }
0x3ae: {  	_ =	swait.ge [sflag:s24], $0x3E80  }
0x3af: {  	[sflag:s24] =	ssyncset.done $0x0  }
0x3b0: {  	[sflag:s24] =	ssyncadd.s32 $0xFFFFC180  }
0x3b1: {  	[tilespmem:s4], [sflag:$0x1] =	stream.linear.gather [hbm4b:s31+s4], $0x7D0, $0x38;
	[tilespmem:$0x14FF0] =	vst v63  }
0x3b2: {  	s2 =	sadd.s32 $0xFA00, s5  }
0x3b3: {  	[tilespmem:s16], [sflag:$0x3] =	stream.strided.gather [hbm4b:s2+s13], $0x3E80, s14, s13, $0x38;
	[tilespmem:$0x14FF0] =	vst v63  }
0x3b4: {  	_ =	swait.ge [sflag:s25], $0x7D0  }
0x3b5: {  	[sflag:s25] =	ssyncset.done $0x0  }
0x3b6: {  	[sflag:s25] =	ssyncadd.s32 $0xFFFFF830  }
0x3b7: {  	_ =	swait.ge [sflag:s26], $0x3E80  }
.Ltmp13:
0x3b8: {  	[sflag:s26] =	ssyncset.done $0x0;
	(pc) =	sbr.rel @p1 .LBB2_3-.Ltmp13, $4  }
0x3b9: {  	[sflag:s26] =	ssyncadd.s32 $0xFFFFC180  }
0x3ba: {  	[spmem:s3] =	stream.indirect.scatter.add.f32 [tilespmem:s19], [sflag:$0x5], $0x8, s18, s18, $0xb8;
	[tilespmem:$0x14FF0] =	vst v63  }
0x3bb: {  	_ =	swait.ge [sflag:s11], $0x3E80  }
0x3bc: {  	s31 =	sadd.s32 $0x1F4, s31;
	[sflag:s11] =	ssyncset.done $0x0  }
0x3bd: {  	s1 =	sadd.s32 $0xFFFFFF06, s31;
	s0 =	sadd.s32 s0, s23;
	[sflag:s11] =	ssyncadd.s32 $0xFFFFC180  }
0x3be: {  	[tilespmem:s18], [sflag:$0x2] =	stream.linear.gather [hbm4b:s1+s4], $0x7D0, $0x38;
	[tilespmem:$0x14FF0] =	vst v63  }
0x3bf: {  	s12 =	sadd.s32 $0x7D00, s0  }
0x3c0: {  	[tilespmem:s19], [sflag:$0x4] =	stream.strided.gather [hbm4b:s12+s13], $0x3E80, s14, s13, $0x38;
	[tilespmem:$0x14FF0] =	vst v63  }
0x3c1: {  	_ =	swait.ge [sflag:s21], $0x7D0  }
0x3c2: {  	[sflag:s21] =	ssyncset.done $0x0  }
0x3c3: {  	[sflag:s21] =	ssyncadd.s32 $0xFFFFF830  }
0x3c4: {  	_ =	swait.ge [sflag:s22], $0x3E80  }
0x3c5: {  	[sflag:s22] =	ssyncset.done $0x0  }
0x3c6: {  	[sflag:s22] =	ssyncadd.s32 $0xFFFFC180  }
0x3c7: {  	[spmem:s3] =	stream.indirect.scatter.add.f32 [tilespmem:s16], [sflag:$0x6], $0x8, s4, s18, $0xb8;
	[tilespmem:$0x14FF0] =	vst v63  }
0x3c8: {  	_ =	swait.ge [sflag:s24], $0x3E80  }
0x3c9: {  	[sflag:s24] =	ssyncset.done $0x0  }
0x3ca: {  	[sflag:s24] =	ssyncadd.s32 $0xFFFFC180  }
0x3cb: {  	[tilespmem:s4], [sflag:$0x1] =	stream.linear.gather [hbm4b:s31+s4], $0x7D0, $0x38;
	[tilespmem:$0x14FF0] =	vst v63  }
0x3cc: {  	s0 =	sadd.s32 $0xFA00, s0  }
0x3cd: {  	[tilespmem:s16], [sflag:$0x3] =	stream.strided.gather [hbm4b:s0+s13], $0x3E80, s14, s13, $0x38;
	[tilespmem:$0x14FF0] =	vst v63  }
0x3ce: {  	_ =	swait.ge [sflag:s25], $0x7D0  }
0x3cf: {  	[sflag:s25] =	ssyncset.done $0x0  }
0x3d0: {  	[sflag:s25] =	ssyncadd.s32 $0xFFFFF830  }
0x3d1: {  	_ =	swait.ge [sflag:s26], $0x3E80  }
0x3d2: {  	[sflag:s26] =	ssyncset.done $0x0  }
0x3d3: {  	[sflag:s26] =	ssyncadd.s32 $0xFFFFC180  }
0x3d4: {  	[spmem:s3] =	stream.indirect.scatter.add.f32 [tilespmem:s19], [sflag:$0x5], $0x8, s18, s18, $0xb8;
	[tilespmem:$0x14FF0] =	vst v63  }
0x3d5: {  	_ =	swait.ge [sflag:s11], $0x3E80  }
0x3d6: {  	[sflag:s11] =	ssyncset.done $0x0  }
0x3d7: {  	[sflag:s11] =	ssyncadd.s32 $0xFFFFC180  }
0x3d8: {  	_ =	swait.ge [sflag:s21], $0x7D0  }
0x3d9: {  	[sflag:s21] =	ssyncset.done $0x0  }
0x3da: {  	[sflag:s21] =	ssyncadd.s32 $0xFFFFF830  }
0x3db: {  	_ =	swait.ge [sflag:s22], $0x3E80  }
0x3dc: {  	[sflag:s22] =	ssyncset.done $0x0  }
0x3dd: {  	s1 =	simm.s32 $0x0;
	[sflag:s22] =	ssyncadd.s32 $0xFFFFC180  }
0x3de: {  	[spmem:s3] =	stream.indirect.scatter.add.f32 [tilespmem:s16], [sflag:$0x6], $0x8, s1, s18, $0xb8;
	[tilespmem:$0x14FF0] =	vst v63  }
0x3df: {  	_ =	swait.ge [sflag:s24], $0x3E80  }
0x3e0: {  	[sflag:s24] =	ssyncset.done $0x0  }
0x3e1: {  	[sflag:s24] =	ssyncadd.s32 $0xFFFFC180  }
0x3e2: {  	[tilespmem:s1], [sflag:$0x1] =	stream.linear.gather [hbm4b:s8+s1], $0x7D0, $0x38;
	[tilespmem:$0x14FF0] =	vst v63  }
0x3e3: {  	s2 =	rddreg [dreg:$0x5]  }
0x3e4: {  	[tilespmem:s16], [sflag:$0x3] =	stream.strided.gather [hbm4b:s2+s13], $0x3E80, s14, s13, $0x38;
	[tilespmem:$0x14FF0] =	vst v63  }
0x3e5: {  	s5 =	sadd.s32 $0x0, s23;
	s31 =	sadd.s32 $0xFFFFFF06, s10  }
0x3e6: {  	[tilespmem:s18], [sflag:$0x2] =	stream.linear.gather [hbm4b:s31+s4], $0x7D0, $0x38;
	[tilespmem:$0x14FF0] =	vst v63  }
0x3e7: {  	s12 =	sadd.s32 $0x7D08, s5  }
0x3e8: {  	[tilespmem:s19], [sflag:$0x4] =	stream.strided.gather [hbm4b:s12+s13], $0x3E80, s14, s13, $0x38;
	[tilespmem:$0x14FF0] =	vst v63  }
0x3e9: {  	_ =	swait.ge [sflag:s21], $0x7D0  }
0x3ea: {  	[sflag:s21] =	ssyncset.done $0x0  }
0x3eb: {  	[sflag:s21] =	ssyncadd.s32 $0xFFFFF830  }
0x3ec: {  	_ =	swait.ge [sflag:s22], $0x3E80  }
0x3ed: {  	[sflag:s22] =	ssyncset.done $0x0  }
0x3ee: {  	[sflag:s22] =	ssyncadd.s32 $0xFFFFC180  }
0x3ef: {  	[spmem:s3] =	stream.indirect.scatter.add.f32 [tilespmem:s16], [sflag:$0x6], $0x8, s4, s18, $0xb8;
	[tilespmem:$0x14FF0] =	vst v63  }
0x3f0: {  	_ =	swait.ge [sflag:s24], $0x3E80  }
0x3f1: {  	[sflag:s24] =	ssyncset.done $0x0  }
0x3f2: {  	[sflag:s24] =	ssyncadd.s32 $0xFFFFC180  }
0x3f3: {  	[tilespmem:s4], [sflag:$0x1] =	stream.linear.gather [hbm4b:s10+s4], $0x7D0, $0x38;
	[tilespmem:$0x14FF0] =	vst v63  }
0x3f4: {  	s0 =	sadd.s32 $0xFA08, s5  }
0x3f5: {  	[tilespmem:s16], [sflag:$0x3] =	stream.strided.gather [hbm4b:s0+s13], $0x3E80, s14, s13, $0x38;
	[tilespmem:$0x14FF0] =	vst v63  }
0x3f6: {  	_ =	swait.ge [sflag:s25], $0x7D0  }
0x3f7: {  	[sflag:s25] =	ssyncset.done $0x0  }
0x3f8: {  	[sflag:s25] =	ssyncadd.s32 $0xFFFFF830  }
0x3f9: {  	_ =	swait.ge [sflag:s26], $0x3E80  }
0x3fa: {  	[sflag:s26] =	ssyncset.done $0x0  }
0x3fb: {  	[sflag:s26] =	ssyncadd.s32 $0xFFFFC180  }
0x3fc: {  	[spmem:s3] =	stream.indirect.scatter.add.f32 [tilespmem:s19], [sflag:$0x5], $0x8, s18, s18, $0xb8;
	[tilespmem:$0x14FF0] =	vst v63  }
0x3fd: {  	s1 =	simm.s32 $0xFA00;
	_ =	swait.ge [sflag:s11], $0x3E80  }
0x3fe: {  	s2 =	simm.s32 $0x1F400;
	s0 =	sadd.s32 $0x1F4, s10;
	[sflag:s11] =	ssyncset.done $0x0  }
.LBB2_5:
0x3ff: {  	s5 =	sadd.s32 $0xFFFFFF06, s0  }
0x400: {  	s12 =	sadd.s32 s1, s23;
	[sflag:s11] =	ssyncadd.s32 $0xFFFFC180;
	s1 =	smov.u32 s2  }
0x401: {  	[tilespmem:s18], [sflag:$0x2] =	stream.linear.gather [hbm4b:s5+s4], $0x7D0, $0x38;
	[tilespmem:$0x14FF0] =	vst v63  }
0x402: {  	p1 =	sne.s32 s2, $0xABE00;
	s2 =	sadd.s32 $0xFA00, s2;
	s5 =	sadd.s32 $0x7D08, s12  }
0x403: {  	[tilespmem:s19], [sflag:$0x4] =	stream.strided.gather [hbm4b:s5+s13], $0x3E80, s14, s13, $0x38;
	[tilespmem:$0x14FF0] =	vst v63  }
0x404: {  	_ =	swait.ge [sflag:s21], $0x7D0  }
0x405: {  	[sflag:s21] =	ssyncset.done $0x0  }
0x406: {  	[sflag:s21] =	ssyncadd.s32 $0xFFFFF830  }
0x407: {  	_ =	swait.ge [sflag:s22], $0x3E80  }
0x408: {  	[sflag:s22] =	ssyncset.done $0x0  }
0x409: {  	[sflag:s22] =	ssyncadd.s32 $0xFFFFC180  }
0x40a: {  	[spmem:s3] =	stream.indirect.scatter.add.f32 [tilespmem:s16], [sflag:$0x6], $0x8, s4, s18, $0xb8;
	[tilespmem:$0x14FF0] =	vst v63  }
0x40b: {  	_ =	swait.ge [sflag:s24], $0x3E80  }
0x40c: {  	[sflag:s24] =	ssyncset.done $0x0  }
0x40d: {  	[sflag:s24] =	ssyncadd.s32 $0xFFFFC180  }
0x40e: {  	[tilespmem:s4], [sflag:$0x1] =	stream.linear.gather [hbm4b:s0+s4], $0x7D0, $0x38;
	[tilespmem:$0x14FF0] =	vst v63  }
0x40f: {  	s5 =	sadd.s32 $0xFA08, s12  }
0x410: {  	[tilespmem:s16], [sflag:$0x3] =	stream.strided.gather [hbm4b:s5+s13], $0x3E80, s14, s13, $0x38;
	[tilespmem:$0x14FF0] =	vst v63  }
0x411: {  	_ =	swait.ge [sflag:s25], $0x7D0  }
0x412: {  	[sflag:s25] =	ssyncset.done $0x0  }
0x413: {  	[sflag:s25] =	ssyncadd.s32 $0xFFFFF830  }
0x414: {  	_ =	swait.ge [sflag:s26], $0x3E80  }
.Ltmp14:
0x415: {  	[sflag:s26] =	ssyncset.done $0x0;
	(pc) =	sbr.rel @p1 .LBB2_5-.Ltmp14, $4  }
0x416: {  	[sflag:s26] =	ssyncadd.s32 $0xFFFFC180  }
0x417: {  	[spmem:s3] =	stream.indirect.scatter.add.f32 [tilespmem:s19], [sflag:$0x5], $0x8, s18, s18, $0xb8;
	[tilespmem:$0x14FF0] =	vst v63  }
0x418: {  	_ =	swait.ge [sflag:s11], $0x3E80  }
0x419: {  	s0 =	sadd.s32 $0x1F4, s0;
	[sflag:s11] =	ssyncset.done $0x0  }
0x41a: {  	s2 =	sadd.s32 $0xFFFFFF06, s0;
	s1 =	sadd.s32 s1, s23;
	[sflag:s11] =	ssyncadd.s32 $0xFFFFC180  }
0x41b: {  	[tilespmem:s18], [sflag:$0x2] =	stream.linear.gather [hbm4b:s2+s4], $0x7D0, $0x38;
	[tilespmem:$0x14FF0] =	vst v63  }
0x41c: {  	s12 =	sadd.s32 $0x7D08, s1  }
0x41d: {  	[tilespmem:s19], [sflag:$0x4] =	stream.strided.gather [hbm4b:s12+s13], $0x3E80, s14, s13, $0x38;
	[tilespmem:$0x14FF0] =	vst v63  }
0x41e: {  	_ =	swait.ge [sflag:s21], $0x7D0  }
0x41f: {  	[sflag:s21] =	ssyncset.done $0x0  }
0x420: {  	[sflag:s21] =	ssyncadd.s32 $0xFFFFF830  }
0x421: {  	_ =	swait.ge [sflag:s22], $0x3E80  }
0x422: {  	[sflag:s22] =	ssyncset.done $0x0  }
0x423: {  	[sflag:s22] =	ssyncadd.s32 $0xFFFFC180  }
0x424: {  	[spmem:s3] =	stream.indirect.scatter.add.f32 [tilespmem:s16], [sflag:$0x6], $0x8, s4, s18, $0xb8;
	[tilespmem:$0x14FF0] =	vst v63  }
0x425: {  	_ =	swait.ge [sflag:s24], $0x3E80  }
0x426: {  	[sflag:s24] =	ssyncset.done $0x0  }
0x427: {  	[sflag:s24] =	ssyncadd.s32 $0xFFFFC180  }
0x428: {  	[tilespmem:s4], [sflag:$0x1] =	stream.linear.gather [hbm4b:s0+s4], $0x7D0, $0x38;
	[tilespmem:$0x14FF0] =	vst v63  }
0x429: {  	s2 =	sadd.s32 $0xFA08, s1  }
0x42a: {  	[tilespmem:s16], [sflag:$0x3] =	stream.strided.gather [hbm4b:s2+s13], $0x3E80, s14, s13, $0x38;
	[tilespmem:$0x14FF0] =	vst v63  }
0x42b: {  	_ =	swait.ge [sflag:s25], $0x7D0  }
0x42c: {  	[sflag:s25] =	ssyncset.done $0x0  }
0x42d: {  	[sflag:s25] =	ssyncadd.s32 $0xFFFFF830  }
0x42e: {  	_ =	swait.ge [sflag:s26], $0x3E80  }
0x42f: {  	[sflag:s26] =	ssyncset.done $0x0  }
0x430: {  	[sflag:s26] =	ssyncadd.s32 $0xFFFFC180  }
0x431: {  	[spmem:s3] =	stream.indirect.scatter.add.f32 [tilespmem:s19], [sflag:$0x5], $0x8, s18, s18, $0xb8;
	[tilespmem:$0x14FF0] =	vst v63  }
0x432: {  	_ =	swait.ge [sflag:s11], $0x3E80  }
0x433: {  	[sflag:s11] =	ssyncset.done $0x0  }
0x434: {  	[sflag:s11] =	ssyncadd.s32 $0xFFFFC180  }
0x435: {  	_ =	swait.ge [sflag:s21], $0x7D0  }
0x436: {  	[sflag:s21] =	ssyncset.done $0x0  }
0x437: {  	[sflag:s21] =	ssyncadd.s32 $0xFFFFF830  }
0x438: {  	_ =	swait.ge [sflag:s22], $0x3E80  }
0x439: {  	[sflag:s22] =	ssyncset.done $0x0  }
0x43a: {  	s5 =	simm.s32 $0x0;
	[sflag:s22] =	ssyncadd.s32 $0xFFFFC180  }
0x43b: {  	[spmem:s3] =	stream.indirect.scatter.add.f32 [tilespmem:s16], [sflag:$0x6], $0x8, s5, s18, $0xb8;
	[tilespmem:$0x14FF0] =	vst v63  }
0x43c: {  	_ =	swait.ge [sflag:s24], $0x3E80  }
0x43d: {  	[sflag:s24] =	ssyncset.done $0x0  }
0x43e: {  	[sflag:s24] =	ssyncadd.s32 $0xFFFFC180  }
0x43f: {  	[bflag:$0x0] =	sbarrier.arrive $0xFFFF  }
0x440: {  	s12 =	rddreg [dreg:$0x15]  }
0x441: {  	[hbm:s12@s13], [sflag:s7] =	dma.strided [spmem:s29@s21], $0x186A, s21, $0x1   }
0x442: {  	_ =	swait.ge [sflag:s11], $0x186A  }
0x443: {  	[sflag:s11] =	ssyncset.done $0x0  }
0x444: {  	[sflag:s11] =	ssyncadd.s32 $0xFFFFE796  }
0x445: {  	[bflag:$0x0] =	sbarrier.arrive $0xFFFF  }
0x446: {  	[spmem:s29], [sflag:s7] =	dma.local [hbm:s15], $0x186A  }
0x447: {  	_ =	swait.ge [sflag:s11], $0x186A  }
0x448: {  	[sflag:s11] =	ssyncset.done $0x0  }
0x449: {  	[sflag:s11] =	ssyncadd.s32 $0xFFFFE796  }
0x44a: {  	[bflag:$0x0] =	sbarrier.arrive $0xFFFF  }
0x44b: {  	[tilespmem:s5], [sflag:$0x1] =	stream.linear.gather [hbm4b:s17+s5], $0x7D0, $0x38;
	[tilespmem:$0x14FF0] =	vst v63  }
0x44c: {  	s2 =	rddreg [dreg:$0x6]  }
0x44d: {  	[tilespmem:s16], [sflag:$0x3] =	stream.strided.gather [hbm4b:s2+s13], $0x3E80, s14, s13, $0x38;
	[tilespmem:$0x14FF0] =	vst v63  }
0x44e: {  	s5 =	sadd.s32 $0x0, s23  }
0x44f: {  	[tilespmem:s18], [sflag:$0x2] =	stream.linear.gather [hbm4b:s30+s4], $0x7D0, $0x38;
	[tilespmem:$0x14FF0] =	vst v63  }
0x450: {  	s12 =	sadd.s32 $0x7D01, s5  }
0x451: {  	[tilespmem:s19], [sflag:$0x4] =	stream.strided.gather [hbm4b:s12+s13], $0x3E80, s14, s13, $0x38;
	[tilespmem:$0x14FF0] =	vst v63  }
0x452: {  	_ =	swait.ge [sflag:s21], $0x7D0  }
0x453: {  	[sflag:s21] =	ssyncset.done $0x0  }
0x454: {  	[sflag:s21] =	ssyncadd.s32 $0xFFFFF830  }
0x455: {  	_ =	swait.ge [sflag:s22], $0x3E80  }
0x456: {  	[sflag:s22] =	ssyncset.done $0x0  }
0x457: {  	[sflag:s22] =	ssyncadd.s32 $0xFFFFC180  }
0x458: {  	[spmem:s3] =	stream.indirect.scatter.add.f32 [tilespmem:s16], [sflag:$0x6], $0x8, s4, s18, $0xb8;
	[tilespmem:$0x14FF0] =	vst v63  }
0x459: {  	_ =	swait.ge [sflag:s24], $0x3E80  }
0x45a: {  	[sflag:s24] =	ssyncset.done $0x0  }
0x45b: {  	[sflag:s24] =	ssyncadd.s32 $0xFFFFC180  }
0x45c: {  	[tilespmem:s4], [sflag:$0x1] =	stream.linear.gather [hbm4b:s9+s4], $0x7D0, $0x38;
	[tilespmem:$0x14FF0] =	vst v63  }
0x45d: {  	s0 =	sadd.s32 $0xFA01, s5  }
0x45e: {  	[tilespmem:s16], [sflag:$0x3] =	stream.strided.gather [hbm4b:s0+s13], $0x3E80, s14, s13, $0x38;
	[tilespmem:$0x14FF0] =	vst v63  }
0x45f: {  	_ =	swait.ge [sflag:s25], $0x7D0  }
0x460: {  	[sflag:s25] =	ssyncset.done $0x0  }
0x461: {  	[sflag:s25] =	ssyncadd.s32 $0xFFFFF830  }
0x462: {  	_ =	swait.ge [sflag:s26], $0x3E80  }
0x463: {  	[sflag:s26] =	ssyncset.done $0x0  }
0x464: {  	[sflag:s26] =	ssyncadd.s32 $0xFFFFC180  }
0x465: {  	[spmem:s3] =	stream.indirect.scatter.add.f32 [tilespmem:s19], [sflag:$0x5], $0x8, s18, s18, $0xb8;
	[tilespmem:$0x14FF0] =	vst v63  }
0x466: {  	s1 =	simm.s32 $0xFA00;
	_ =	swait.ge [sflag:s11], $0x3E80  }
0x467: {  	s2 =	simm.s32 $0x1F400;
	s0 =	sadd.s32 $0x1F4, s9;
	[sflag:s11] =	ssyncset.done $0x0  }
.LBB2_7:
0x468: {  	s5 =	sadd.s32 $0xFFFFFF06, s0  }
0x469: {  	s12 =	sadd.s32 s1, s23;
	[sflag:s11] =	ssyncadd.s32 $0xFFFFC180;
	s1 =	smov.u32 s2  }
0x46a: {  	[tilespmem:s18], [sflag:$0x2] =	stream.linear.gather [hbm4b:s5+s4], $0x7D0, $0x38;
	[tilespmem:$0x14FF0] =	vst v63  }
0x46b: {  	p1 =	sne.s32 s2, $0xABE00;
	s2 =	sadd.s32 $0xFA00, s2;
	s5 =	sadd.s32 $0x7D01, s12  }
0x46c: {  	[tilespmem:s19], [sflag:$0x4] =	stream.strided.gather [hbm4b:s5+s13], $0x3E80, s14, s13, $0x38;
	[tilespmem:$0x14FF0] =	vst v63  }
0x46d: {  	_ =	swait.ge [sflag:s21], $0x7D0  }
0x46e: {  	[sflag:s21] =	ssyncset.done $0x0  }
0x46f: {  	[sflag:s21] =	ssyncadd.s32 $0xFFFFF830  }
0x470: {  	_ =	swait.ge [sflag:s22], $0x3E80  }
0x471: {  	[sflag:s22] =	ssyncset.done $0x0  }
0x472: {  	[sflag:s22] =	ssyncadd.s32 $0xFFFFC180  }
0x473: {  	[spmem:s3] =	stream.indirect.scatter.add.f32 [tilespmem:s16], [sflag:$0x6], $0x8, s4, s18, $0xb8;
	[tilespmem:$0x14FF0] =	vst v63  }
0x474: {  	_ =	swait.ge [sflag:s24], $0x3E80  }
0x475: {  	[sflag:s24] =	ssyncset.done $0x0  }
0x476: {  	[sflag:s24] =	ssyncadd.s32 $0xFFFFC180  }
0x477: {  	[tilespmem:s4], [sflag:$0x1] =	stream.linear.gather [hbm4b:s0+s4], $0x7D0, $0x38;
	[tilespmem:$0x14FF0] =	vst v63  }
0x478: {  	s5 =	sadd.s32 $0xFA01, s12  }
0x479: {  	[tilespmem:s16], [sflag:$0x3] =	stream.strided.gather [hbm4b:s5+s13], $0x3E80, s14, s13, $0x38;
	[tilespmem:$0x14FF0] =	vst v63  }
0x47a: {  	_ =	swait.ge [sflag:s25], $0x7D0  }
0x47b: {  	[sflag:s25] =	ssyncset.done $0x0  }
0x47c: {  	[sflag:s25] =	ssyncadd.s32 $0xFFFFF830  }
0x47d: {  	_ =	swait.ge [sflag:s26], $0x3E80  }
.Ltmp15:
0x47e: {  	[sflag:s26] =	ssyncset.done $0x0;
	(pc) =	sbr.rel @p1 .LBB2_7-.Ltmp15, $4  }
0x47f: {  	[sflag:s26] =	ssyncadd.s32 $0xFFFFC180  }
0x480: {  	[spmem:s3] =	stream.indirect.scatter.add.f32 [tilespmem:s19], [sflag:$0x5], $0x8, s18, s18, $0xb8;
	[tilespmem:$0x14FF0] =	vst v63  }
0x481: {  	_ =	swait.ge [sflag:s11], $0x3E80  }
0x482: {  	s0 =	sadd.s32 $0x1F4, s0;
	[sflag:s11] =	ssyncset.done $0x0  }
0x483: {  	s2 =	sadd.s32 $0xFFFFFF06, s0;
	s1 =	sadd.s32 s1, s23;
	[sflag:s11] =	ssyncadd.s32 $0xFFFFC180  }
0x484: {  	[tilespmem:s18], [sflag:$0x2] =	stream.linear.gather [hbm4b:s2+s4], $0x7D0, $0x38;
	[tilespmem:$0x14FF0] =	vst v63  }
0x485: {  	s5 =	sadd.s32 $0x7D01, s1  }
0x486: {  	[tilespmem:s19], [sflag:$0x4] =	stream.strided.gather [hbm4b:s5+s13], $0x3E80, s14, s13, $0x38;
	[tilespmem:$0x14FF0] =	vst v63  }
0x487: {  	_ =	swait.ge [sflag:s21], $0x7D0  }
0x488: {  	[sflag:s21] =	ssyncset.done $0x0  }
0x489: {  	[sflag:s21] =	ssyncadd.s32 $0xFFFFF830  }
0x48a: {  	_ =	swait.ge [sflag:s22], $0x3E80  }
0x48b: {  	[sflag:s22] =	ssyncset.done $0x0  }
0x48c: {  	[sflag:s22] =	ssyncadd.s32 $0xFFFFC180  }
0x48d: {  	[spmem:s3] =	stream.indirect.scatter.add.f32 [tilespmem:s16], [sflag:$0x6], $0x8, s4, s18, $0xb8;
	[tilespmem:$0x14FF0] =	vst v63  }
0x48e: {  	_ =	swait.ge [sflag:s24], $0x3E80  }
0x48f: {  	[sflag:s24] =	ssyncset.done $0x0  }
0x490: {  	[sflag:s24] =	ssyncadd.s32 $0xFFFFC180  }
0x491: {  	[tilespmem:s4], [sflag:$0x1] =	stream.linear.gather [hbm4b:s0+s4], $0x7D0, $0x38;
	[tilespmem:$0x14FF0] =	vst v63  }
0x492: {  	s12 =	sadd.s32 $0xFA01, s1  }
0x493: {  	[tilespmem:s16], [sflag:$0x3] =	stream.strided.gather [hbm4b:s12+s13], $0x3E80, s14, s13, $0x38;
	[tilespmem:$0x14FF0] =	vst v63  }
0x494: {  	_ =	swait.ge [sflag:s25], $0x7D0  }
0x495: {  	[sflag:s25] =	ssyncset.done $0x0  }
0x496: {  	[sflag:s25] =	ssyncadd.s32 $0xFFFFF830  }
0x497: {  	_ =	swait.ge [sflag:s26], $0x3E80  }
0x498: {  	[sflag:s26] =	ssyncset.done $0x0  }
0x499: {  	[sflag:s26] =	ssyncadd.s32 $0xFFFFC180  }
0x49a: {  	[spmem:s3] =	stream.indirect.scatter.add.f32 [tilespmem:s19], [sflag:$0x5], $0x8, s18, s18, $0xb8;
	[tilespmem:$0x14FF0] =	vst v63  }
0x49b: {  	_ =	swait.ge [sflag:s11], $0x3E80  }
0x49c: {  	[sflag:s11] =	ssyncset.done $0x0  }
0x49d: {  	[sflag:s11] =	ssyncadd.s32 $0xFFFFC180  }
0x49e: {  	_ =	swait.ge [sflag:s21], $0x7D0  }
0x49f: {  	[sflag:s21] =	ssyncset.done $0x0  }
0x4a0: {  	[sflag:s21] =	ssyncadd.s32 $0xFFFFF830  }
0x4a1: {  	_ =	swait.ge [sflag:s22], $0x3E80  }
0x4a2: {  	[sflag:s22] =	ssyncset.done $0x0  }
0x4a3: {  	s1 =	simm.s32 $0x0;
	[sflag:s22] =	ssyncadd.s32 $0xFFFFC180  }
0x4a4: {  	[spmem:s3] =	stream.indirect.scatter.add.f32 [tilespmem:s16], [sflag:$0x6], $0x8, s1, s18, $0xb8;
	[tilespmem:$0x14FF0] =	vst v63  }
0x4a5: {  	_ =	swait.ge [sflag:s24], $0x3E80  }
0x4a6: {  	[sflag:s24] =	ssyncset.done $0x0  }
0x4a7: {  	[sflag:s24] =	ssyncadd.s32 $0xFFFFC180  }
0x4a8: {  	[tilespmem:s1], [sflag:$0x1] =	stream.linear.gather [hbm4b:s8+s1], $0x7D0, $0x38;
	[tilespmem:$0x14FF0] =	vst v63  }
0x4a9: {  	s2 =	rddreg [dreg:$0x7]  }
0x4aa: {  	[tilespmem:s16], [sflag:$0x3] =	stream.strided.gather [hbm4b:s2+s13], $0x3E80, s14, s13, $0x38;
	[tilespmem:$0x14FF0] =	vst v63  }
0x4ab: {  	s5 =	sadd.s32 $0x0, s23  }
0x4ac: {  	[tilespmem:s18], [sflag:$0x2] =	stream.linear.gather [hbm4b:s31+s4], $0x7D0, $0x38;
	[tilespmem:$0x14FF0] =	vst v63  }
0x4ad: {  	s12 =	sadd.s32 $0x7D09, s5  }
0x4ae: {  	[tilespmem:s19], [sflag:$0x4] =	stream.strided.gather [hbm4b:s12+s13], $0x3E80, s14, s13, $0x38;
	[tilespmem:$0x14FF0] =	vst v63  }
0x4af: {  	_ =	swait.ge [sflag:s21], $0x7D0  }
0x4b0: {  	[sflag:s21] =	ssyncset.done $0x0  }
0x4b1: {  	[sflag:s21] =	ssyncadd.s32 $0xFFFFF830  }
0x4b2: {  	_ =	swait.ge [sflag:s22], $0x3E80  }
0x4b3: {  	[sflag:s22] =	ssyncset.done $0x0  }
0x4b4: {  	[sflag:s22] =	ssyncadd.s32 $0xFFFFC180  }
0x4b5: {  	[spmem:s3] =	stream.indirect.scatter.add.f32 [tilespmem:s16], [sflag:$0x6], $0x8, s4, s18, $0xb8;
	[tilespmem:$0x14FF0] =	vst v63  }
0x4b6: {  	_ =	swait.ge [sflag:s24], $0x3E80  }
0x4b7: {  	[sflag:s24] =	ssyncset.done $0x0  }
0x4b8: {  	[sflag:s24] =	ssyncadd.s32 $0xFFFFC180  }
0x4b9: {  	[tilespmem:s4], [sflag:$0x1] =	stream.linear.gather [hbm4b:s10+s4], $0x7D0, $0x38;
	[tilespmem:$0x14FF0] =	vst v63  }
0x4ba: {  	s0 =	sadd.s32 $0xFA09, s5  }
0x4bb: {  	[tilespmem:s16], [sflag:$0x3] =	stream.strided.gather [hbm4b:s0+s13], $0x3E80, s14, s13, $0x38;
	[tilespmem:$0x14FF0] =	vst v63  }
0x4bc: {  	_ =	swait.ge [sflag:s25], $0x7D0  }
0x4bd: {  	[sflag:s25] =	ssyncset.done $0x0  }
0x4be: {  	[sflag:s25] =	ssyncadd.s32 $0xFFFFF830  }
0x4bf: {  	_ =	swait.ge [sflag:s26], $0x3E80  }
0x4c0: {  	[sflag:s26] =	ssyncset.done $0x0  }
0x4c1: {  	[sflag:s26] =	ssyncadd.s32 $0xFFFFC180  }
0x4c2: {  	[spmem:s3] =	stream.indirect.scatter.add.f32 [tilespmem:s19], [sflag:$0x5], $0x8, s18, s18, $0xb8;
	[tilespmem:$0x14FF0] =	vst v63  }
0x4c3: {  	s1 =	simm.s32 $0xFA00;
	_ =	swait.ge [sflag:s11], $0x3E80  }
0x4c4: {  	s2 =	simm.s32 $0x1F400;
	s0 =	sadd.s32 $0x1F4, s10;
	[sflag:s11] =	ssyncset.done $0x0  }
.LBB2_9:
0x4c5: {  	s5 =	sadd.s32 $0xFFFFFF06, s0  }
0x4c6: {  	s12 =	sadd.s32 s1, s23;
	[sflag:s11] =	ssyncadd.s32 $0xFFFFC180;
	s1 =	smov.u32 s2  }
0x4c7: {  	[tilespmem:s18], [sflag:$0x2] =	stream.linear.gather [hbm4b:s5+s4], $0x7D0, $0x38;
	[tilespmem:$0x14FF0] =	vst v63  }
0x4c8: {  	p1 =	sne.s32 s2, $0xABE00;
	s2 =	sadd.s32 $0xFA00, s2;
	s5 =	sadd.s32 $0x7D09, s12  }
0x4c9: {  	[tilespmem:s19], [sflag:$0x4] =	stream.strided.gather [hbm4b:s5+s13], $0x3E80, s14, s13, $0x38;
	[tilespmem:$0x14FF0] =	vst v63  }
0x4ca: {  	_ =	swait.ge [sflag:s21], $0x7D0  }
0x4cb: {  	[sflag:s21] =	ssyncset.done $0x0  }
0x4cc: {  	[sflag:s21] =	ssyncadd.s32 $0xFFFFF830  }
0x4cd: {  	_ =	swait.ge [sflag:s22], $0x3E80  }
0x4ce: {  	[sflag:s22] =	ssyncset.done $0x0  }
0x4cf: {  	[sflag:s22] =	ssyncadd.s32 $0xFFFFC180  }
0x4d0: {  	[spmem:s3] =	stream.indirect.scatter.add.f32 [tilespmem:s16], [sflag:$0x6], $0x8, s4, s18, $0xb8;
	[tilespmem:$0x14FF0] =	vst v63  }
0x4d1: {  	_ =	swait.ge [sflag:s24], $0x3E80  }
0x4d2: {  	[sflag:s24] =	ssyncset.done $0x0  }
0x4d3: {  	[sflag:s24] =	ssyncadd.s32 $0xFFFFC180  }
0x4d4: {  	[tilespmem:s4], [sflag:$0x1] =	stream.linear.gather [hbm4b:s0+s4], $0x7D0, $0x38;
	[tilespmem:$0x14FF0] =	vst v63  }
0x4d5: {  	s5 =	sadd.s32 $0xFA09, s12  }
0x4d6: {  	[tilespmem:s16], [sflag:$0x3] =	stream.strided.gather [hbm4b:s5+s13], $0x3E80, s14, s13, $0x38;
	[tilespmem:$0x14FF0] =	vst v63  }
0x4d7: {  	_ =	swait.ge [sflag:s25], $0x7D0  }
0x4d8: {  	[sflag:s25] =	ssyncset.done $0x0  }
0x4d9: {  	[sflag:s25] =	ssyncadd.s32 $0xFFFFF830  }
0x4da: {  	_ =	swait.ge [sflag:s26], $0x3E80  }
.Ltmp16:
0x4db: {  	[sflag:s26] =	ssyncset.done $0x0;
	(pc) =	sbr.rel @p1 .LBB2_9-.Ltmp16, $4  }
0x4dc: {  	[sflag:s26] =	ssyncadd.s32 $0xFFFFC180  }
0x4dd: {  	[spmem:s3] =	stream.indirect.scatter.add.f32 [tilespmem:s19], [sflag:$0x5], $0x8, s18, s18, $0xb8;
	[tilespmem:$0x14FF0] =	vst v63  }
0x4de: {  	_ =	swait.ge [sflag:s11], $0x3E80  }
0x4df: {  	s0 =	sadd.s32 $0x1F4, s0;
	[sflag:s11] =	ssyncset.done $0x0  }
0x4e0: {  	s2 =	sadd.s32 $0xFFFFFF06, s0;
	s1 =	sadd.s32 s1, s23;
	[sflag:s11] =	ssyncadd.s32 $0xFFFFC180  }
0x4e1: {  	[tilespmem:s18], [sflag:$0x2] =	stream.linear.gather [hbm4b:s2+s4], $0x7D0, $0x38;
	[tilespmem:$0x14FF0] =	vst v63  }
0x4e2: {  	s12 =	sadd.s32 $0x7D09, s1  }
0x4e3: {  	[tilespmem:s19], [sflag:$0x4] =	stream.strided.gather [hbm4b:s12+s13], $0x3E80, s14, s13, $0x38;
	[tilespmem:$0x14FF0] =	vst v63  }
0x4e4: {  	_ =	swait.ge [sflag:s21], $0x7D0  }
0x4e5: {  	[sflag:s21] =	ssyncset.done $0x0  }
0x4e6: {  	[sflag:s21] =	ssyncadd.s32 $0xFFFFF830  }
0x4e7: {  	_ =	swait.ge [sflag:s22], $0x3E80  }
0x4e8: {  	[sflag:s22] =	ssyncset.done $0x0  }
0x4e9: {  	[sflag:s22] =	ssyncadd.s32 $0xFFFFC180  }
0x4ea: {  	[spmem:s3] =	stream.indirect.scatter.add.f32 [tilespmem:s16], [sflag:$0x6], $0x8, s4, s18, $0xb8;
	[tilespmem:$0x14FF0] =	vst v63  }
0x4eb: {  	_ =	swait.ge [sflag:s24], $0x3E80  }
0x4ec: {  	[sflag:s24] =	ssyncset.done $0x0  }
0x4ed: {  	[sflag:s24] =	ssyncadd.s32 $0xFFFFC180  }
0x4ee: {  	[tilespmem:s4], [sflag:$0x1] =	stream.linear.gather [hbm4b:s0+s4], $0x7D0, $0x38;
	[tilespmem:$0x14FF0] =	vst v63  }
0x4ef: {  	s2 =	sadd.s32 $0xFA09, s1  }
0x4f0: {  	[tilespmem:s16], [sflag:$0x3] =	stream.strided.gather [hbm4b:s2+s13], $0x3E80, s14, s13, $0x38;
	[tilespmem:$0x14FF0] =	vst v63  }
0x4f1: {  	_ =	swait.ge [sflag:s25], $0x7D0  }
0x4f2: {  	[sflag:s25] =	ssyncset.done $0x0  }
0x4f3: {  	[sflag:s25] =	ssyncadd.s32 $0xFFFFF830  }
0x4f4: {  	_ =	swait.ge [sflag:s26], $0x3E80  }
0x4f5: {  	[sflag:s26] =	ssyncset.done $0x0  }
0x4f6: {  	[sflag:s26] =	ssyncadd.s32 $0xFFFFC180  }
0x4f7: {  	[spmem:s3] =	stream.indirect.scatter.add.f32 [tilespmem:s19], [sflag:$0x5], $0x8, s18, s18, $0xb8;
	[tilespmem:$0x14FF0] =	vst v63  }
0x4f8: {  	_ =	swait.ge [sflag:s11], $0x3E80  }
0x4f9: {  	[sflag:s11] =	ssyncset.done $0x0  }
0x4fa: {  	[sflag:s11] =	ssyncadd.s32 $0xFFFFC180  }
0x4fb: {  	_ =	swait.ge [sflag:s21], $0x7D0  }
0x4fc: {  	[sflag:s21] =	ssyncset.done $0x0  }
0x4fd: {  	[sflag:s21] =	ssyncadd.s32 $0xFFFFF830  }
0x4fe: {  	_ =	swait.ge [sflag:s22], $0x3E80  }
0x4ff: {  	[sflag:s22] =	ssyncset.done $0x0  }
0x500: {  	s5 =	simm.s32 $0x0;
	[sflag:s22] =	ssyncadd.s32 $0xFFFFC180  }
0x501: {  	[spmem:s3] =	stream.indirect.scatter.add.f32 [tilespmem:s16], [sflag:$0x6], $0x8, s5, s18, $0xb8;
	[tilespmem:$0x14FF0] =	vst v63  }
0x502: {  	_ =	swait.ge [sflag:s24], $0x3E80  }
0x503: {  	[sflag:s24] =	ssyncset.done $0x0  }
0x504: {  	[sflag:s24] =	ssyncadd.s32 $0xFFFFC180  }
0x505: {  	[bflag:$0x0] =	sbarrier.arrive $0xFFFF  }
0x506: {  	s12 =	rddreg [dreg:$0x16]  }
0x507: {  	[hbm:s12@s13], [sflag:s7] =	dma.strided [spmem:s29@s21], $0x186A, s21, $0x1   }
0x508: {  	_ =	swait.ge [sflag:s11], $0x186A  }
0x509: {  	[sflag:s11] =	ssyncset.done $0x0  }
0x50a: {  	[sflag:s11] =	ssyncadd.s32 $0xFFFFE796  }
0x50b: {  	[bflag:$0x0] =	sbarrier.arrive $0xFFFF  }
0x50c: {  	[spmem:s29], [sflag:s7] =	dma.local [hbm:s15], $0x186A  }
0x50d: {  	_ =	swait.ge [sflag:s11], $0x186A  }
0x50e: {  	[sflag:s11] =	ssyncset.done $0x0  }
0x50f: {  	[sflag:s11] =	ssyncadd.s32 $0xFFFFE796  }
0x510: {  	[bflag:$0x0] =	sbarrier.arrive $0xFFFF  }
0x511: {  	[tilespmem:s5], [sflag:$0x1] =	stream.linear.gather [hbm4b:s17+s5], $0x7D0, $0x38;
	[tilespmem:$0x14FF0] =	vst v63  }
0x512: {  	s2 =	rddreg [dreg:$0x8]  }
0x513: {  	[tilespmem:s16], [sflag:$0x3] =	stream.strided.gather [hbm4b:s2+s13], $0x3E80, s14, s13, $0x38;
	[tilespmem:$0x14FF0] =	vst v63  }
0x514: {  	s5 =	sadd.s32 $0x0, s23  }
0x515: {  	[tilespmem:s18], [sflag:$0x2] =	stream.linear.gather [hbm4b:s30+s4], $0x7D0, $0x38;
	[tilespmem:$0x14FF0] =	vst v63  }
0x516: {  	s12 =	sadd.s32 $0x7D02, s5  }
0x517: {  	[tilespmem:s19], [sflag:$0x4] =	stream.strided.gather [hbm4b:s12+s13], $0x3E80, s14, s13, $0x38;
	[tilespmem:$0x14FF0] =	vst v63  }
0x518: {  	_ =	swait.ge [sflag:s21], $0x7D0  }
0x519: {  	[sflag:s21] =	ssyncset.done $0x0  }
0x51a: {  	[sflag:s21] =	ssyncadd.s32 $0xFFFFF830  }
0x51b: {  	_ =	swait.ge [sflag:s22], $0x3E80  }
0x51c: {  	[sflag:s22] =	ssyncset.done $0x0  }
0x51d: {  	[sflag:s22] =	ssyncadd.s32 $0xFFFFC180  }
0x51e: {  	[spmem:s3] =	stream.indirect.scatter.add.f32 [tilespmem:s16], [sflag:$0x6], $0x8, s4, s18, $0xb8;
	[tilespmem:$0x14FF0] =	vst v63  }
0x51f: {  	_ =	swait.ge [sflag:s24], $0x3E80  }
0x520: {  	[sflag:s24] =	ssyncset.done $0x0  }
0x521: {  	[sflag:s24] =	ssyncadd.s32 $0xFFFFC180  }
0x522: {  	[tilespmem:s4], [sflag:$0x1] =	stream.linear.gather [hbm4b:s9+s4], $0x7D0, $0x38;
	[tilespmem:$0x14FF0] =	vst v63  }
0x523: {  	s0 =	sadd.s32 $0xFA02, s5  }
0x524: {  	[tilespmem:s16], [sflag:$0x3] =	stream.strided.gather [hbm4b:s0+s13], $0x3E80, s14, s13, $0x38;
	[tilespmem:$0x14FF0] =	vst v63  }
0x525: {  	_ =	swait.ge [sflag:s25], $0x7D0  }
0x526: {  	[sflag:s25] =	ssyncset.done $0x0  }
0x527: {  	[sflag:s25] =	ssyncadd.s32 $0xFFFFF830  }
0x528: {  	_ =	swait.ge [sflag:s26], $0x3E80  }
0x529: {  	[sflag:s26] =	ssyncset.done $0x0  }
0x52a: {  	[sflag:s26] =	ssyncadd.s32 $0xFFFFC180  }
0x52b: {  	[spmem:s3] =	stream.indirect.scatter.add.f32 [tilespmem:s19], [sflag:$0x5], $0x8, s18, s18, $0xb8;
	[tilespmem:$0x14FF0] =	vst v63  }
0x52c: {  	s1 =	simm.s32 $0xFA00;
	_ =	swait.ge [sflag:s11], $0x3E80  }
0x52d: {  	s2 =	simm.s32 $0x1F400;
	s0 =	sadd.s32 $0x1F4, s9;
	[sflag:s11] =	ssyncset.done $0x0  }
.LBB2_11:
0x52e: {  	s5 =	sadd.s32 $0xFFFFFF06, s0  }
0x52f: {  	s12 =	sadd.s32 s1, s23;
	[sflag:s11] =	ssyncadd.s32 $0xFFFFC180;
	s1 =	smov.u32 s2  }
0x530: {  	[tilespmem:s18], [sflag:$0x2] =	stream.linear.gather [hbm4b:s5+s4], $0x7D0, $0x38;
	[tilespmem:$0x14FF0] =	vst v63  }
0x531: {  	p1 =	sne.s32 s2, $0xABE00;
	s2 =	sadd.s32 $0xFA00, s2;
	s5 =	sadd.s32 $0x7D02, s12  }
0x532: {  	[tilespmem:s19], [sflag:$0x4] =	stream.strided.gather [hbm4b:s5+s13], $0x3E80, s14, s13, $0x38;
	[tilespmem:$0x14FF0] =	vst v63  }
0x533: {  	_ =	swait.ge [sflag:s21], $0x7D0  }
0x534: {  	[sflag:s21] =	ssyncset.done $0x0  }
0x535: {  	[sflag:s21] =	ssyncadd.s32 $0xFFFFF830  }
0x536: {  	_ =	swait.ge [sflag:s22], $0x3E80  }
0x537: {  	[sflag:s22] =	ssyncset.done $0x0  }
0x538: {  	[sflag:s22] =	ssyncadd.s32 $0xFFFFC180  }
0x539: {  	[spmem:s3] =	stream.indirect.scatter.add.f32 [tilespmem:s16], [sflag:$0x6], $0x8, s4, s18, $0xb8;
	[tilespmem:$0x14FF0] =	vst v63  }
0x53a: {  	_ =	swait.ge [sflag:s24], $0x3E80  }
0x53b: {  	[sflag:s24] =	ssyncset.done $0x0  }
0x53c: {  	[sflag:s24] =	ssyncadd.s32 $0xFFFFC180  }
0x53d: {  	[tilespmem:s4], [sflag:$0x1] =	stream.linear.gather [hbm4b:s0+s4], $0x7D0, $0x38;
	[tilespmem:$0x14FF0] =	vst v63  }
0x53e: {  	s5 =	sadd.s32 $0xFA02, s12  }
0x53f: {  	[tilespmem:s16], [sflag:$0x3] =	stream.strided.gather [hbm4b:s5+s13], $0x3E80, s14, s13, $0x38;
	[tilespmem:$0x14FF0] =	vst v63  }
0x540: {  	_ =	swait.ge [sflag:s25], $0x7D0  }
0x541: {  	[sflag:s25] =	ssyncset.done $0x0  }
0x542: {  	[sflag:s25] =	ssyncadd.s32 $0xFFFFF830  }
0x543: {  	_ =	swait.ge [sflag:s26], $0x3E80  }
.Ltmp17:
0x544: {  	[sflag:s26] =	ssyncset.done $0x0;
	(pc) =	sbr.rel @p1 .LBB2_11-.Ltmp17, $4  }
0x545: {  	[sflag:s26] =	ssyncadd.s32 $0xFFFFC180  }
0x546: {  	[spmem:s3] =	stream.indirect.scatter.add.f32 [tilespmem:s19], [sflag:$0x5], $0x8, s18, s18, $0xb8;
	[tilespmem:$0x14FF0] =	vst v63  }
0x547: {  	_ =	swait.ge [sflag:s11], $0x3E80  }
0x548: {  	s0 =	sadd.s32 $0x1F4, s0;
	[sflag:s11] =	ssyncset.done $0x0  }
0x549: {  	s2 =	sadd.s32 $0xFFFFFF06, s0;
	s1 =	sadd.s32 s1, s23;
	[sflag:s11] =	ssyncadd.s32 $0xFFFFC180  }
0x54a: {  	[tilespmem:s18], [sflag:$0x2] =	stream.linear.gather [hbm4b:s2+s4], $0x7D0, $0x38;
	[tilespmem:$0x14FF0] =	vst v63  }
0x54b: {  	s5 =	sadd.s32 $0x7D02, s1  }
0x54c: {  	[tilespmem:s19], [sflag:$0x4] =	stream.strided.gather [hbm4b:s5+s13], $0x3E80, s14, s13, $0x38;
	[tilespmem:$0x14FF0] =	vst v63  }
0x54d: {  	_ =	swait.ge [sflag:s21], $0x7D0  }
0x54e: {  	[sflag:s21] =	ssyncset.done $0x0  }
0x54f: {  	[sflag:s21] =	ssyncadd.s32 $0xFFFFF830  }
0x550: {  	_ =	swait.ge [sflag:s22], $0x3E80  }
0x551: {  	[sflag:s22] =	ssyncset.done $0x0  }
0x552: {  	[sflag:s22] =	ssyncadd.s32 $0xFFFFC180  }
0x553: {  	[spmem:s3] =	stream.indirect.scatter.add.f32 [tilespmem:s16], [sflag:$0x6], $0x8, s4, s18, $0xb8;
	[tilespmem:$0x14FF0] =	vst v63  }
0x554: {  	_ =	swait.ge [sflag:s24], $0x3E80  }
0x555: {  	[sflag:s24] =	ssyncset.done $0x0  }
0x556: {  	[sflag:s24] =	ssyncadd.s32 $0xFFFFC180  }
0x557: {  	[tilespmem:s4], [sflag:$0x1] =	stream.linear.gather [hbm4b:s0+s4], $0x7D0, $0x38;
	[tilespmem:$0x14FF0] =	vst v63  }
0x558: {  	s12 =	sadd.s32 $0xFA02, s1  }
0x559: {  	[tilespmem:s16], [sflag:$0x3] =	stream.strided.gather [hbm4b:s12+s13], $0x3E80, s14, s13, $0x38;
	[tilespmem:$0x14FF0] =	vst v63  }
0x55a: {  	_ =	swait.ge [sflag:s25], $0x7D0  }
0x55b: {  	[sflag:s25] =	ssyncset.done $0x0  }
0x55c: {  	[sflag:s25] =	ssyncadd.s32 $0xFFFFF830  }
0x55d: {  	_ =	swait.ge [sflag:s26], $0x3E80  }
0x55e: {  	[sflag:s26] =	ssyncset.done $0x0  }
0x55f: {  	[sflag:s26] =	ssyncadd.s32 $0xFFFFC180  }
0x560: {  	[spmem:s3] =	stream.indirect.scatter.add.f32 [tilespmem:s19], [sflag:$0x5], $0x8, s18, s18, $0xb8;
	[tilespmem:$0x14FF0] =	vst v63  }
0x561: {  	_ =	swait.ge [sflag:s11], $0x3E80  }
0x562: {  	[sflag:s11] =	ssyncset.done $0x0  }
0x563: {  	[sflag:s11] =	ssyncadd.s32 $0xFFFFC180  }
0x564: {  	_ =	swait.ge [sflag:s21], $0x7D0  }
0x565: {  	[sflag:s21] =	ssyncset.done $0x0  }
0x566: {  	[sflag:s21] =	ssyncadd.s32 $0xFFFFF830  }
0x567: {  	_ =	swait.ge [sflag:s22], $0x3E80  }
0x568: {  	[sflag:s22] =	ssyncset.done $0x0  }
0x569: {  	s1 =	simm.s32 $0x0;
	[sflag:s22] =	ssyncadd.s32 $0xFFFFC180  }
0x56a: {  	[spmem:s3] =	stream.indirect.scatter.add.f32 [tilespmem:s16], [sflag:$0x6], $0x8, s1, s18, $0xb8;
	[tilespmem:$0x14FF0] =	vst v63  }
0x56b: {  	_ =	swait.ge [sflag:s24], $0x3E80  }
0x56c: {  	[sflag:s24] =	ssyncset.done $0x0  }
0x56d: {  	[sflag:s24] =	ssyncadd.s32 $0xFFFFC180  }
0x56e: {  	[tilespmem:s1], [sflag:$0x1] =	stream.linear.gather [hbm4b:s8+s1], $0x7D0, $0x38;
	[tilespmem:$0x14FF0] =	vst v63  }
0x56f: {  	s2 =	rddreg [dreg:$0x9]  }
0x570: {  	[tilespmem:s16], [sflag:$0x3] =	stream.strided.gather [hbm4b:s2+s13], $0x3E80, s14, s13, $0x38;
	[tilespmem:$0x14FF0] =	vst v63  }
0x571: {  	s5 =	sadd.s32 $0x0, s23  }
0x572: {  	[tilespmem:s18], [sflag:$0x2] =	stream.linear.gather [hbm4b:s31+s4], $0x7D0, $0x38;
	[tilespmem:$0x14FF0] =	vst v63  }
0x573: {  	s12 =	sadd.s32 $0x7D0A, s5  }
0x574: {  	[tilespmem:s19], [sflag:$0x4] =	stream.strided.gather [hbm4b:s12+s13], $0x3E80, s14, s13, $0x38;
	[tilespmem:$0x14FF0] =	vst v63  }
0x575: {  	_ =	swait.ge [sflag:s21], $0x7D0  }
0x576: {  	[sflag:s21] =	ssyncset.done $0x0  }
0x577: {  	[sflag:s21] =	ssyncadd.s32 $0xFFFFF830  }
0x578: {  	_ =	swait.ge [sflag:s22], $0x3E80  }
0x579: {  	[sflag:s22] =	ssyncset.done $0x0  }
0x57a: {  	[sflag:s22] =	ssyncadd.s32 $0xFFFFC180  }
0x57b: {  	[spmem:s3] =	stream.indirect.scatter.add.f32 [tilespmem:s16], [sflag:$0x6], $0x8, s4, s18, $0xb8;
	[tilespmem:$0x14FF0] =	vst v63  }
0x57c: {  	_ =	swait.ge [sflag:s24], $0x3E80  }
0x57d: {  	[sflag:s24] =	ssyncset.done $0x0  }
0x57e: {  	[sflag:s24] =	ssyncadd.s32 $0xFFFFC180  }
0x57f: {  	[tilespmem:s4], [sflag:$0x1] =	stream.linear.gather [hbm4b:s10+s4], $0x7D0, $0x38;
	[tilespmem:$0x14FF0] =	vst v63  }
0x580: {  	s0 =	sadd.s32 $0xFA0A, s5  }
0x581: {  	[tilespmem:s16], [sflag:$0x3] =	stream.strided.gather [hbm4b:s0+s13], $0x3E80, s14, s13, $0x38;
	[tilespmem:$0x14FF0] =	vst v63  }
0x582: {  	_ =	swait.ge [sflag:s25], $0x7D0  }
0x583: {  	[sflag:s25] =	ssyncset.done $0x0  }
0x584: {  	[sflag:s25] =	ssyncadd.s32 $0xFFFFF830  }
0x585: {  	_ =	swait.ge [sflag:s26], $0x3E80  }
0x586: {  	[sflag:s26] =	ssyncset.done $0x0  }
0x587: {  	[sflag:s26] =	ssyncadd.s32 $0xFFFFC180  }
0x588: {  	[spmem:s3] =	stream.indirect.scatter.add.f32 [tilespmem:s19], [sflag:$0x5], $0x8, s18, s18, $0xb8;
	[tilespmem:$0x14FF0] =	vst v63  }
0x589: {  	s1 =	simm.s32 $0xFA00;
	_ =	swait.ge [sflag:s11], $0x3E80  }
0x58a: {  	s2 =	simm.s32 $0x1F400;
	s0 =	sadd.s32 $0x1F4, s10;
	[sflag:s11] =	ssyncset.done $0x0  }
.LBB2_13:
0x58b: {  	s5 =	sadd.s32 $0xFFFFFF06, s0  }
0x58c: {  	s12 =	sadd.s32 s1, s23;
	[sflag:s11] =	ssyncadd.s32 $0xFFFFC180;
	s1 =	smov.u32 s2  }
0x58d: {  	[tilespmem:s18], [sflag:$0x2] =	stream.linear.gather [hbm4b:s5+s4], $0x7D0, $0x38;
	[tilespmem:$0x14FF0] =	vst v63  }
0x58e: {  	p1 =	sne.s32 s2, $0xABE00;
	s2 =	sadd.s32 $0xFA00, s2;
	s5 =	sadd.s32 $0x7D0A, s12  }
0x58f: {  	[tilespmem:s19], [sflag:$0x4] =	stream.strided.gather [hbm4b:s5+s13], $0x3E80, s14, s13, $0x38;
	[tilespmem:$0x14FF0] =	vst v63  }
0x590: {  	_ =	swait.ge [sflag:s21], $0x7D0  }
0x591: {  	[sflag:s21] =	ssyncset.done $0x0  }
0x592: {  	[sflag:s21] =	ssyncadd.s32 $0xFFFFF830  }
0x593: {  	_ =	swait.ge [sflag:s22], $0x3E80  }
0x594: {  	[sflag:s22] =	ssyncset.done $0x0  }
0x595: {  	[sflag:s22] =	ssyncadd.s32 $0xFFFFC180  }
0x596: {  	[spmem:s3] =	stream.indirect.scatter.add.f32 [tilespmem:s16], [sflag:$0x6], $0x8, s4, s18, $0xb8;
	[tilespmem:$0x14FF0] =	vst v63  }
0x597: {  	_ =	swait.ge [sflag:s24], $0x3E80  }
0x598: {  	[sflag:s24] =	ssyncset.done $0x0  }
0x599: {  	[sflag:s24] =	ssyncadd.s32 $0xFFFFC180  }
0x59a: {  	[tilespmem:s4], [sflag:$0x1] =	stream.linear.gather [hbm4b:s0+s4], $0x7D0, $0x38;
	[tilespmem:$0x14FF0] =	vst v63  }
0x59b: {  	s5 =	sadd.s32 $0xFA0A, s12  }
0x59c: {  	[tilespmem:s16], [sflag:$0x3] =	stream.strided.gather [hbm4b:s5+s13], $0x3E80, s14, s13, $0x38;
	[tilespmem:$0x14FF0] =	vst v63  }
0x59d: {  	_ =	swait.ge [sflag:s25], $0x7D0  }
0x59e: {  	[sflag:s25] =	ssyncset.done $0x0  }
0x59f: {  	[sflag:s25] =	ssyncadd.s32 $0xFFFFF830  }
0x5a0: {  	_ =	swait.ge [sflag:s26], $0x3E80  }
.Ltmp18:
0x5a1: {  	[sflag:s26] =	ssyncset.done $0x0;
	(pc) =	sbr.rel @p1 .LBB2_13-.Ltmp18, $4  }
0x5a2: {  	[sflag:s26] =	ssyncadd.s32 $0xFFFFC180  }
0x5a3: {  	[spmem:s3] =	stream.indirect.scatter.add.f32 [tilespmem:s19], [sflag:$0x5], $0x8, s18, s18, $0xb8;
	[tilespmem:$0x14FF0] =	vst v63  }
0x5a4: {  	_ =	swait.ge [sflag:s11], $0x3E80  }
0x5a5: {  	s0 =	sadd.s32 $0x1F4, s0;
	[sflag:s11] =	ssyncset.done $0x0  }
0x5a6: {  	s2 =	sadd.s32 $0xFFFFFF06, s0;
	s1 =	sadd.s32 s1, s23;
	[sflag:s11] =	ssyncadd.s32 $0xFFFFC180  }
0x5a7: {  	[tilespmem:s18], [sflag:$0x2] =	stream.linear.gather [hbm4b:s2+s4], $0x7D0, $0x38;
	[tilespmem:$0x14FF0] =	vst v63  }
0x5a8: {  	s12 =	sadd.s32 $0x7D0A, s1  }
0x5a9: {  	[tilespmem:s19], [sflag:$0x4] =	stream.strided.gather [hbm4b:s12+s13], $0x3E80, s14, s13, $0x38;
	[tilespmem:$0x14FF0] =	vst v63  }
0x5aa: {  	_ =	swait.ge [sflag:s21], $0x7D0  }
0x5ab: {  	[sflag:s21] =	ssyncset.done $0x0  }
0x5ac: {  	[sflag:s21] =	ssyncadd.s32 $0xFFFFF830  }
0x5ad: {  	_ =	swait.ge [sflag:s22], $0x3E80  }
0x5ae: {  	[sflag:s22] =	ssyncset.done $0x0  }
0x5af: {  	[sflag:s22] =	ssyncadd.s32 $0xFFFFC180  }
0x5b0: {  	[spmem:s3] =	stream.indirect.scatter.add.f32 [tilespmem:s16], [sflag:$0x6], $0x8, s4, s18, $0xb8;
	[tilespmem:$0x14FF0] =	vst v63  }
0x5b1: {  	_ =	swait.ge [sflag:s24], $0x3E80  }
0x5b2: {  	[sflag:s24] =	ssyncset.done $0x0  }
0x5b3: {  	[sflag:s24] =	ssyncadd.s32 $0xFFFFC180  }
0x5b4: {  	[tilespmem:s4], [sflag:$0x1] =	stream.linear.gather [hbm4b:s0+s4], $0x7D0, $0x38;
	[tilespmem:$0x14FF0] =	vst v63  }
0x5b5: {  	s5 =	sadd.s32 $0xFA0A, s1  }
0x5b6: {  	[tilespmem:s16], [sflag:$0x3] =	stream.strided.gather [hbm4b:s5+s13], $0x3E80, s14, s13, $0x38;
	[tilespmem:$0x14FF0] =	vst v63  }
0x5b7: {  	_ =	swait.ge [sflag:s25], $0x7D0  }
0x5b8: {  	[sflag:s25] =	ssyncset.done $0x0  }
0x5b9: {  	[sflag:s25] =	ssyncadd.s32 $0xFFFFF830  }
0x5ba: {  	_ =	swait.ge [sflag:s26], $0x3E80  }
0x5bb: {  	[sflag:s26] =	ssyncset.done $0x0  }
0x5bc: {  	[sflag:s26] =	ssyncadd.s32 $0xFFFFC180  }
0x5bd: {  	[spmem:s3] =	stream.indirect.scatter.add.f32 [tilespmem:s19], [sflag:$0x5], $0x8, s18, s18, $0xb8;
	[tilespmem:$0x14FF0] =	vst v63  }
0x5be: {  	_ =	swait.ge [sflag:s11], $0x3E80  }
0x5bf: {  	[sflag:s11] =	ssyncset.done $0x0  }
0x5c0: {  	[sflag:s11] =	ssyncadd.s32 $0xFFFFC180  }
0x5c1: {  	_ =	swait.ge [sflag:s21], $0x7D0  }
0x5c2: {  	[sflag:s21] =	ssyncset.done $0x0  }
0x5c3: {  	[sflag:s21] =	ssyncadd.s32 $0xFFFFF830  }
0x5c4: {  	_ =	swait.ge [sflag:s22], $0x3E80  }
0x5c5: {  	[sflag:s22] =	ssyncset.done $0x0  }
0x5c6: {  	s12 =	simm.s32 $0x0;
	[sflag:s22] =	ssyncadd.s32 $0xFFFFC180  }
0x5c7: {  	[spmem:s3] =	stream.indirect.scatter.add.f32 [tilespmem:s16], [sflag:$0x6], $0x8, s12, s18, $0xb8;
	[tilespmem:$0x14FF0] =	vst v63  }
0x5c8: {  	_ =	swait.ge [sflag:s24], $0x3E80  }
0x5c9: {  	[sflag:s24] =	ssyncset.done $0x0  }
0x5ca: {  	[sflag:s24] =	ssyncadd.s32 $0xFFFFC180  }
0x5cb: {  	[bflag:$0x0] =	sbarrier.arrive $0xFFFF  }
0x5cc: {  	s2 =	rddreg [dreg:$0x17]  }
0x5cd: {  	[hbm:s2@s13], [sflag:s7] =	dma.strided [spmem:s29@s21], $0x186A, s21, $0x1   }
0x5ce: {  	_ =	swait.ge [sflag:s11], $0x186A  }
0x5cf: {  	[sflag:s11] =	ssyncset.done $0x0  }
0x5d0: {  	[sflag:s11] =	ssyncadd.s32 $0xFFFFE796  }
0x5d1: {  	[bflag:$0x0] =	sbarrier.arrive $0xFFFF  }
0x5d2: {  	[spmem:s29], [sflag:s7] =	dma.local [hbm:s15], $0x186A  }
0x5d3: {  	_ =	swait.ge [sflag:s11], $0x186A  }
0x5d4: {  	[sflag:s11] =	ssyncset.done $0x0  }
0x5d5: {  	[sflag:s11] =	ssyncadd.s32 $0xFFFFE796  }
0x5d6: {  	[bflag:$0x0] =	sbarrier.arrive $0xFFFF  }
0x5d7: {  	[tilespmem:s12], [sflag:$0x1] =	stream.linear.gather [hbm4b:s17+s12], $0x7D0, $0x38;
	[tilespmem:$0x14FF0] =	vst v63  }
0x5d8: {  	s5 =	rddreg [dreg:$0xa]  }
0x5d9: {  	[tilespmem:s16], [sflag:$0x3] =	stream.strided.gather [hbm4b:s5+s13], $0x3E80, s14, s13, $0x38;
	[tilespmem:$0x14FF0] =	vst v63  }
0x5da: {  	s12 =	sadd.s32 $0x0, s23  }
0x5db: {  	[tilespmem:s18], [sflag:$0x2] =	stream.linear.gather [hbm4b:s30+s4], $0x7D0, $0x38;
	[tilespmem:$0x14FF0] =	vst v63  }
0x5dc: {  	s30 =	sadd.s32 $0x7D03, s12  }
0x5dd: {  	[tilespmem:s19], [sflag:$0x4] =	stream.strided.gather [hbm4b:s30+s13], $0x3E80, s14, s13, $0x38;
	[tilespmem:$0x14FF0] =	vst v63  }
0x5de: {  	_ =	swait.ge [sflag:s21], $0x7D0  }
0x5df: {  	[sflag:s21] =	ssyncset.done $0x0  }
0x5e0: {  	[sflag:s21] =	ssyncadd.s32 $0xFFFFF830  }
0x5e1: {  	_ =	swait.ge [sflag:s22], $0x3E80  }
0x5e2: {  	[sflag:s22] =	ssyncset.done $0x0  }
0x5e3: {  	[sflag:s22] =	ssyncadd.s32 $0xFFFFC180  }
0x5e4: {  	[spmem:s3] =	stream.indirect.scatter.add.f32 [tilespmem:s16], [sflag:$0x6], $0x8, s4, s18, $0xb8;
	[tilespmem:$0x14FF0] =	vst v63  }
0x5e5: {  	_ =	swait.ge [sflag:s24], $0x3E80  }
0x5e6: {  	[sflag:s24] =	ssyncset.done $0x0  }
0x5e7: {  	[sflag:s24] =	ssyncadd.s32 $0xFFFFC180  }
0x5e8: {  	[tilespmem:s4], [sflag:$0x1] =	stream.linear.gather [hbm4b:s9+s4], $0x7D0, $0x38;
	[tilespmem:$0x14FF0] =	vst v63  }
0x5e9: {  	s0 =	sadd.s32 $0xFA03, s12  }
0x5ea: {  	[tilespmem:s16], [sflag:$0x3] =	stream.strided.gather [hbm4b:s0+s13], $0x3E80, s14, s13, $0x38;
	[tilespmem:$0x14FF0] =	vst v63  }
0x5eb: {  	_ =	swait.ge [sflag:s25], $0x7D0  }
0x5ec: {  	[sflag:s25] =	ssyncset.done $0x0  }
0x5ed: {  	[sflag:s25] =	ssyncadd.s32 $0xFFFFF830  }
0x5ee: {  	_ =	swait.ge [sflag:s26], $0x3E80  }
0x5ef: {  	[sflag:s26] =	ssyncset.done $0x0  }
0x5f0: {  	[sflag:s26] =	ssyncadd.s32 $0xFFFFC180  }
0x5f1: {  	[spmem:s3] =	stream.indirect.scatter.add.f32 [tilespmem:s19], [sflag:$0x5], $0x8, s18, s18, $0xb8;
	[tilespmem:$0x14FF0] =	vst v63  }
0x5f2: {  	s1 =	simm.s32 $0xFA00;
	_ =	swait.ge [sflag:s11], $0x3E80  }
0x5f3: {  	s2 =	simm.s32 $0x1F400;
	s0 =	sadd.s32 $0x1F4, s9;
	[sflag:s11] =	ssyncset.done $0x0  }
.LBB2_15:
0x5f4: {  	s5 =	sadd.s32 $0xFFFFFF06, s0  }
0x5f5: {  	s12 =	sadd.s32 s1, s23;
	[sflag:s11] =	ssyncadd.s32 $0xFFFFC180;
	s1 =	smov.u32 s2  }
0x5f6: {  	[tilespmem:s18], [sflag:$0x2] =	stream.linear.gather [hbm4b:s5+s4], $0x7D0, $0x38;
	[tilespmem:$0x14FF0] =	vst v63  }
0x5f7: {  	p1 =	sne.s32 s2, $0xABE00;
	s2 =	sadd.s32 $0xFA00, s2;
	s5 =	sadd.s32 $0x7D03, s12  }
0x5f8: {  	[tilespmem:s19], [sflag:$0x4] =	stream.strided.gather [hbm4b:s5+s13], $0x3E80, s14, s13, $0x38;
	[tilespmem:$0x14FF0] =	vst v63  }
0x5f9: {  	_ =	swait.ge [sflag:s21], $0x7D0  }
0x5fa: {  	[sflag:s21] =	ssyncset.done $0x0  }
0x5fb: {  	[sflag:s21] =	ssyncadd.s32 $0xFFFFF830  }
0x5fc: {  	_ =	swait.ge [sflag:s22], $0x3E80  }
0x5fd: {  	[sflag:s22] =	ssyncset.done $0x0  }
0x5fe: {  	[sflag:s22] =	ssyncadd.s32 $0xFFFFC180  }
0x5ff: {  	[spmem:s3] =	stream.indirect.scatter.add.f32 [tilespmem:s16], [sflag:$0x6], $0x8, s4, s18, $0xb8;
	[tilespmem:$0x14FF0] =	vst v63  }
0x600: {  	_ =	swait.ge [sflag:s24], $0x3E80  }
0x601: {  	[sflag:s24] =	ssyncset.done $0x0  }
0x602: {  	[sflag:s24] =	ssyncadd.s32 $0xFFFFC180  }
0x603: {  	[tilespmem:s4], [sflag:$0x1] =	stream.linear.gather [hbm4b:s0+s4], $0x7D0, $0x38;
	[tilespmem:$0x14FF0] =	vst v63  }
0x604: {  	s5 =	sadd.s32 $0xFA03, s12  }
0x605: {  	[tilespmem:s16], [sflag:$0x3] =	stream.strided.gather [hbm4b:s5+s13], $0x3E80, s14, s13, $0x38;
	[tilespmem:$0x14FF0] =	vst v63  }
0x606: {  	_ =	swait.ge [sflag:s25], $0x7D0  }
0x607: {  	[sflag:s25] =	ssyncset.done $0x0  }
0x608: {  	[sflag:s25] =	ssyncadd.s32 $0xFFFFF830  }
0x609: {  	_ =	swait.ge [sflag:s26], $0x3E80  }
.Ltmp19:
0x60a: {  	[sflag:s26] =	ssyncset.done $0x0;
	(pc) =	sbr.rel @p1 .LBB2_15-.Ltmp19, $4  }
0x60b: {  	[sflag:s26] =	ssyncadd.s32 $0xFFFFC180  }
0x60c: {  	[spmem:s3] =	stream.indirect.scatter.add.f32 [tilespmem:s19], [sflag:$0x5], $0x8, s18, s18, $0xb8;
	[tilespmem:$0x14FF0] =	vst v63  }
0x60d: {  	_ =	swait.ge [sflag:s11], $0x3E80  }
0x60e: {  	s0 =	sadd.s32 $0x1F4, s0;
	[sflag:s11] =	ssyncset.done $0x0  }
0x60f: {  	s2 =	sadd.s32 $0xFFFFFF06, s0;
	s1 =	sadd.s32 s1, s23;
	[sflag:s11] =	ssyncadd.s32 $0xFFFFC180  }
0x610: {  	[tilespmem:s18], [sflag:$0x2] =	stream.linear.gather [hbm4b:s2+s4], $0x7D0, $0x38;
	[tilespmem:$0x14FF0] =	vst v63  }
0x611: {  	s30 =	sadd.s32 $0x7D03, s1  }
0x612: {  	[tilespmem:s19], [sflag:$0x4] =	stream.strided.gather [hbm4b:s30+s13], $0x3E80, s14, s13, $0x38;
	[tilespmem:$0x14FF0] =	vst v63  }
0x613: {  	_ =	swait.ge [sflag:s21], $0x7D0  }
0x614: {  	[sflag:s21] =	ssyncset.done $0x0  }
0x615: {  	[sflag:s21] =	ssyncadd.s32 $0xFFFFF830  }
0x616: {  	_ =	swait.ge [sflag:s22], $0x3E80  }
0x617: {  	[sflag:s22] =	ssyncset.done $0x0  }
0x618: {  	[sflag:s22] =	ssyncadd.s32 $0xFFFFC180  }
0x619: {  	[spmem:s3] =	stream.indirect.scatter.add.f32 [tilespmem:s16], [sflag:$0x6], $0x8, s4, s18, $0xb8;
	[tilespmem:$0x14FF0] =	vst v63  }
0x61a: {  	_ =	swait.ge [sflag:s24], $0x3E80  }
0x61b: {  	[sflag:s24] =	ssyncset.done $0x0  }
0x61c: {  	[sflag:s24] =	ssyncadd.s32 $0xFFFFC180  }
0x61d: {  	[tilespmem:s4], [sflag:$0x1] =	stream.linear.gather [hbm4b:s0+s4], $0x7D0, $0x38;
	[tilespmem:$0x14FF0] =	vst v63  }
0x61e: {  	s2 =	sadd.s32 $0xFA03, s1  }
0x61f: {  	[tilespmem:s16], [sflag:$0x3] =	stream.strided.gather [hbm4b:s2+s13], $0x3E80, s14, s13, $0x38;
	[tilespmem:$0x14FF0] =	vst v63  }
0x620: {  	_ =	swait.ge [sflag:s25], $0x7D0  }
0x621: {  	[sflag:s25] =	ssyncset.done $0x0  }
0x622: {  	[sflag:s25] =	ssyncadd.s32 $0xFFFFF830  }
0x623: {  	_ =	swait.ge [sflag:s26], $0x3E80  }
0x624: {  	[sflag:s26] =	ssyncset.done $0x0  }
0x625: {  	[sflag:s26] =	ssyncadd.s32 $0xFFFFC180  }
0x626: {  	[spmem:s3] =	stream.indirect.scatter.add.f32 [tilespmem:s19], [sflag:$0x5], $0x8, s18, s18, $0xb8;
	[tilespmem:$0x14FF0] =	vst v63  }
0x627: {  	_ =	swait.ge [sflag:s11], $0x3E80  }
0x628: {  	[sflag:s11] =	ssyncset.done $0x0  }
0x629: {  	[sflag:s11] =	ssyncadd.s32 $0xFFFFC180  }
0x62a: {  	_ =	swait.ge [sflag:s21], $0x7D0  }
0x62b: {  	[sflag:s21] =	ssyncset.done $0x0  }
0x62c: {  	[sflag:s21] =	ssyncadd.s32 $0xFFFFF830  }
0x62d: {  	_ =	swait.ge [sflag:s22], $0x3E80  }
0x62e: {  	[sflag:s22] =	ssyncset.done $0x0  }
0x62f: {  	s5 =	simm.s32 $0x0;
	[sflag:s22] =	ssyncadd.s32 $0xFFFFC180  }
0x630: {  	[spmem:s3] =	stream.indirect.scatter.add.f32 [tilespmem:s16], [sflag:$0x6], $0x8, s5, s18, $0xb8;
	[tilespmem:$0x14FF0] =	vst v63  }
0x631: {  	_ =	swait.ge [sflag:s24], $0x3E80  }
0x632: {  	[sflag:s24] =	ssyncset.done $0x0  }
0x633: {  	[sflag:s24] =	ssyncadd.s32 $0xFFFFC180  }
0x634: {  	[tilespmem:s5], [sflag:$0x1] =	stream.linear.gather [hbm4b:s8+s5], $0x7D0, $0x38;
	[tilespmem:$0x14FF0] =	vst v63  }
0x635: {  	s12 =	rddreg [dreg:$0xb]  }
0x636: {  	[tilespmem:s16], [sflag:$0x3] =	stream.strided.gather [hbm4b:s12+s13], $0x3E80, s14, s13, $0x38;
	[tilespmem:$0x14FF0] =	vst v63  }
0x637: {  	s30 =	sadd.s32 $0x0, s23  }
0x638: {  	[tilespmem:s18], [sflag:$0x2] =	stream.linear.gather [hbm4b:s31+s4], $0x7D0, $0x38;
	[tilespmem:$0x14FF0] =	vst v63  }
0x639: {  	s31 =	sadd.s32 $0x7D0B, s30  }
0x63a: {  	[tilespmem:s19], [sflag:$0x4] =	stream.strided.gather [hbm4b:s31+s13], $0x3E80, s14, s13, $0x38;
	[tilespmem:$0x14FF0] =	vst v63  }
0x63b: {  	_ =	swait.ge [sflag:s21], $0x7D0  }
0x63c: {  	[sflag:s21] =	ssyncset.done $0x0  }
0x63d: {  	[sflag:s21] =	ssyncadd.s32 $0xFFFFF830  }
0x63e: {  	_ =	swait.ge [sflag:s22], $0x3E80  }
0x63f: {  	[sflag:s22] =	ssyncset.done $0x0  }
0x640: {  	[sflag:s22] =	ssyncadd.s32 $0xFFFFC180  }
0x641: {  	[spmem:s3] =	stream.indirect.scatter.add.f32 [tilespmem:s16], [sflag:$0x6], $0x8, s4, s18, $0xb8;
	[tilespmem:$0x14FF0] =	vst v63  }
0x642: {  	_ =	swait.ge [sflag:s24], $0x3E80  }
0x643: {  	[sflag:s24] =	ssyncset.done $0x0  }
0x644: {  	[sflag:s24] =	ssyncadd.s32 $0xFFFFC180  }
0x645: {  	[tilespmem:s4], [sflag:$0x1] =	stream.linear.gather [hbm4b:s10+s4], $0x7D0, $0x38;
	[tilespmem:$0x14FF0] =	vst v63  }
0x646: {  	s0 =	sadd.s32 $0xFA0B, s30  }
0x647: {  	[tilespmem:s16], [sflag:$0x3] =	stream.strided.gather [hbm4b:s0+s13], $0x3E80, s14, s13, $0x38;
	[tilespmem:$0x14FF0] =	vst v63  }
0x648: {  	_ =	swait.ge [sflag:s25], $0x7D0  }
0x649: {  	[sflag:s25] =	ssyncset.done $0x0  }
0x64a: {  	[sflag:s25] =	ssyncadd.s32 $0xFFFFF830  }
0x64b: {  	_ =	swait.ge [sflag:s26], $0x3E80  }
0x64c: {  	[sflag:s26] =	ssyncset.done $0x0  }
0x64d: {  	[sflag:s26] =	ssyncadd.s32 $0xFFFFC180  }
0x64e: {  	[spmem:s3] =	stream.indirect.scatter.add.f32 [tilespmem:s19], [sflag:$0x5], $0x8, s18, s18, $0xb8;
	[tilespmem:$0x14FF0] =	vst v63  }
0x64f: {  	s1 =	simm.s32 $0xFA00;
	_ =	swait.ge [sflag:s11], $0x3E80  }
0x650: {  	s2 =	simm.s32 $0x1F400;
	s0 =	sadd.s32 $0x1F4, s10;
	[sflag:s11] =	ssyncset.done $0x0  }
.LBB2_17:
0x651: {  	s5 =	sadd.s32 $0xFFFFFF06, s0  }
0x652: {  	s12 =	sadd.s32 s1, s23;
	[sflag:s11] =	ssyncadd.s32 $0xFFFFC180;
	s1 =	smov.u32 s2  }
0x653: {  	[tilespmem:s18], [sflag:$0x2] =	stream.linear.gather [hbm4b:s5+s4], $0x7D0, $0x38;
	[tilespmem:$0x14FF0] =	vst v63  }
0x654: {  	p1 =	sne.s32 s2, $0xABE00;
	s2 =	sadd.s32 $0xFA00, s2;
	s5 =	sadd.s32 $0x7D0B, s12  }
0x655: {  	[tilespmem:s19], [sflag:$0x4] =	stream.strided.gather [hbm4b:s5+s13], $0x3E80, s14, s13, $0x38;
	[tilespmem:$0x14FF0] =	vst v63  }
0x656: {  	_ =	swait.ge [sflag:s21], $0x7D0  }
0x657: {  	[sflag:s21] =	ssyncset.done $0x0  }
0x658: {  	[sflag:s21] =	ssyncadd.s32 $0xFFFFF830  }
0x659: {  	_ =	swait.ge [sflag:s22], $0x3E80  }
0x65a: {  	[sflag:s22] =	ssyncset.done $0x0  }
0x65b: {  	[sflag:s22] =	ssyncadd.s32 $0xFFFFC180  }
0x65c: {  	[spmem:s3] =	stream.indirect.scatter.add.f32 [tilespmem:s16], [sflag:$0x6], $0x8, s4, s18, $0xb8;
	[tilespmem:$0x14FF0] =	vst v63  }
0x65d: {  	_ =	swait.ge [sflag:s24], $0x3E80  }
0x65e: {  	[sflag:s24] =	ssyncset.done $0x0  }
0x65f: {  	[sflag:s24] =	ssyncadd.s32 $0xFFFFC180  }
0x660: {  	[tilespmem:s4], [sflag:$0x1] =	stream.linear.gather [hbm4b:s0+s4], $0x7D0, $0x38;
	[tilespmem:$0x14FF0] =	vst v63  }
0x661: {  	s5 =	sadd.s32 $0xFA0B, s12  }
0x662: {  	[tilespmem:s16], [sflag:$0x3] =	stream.strided.gather [hbm4b:s5+s13], $0x3E80, s14, s13, $0x38;
	[tilespmem:$0x14FF0] =	vst v63  }
0x663: {  	_ =	swait.ge [sflag:s25], $0x7D0  }
0x664: {  	[sflag:s25] =	ssyncset.done $0x0  }
0x665: {  	[sflag:s25] =	ssyncadd.s32 $0xFFFFF830  }
0x666: {  	_ =	swait.ge [sflag:s26], $0x3E80  }
.Ltmp20:
0x667: {  	[sflag:s26] =	ssyncset.done $0x0;
	(pc) =	sbr.rel @p1 .LBB2_17-.Ltmp20, $4  }
0x668: {  	[sflag:s26] =	ssyncadd.s32 $0xFFFFC180  }
0x669: {  	[spmem:s3] =	stream.indirect.scatter.add.f32 [tilespmem:s19], [sflag:$0x5], $0x8, s18, s18, $0xb8;
	[tilespmem:$0x14FF0] =	vst v63  }
0x66a: {  	_ =	swait.ge [sflag:s11], $0x3E80  }
0x66b: {  	s0 =	sadd.s32 $0x1F4, s0;
	[sflag:s11] =	ssyncset.done $0x0  }
0x66c: {  	s2 =	sadd.s32 $0xFFFFFF06, s0;
	s1 =	sadd.s32 s1, s23;
	[sflag:s11] =	ssyncadd.s32 $0xFFFFC180  }
0x66d: {  	[tilespmem:s18], [sflag:$0x2] =	stream.linear.gather [hbm4b:s2+s4], $0x7D0, $0x38;
	[tilespmem:$0x14FF0] =	vst v63  }
0x66e: {  	s31 =	sadd.s32 $0x7D0B, s1  }
0x66f: {  	[tilespmem:s19], [sflag:$0x4] =	stream.strided.gather [hbm4b:s31+s13], $0x3E80, s14, s13, $0x38;
	[tilespmem:$0x14FF0] =	vst v63  }
0x670: {  	_ =	swait.ge [sflag:s21], $0x7D0  }
0x671: {  	[sflag:s21] =	ssyncset.done $0x0  }
0x672: {  	[sflag:s21] =	ssyncadd.s32 $0xFFFFF830  }
0x673: {  	_ =	swait.ge [sflag:s22], $0x3E80  }
0x674: {  	[sflag:s22] =	ssyncset.done $0x0  }
0x675: {  	[sflag:s22] =	ssyncadd.s32 $0xFFFFC180  }
0x676: {  	[spmem:s3] =	stream.indirect.scatter.add.f32 [tilespmem:s16], [sflag:$0x6], $0x8, s4, s18, $0xb8;
	[tilespmem:$0x14FF0] =	vst v63  }
0x677: {  	_ =	swait.ge [sflag:s24], $0x3E80  }
0x678: {  	[sflag:s24] =	ssyncset.done $0x0  }
0x679: {  	[sflag:s24] =	ssyncadd.s32 $0xFFFFC180  }
0x67a: {  	[tilespmem:s4], [sflag:$0x1] =	stream.linear.gather [hbm4b:s0+s4], $0x7D0, $0x38;
	[tilespmem:$0x14FF0] =	vst v63  }
0x67b: {  	s2 =	sadd.s32 $0xFA0B, s1  }
0x67c: {  	[tilespmem:s16], [sflag:$0x3] =	stream.strided.gather [hbm4b:s2+s13], $0x3E80, s14, s13, $0x38;
	[tilespmem:$0x14FF0] =	vst v63  }
0x67d: {  	_ =	swait.ge [sflag:s25], $0x7D0  }
0x67e: {  	[sflag:s25] =	ssyncset.done $0x0  }
0x67f: {  	[sflag:s25] =	ssyncadd.s32 $0xFFFFF830  }
0x680: {  	_ =	swait.ge [sflag:s26], $0x3E80  }
0x681: {  	[sflag:s26] =	ssyncset.done $0x0  }
0x682: {  	[sflag:s26] =	ssyncadd.s32 $0xFFFFC180  }
0x683: {  	[spmem:s3] =	stream.indirect.scatter.add.f32 [tilespmem:s19], [sflag:$0x5], $0x8, s18, s18, $0xb8;
	[tilespmem:$0x14FF0] =	vst v63  }
0x684: {  	_ =	swait.ge [sflag:s11], $0x3E80  }
0x685: {  	[sflag:s11] =	ssyncset.done $0x0  }
0x686: {  	[sflag:s11] =	ssyncadd.s32 $0xFFFFC180  }
0x687: {  	_ =	swait.ge [sflag:s21], $0x7D0  }
0x688: {  	[sflag:s21] =	ssyncset.done $0x0  }
0x689: {  	[sflag:s21] =	ssyncadd.s32 $0xFFFFF830  }
0x68a: {  	_ =	swait.ge [sflag:s22], $0x3E80  }
0x68b: {  	[sflag:s22] =	ssyncset.done $0x0  }
0x68c: {  	[sflag:s22] =	ssyncadd.s32 $0xFFFFC180  }
0x68d: {  	[spmem:s3] =	stream.indirect.scatter.add.f32 [tilespmem:s16], [sflag:$0x6], $0x8, s4, s18, $0xb8;
	[tilespmem:$0x14FF0] =	vst v63  }
0x68e: {  	_ =	swait.ge [sflag:s24], $0x3E80  }
0x68f: {  	[sflag:s24] =	ssyncset.done $0x0  }
0x690: {  	[sflag:s24] =	ssyncadd.s32 $0xFFFFC180  }
0x691: {  	[bflag:$0x0] =	sbarrier.arrive $0xFFFF  }
0x692: {  	s5 =	rddreg [dreg:$0x18]  }
0x693: {  	[hbm:s5@s13], [sflag:s7] =	dma.strided [spmem:s29@s21], $0x186A, s21, $0x1   }
0x694: {  	_ =	swait.ge [sflag:s11], $0x186A  }
0x695: {  	[sflag:s11] =	ssyncset.done $0x0  }
0x696: {  	[sflag:s11] =	ssyncadd.s32 $0xFFFFE796  }
0x697: {  	[bflag:$0x0] =	sbarrier.arrive $0xFFFF  }
0x698: {  	[spmem:s29], [sflag:s7] =	dma.local [hbm:s15], $0x186A  }
0x699: {  	_ =	swait.ge [sflag:s11], $0x186A  }
0x69a: {  	[sflag:s11] =	ssyncset.done $0x0  }
0x69b: {  	[sflag:s11] =	ssyncadd.s32 $0xFFFFE796  }
0x69c: {  	s12 =	rddreg [dreg:$0x2]  }
0x69d: {  	[tilespmem:s16], [sflag:$0x5] =	stream.linear.gather [hbm4b:s12+s4], $0x3E80, $0x38;
	[tilespmem:$0x14FF0] =	vst v63  }
0x69e: {  	_ =	swait.ge [sflag:s11], $0x3E80  }
0x69f: {  	[sflag:s11] =	ssyncset.done $0x0  }
0x6a0: {  	[sflag:s11] =	ssyncadd.s32 $0xFFFFC180  }
0x6a1: {  	s30 =	sadd.s32 $0xFFFFE890, s20;
	[bflag:$0x0] =	sbarrier.arrive $0xFFFF  }
0x6a2: {  	[tilespmem:s4], [sflag:$0x1] =	stream.linear.gather [hbm4b:s17+s4], $0x7D0, $0x38;
	[tilespmem:$0x14FF0] =	vst v63  }
0x6a3: {  	s31 =	sadd.s32 $0x186A, s30  }
0x6a4: {  	[tilespmem:s18], [sflag:$0x2] =	stream.linear.gather [hbm4b:s31+s4], $0x7D0, $0x38;
	[tilespmem:$0x14FF0] =	vst v63  }
0x6a5: {  	_ =	swait.ge [sflag:s21], $0x7D0  }
0x6a6: {  	[sflag:s21] =	ssyncset.done $0x0  }
0x6a7: {  	[sflag:s21] =	ssyncadd.s32 $0xFFFFF830  }
0x6a8: {  	[spmem:s3] =	stream.indirect.scatter.add.f32 [tilespmem:s16], [sflag:$0x6], $0x8, s4, s18, $0xb8;
	[tilespmem:$0x14FF0] =	vst v63  }
0x6a9: {  	_ =	swait.ge [sflag:s24], $0x3E80  }
0x6aa: {  	[sflag:s24] =	ssyncset.done $0x0  }
0x6ab: {  	s0 =	sadd.s32 $0x1964, s30;
	[sflag:s24] =	ssyncadd.s32 $0xFFFFC180  }
0x6ac: {  	[tilespmem:s4], [sflag:$0x1] =	stream.linear.gather [hbm4b:s0+s4], $0x7D0, $0x38;
	[tilespmem:$0x14FF0] =	vst v63  }
0x6ad: {  	_ =	swait.ge [sflag:s25], $0x7D0  }
0x6ae: {  	[sflag:s25] =	ssyncset.done $0x0  }
0x6af: {  	[sflag:s25] =	ssyncadd.s32 $0xFFFFF830  }
0x6b0: {  	[spmem:s3] =	stream.indirect.scatter.add.f32 [tilespmem:s16], [sflag:$0x5], $0x8, s18, s18, $0xb8;
	[tilespmem:$0x14FF0] =	vst v63  }
0x6b1: {  	_ =	swait.ge [sflag:s11], $0x3E80  }
0x6b2: {  	s1 =	simm.s32 $0xFFFFEC78;
	s0 =	sadd.s32 $0xFFFFEA84, s20;
	[sflag:s11] =	ssyncset.done $0x0  }
.LBB2_19:
0x6b3: {  	s2 =	sadd.s32 $0x186A, s0  }
0x6b4: {  	[sflag:s11] =	ssyncadd.s32 $0xFFFFC180;
	s5 =	smov.u32 s1;
	s12 =	sadd.s32 $0x1F4, s1  }
0x6b5: {  	[tilespmem:s18], [sflag:$0x2] =	stream.linear.gather [hbm4b:s2+s4], $0x7D0, $0x38;
	[tilespmem:$0x14FF0] =	vst v63  }
0x6b6: {  	p1 =	seq.s32 s1, $0xFFFFFE0C;
	_ =	swait.ge [sflag:s21], $0x7D0  }
0x6b7: {  	[sflag:s21] =	ssyncset.done $0x0  }
0x6b8: {  	[sflag:s21] =	ssyncadd.s32 $0xFFFFF830  }
0x6b9: {  	[spmem:s3] =	stream.indirect.scatter.add.f32 [tilespmem:s16], [sflag:$0x6], $0x8, s4, s18, $0xb8;
	[tilespmem:$0x14FF0] =	vst v63  }
0x6ba: {  	_ =	swait.ge [sflag:s24], $0x3E80  }
0x6bb: {  	[sflag:s24] =	ssyncset.done $0x0  }
0x6bc: {  	s0 =	sadd.s32 $0x1964, s0;
	[sflag:s24] =	ssyncadd.s32 $0xFFFFC180  }
0x6bd: {  	[tilespmem:s4], [sflag:$0x1] =	stream.linear.gather [hbm4b:s0+s4], $0x7D0, $0x38;
	[tilespmem:$0x14FF0] =	vst v63  }
0x6be: {  	_ =	swait.ge [sflag:s25], $0x7D0  }
.Ltmp21:
0x6bf: {  	[sflag:s25] =	ssyncset.done $0x0;
	(pc) =	sbr.rel @!p1 .LBB2_19-.Ltmp21, $4  }
0x6c0: {  	[sflag:s25] =	ssyncadd.s32 $0xFFFFF830  }
0x6c1: {  	[spmem:s3] =	stream.indirect.scatter.add.f32 [tilespmem:s16], [sflag:$0x5], $0x8, s18, s18, $0xb8;
	[tilespmem:$0x14FF0] =	vst v63  }
0x6c2: {  	_ =	swait.ge [sflag:s11], $0x3E80  }
0x6c3: {  	s1 =	smov.u32 s12;
	s0 =	sadd.s32 s5, s20;
	[sflag:s11] =	ssyncset.done $0x0  }
0x6c4: {  	s1 =	sadd.s32 $0x186A, s0;
	[sflag:s11] =	ssyncadd.s32 $0xFFFFC180  }
0x6c5: {  	[tilespmem:s18], [sflag:$0x2] =	stream.linear.gather [hbm4b:s1+s4], $0x7D0, $0x38;
	[tilespmem:$0x14FF0] =	vst v63  }
0x6c6: {  	_ =	swait.ge [sflag:s21], $0x7D0  }
0x6c7: {  	[sflag:s21] =	ssyncset.done $0x0  }
0x6c8: {  	[sflag:s21] =	ssyncadd.s32 $0xFFFFF830  }
0x6c9: {  	[spmem:s3] =	stream.indirect.scatter.add.f32 [tilespmem:s16], [sflag:$0x6], $0x8, s4, s18, $0xb8;
	[tilespmem:$0x14FF0] =	vst v63  }
0x6ca: {  	_ =	swait.ge [sflag:s24], $0x3E80  }
0x6cb: {  	[sflag:s24] =	ssyncset.done $0x0  }
0x6cc: {  	s31 =	sadd.s32 $0x1964, s0;
	[sflag:s24] =	ssyncadd.s32 $0xFFFFC180  }
0x6cd: {  	[tilespmem:s4], [sflag:$0x1] =	stream.linear.gather [hbm4b:s31+s4], $0x7D0, $0x38;
	[tilespmem:$0x14FF0] =	vst v63  }
0x6ce: {  	_ =	swait.ge [sflag:s25], $0x7D0  }
0x6cf: {  	[sflag:s25] =	ssyncset.done $0x0  }
.Ltmp22:
0x6d0: {  	[sflag:s25] =	ssyncadd.s32 $0xFFFFF830;
	(pc) =	sbr.rel .LBB2_40-.Ltmp22, $4  }
0x6d1: {  	[spmem:s3] =	stream.indirect.scatter.add.f32 [tilespmem:s16], [sflag:$0x5], $0x8, s18, s18, $0xb8;
	[tilespmem:$0x14FF0] =	vst v63  }
0x6d2: {  	_ =	swait.ge [sflag:s11], $0x3E80  }
0x6d3: {  	[sflag:s11] =	ssyncset.done $0x0  }
0x6d4: {  	s0 =	rddreg [dreg:$0x1d];
	[sflag:s11] =	ssyncadd.s32 $0xFFFFC180  }
.LBB2_41:
0x6d5: {  	_ =	sfence.sel $0x180000  }
0x6d6: {  	[bflag:$0x0] =	sbarrier.arrive $0xFFFF  }
0x6d7: {  	_ =	strace $0x9000004A  }
0x6d8: {  	s0 =	stileid.u32;
	[bflag:$0x2] =	sbarrier.arrive $0xFFFF  }
0x6d9: {  	p0 =	sne.s32 s0, $0x0;
	s0 =	rddreg [dreg:$0x4]  }
0x6da: {  	s0 =	sadd.s32 @!p0 $0x100000, s0  }
0x6db: {  	[sflag:s0] =	ssyncadd.tile.s32 @!p0 $0x1;
	_ =	shalt  }
.Lfunc_end2:
_tile_overlayer_lowered:
.L_overlay_start_2:
0x6dc: {  	(tag) =	ssettag $0x2  }
0x6dd: {  	s0 =	rddreg [dreg:$0x0];
	s2 =	stileid.u32  }
0x6de: {  	s1 =	rddreg [dreg:$0x1];
	p0 =	sne.s32 s2, $0x0  }
0x6df: {  	s3 =	rddreg [dreg:$0x2];
	[bflag:$0x3] =	sbarrier.arrive $0xFFFF;
	s2 =	simm.s32 @!p0 $0x1C05  }
0x6e0: {  	[timem:s3], [sflag:s2] =	dma.local @!p0 [hbm:s0], s1  }
0x6e1: {  	s0 =	simm.s32 @!p0 $0x5  }
0x6e2: {  	_ =	swait.ge @!p0 [sflag:s0], s1  }
0x6e3: {  	s1 =	ssub.s32 @!p0 $0x0, s1;
	[sflag:s0] =	ssyncset.done @!p0 $0x0  }
0x6e4: {  	[sflag:s0] =	ssyncadd.s32 @!p0 s1  }
0x6e5: {  	[bflag:$0x3] =	sbarrier.arrive $0xFFFF  }
0x6e6: {  	_ =	shalt  }

// kernel: kernel.7.cloned.1.call-start
scs
__scs_entry_jumppad:
0x0: {  	(pc) =	sbr.rel $0x88, $3  }
0x1: {  	(tag) =	ssettag $0x0;
	lr =	simm.s32 $0x1  }
0x2: {  	[smem:$0x3F81] =	sst lr;
	_ =	strace $0xD0000000  }
0x3: {  	_ = 	snop  }
0x4: {  	_ = 	snop  }
0x5: {  	_ = 	snop  }
0x6: {  	_ = 	snop  }
0x7: {  	_ = 	snop  }
__scs_overlays_trampoline_lowered:
0x8: {  	[smem:$0x3F90] =	sst s0  }
0x9: {  	[smem:$0x3F91] =	sst s1  }
0xa: {  	[smem:$0x3F92] =	sst s2  }
0xb: {  	[smem:$0x3F93] =	sst s3  }
0xc: {  	[smem:$0x3F94] =	sst s4  }
0xd: {  	[smem:$0x3F95] =	sst s5  }
0xe: {  	[smem:$0x3F96] =	sst s6  }
0xf: {  	[smem:$0x3F97] =	sst s7  }
0x10: {  	[smem:$0x3F98] =	sst s8  }
0x11: {  	[smem:$0x3F99] =	sst s9;
	s0 =	simm.s32 @!p0 $0x0  }
0x12: {  	s1 =	sld [smem:$0x3F7F];
	s0 =	simm.s32 @p0 $0x1  }
0x13: {  	[smem:$0x3F9A] =	sst s0;
	s0 =	simm.s32 @!p1 $0x0  }
0x14: {  	s2 =	sld [smem:$0x3F7E];
	s0 =	simm.s32 @p1 $0x1  }
0x15: {  	[smem:$0x3F9B] =	sst s0;
	s0 =	simm.s32 @!p2 $0x0  }
0x16: {  	s3 =	sld [smem:$0x3FDB];
	s0 =	simm.s32 @p2 $0x1  }
0x17: {  	s4 =	simm.s32 $0x1BF5;
	[smem:$0x3F9D] =	sst s0  }
0x18: {  	s0 =	sld [smem:$0x3F80];
	_ =	swait.ge [sflag:s4], $0x0  }
0x19: {  	s7 =	sld [smem:$0x3F81]  }
0x1a: {  	s8 =	sadd.s32 $0xFFFFE003, lr  }
0x1b: {  	s9 =	sadd.s32 $0xFFFFFEF7, lr;
	s5 =	simm.s32 $0xFFFFFFFF;
	p2 =	slt.u32 s8, $0xFFFFF086  }
0x1c: {  	p1 =	slt.u32 s9, $0xF7A;
	s5 =	simm.s32 @!p2 $0x0  }
0x1d: {  	s5 =	simm.s32 @p1 $0x1;
	p0 =	seq.s32 s7, s2  }
0x1e: {  	s7 =	smul.u32 @!p0 $0xF7A, s2;
	p2 =	seq.s32 @!p0 s5, $0x0  }
0x1f: {  	s9 =	smul.u32 $0xF7A, s1;
	s8 =	simm.s32 @!p0 $0x1BF5;
	p2 =	por !p2, p0  }
0x20: {  	[sflag:s8] =	ssyncset.s32 @!p0 $0xFFFFF086;
	s6 =	sadd.s32 @!p0 s3, s7;
	s7 =	simm.s32 @!p0 $0x108  }
0x21: {  	s3 =	sadd.s32 s3, s9;
	s6 =	sadd.s32 @!p0 $0x88, s6;
	s7 =	simm.s32 @p2 $0x1082  }
0x22: {  	[simem:s7], [sflag:s8] =	dma.local @!p0 [hbm:s6], $0xF7A  }
0x23: {  	s9 =	sor.u32 $0xD0000000, s2;
	s6 =	simm.s32 $0x108;
	_ =	swait.ge @!p0 [sflag:s8], $0x0  }
0x24: {  	s3 =	sadd.s32 $0x88, s3;
	s6 =	simm.s32 @!p1 $0x1082;
	[sflag:s4] =	ssyncset.s32 $0xFFFFF086  }
0x25: {  	[simem:s6], [sflag:s4] =	dma.local [hbm:s3], $0xF7A  }
0x26: {  	[smem:$0x3F81] =	sst s1;
	(tag) =	ssettag s2;
	_ =	strace s9  }
0x27: {  	s1 =	sld [smem:$0x3F91]  }
0x28: {  	s2 =	sld [smem:$0x3F92]  }
0x29: {  	s4 =	sld [smem:$0x3F94]  }
0x2a: {  	p0 =	seq.s32 s5, $0x0;
	s5 =	sld [smem:$0x3F95]  }
0x2b: {  	s6 =	sld [smem:$0x3F96]  }
0x2c: {  	s7 =	sld [smem:$0x3F97]  }
0x2d: {  	s3 =	simm.s32 $0x108;
	s8 =	sld [smem:$0x3F98]  }
0x2e: {  	s3 =	simm.s32 @!p0 $0x1082;
	s9 =	sld [smem:$0x3F99]  }
0x2f: {  	lr =	sadd.s32 s0, s3;
	s0 =	sld [smem:$0x3F90]  }
0x30: {  	s3 =	sld [smem:$0x3F93]  }
0x31: {  	[smem:$0x3F9C] =	sst s10  }
0x32: {  	s10 =	sld [smem:$0x3F9A];
	_ =	sdelay $0x3  }
0x33: {  	p0 =	seq.s32 s10, $0x1;
	s10 =	sld [smem:$0x3F9C];
	_ =	sdelay $0x3  }
0x34: {  	[smem:$0x3F9C] =	sst s10  }
0x35: {  	s10 =	sld [smem:$0x3F9B];
	_ =	sdelay $0x3  }
0x36: {  	p1 =	seq.s32 s10, $0x1;
	s10 =	sld [smem:$0x3F9C];
	_ =	sdelay $0x3  }
0x37: {  	[smem:$0x3F9C] =	sst s10  }
0x38: {  	s10 =	sld [smem:$0x3F9D]  }
0x39: {  	_ = 	snop;
	(pc) =	sbr.ind lr, $3  }
0x3a: {  	_ = 	snop  }
0x3b: {  	_ = 	snop  }
0x3c: {  	p2 =	seq.s32 s10, $0x1;
	s10 =	sld [smem:$0x3F9C]  }
0x3d: {  	_ =	shalt  }
0x3e: {  	_ =	shalt  }
0x3f: {  	_ =	shalt  }
0x40: {  	_ =	shalt  }
0x41: {  	_ =	shalt  }
0x42: {  	_ =	shalt  }
0x43: {  	_ =	shalt  }
0x44: {  	_ =	shalt  }
0x45: {  	_ =	shalt  }
0x46: {  	_ =	shalt  }
0x47: {  	_ =	shalt  }
0x48: {  	_ =	shalt  }
0x49: {  	_ =	shalt  }
0x4a: {  	_ =	shalt  }
0x4b: {  	_ =	shalt  }
0x4c: {  	_ =	shalt  }
0x4d: {  	_ =	shalt  }
0x4e: {  	_ =	shalt  }
0x4f: {  	_ =	shalt  }
0x50: {  	_ =	shalt  }
0x51: {  	_ =	shalt  }
0x52: {  	_ =	shalt  }
0x53: {  	_ =	shalt  }
0x54: {  	_ =	shalt  }
0x55: {  	_ =	shalt  }
0x56: {  	_ =	shalt  }
0x57: {  	_ =	shalt  }
0x58: {  	_ =	shalt  }
0x59: {  	_ =	shalt  }
0x5a: {  	_ =	shalt  }
0x5b: {  	_ =	shalt  }
0x5c: {  	_ =	shalt  }
0x5d: {  	_ =	shalt  }
0x5e: {  	_ =	shalt  }
0x5f: {  	_ =	shalt  }
0x60: {  	_ =	shalt  }
0x61: {  	_ =	shalt  }
0x62: {  	_ =	shalt  }
0x63: {  	_ =	shalt  }
0x64: {  	_ =	shalt  }
0x65: {  	_ =	shalt  }
0x66: {  	_ =	shalt  }
0x67: {  	_ =	shalt  }
0x68: {  	_ =	shalt  }
0x69: {  	_ =	shalt  }
0x6a: {  	_ =	shalt  }
0x6b: {  	_ =	shalt  }
0x6c: {  	_ =	shalt  }
0x6d: {  	_ =	shalt  }
0x6e: {  	_ =	shalt  }
0x6f: {  	_ =	shalt  }
0x70: {  	_ =	shalt  }
0x71: {  	_ =	shalt  }
0x72: {  	_ =	shalt  }
0x73: {  	_ =	shalt  }
0x74: {  	_ =	shalt  }
0x75: {  	_ =	shalt  }
0x76: {  	_ =	shalt  }
0x77: {  	_ =	shalt  }
0x78: {  	_ =	shalt  }
0x79: {  	_ =	shalt  }
0x7a: {  	_ =	shalt  }
0x7b: {  	_ =	shalt  }
0x7c: {  	_ =	shalt  }
0x7d: {  	_ =	shalt  }
0x7e: {  	_ =	shalt  }
0x7f: {  	_ =	shalt  }
0x80: {  	_ =	shalt  }
0x81: {  	_ =	shalt  }
0x82: {  	_ =	shalt  }
0x83: {  	_ =	shalt  }
0x84: {  	_ =	shalt  }
0x85: {  	_ =	shalt  }
0x86: {  	_ =	shalt  }
0x87: {  	_ =	shalt  }
.Lfunc_end0:
.L_simem_size_0:
called_computation_lowered:
.L_overlay_start_0:
0x88: {  	s2 =	sld [smem:$0x3FD9]  }
0x89: {  	s3 =	sld [smem:$0x3FFE];
	_ =	sdelay $0x1  }
0x8a: {  	s1 =	srdreg.scid  }
0x8b: {  	s0 =	sand.u32 $0x1, s1  }
0x8c: {  	s17 =	sshll.u32 s0, $0xA;
	s2 =	sadd.s32 s3, s2  }
0x8d: {  	s2 =	sadd.s32 s2, s17  }
0x8e: {  	[smem:$0x3FA8] =	sst s2  }
0x8f: {  	_ = 	snop  }
0x90: {  	s2 =	sld [smem:$0x3FC7];
	(tm) =	ssettm $0x1  }
0x91: {  	s18 =	sld [smem:$0x3FFB];
	_ =	sdelay $0x3  }
0x92: {  	_ =	strace s18  }
0x93: {  	s3 =	sld [smem:$0x3FFC];
	_ =	sdelay $0x3  }
0x94: {  	_ =	strace s3  }
0x95: {  	s3 =	sld [smem:$0x3FFD];
	_ =	sdelay $0x3  }
0x96: {  	_ =	strace s3  }
0x97: {  	_ =	strace $0x8FFFFFFF  }
0x98: {  	s19 =	sld [smem:$0x3FDB];
	_ =	sdelay $0x1  }
0x99: {  	s4 =	simm.s32 $_scs_section_size  }
0x9a: {  	s5 =	simm.s32 $_size__tile_overlayer_lowered;
	s6 =	simm.s32 $_tile_overlayer_lowered  }
0x9b: {  	s22 =	simm.s32 $0x1BFF;
	s21 =	sshll.u32 s6, $0x1;
	s3 =	sadd.s32 s4, s19  }
0x9c: {  	s7 =	simm.s32 $0x0;
	s20 =	sshll.u32 s5, $0x1;
	s5 =	sadd.s32 s21, s3  }
0x9d: {  	[timem:s7], [sflag:s22] =	dma.local [hbm:s5], s20  }
0x9e: {  	_ =	swait.ge [sflag:s22], s20  }
0x9f: {  	s4 =	ssub.s32 $0x0, s20;
	[sflag:s22] =	ssyncset.done $0x0  }
0xa0: {  	[sflag:s22] =	ssyncadd.s32 s4;
	_ =	sdelay $0x1  }
0xa1: {  	s23 =	simm.s32 $0x1B8B  }
0xa2: {  	_ =	swait.ge [sflag:s23], $0x1  }
0xa3: {  	[sflag:s23] =	ssyncset.done $0x0  }
0xa4: {  	s25 =	simm.s32 $0x1B8E;
	s24 =	sld [smem:$0x3FFE];
	[sflag:s23] =	ssyncadd.s32 $0xFFFFFFFF  }
0xa5: {  	s26 =	simm.s32 $execute0_lowered;
	[smem:$0x3FD2] =	sst s25  }
0xa6: {  	s5 =	sshll.u32 s26, $0x1;
	_ =	strace $0x80000046;
	[dreg:$0x1] =	wrdreg $0xFFFFFFFF  }
0xa7: {  	s28 =	simm.s32 $_size_execute0_lowered;
	s3 =	sadd.s32 s3, s5;
	[dreg:$0x0] =	wrdreg $0x0  }
0xa8: {  	s5 =	sshll.u32 s28, $0x1;
	[dreg:$0x2] =	wrdreg s3  }
0xa9: {  	[dreg:$0x3] =	wrdreg s5  }
0xaa: {  	[dreg:$0x4] =	wrdreg $0xC0  }
0xab: {  	_ =	task [dreg:s7], $0x5FFFF  }
0xac: {  	[dreg:$0x1] =	wrdreg $0xFFFFFFFF  }
0xad: {  	[dreg:$0x0] =	wrdreg $0x60  }
0xae: {  	[dreg:$0x2] =	wrdreg s24  }
0xaf: {  	[dreg:$0x3] =	wrdreg s2  }
0xb0: {  	[dreg:$0x4] =	wrdreg $0x9  }
0xb1: {  	_ =	task.clear_ibuf [dreg:s7], $0x5FFFF;
	_ =	strace $0x90000046  }
0xb2: {  	s29 =	simm.s32 $0x9;
	_ =	strace $0x80000048  }
0xb3: {  	_ =	swait.ge [sflag:s29], $0x1  }
0xb4: {  	[sflag:s29] =	ssyncadd.s32 $0xFFFFFFFF  }
0xb5: {  	_ =	strace $0x90000048  }
0xb6: {  	_ =	sfence  }
0xb7: {  	s30 =	sld [smem:$0x0];
	_ =	sdelay $0x2  }
0xb8: {  	s31 =	sshll.u32 s1, $0xD;
	s1 =	sshrl.u32 s1, $0x2  }
0xb9: {  	s3 =	sand.u32 $0x4000, s31;
	s1 =	sadd.s32 s1, s30  }
0xba: {  	s0 =	sor.u32 s3, s0;
	s1 =	sshll.u32 s1, $0x11  }
0xbb: {  	s0 =	sor.u32 s1, s0  }
0xbc: {  	s0 =	sadd.s32 $0x8F2B, s0  }
0xbd: {  	[sflag:s0] =	ssyncadd.remote.s32 $0x1  }
0xbe: {  	_ =	sfence.sel $0xFFFF  }
0xbf: {  	[dreg:$0x0] =	wrdreg $0xFFFFFFFF;
	(pc) =	sbr.abs _section_cstart, $3  }
0xc0: {  	[dreg:$0x1] =	wrdreg $0xFFFFFFFF  }
0xc1: {  	_ =	task.clear_ibuf [dreg:s7], $0x2FFFF;
	_ =	strace $0x9FFFFFFF  }
0xc2: {  	(tm) =	ssettm $0x7FFFFFFF  }
0xc3: {  	_ =	shalt  }
tec
execute0_lowered:
.L_overlay_start_1:
0x0: {  	(tag) =	ssettag $0x1  }
0x1: {  	s3 =	rddreg [dreg:$0x0]  }
0x2: {  	s6 =	rddreg [dreg:$0x1]  }
0x3: {  	s0 =	rddreg [dreg:$0x2];
	s1 =	stileid.u32  }
0x4: {  	s2 =	simm.s32 $0x0;
	s5 =	srdreg.scid;
	s4 =	smul.u32 $0x30D40, s1  }
0x5: {  	[smem:$0x7FF] =	sst s2;
	s5 =	sand.u32 $0x1, s5;
	s7 =	smul.u32 $0x186A0, s1  }
0x6: {  	_ =	strace $0x80000047;
	s8 =	ssub.s32 $0x2, s5;
	s9 =	smul.u32 $0xC350, s5  }
0x7: {  	s5 =	smul.u32 $0x186A0, s5;
	s10 =	sadd.s32 s4, s3;
	s31 =	sshrl.u32 s8, $0x1  }
0x8: {  	s3 =	sadd.s32 $0x6800, s3;
	s4 =	ssub.s32 s8, s31;
	s7 =	sadd.s32 s9, s7  }
0x9: {  	s5 =	sadd.s32 s5, s10;
	s8 =	simm.s32 $0x7D0;
	s9 =	simm.s32 $0x1  }
0xa: {  	s10 =	simm.s32 $0x0;
	s4 =	smax.u32 s4, $0x1;
	s7 =	sshrl.u32 s7, $0x3  }
0xb: {  	s5 =	sadd.s32 $0x313C00, s5;
	s6 =	sadd.s32 s7, s6;
	s7 =	simm.s32 $0x2  }
.LBB2_1:
0xc: {  	s11 =	sadd.s32 $0x0, s6  }
0xd: {  	[tilespmem:s2], [sflag:$0x2] =	stream.linear.gather [hbm4b:s11+s2], $0x7D0, $0x38;
	[tilespmem:$0x84D0] =	vst v63  }
0xe: {  	_ =	swait.ge [sflag:s7], $0x7D0  }
0xf: {  	[sflag:s7] =	ssyncset.done $0x0  }
0x10: {  	[sflag:s7] =	ssyncadd.s32 $0xFFFFF830  }
0x11: {  	[tilespmem:s8], [sflag:$0x1] =	stream.indirect.gather [hbm4b:s3+s8], $0x10, s2, s8, $0xb8;
	[tilespmem:$0x84D0] =	vst v63  }
0x12: {  	_ =	swait.ge [sflag:s9], $0x7D00  }
0x13: {  	[sflag:s9] =	ssyncset.done $0x0  }
0x14: {  	[sflag:s9] =	ssyncadd.s32 $0xFFFF8300  }
0x15: {  	[hbm4b:s5+s2] =	stream.linear.scatter [tilespmem:s8], [sflag:$0x2], $0x7D00, $0x38;
	[tilespmem:$0x84D0] =	vst v63  }
0x16: {  	s12 =	simm.s32 $0xFA;
	_ =	swait.ge [sflag:s7], $0x7D00  }
0x17: {  	s13 =	simm.s32 $0x1F4;
	s11 =	sadd.s32 $0xFA0, s5;
	[sflag:s7] =	ssyncset.done $0x0  }
.LBB2_2:
0x18: {  	s14 =	sadd.s32 s12, s6  }
0x19: {  	[sflag:s7] =	ssyncadd.s32 $0xFFFF8300;
	s12 =	smov.u32 s13;
	s15 =	sadd.s32 $0xFA, s13  }
0x1a: {  	[tilespmem:s2], [sflag:$0x2] =	stream.linear.gather [hbm4b:s14+s2], $0x7D0, $0x38;
	[tilespmem:$0x84D0] =	vst v63  }
0x1b: {  	p0 =	sne.s32 s13, $0x1770;
	_ =	swait.ge [sflag:s7], $0x7D0  }
0x1c: {  	[sflag:s7] =	ssyncset.done $0x0  }
0x1d: {  	[sflag:s7] =	ssyncadd.s32 $0xFFFFF830  }
0x1e: {  	[tilespmem:s8], [sflag:$0x1] =	stream.indirect.gather [hbm4b:s3+s8], $0x10, s2, s8, $0xb8;
	[tilespmem:$0x84D0] =	vst v63  }
0x1f: {  	_ =	swait.ge [sflag:s9], $0x7D00  }
.Ltmp0:
0x20: {  	[sflag:s9] =	ssyncset.done $0x0;
	(pc) =	sbr.rel @p0 .LBB2_2-.Ltmp0, $4  }
0x21: {  	[sflag:s9] =	ssyncadd.s32 $0xFFFF8300  }
0x22: {  	[hbm4b:s11+s2] =	stream.linear.scatter [tilespmem:s8], [sflag:$0x2], $0x7D00, $0x38;
	[tilespmem:$0x84D0] =	vst v63  }
0x23: {  	_ =	swait.ge [sflag:s7], $0x7D00  }
0x24: {  	s13 =	smov.u32 s15;
	s11 =	sadd.s32 $0xFA0, s11;
	[sflag:s7] =	ssyncset.done $0x0  }
0x25: {  	s12 =	sadd.s32 s12, s6;
	[sflag:s7] =	ssyncadd.s32 $0xFFFF8300  }
0x26: {  	[tilespmem:s2], [sflag:$0x2] =	stream.linear.gather [hbm4b:s12+s2], $0x7D0, $0x38;
	[tilespmem:$0x84D0] =	vst v63  }
0x27: {  	_ =	swait.ge [sflag:s7], $0x7D0  }
0x28: {  	[sflag:s7] =	ssyncset.done $0x0  }
0x29: {  	[sflag:s7] =	ssyncadd.s32 $0xFFFFF830  }
0x2a: {  	[tilespmem:s8], [sflag:$0x1] =	stream.indirect.gather [hbm4b:s3+s8], $0x10, s2, s8, $0xb8;
	[tilespmem:$0x84D0] =	vst v63  }
0x2b: {  	s10 =	sadd.s32 $0x1, s10;
	_ =	swait.ge [sflag:s9], $0x7D00  }
0x2c: {  	p0 =	sne.s32 s10, s4;
	[sflag:s9] =	ssyncset.done $0x0  }
.Ltmp1:
0x2d: {  	[sflag:s9] =	ssyncadd.s32 $0xFFFF8300;
	(pc) =	sbr.rel @p0 .LBB2_1-.Ltmp1, $4  }
0x2e: {  	[hbm4b:s11+s2] =	stream.linear.scatter [tilespmem:s8], [sflag:$0x2], $0x7D00, $0x38;
	[tilespmem:$0x84D0] =	vst v63  }
0x2f: {  	_ =	swait.ge [sflag:s7], $0x7D00  }
0x30: {  	[sflag:s7] =	ssyncset.done $0x0  }
0x31: {  	[sflag:s7] =	ssyncadd.s32 $0xFFFF8300  }
0x32: {  	_ =	sfence.sel $0x180000  }
0x33: {  	[bflag:$0x0] =	sbarrier.arrive $0xFFFF  }
0x34: {  	p0 =	sne.s32 s1, $0x0;
	_ =	strace $0x90000047  }
0x35: {  	s0 =	sadd.s32 @!p0 $0x100000, s0;
	[bflag:$0x2] =	sbarrier.arrive $0xFFFF  }
0x36: {  	[sflag:s0] =	ssyncadd.tile.s32 @!p0 $0x1;
	_ =	shalt  }
.Lfunc_end2:
_tile_overlayer_lowered:
.L_overlay_start_2:
0x37: {  	(tag) =	ssettag $0x2  }
0x38: {  	s0 =	rddreg [dreg:$0x0];
	s2 =	stileid.u32  }
0x39: {  	s1 =	rddreg [dreg:$0x1];
	p0 =	sne.s32 s2, $0x0  }
0x3a: {  	s3 =	rddreg [dreg:$0x2];
	[bflag:$0x3] =	sbarrier.arrive $0xFFFF;
	s2 =	simm.s32 @!p0 $0x1C02  }
0x3b: {  	[timem:s3], [sflag:s2] =	dma.local @!p0 [hbm:s0], s1  }
0x3c: {  	s0 =	simm.s32 @!p0 $0x2  }
0x3d: {  	_ =	swait.ge @!p0 [sflag:s0], s1  }
0x3e: {  	s1 =	ssub.s32 @!p0 $0x0, s1;
	[sflag:s0] =	ssyncset.done @!p0 $0x0  }
0x3f: {  	[sflag:s0] =	ssyncadd.s32 @!p0 s1  }
0x40: {  	[bflag:$0x3] =	sbarrier.arrive $0xFFFF  }
0x41: {  	_ =	shalt  }

</sc_bundles>
